<compile_context>
chip_gen: v7x
topology: tpu7x:2x2x1
jax: 0.10.2.dev20260603
libtpu: 0.0.44.dev20260713+nightly
codegen_flags: <defaults>
</compile_context>

<pallas_src>
import functools

import jax
import jax.numpy as jnp
from jax import lax
from jax.experimental import pallas as pl
from jax.experimental.pallas import tpu as pltpu
from jax.experimental.pallas import tpu_sc as plsc

WIN = 64
NBUF = 8
PAD = 8


@functools.lru_cache(maxsize=None)
def _build_call(D, T, F, B):
    info = plsc.get_sparse_core_info()
    NC, NS, L = info.num_cores, info.num_subcores, info.num_lanes
    NW = NC * NS
    assert L == 16 and B % (NW * L) == 0 and T % 8 == 0

    QPW = B // NW
    NG = QPW // NBUF
    SR = WIN + PAD

    mesh = plsc.VectorSubcoreMesh(core_axis_name="c", subcore_axis_name="s")

    scratch = dict(
        d_v=pltpu.VMEM((QPW,), jnp.int32),
        t_v=pltpu.VMEM((QPW,), jnp.int32),
        sh_v=pltpu.VMEM((L,), jnp.int32),
    )
    for k in range(NBUF):
        scratch[f"slot{k}"] = pltpu.VMEM((SR, F), jnp.float32)
        scratch[f"gsem{k}"] = pltpu.SemaphoreType.DMA
        scratch[f"osem{k}"] = pltpu.SemaphoreType.DMA

    @functools.partial(
        pl.kernel,
        mesh=mesh,
        compiler_params=pltpu.CompilerParams(
            needs_layout_passes=False, use_tc_tiling_on_sc=True),
        out_type=jax.ShapeDtypeStruct((B * WIN, F), jnp.float32),
        scratch_types=scratch,
    )
    def call(tbl, didx, tidx, shv, out, **scr):
        slots = [scr[f"slot{k}"] for k in range(NBUF)]
        gsems = [scr[f"gsem{k}"] for k in range(NBUF)]
        osems = [scr[f"osem{k}"] for k in range(NBUF)]
        d_v, t_v, sh_v = scr["d_v"], scr["t_v"], scr["sh_v"]

        wid = lax.axis_index("s") * NC + lax.axis_index("c")
        qbase = pl.multiple_of(wid * QPW, QPW)

        pltpu.sync_copy(didx.at[pl.ds(qbase, QPW)], d_v)
        pltpu.sync_copy(tidx.at[pl.ds(qbase, QPW)], t_v)
        pltpu.sync_copy(shv, sh_v)

        lane = lax.iota(jnp.int32, 16)
        shift = jnp.sum(jnp.where(lane == 0, sh_v[...], 0))

        def extract(vec_ref, q):
            base = pl.multiple_of((q // L) * L, L)
            v = vec_ref[pl.ds(base, L)]
            return jnp.sum(jnp.where(lane == q % L, v, 0))

        def gstep(g, _):
            q0 = g * NBUF
            per_slot = []
            for k in range(NBUF):
                q = q0 + k
                d = extract(d_v, q)
                t = extract(t_v, q)
                sm = lax.rem(t + (shift - WIN), T)
                sm = jnp.where(sm < 0, sm + T, sm)
                a0 = (sm // 8) * 8
                off8 = sm - a0
                rowbase = d * T
                per_slot.append((q, off8))

                @pl.when(g > 0)
                def _():
                    pltpu.make_async_copy(
                        slots[k].at[pl.ds(0, WIN)],
                        out.at[pl.ds(0, WIN), :], osems[k]).wait()

                nowrap = a0 + SR <= T

                @pl.when(nowrap)
                def _():
                    pltpu.async_copy(
                        tbl.at[pl.ds(rowbase + a0, SR), :], slots[k], gsems[k])

                @pl.when(jnp.logical_not(nowrap))
                def _():
                    for j in range(SR // 8):
                        bj = a0 + 8 * j
                        bj = jnp.where(bj >= T, bj - T, bj)
                        pltpu.async_copy(
                            tbl.at[pl.ds(rowbase + bj, 8), :],
                            slots[k].at[pl.ds(8 * j, 8)], gsems[k])

            for k in range(NBUF):
                q, off8 = per_slot[k]
                pltpu.make_async_copy(
                    tbl.at[pl.ds(0, SR), :], slots[k], gsems[k]).wait()
                obase = pl.multiple_of((qbase + q) * WIN, WIN)
                pltpu.async_copy(
                    slots[k].at[pl.ds(off8, WIN)],
                    out.at[pl.ds(obase, WIN), :], osems[k])
            return 0

        lax.fori_loop(0, NG, gstep, 0)
        for k in range(NBUF):
            pltpu.make_async_copy(
                slots[k].at[pl.ds(0, WIN)], out.at[pl.ds(0, WIN), :],
                osems[k]).wait()

    return call


def kernel(data, date_idx, time_idx, window_size):
    D, T, F = data.shape
    B = date_idx.shape[0]
    shv = jnp.full((16,), jnp.asarray(window_size, jnp.int32) - WIN, jnp.int32)
    out = _build_call(D, T, F, B)(data.reshape(D * T, F),
                                  date_idx.astype(jnp.int32),
                                  time_idx.astype(jnp.int32), shv)
    return out.reshape(B, WIN, F)

# --- scband reference (transcript-rebuilt; emitter-appended) ---
"""Pipeline reference for scband-data-window-11355893531124 (READ-ONLY COPY).

The authoritative reference and input builder live on the scoring server;
editing this copy changes nothing except your own understanding.
"""

import jax, jax.numpy as jnp
import numpy as np

D, T, F = 366, 1440, 64
B = 16384
WINDOW = 64


def setup_inputs(seed: int = 0) -> dict:
    key = jax.random.key(seed)
    k1, k2, k3 = jax.random.split(key, 3)
    data = jax.random.normal(k1, (D, T, F), dtype=jnp.float32)
    date_idx = jax.random.randint(k2, (B,), 0, D, dtype=jnp.int32)
    time_idx = jax.random.randint(k3, (B,), 0, T, dtype=jnp.int32)
    return {"data": data, "date_idx": date_idx, "time_idx": time_idx, "window_size": WINDOW}


def reference(data, date_idx, time_idx, window_size):
    # range = arange(-window_size, 0) reshaped with leading singleton dims matching time_idx
    rng = jnp.arange(-WINDOW, 0, dtype=jnp.int32)
    rng = rng + (jnp.asarray(window_size, dtype=jnp.int32) - jnp.int32(WINDOW))
    rng = rng.reshape(tuple(1 for _ in time_idx.shape) + rng.shape)
    time_indices = rng + time_idx[..., None]  # [B, W], may be negative -> wraps like torch/numpy
    date_indices = date_idx[..., None]  # [B, 1]
    # advanced-indexing gather: data[date_indices, time_indices, :] -> [B, W, F]
    return data[date_indices, time_indices, :]

if __name__ == "__main__":
    import jax
    _d = setup_inputs()
    print(jax.jit(kernel)(*tuple(_d.values())))

</pallas_src>

<mosaic_0001>
#map = affine_map<(d0, d1) -> (0, 0)>
#map1 = affine_map<(d0, d1) -> (0)>
module attributes {stable_mosaic.version = 14 : i64} {
  func.func @call(%arg0: i32, %arg1: i32, %arg2: memref<527040x64xf32, #tpu.memory_space<hbm>>, %arg3: memref<16384xi32, #tpu.memory_space<hbm>>, %arg4: memref<16384xi32, #tpu.memory_space<hbm>>, %arg5: memref<16xi32, #tpu.memory_space<hbm>>, %arg6: memref<1048576x64xf32, #tpu.memory_space<hbm>>, %arg7: memref<512xi32, #tpu.memory_space<vmem>>, %arg8: memref<!tpu.dma_semaphore, #tpu.memory_space<semaphore_mem>>, %arg9: memref<!tpu.dma_semaphore, #tpu.memory_space<semaphore_mem>>, %arg10: memref<!tpu.dma_semaphore, #tpu.memory_space<semaphore_mem>>, %arg11: memref<!tpu.dma_semaphore, #tpu.memory_space<semaphore_mem>>, %arg12: memref<!tpu.dma_semaphore, #tpu.memory_space<semaphore_mem>>, %arg13: memref<!tpu.dma_semaphore, #tpu.memory_space<semaphore_mem>>, %arg14: memref<!tpu.dma_semaphore, #tpu.memory_space<semaphore_mem>>, %arg15: memref<!tpu.dma_semaphore, #tpu.memory_space<semaphore_mem>>, %arg16: memref<!tpu.dma_semaphore, #tpu.memory_space<semaphore_mem>>, %arg17: memref<!tpu.dma_semaphore, #tpu.memory_space<semaphore_mem>>, %arg18: memref<!tpu.dma_semaphore, #tpu.memory_space<semaphore_mem>>, %arg19: memref<!tpu.dma_semaphore, #tpu.memory_space<semaphore_mem>>, %arg20: memref<!tpu.dma_semaphore, #tpu.memory_space<semaphore_mem>>, %arg21: memref<!tpu.dma_semaphore, #tpu.memory_space<semaphore_mem>>, %arg22: memref<!tpu.dma_semaphore, #tpu.memory_space<semaphore_mem>>, %arg23: memref<!tpu.dma_semaphore, #tpu.memory_space<semaphore_mem>>, %arg24: memref<16xi32, #tpu.memory_space<vmem>>, %arg25: memref<72x64xf32, #tpu.memory_space<vmem>>, %arg26: memref<72x64xf32, #tpu.memory_space<vmem>>, %arg27: memref<72x64xf32, #tpu.memory_space<vmem>>, %arg28: memref<72x64xf32, #tpu.memory_space<vmem>>, %arg29: memref<72x64xf32, #tpu.memory_space<vmem>>, %arg30: memref<72x64xf32, #tpu.memory_space<vmem>>, %arg31: memref<72x64xf32, #tpu.memory_space<vmem>>, %arg32: memref<72x64xf32, #tpu.memory_space<vmem>>, %arg33: memref<512xi32, #tpu.memory_space<vmem>>) attributes {dimension_semantics = [#tpu.dimension_semantics<core_parallel>, #tpu.dimension_semantics<subcore_parallel>], iteration_bounds = array<i64: 2, 16>, scalar_prefetch = 0 : i64, scratch_operands = 27 : i64, tpu.core_type = #tpu.core_type<sc_vector_subcore>, window_params = [{transform_indices = #map}, {transform_indices = #map1}, {transform_indices = #map1}, {transform_indices = #map1}, {transform_indices = #map}]} {
    %mul3A = arith.constant 2 : i32
    %mul3A_0 = arith.muli %arg1, %mul3A : i32
    %add3A = arith.addi %mul3A_0, %arg0 : i32
    %mul3A_1 = arith.constant 512 : i32
    %mul3A_2 = arith.muli %add3A, %mul3A_1 : i32
    %multiple_of3A = tpu.assume_multiple %mul3A_2, 512 : i32
    "tpu.region"() ({
      %run_scoped3A = tpu.sem_alloc : memref<!tpu.dma_semaphore, #tpu.memory_space<semaphore_mem>>
      %dma_start3A = tpu.memref_slice %arg3[%multiple_of3A] : memref<16384xi32, #tpu.memory_space<hbm>> -> memref<512xi32, #tpu.memory_space<hbm>>
      %dma_start3A_110 = tpu.memref_slice %arg3[%multiple_of3A] : memref<16384xi32, #tpu.memory_space<hbm>> -> memref<512xi32, #tpu.memory_space<hbm>>
      tpu.enqueue_dma source(%dma_start3A_110 : memref<512xi32, #tpu.memory_space<hbm>>) target(%arg7 : memref<512xi32, #tpu.memory_space<vmem>>) target_semaphore(%run_scoped3A : memref<!tpu.dma_semaphore, #tpu.memory_space<semaphore_mem>>)
      %dma_wait3A_111 = tpu.memref_slice %arg3[%multiple_of3A] : memref<16384xi32, #tpu.memory_space<hbm>> -> memref<512xi32, #tpu.memory_space<hbm>>
      %dma_wait3A_112 = tpu.memref_slice %arg3[%multiple_of3A] : memref<16384xi32, #tpu.memory_space<hbm>> -> memref<512xi32, #tpu.memory_space<hbm>>
      tpu.wait_dma2 semaphore(%run_scoped3A : memref<!tpu.dma_semaphore, #tpu.memory_space<semaphore_mem>>) src(%dma_wait3A_112 : memref<512xi32, #tpu.memory_space<hbm>>) dst(%arg7 : memref<512xi32, #tpu.memory_space<vmem>>)
      tpu.yield
    }) : () -> ()
    "tpu.region"() ({
      %run_scoped3A = tpu.sem_alloc : memref<!tpu.dma_semaphore, #tpu.memory_space<semaphore_mem>>
      %dma_start3A = tpu.memref_slice %arg4[%multiple_of3A] : memref<16384xi32, #tpu.memory_space<hbm>> -> memref<512xi32, #tpu.memory_space<hbm>>
      %dma_start3A_110 = tpu.memref_slice %arg4[%multiple_of3A] : memref<16384xi32, #tpu.memory_space<hbm>> -> memref<512xi32, #tpu.memory_space<hbm>>
      tpu.enqueue_dma source(%dma_start3A_110 : memref<512xi32, #tpu.memory_space<hbm>>) target(%arg33 : memref<512xi32, #tpu.memory_space<vmem>>) target_semaphore(%run_scoped3A : memref<!tpu.dma_semaphore, #tpu.memory_space<semaphore_mem>>)
      %dma_wait3A_111 = tpu.memref_slice %arg4[%multiple_of3A] : memref<16384xi32, #tpu.memory_space<hbm>> -> memref<512xi32, #tpu.memory_space<hbm>>
      %dma_wait3A_112 = tpu.memref_slice %arg4[%multiple_of3A] : memref<16384xi32, #tpu.memory_space<hbm>> -> memref<512xi32, #tpu.memory_space<hbm>>
      tpu.wait_dma2 semaphore(%run_scoped3A : memref<!tpu.dma_semaphore, #tpu.memory_space<semaphore_mem>>) src(%dma_wait3A_112 : memref<512xi32, #tpu.memory_space<hbm>>) dst(%arg33 : memref<512xi32, #tpu.memory_space<vmem>>)
      tpu.yield
    }) : () -> ()
    "tpu.region"() ({
      %run_scoped3A = tpu.sem_alloc : memref<!tpu.dma_semaphore, #tpu.memory_space<semaphore_mem>>
      tpu.enqueue_dma source(%arg5 : memref<16xi32, #tpu.memory_space<hbm>>) target(%arg24 : memref<16xi32, #tpu.memory_space<vmem>>) target_semaphore(%run_scoped3A : memref<!tpu.dma_semaphore, #tpu.memory_space<semaphore_mem>>)
      tpu.wait_dma2 semaphore(%run_scoped3A : memref<!tpu.dma_semaphore, #tpu.memory_space<semaphore_mem>>) src(%arg5 : memref<16xi32, #tpu.memory_space<hbm>>) dst(%arg24 : memref<16xi32, #tpu.memory_space<vmem>>)
      tpu.yield
    }) : () -> ()
    %iota3A = tpu.iota {dimensions = array<i32: 0>} : vector<16xi32>
    %eq3A = arith.constant 0 : i32
    %eq3A_3 = vector.broadcast %eq3A : i32 to vector<16xi32>
    %eq3A_4 = arith.cmpi eq, %iota3A, %eq3A_3 : vector<16xi32>
    %get3A = arith.constant 0 : index
    %get3A_5 = tpu.vector_load %arg24[%get3A] {strides = array<i32>} : memref<16xi32, #tpu.memory_space<vmem>>, vector<16xi32>,
    %jit3A = arith.constant 0 : i32
    %broadcast_in_dim3A = vector.broadcast %jit3A : i32 to vector<16xi32>
    %select_n3A = arith.select %eq3A_4, %get3A_5, %broadcast_in_dim3A : vector<16xi1>, vector<16xi32>
    %reduce_sum3A = arith.constant true
    %reduce_sum3A_6 = vector.broadcast %reduce_sum3A : i1 to vector<16xi1>
    %reduce_sum3A_7 = tpu.scan <sum>, %select_n3A masked %reduce_sum3A_6 : vector<16xi32>, vector<16xi1> -> vector<16xi32>
    %reduce_sum3A_8 = vector.extract %reduce_sum3A_7[15] : i32 from vector<16xi32>
    %scan3A = arith.constant 0 : i32
    %scan3A_9 = arith.constant 0 : i32
    %scan3A_10 = arith.constant 64 : i32
    %scan3A_11 = arith.addi %scan3A_9, %scan3A_10 : i32
    %scan3A_12 = arith.constant 1 : i32
    %scan3A_13 = scf.for %scan3A_110 = %scan3A_9 to %scan3A_11 step %scan3A_12 iter_args(%scan3A_111 = %scan3A) -> (i32)  : i32 {
      %mul3A_112 = arith.constant 8 : i32
      %mul3A_113 = arith.muli %scan3A_110, %mul3A_112 : i32
      %add3A_114 = arith.constant 0 : i32
      %add3A_115 = arith.addi %mul3A_113, %add3A_114 : i32
      %jit3A_116 = arith.constant 16 : i32
      %div3A = arith.divsi %add3A_115, %jit3A_116 : i32
      %sign3A = arith.constant 0 : i32
      %sign3A_117 = arith.cmpi sgt, %add3A_115, %sign3A : i32
      %sign3A_118 = arith.extui %sign3A_117 : i1 to i32
      %sign3A_119 = arith.constant 0 : i32
      %sign3A_120 = arith.cmpi slt, %add3A_115, %sign3A_119 : i32
      %sign3A_121 = arith.extui %sign3A_120 : i1 to i32
      %sign3A_122 = arith.subi %sign3A_118, %sign3A_121 : i32
      %sign3A_123 = arith.constant 0 : i32
      %sign3A_124 = arith.cmpi sgt, %jit3A_116, %sign3A_123 : i32
      %sign3A_125 = arith.extui %sign3A_124 : i1 to i32
      %sign3A_126 = arith.constant 0 : i32
      %sign3A_127 = arith.cmpi slt, %jit3A_116, %sign3A_126 : i32
      %sign3A_128 = arith.extui %sign3A_127 : i1 to i32
      %sign3A_129 = arith.subi %sign3A_125, %sign3A_128 : i32
      %ne3A = arith.cmpi ne, %sign3A_122, %sign3A_129 : i32
      %rem3A = arith.remsi %add3A_115, %jit3A_116 : i32
      %ne3A_130 = arith.constant 0 : i32
      %ne3A_131 = arith.cmpi ne, %rem3A, %ne3A_130 : i32
      %and3A = arith.andi %ne3A, %ne3A_131 : i1
      %sub3A = arith.constant 1 : i32
      %sub3A_132 = arith.subi %div3A, %sub3A : i32
      %select_n3A_133 = arith.select %and3A, %sub3A_132, %div3A : i32
      %mul3A_134 = arith.constant 16 : i32
      %mul3A_135 = arith.muli %select_n3A_133, %mul3A_134 : i32
      %multiple_of3A_136 = tpu.assume_multiple %mul3A_135, 16 : i32
      %get3A_137 = arith.index_cast %multiple_of3A_136 : i32 to index
      %get3A_138 = tpu.vector_load %arg7[%get3A_137] {strides = array<i32>} : memref<512xi32, #tpu.memory_space<vmem>>, vector<16xi32>,
      %jit3A_139 = arith.constant 16 : i32
      %eq3A_140 = arith.constant 0 : i32
      %eq3A_141 = arith.cmpi eq, %jit3A_139, %eq3A_140 : i32
      %jit3A_142 = arith.constant 1 : i32
      %select_n3A_143 = arith.select %eq3A_141, %jit3A_142, %jit3A_139 : i32
      %rem3A_144 = arith.remsi %add3A_115, %select_n3A_143 : i32
      %ne3A_145 = arith.constant 0 : i32
      %ne3A_146 = arith.cmpi ne, %rem3A_144, %ne3A_145 : i32
      %lt3A = arith.constant 0 : i32
      %lt3A_147 = arith.cmpi slt, %rem3A_144, %lt3A : i32
      %lt3A_148 = arith.constant 0 : i32
      %lt3A_149 = arith.cmpi slt, %select_n3A_143, %lt3A_148 : i32
      %ne3A_150 = arith.xori %lt3A_147, %lt3A_149 : i1
      %and3A_151 = arith.andi %ne3A_150, %ne3A_146 : i1
      %add3A_152 = arith.addi %rem3A_144, %select_n3A_143 : i32
      %select_n3A_153 = arith.select %and3A_151, %add3A_152, %rem3A_144 : i32
      %eq3A_154 = vector.broadcast %select_n3A_153 : i32 to vector<16xi32>
      %eq3A_155 = arith.cmpi eq, %iota3A, %eq3A_154 : vector<16xi32>
      %jit3A_156 = arith.constant 0 : i32
      %broadcast_in_dim3A_157 = vector.broadcast %jit3A_156 : i32 to vector<16xi32>
      %select_n3A_158 = arith.select %eq3A_155, %get3A_138, %broadcast_in_dim3A_157 : vector<16xi1>, vector<16xi32>
      %reduce_sum3A_159 = arith.constant true
      %reduce_sum3A_160 = vector.broadcast %reduce_sum3A_159 : i1 to vector<16xi1>
      %reduce_sum3A_161 = tpu.scan <sum>, %select_n3A_158 masked %reduce_sum3A_160 : vector<16xi32>, vector<16xi1> -> vector<16xi32>
      %reduce_sum3A_162 = vector.extract %reduce_sum3A_161[15] : i32 from vector<16xi32>
      %jit3A_163 = arith.constant 16 : i32
      %div3A_164 = arith.divsi %add3A_115, %jit3A_163 : i32
      %sign3A_165 = arith.constant 0 : i32
      %sign3A_166 = arith.cmpi sgt, %add3A_115, %sign3A_165 : i32
      %sign3A_167 = arith.extui %sign3A_166 : i1 to i32
      %sign3A_168 = arith.constant 0 : i32
      %sign3A_169 = arith.cmpi slt, %add3A_115, %sign3A_168 : i32
      %sign3A_170 = arith.extui %sign3A_169 : i1 to i32
      %sign3A_171 = arith.subi %sign3A_167, %sign3A_170 : i32
      %sign3A_172 = arith.constant 0 : i32
      %sign3A_173 = arith.cmpi sgt, %jit3A_163, %sign3A_172 : i32
      %sign3A_174 = arith.extui %sign3A_173 : i1 to i32
      %sign3A_175 = arith.constant 0 : i32
      %sign3A_176 = arith.cmpi slt, %jit3A_163, %sign3A_175 : i32
      %sign3A_177 = arith.extui %sign3A_176 : i1 to i32
      %sign3A_178 = arith.subi %sign3A_174, %sign3A_177 : i32
      %ne3A_179 = arith.cmpi ne, %sign3A_171, %sign3A_178 : i32
      %rem3A_180 = arith.remsi %add3A_115, %jit3A_163 : i32
      %ne3A_181 = arith.constant 0 : i32
      %ne3A_182 = arith.cmpi ne, %rem3A_180, %ne3A_181 : i32
      %and3A_183 = arith.andi %ne3A_179, %ne3A_182 : i1
      %sub3A_184 = arith.constant 1 : i32
      %sub3A_185 = arith.subi %div3A_164, %sub3A_184 : i32
      %select_n3A_186 = arith.select %and3A_183, %sub3A_185, %div3A_164 : i32
      %mul3A_187 = arith.constant 16 : i32
      %mul3A_188 = arith.muli %select_n3A_186, %mul3A_187 : i32
      %multiple_of3A_189 = tpu.assume_multiple %mul3A_188, 16 : i32
      %get3A_190 = arith.index_cast %multiple_of3A_189 : i32 to index
      %get3A_191 = tpu.vector_load %arg33[%get3A_190] {strides = array<i32>} : memref<512xi32, #tpu.memory_space<vmem>>, vector<16xi32>,
      %jit3A_192 = arith.constant 16 : i32
      %eq3A_193 = arith.constant 0 : i32
      %eq3A_194 = arith.cmpi eq, %jit3A_192, %eq3A_193 : i32
      %jit3A_195 = arith.constant 1 : i32
      %select_n3A_196 = arith.select %eq3A_194, %jit3A_195, %jit3A_192 : i32
      %rem3A_197 = arith.remsi %add3A_115, %select_n3A_196 : i32
      %ne3A_198 = arith.constant 0 : i32
      %ne3A_199 = arith.cmpi ne, %rem3A_197, %ne3A_198 : i32
      %lt3A_200 = arith.constant 0 : i32
      %lt3A_201 = arith.cmpi slt, %rem3A_197, %lt3A_200 : i32
      %lt3A_202 = arith.constant 0 : i32
      %lt3A_203 = arith.cmpi slt, %select_n3A_196, %lt3A_202 : i32
      %ne3A_204 = arith.xori %lt3A_201, %lt3A_203 : i1
      %and3A_205 = arith.andi %ne3A_204, %ne3A_199 : i1
      %add3A_206 = arith.addi %rem3A_197, %select_n3A_196 : i32
      %select_n3A_207 = arith.select %and3A_205, %add3A_206, %rem3A_197 : i32
      %eq3A_208 = vector.broadcast %select_n3A_207 : i32 to vector<16xi32>
      %eq3A_209 = arith.cmpi eq, %iota3A, %eq3A_208 : vector<16xi32>
      %jit3A_210 = arith.constant 0 : i32
      %broadcast_in_dim3A_211 = vector.broadcast %jit3A_210 : i32 to vector<16xi32>
      %select_n3A_212 = arith.select %eq3A_209, %get3A_191, %broadcast_in_dim3A_211 : vector<16xi1>, vector<16xi32>
      %reduce_sum3A_213 = arith.constant true
      %reduce_sum3A_214 = vector.broadcast %reduce_sum3A_213 : i1 to vector<16xi1>
      %reduce_sum3A_215 = tpu.scan <sum>, %select_n3A_212 masked %reduce_sum3A_214 : vector<16xi32>, vector<16xi1> -> vector<16xi32>
      %reduce_sum3A_216 = vector.extract %reduce_sum3A_215[15] : i32 from vector<16xi32>
      %sub3A_217 = arith.constant 64 : i32
      %sub3A_218 = arith.subi %reduce_sum3A_8, %sub3A_217 : i32
      %add3A_219 = arith.addi %reduce_sum3A_216, %sub3A_218 : i32
      %rem3A_220 = arith.constant 1440 : i32
      %rem3A_221 = arith.remsi %add3A_219, %rem3A_220 : i32
      %lt3A_222 = arith.constant 0 : i32
      %lt3A_223 = arith.cmpi slt, %rem3A_221, %lt3A_222 : i32
      %add3A_224 = arith.constant 1440 : i32
      %add3A_225 = arith.addi %rem3A_221, %add3A_224 : i32
      %select_n3A_226 = arith.select %lt3A_223, %add3A_225, %rem3A_221 : i32
      %jit3A_227 = arith.constant 8 : i32
      %div3A_228 = arith.divsi %select_n3A_226, %jit3A_227 : i32
      %sign3A_229 = arith.constant 0 : i32
      %sign3A_230 = arith.cmpi sgt, %select_n3A_226, %sign3A_229 : i32
      %sign3A_231 = arith.extui %sign3A_230 : i1 to i32
      %sign3A_232 = arith.constant 0 : i32
      %sign3A_233 = arith.cmpi slt, %select_n3A_226, %sign3A_232 : i32
      %sign3A_234 = arith.extui %sign3A_233 : i1 to i32
      %sign3A_235 = arith.subi %sign3A_231, %sign3A_234 : i32
      %sign3A_236 = arith.constant 0 : i32
      %sign3A_237 = arith.cmpi sgt, %jit3A_227, %sign3A_236 : i32
      %sign3A_238 = arith.extui %sign3A_237 : i1 to i32
      %sign3A_239 = arith.constant 0 : i32
      %sign3A_240 = arith.cmpi slt, %jit3A_227, %sign3A_239 : i32
      %sign3A_241 = arith.extui %sign3A_240 : i1 to i32
      %sign3A_242 = arith.subi %sign3A_238, %sign3A_241 : i32
      %ne3A_243 = arith.cmpi ne, %sign3A_235, %sign3A_242 : i32
      %rem3A_244 = arith.remsi %select_n3A_226, %jit3A_227 : i32
      %ne3A_245 = arith.constant 0 : i32
      %ne3A_246 = arith.cmpi ne, %rem3A_244, %ne3A_245 : i32
      %and3A_247 = arith.andi %ne3A_243, %ne3A_246 : i1
      %sub3A_248 = arith.constant 1 : i32
      %sub3A_249 = arith.subi %div3A_228, %sub3A_248 : i32
      %select_n3A_250 = arith.select %and3A_247, %sub3A_249, %div3A_228 : i32
      %mul3A_251 = arith.constant 8 : i32
      %mul3A_252 = arith.muli %select_n3A_250, %mul3A_251 : i32
      %sub3A_253 = arith.subi %select_n3A_226, %mul3A_252 : i32
      %mul3A_254 = arith.constant 1440 : i32
      %mul3A_255 = arith.muli %reduce_sum3A_162, %mul3A_254 : i32
      %gt3A = arith.constant 0 : i32
      %gt3A_256 = arith.cmpi sgt, %scan3A_110, %gt3A : i32
      %convert_element_type3A = arith.extui %gt3A_256 : i1 to i32
      %cond3A = arith.constant 0 : i32
      %cond3A_257 = arith.cmpi ne, %convert_element_type3A, %cond3A : i32
      scf.if %cond3A_257 {
        %dma_wait3A_1574 = arith.constant 0 : i32
        %dma_wait3A_1575 = arith.constant 0 : i32
        %dma_wait3A_1576 = tpu.memref_slice %arg25[%dma_wait3A_1574, %dma_wait3A_1575] : memref<72x64xf32, #tpu.memory_space<vmem>> -> memref<64x64xf32, #tpu.memory_space<vmem>>
        %dma_wait3A_1577 = arith.constant 0 : i32
        %dma_wait3A_1578 = arith.constant 0 : i32
        %dma_wait3A_1579 = tpu.memref_slice %arg6[%dma_wait3A_1577, %dma_wait3A_1578] : memref<1048576x64xf32, #tpu.memory_space<hbm>> -> memref<64x64xf32, #tpu.memory_space<hbm>>
        %dma_wait3A_1580 = arith.constant 0 : i32
        %dma_wait3A_1581 = arith.constant 0 : i32
        %dma_wait3A_1582 = tpu.memref_slice %arg6[%dma_wait3A_1580, %dma_wait3A_1581] : memref<1048576x64xf32, #tpu.memory_space<hbm>> -> memref<64x64xf32, #tpu.memory_space<hbm>>
        %dma_wait3A_1583 = arith.constant 0 : i32
        %dma_wait3A_1584 = arith.constant 0 : i32
        %dma_wait3A_1585 = tpu.memref_slice %arg25[%dma_wait3A_1583, %dma_wait3A_1584] : memref<72x64xf32, #tpu.memory_space<vmem>> -> memref<64x64xf32, #tpu.memory_space<vmem>>
        tpu.wait_dma2 semaphore(%arg16 : memref<!tpu.dma_semaphore, #tpu.memory_space<semaphore_mem>>) src(%dma_wait3A_1585 : memref<64x64xf32, #tpu.memory_space<vmem>>) dst(%dma_wait3A_1582 : memref<64x64xf32, #tpu.memory_space<hbm>>)
      } else {
      }
      %add3A_258 = arith.constant 72 : i32
      %add3A_259 = arith.addi %mul3A_252, %add3A_258 : i32
      %le3A = arith.constant 1440 : i32
      %le3A_260 = arith.cmpi sle, %add3A_259, %le3A : i32
      %convert_element_type3A_261 = arith.extui %le3A_260 : i1 to i32
      %cond3A_262 = arith.constant 0 : i32
      %cond3A_263 = arith.cmpi ne, %convert_element_type3A_261, %cond3A_262 : i32
      scf.if %cond3A_263 {
        %add3A_1574 = arith.addi %mul3A_255, %mul3A_252 : i32
        %dma_start3A_1575 = arith.constant 0 : i32
        %dma_start3A_1576 = tpu.memref_slice %arg2[%add3A_1574, %dma_start3A_1575] : memref<527040x64xf32, #tpu.memory_space<hbm>> -> memref<72x64xf32, #tpu.memory_space<hbm>>
        %dma_start3A_1577 = arith.constant 0 : i32
        %dma_start3A_1578 = tpu.memref_slice %arg2[%add3A_1574, %dma_start3A_1577] : memref<527040x64xf32, #tpu.memory_space<hbm>> -> memref<72x64xf32, #tpu.memory_space<hbm>>
        tpu.enqueue_dma source(%dma_start3A_1578 : memref<72x64xf32, #tpu.memory_space<hbm>>) target(%arg25 : memref<72x64xf32, #tpu.memory_space<vmem>>) target_semaphore(%arg8 : memref<!tpu.dma_semaphore, #tpu.memory_space<semaphore_mem>>)
      } else {
      }
      %not3A = arith.constant true
      %not3A_264 = arith.xori %le3A_260, %not3A : i1
      %convert_element_type3A_265 = arith.extui %not3A_264 : i1 to i32
      %cond3A_266 = arith.constant 0 : i32
      %cond3A_267 = arith.cmpi ne, %convert_element_type3A_265, %cond3A_266 : i32
      scf.if %cond3A_267 {
        %add3A_1574 = arith.constant 0 : i32
        %add3A_1575 = arith.addi %mul3A_252, %add3A_1574 : i32
        %ge3A = arith.constant 1440 : i32
        %ge3A_1576 = arith.cmpi sge, %add3A_1575, %ge3A : i32
        %sub3A_1577 = arith.constant 1440 : i32
        %sub3A_1578 = arith.subi %add3A_1575, %sub3A_1577 : i32
        %select_n3A_1579 = arith.select %ge3A_1576, %sub3A_1578, %add3A_1575 : i32
        %add3A_1580 = arith.addi %mul3A_255, %select_n3A_1579 : i32
        %dma_start3A_1581 = arith.constant 0 : i32
        %dma_start3A_1582 = arith.constant 0 : i32
        %dma_start3A_1583 = tpu.memref_slice %arg25[%dma_start3A_1581, %dma_start3A_1582] : memref<72x64xf32, #tpu.memory_space<vmem>> -> memref<8x64xf32, #tpu.memory_space<vmem>>
        %dma_start3A_1584 = arith.constant 0 : i32
        %dma_start3A_1585 = tpu.memref_slice %arg2[%add3A_1580, %dma_start3A_1584] : memref<527040x64xf32, #tpu.memory_space<hbm>> -> memref<8x64xf32, #tpu.memory_space<hbm>>
        %dma_start3A_1586 = arith.constant 0 : i32
        %dma_start3A_1587 = arith.constant 0 : i32
        %dma_start3A_1588 = tpu.memref_slice %arg25[%dma_start3A_1586, %dma_start3A_1587] : memref<72x64xf32, #tpu.memory_space<vmem>> -> memref<8x64xf32, #tpu.memory_space<vmem>>
        %dma_start3A_1589 = arith.constant 0 : i32
        %dma_start3A_1590 = tpu.memref_slice %arg2[%add3A_1580, %dma_start3A_1589] : memref<527040x64xf32, #tpu.memory_space<hbm>> -> memref<8x64xf32, #tpu.memory_space<hbm>>
        tpu.enqueue_dma source(%dma_start3A_1590 : memref<8x64xf32, #tpu.memory_space<hbm>>) target(%dma_start3A_1588 : memref<8x64xf32, #tpu.memory_space<vmem>>) target_semaphore(%arg8 : memref<!tpu.dma_semaphore, #tpu.memory_space<semaphore_mem>>)
        %add3A_1591 = arith.constant 8 : i32
        %add3A_1592 = arith.addi %mul3A_252, %add3A_1591 : i32
        %ge3A_1593 = arith.constant 1440 : i32
        %ge3A_1594 = arith.cmpi sge, %add3A_1592, %ge3A_1593 : i32
        %sub3A_1595 = arith.constant 1440 : i32
        %sub3A_1596 = arith.subi %add3A_1592, %sub3A_1595 : i32
        %select_n3A_1597 = arith.select %ge3A_1594, %sub3A_1596, %add3A_1592 : i32
        %add3A_1598 = arith.addi %mul3A_255, %select_n3A_1597 : i32
        %dma_start3A_1599 = arith.constant 8 : i32
        %dma_start3A_1600 = arith.constant 0 : i32
        %dma_start3A_1601 = tpu.memref_slice %arg25[%dma_start3A_1599, %dma_start3A_1600] : memref<72x64xf32, #tpu.memory_space<vmem>> -> memref<8x64xf32, #tpu.memory_space<vmem>>
        %dma_start3A_1602 = arith.constant 0 : i32
        %dma_start3A_1603 = tpu.memref_slice %arg2[%add3A_1598, %dma_start3A_1602] : memref<527040x64xf32, #tpu.memory_space<hbm>> -> memref<8x64xf32, #tpu.memory_space<hbm>>
        %dma_start3A_1604 = arith.constant 8 : i32
        %dma_start3A_1605 = arith.constant 0 : i32
        %dma_start3A_1606 = tpu.memref_slice %arg25[%dma_start3A_1604, %dma_start3A_1605] : memref<72x64xf32, #tpu.memory_space<vmem>> -> memref<8x64xf32, #tpu.memory_space<vmem>>
        %dma_start3A_1607 = arith.constant 0 : i32
        %dma_start3A_1608 = tpu.memref_slice %arg2[%add3A_1598, %dma_start3A_1607] : memref<527040x64xf32, #tpu.memory_space<hbm>> -> memref<8x64xf32, #tpu.memory_space<hbm>>
        tpu.enqueue_dma source(%dma_start3A_1608 : memref<8x64xf32, #tpu.memory_space<hbm>>) target(%dma_start3A_1606 : memref<8x64xf32, #tpu.memory_space<vmem>>) target_semaphore(%arg8 : memref<!tpu.dma_semaphore, #tpu.memory_space<semaphore_mem>>)
        %add3A_1609 = arith.constant 16 : i32
        %add3A_1610 = arith.addi %mul3A_252, %add3A_1609 : i32
        %ge3A_1611 = arith.constant 1440 : i32
        %ge3A_1612 = arith.cmpi sge, %add3A_1610, %ge3A_1611 : i32
        %sub3A_1613 = arith.constant 1440 : i32
        %sub3A_1614 = arith.subi %add3A_1610, %sub3A_1613 : i32
        %select_n3A_1615 = arith.select %ge3A_1612, %sub3A_1614, %add3A_1610 : i32
        %add3A_1616 = arith.addi %mul3A_255, %select_n3A_1615 : i32
        %dma_start3A_1617 = arith.constant 16 : i32
        %dma_start3A_1618 = arith.constant 0 : i32
        %dma_start3A_1619 = tpu.memref_slice %arg25[%dma_start3A_1617, %dma_start3A_1618] : memref<72x64xf32, #tpu.memory_space<vmem>> -> memref<8x64xf32, #tpu.memory_space<vmem>>
        %dma_start3A_1620 = arith.constant 0 : i32
        %dma_start3A_1621 = tpu.memref_slice %arg2[%add3A_1616, %dma_start3A_1620] : memref<527040x64xf32, #tpu.memory_space<hbm>> -> memref<8x64xf32, #tpu.memory_space<hbm>>
        %dma_start3A_1622 = arith.constant 16 : i32
        %dma_start3A_1623 = arith.constant 0 : i32
        %dma_start3A_1624 = tpu.memref_slice %arg25[%dma_start3A_1622, %dma_start3A_1623] : memref<72x64xf32, #tpu.memory_space<vmem>> -> memref<8x64xf32, #tpu.memory_space<vmem>>
        %dma_start3A_1625 = arith.constant 0 : i32
        %dma_start3A_1626 = tpu.memref_slice %arg2[%add3A_1616, %dma_start3A_1625] : memref<527040x64xf32, #tpu.memory_space<hbm>> -> memref<8x64xf32, #tpu.memory_space<hbm>>
        tpu.enqueue_dma source(%dma_start3A_1626 : memref<8x64xf32, #tpu.memory_space<hbm>>) target(%dma_start3A_1624 : memref<8x64xf32, #tpu.memory_space<vmem>>) target_semaphore(%arg8 : memref<!tpu.dma_semaphore, #tpu.memory_space<semaphore_mem>>)
        %add3A_1627 = arith.constant 24 : i32
        %add3A_1628 = arith.addi %mul3A_252, %add3A_1627 : i32
        %ge3A_1629 = arith.constant 1440 : i32
        %ge3A_1630 = arith.cmpi sge, %add3A_1628, %ge3A_1629 : i32
        %sub3A_1631 = arith.constant 1440 : i32
        %sub3A_1632 = arith.subi %add3A_1628, %sub3A_1631 : i32
        %select_n3A_1633 = arith.select %ge3A_1630, %sub3A_1632, %add3A_1628 : i32
        %add3A_1634 = arith.addi %mul3A_255, %select_n3A_1633 : i32
        %dma_start3A_1635 = arith.constant 24 : i32
        %dma_start3A_1636 = arith.constant 0 : i32
        %dma_start3A_1637 = tpu.memref_slice %arg25[%dma_start3A_1635, %dma_start3A_1636] : memref<72x64xf32, #tpu.memory_space<vmem>> -> memref<8x64xf32, #tpu.memory_space<vmem>>
        %dma_start3A_1638 = arith.constant 0 : i32
        %dma_start3A_1639 = tpu.memref_slice %arg2[%add3A_1634, %dma_start3A_1638] : memref<527040x64xf32, #tpu.memory_space<hbm>> -> memref<8x64xf32, #tpu.memory_space<hbm>>
        %dma_start3A_1640 = arith.constant 24 : i32
        %dma_start3A_1641 = arith.constant 0 : i32
        %dma_start3A_1642 = tpu.memref_slice %arg25[%dma_start3A_1640, %dma_start3A_1641] : memref<72x64xf32, #tpu.memory_space<vmem>> -> memref<8x64xf32, #tpu.memory_space<vmem>>
        %dma_start3A_1643 = arith.constant 0 : i32
        %dma_start3A_1644 = tpu.memref_slice %arg2[%add3A_1634, %dma_start3A_1643] : memref<527040x64xf32, #tpu.memory_space<hbm>> -> memref<8x64xf32, #tpu.memory_space<hbm>>
        tpu.enqueue_dma source(%dma_start3A_1644 : memref<8x64xf32, #tpu.memory_space<hbm>>) target(%dma_start3A_1642 : memref<8x64xf32, #tpu.memory_space<vmem>>) target_semaphore(%arg8 : memref<!tpu.dma_semaphore, #tpu.memory_space<semaphore_mem>>)
        %add3A_1645 = arith.constant 32 : i32
        %add3A_1646 = arith.addi %mul3A_252, %add3A_1645 : i32
        %ge3A_1647 = arith.constant 1440 : i32
        %ge3A_1648 = arith.cmpi sge, %add3A_1646, %ge3A_1647 : i32
        %sub3A_1649 = arith.constant 1440 : i32
        %sub3A_1650 = arith.subi %add3A_1646, %sub3A_1649 : i32
        %select_n3A_1651 = arith.select %ge3A_1648, %sub3A_1650, %add3A_1646 : i32
        %add3A_1652 = arith.addi %mul3A_255, %select_n3A_1651 : i32
        %dma_start3A_1653 = arith.constant 32 : i32
        %dma_start3A_1654 = arith.constant 0 : i32
        %dma_start3A_1655 = tpu.memref_slice %arg25[%dma_start3A_1653, %dma_start3A_1654] : memref<72x64xf32, #tpu.memory_space<vmem>> -> memref<8x64xf32, #tpu.memory_space<vmem>>
        %dma_start3A_1656 = arith.constant 0 : i32
        %dma_start3A_1657 = tpu.memref_slice %arg2[%add3A_1652, %dma_start3A_1656] : memref<527040x64xf32, #tpu.memory_space<hbm>> -> memref<8x64xf32, #tpu.memory_space<hbm>>
        %dma_start3A_1658 = arith.constant 32 : i32
        %dma_start3A_1659 = arith.constant 0 : i32
        %dma_start3A_1660 = tpu.memref_slice %arg25[%dma_start3A_1658, %dma_start3A_1659] : memref<72x64xf32, #tpu.memory_space<vmem>> -> memref<8x64xf32, #tpu.memory_space<vmem>>
        %dma_start3A_1661 = arith.constant 0 : i32
        %dma_start3A_1662 = tpu.memref_slice %arg2[%add3A_1652, %dma_start3A_1661] : memref<527040x64xf32, #tpu.memory_space<hbm>> -> memref<8x64xf32, #tpu.memory_space<hbm>>
        tpu.enqueue_dma source(%dma_start3A_1662 : memref<8x64xf32, #tpu.memory_space<hbm>>) target(%dma_start3A_1660 : memref<8x64xf32, #tpu.memory_space<vmem>>) target_semaphore(%arg8 : memref<!tpu.dma_semaphore, #tpu.memory_space<semaphore_mem>>)
        %add3A_1663 = arith.constant 40 : i32
        %add3A_1664 = arith.addi %mul3A_252, %add3A_1663 : i32
        %ge3A_1665 = arith.constant 1440 : i32
        %ge3A_1666 = arith.cmpi sge, %add3A_1664, %ge3A_1665 : i32
        %sub3A_1667 = arith.constant 1440 : i32
        %sub3A_1668 = arith.subi %add3A_1664, %sub3A_1667 : i32
        %select_n3A_1669 = arith.select %ge3A_1666, %sub3A_1668, %add3A_1664 : i32
        %add3A_1670 = arith.addi %mul3A_255, %select_n3A_1669 : i32
        %dma_start3A_1671 = arith.constant 40 : i32
        %dma_start3A_1672 = arith.constant 0 : i32
        %dma_start3A_1673 = tpu.memref_slice %arg25[%dma_start3A_1671, %dma_start3A_1672] : memref<72x64xf32, #tpu.memory_space<vmem>> -> memref<8x64xf32, #tpu.memory_space<vmem>>
        %dma_start3A_1674 = arith.constant 0 : i32
        %dma_start3A_1675 = tpu.memref_slice %arg2[%add3A_1670, %dma_start3A_1674] : memref<527040x64xf32, #tpu.memory_space<hbm>> -> memref<8x64xf32, #tpu.memory_space<hbm>>
        %dma_start3A_1676 = arith.constant 40 : i32
        %dma_start3A_1677 = arith.constant 0 : i32
        %dma_start3A_1678 = tpu.memref_slice %arg25[%dma_start3A_1676, %dma_start3A_1677] : memref<72x64xf32, #tpu.memory_space<vmem>> -> memref<8x64xf32, #tpu.memory_space<vmem>>
        %dma_start3A_1679 = arith.constant 0 : i32
        %dma_start3A_1680 = tpu.memref_slice %arg2[%add3A_1670, %dma_start3A_1679] : memref<527040x64xf32, #tpu.memory_space<hbm>> -> memref<8x64xf32, #tpu.memory_space<hbm>>
        tpu.enqueue_dma source(%dma_start3A_1680 : memref<8x64xf32, #tpu.memory_space<hbm>>) target(%dma_start3A_1678 : memref<8x64xf32, #tpu.memory_space<vmem>>) target_semaphore(%arg8 : memref<!tpu.dma_semaphore, #tpu.memory_space<semaphore_mem>>)
        %add3A_1681 = arith.constant 48 : i32
        %add3A_1682 = arith.addi %mul3A_252, %add3A_1681 : i32
        %ge3A_1683 = arith.constant 1440 : i32
        %ge3A_1684 = arith.cmpi sge, %add3A_1682, %ge3A_1683 : i32
        %sub3A_1685 = arith.constant 1440 : i32
        %sub3A_1686 = arith.subi %add3A_1682, %sub3A_1685 : i32
        %select_n3A_1687 = arith.select %ge3A_1684, %sub3A_1686, %add3A_1682 : i32
        %add3A_1688 = arith.addi %mul3A_255, %select_n3A_1687 : i32
        %dma_start3A_1689 = arith.constant 48 : i32
        %dma_start3A_1690 = arith.constant 0 : i32
        %dma_start3A_1691 = tpu.memref_slice %arg25[%dma_start3A_1689, %dma_start3A_1690] : memref<72x64xf32, #tpu.memory_space<vmem>> -> memref<8x64xf32, #tpu.memory_space<vmem>>
        %dma_start3A_1692 = arith.constant 0 : i32
        %dma_start3A_1693 = tpu.memref_slice %arg2[%add3A_1688, %dma_start3A_1692] : memref<527040x64xf32, #tpu.memory_space<hbm>> -> memref<8x64xf32, #tpu.memory_space<hbm>>
        %dma_start3A_1694 = arith.constant 48 : i32
        %dma_start3A_1695 = arith.constant 0 : i32
        %dma_start3A_1696 = tpu.memref_slice %arg25[%dma_start3A_1694, %dma_start3A_1695] : memref<72x64xf32, #tpu.memory_space<vmem>> -> memref<8x64xf32, #tpu.memory_space<vmem>>
        %dma_start3A_1697 = arith.constant 0 : i32
        %dma_start3A_1698 = tpu.memref_slice %arg2[%add3A_1688, %dma_start3A_1697] : memref<527040x64xf32, #tpu.memory_space<hbm>> -> memref<8x64xf32, #tpu.memory_space<hbm>>
        tpu.enqueue_dma source(%dma_start3A_1698 : memref<8x64xf32, #tpu.memory_space<hbm>>) target(%dma_start3A_1696 : memref<8x64xf32, #tpu.memory_space<vmem>>) target_semaphore(%arg8 : memref<!tpu.dma_semaphore, #tpu.memory_space<semaphore_mem>>)
        %add3A_1699 = arith.constant 56 : i32
        %add3A_1700 = arith.addi %mul3A_252, %add3A_1699 : i32
        %ge3A_1701 = arith.constant 1440 : i32
        %ge3A_1702 = arith.cmpi sge, %add3A_1700, %ge3A_1701 : i32
        %sub3A_1703 = arith.constant 1440 : i32
        %sub3A_1704 = arith.subi %add3A_1700, %sub3A_1703 : i32
        %select_n3A_1705 = arith.select %ge3A_1702, %sub3A_1704, %add3A_1700 : i32
        %add3A_1706 = arith.addi %mul3A_255, %select_n3A_1705 : i32
        %dma_start3A_1707 = arith.constant 56 : i32
        %dma_start3A_1708 = arith.constant 0 : i32
        %dma_start3A_1709 = tpu.memref_slice %arg25[%dma_start3A_1707, %dma_start3A_1708] : memref<72x64xf32, #tpu.memory_space<vmem>> -> memref<8x64xf32, #tpu.memory_space<vmem>>
        %dma_start3A_1710 = arith.constant 0 : i32
        %dma_start3A_1711 = tpu.memref_slice %arg2[%add3A_1706, %dma_start3A_1710] : memref<527040x64xf32, #tpu.memory_space<hbm>> -> memref<8x64xf32, #tpu.memory_space<hbm>>
        %dma_start3A_1712 = arith.constant 56 : i32
        %dma_start3A_1713 = arith.constant 0 : i32
        %dma_start3A_1714 = tpu.memref_slice %arg25[%dma_start3A_1712, %dma_start3A_1713] : memref<72x64xf32, #tpu.memory_space<vmem>> -> memref<8x64xf32, #tpu.memory_space<vmem>>
        %dma_start3A_1715 = arith.constant 0 : i32
        %dma_start3A_1716 = tpu.memref_slice %arg2[%add3A_1706, %dma_start3A_1715] : memref<527040x64xf32, #tpu.memory_space<hbm>> -> memref<8x64xf32, #tpu.memory_space<hbm>>
        tpu.enqueue_dma source(%dma_start3A_1716 : memref<8x64xf32, #tpu.memory_space<hbm>>) target(%dma_start3A_1714 : memref<8x64xf32, #tpu.memory_space<vmem>>) target_semaphore(%arg8 : memref<!tpu.dma_semaphore, #tpu.memory_space<semaphore_mem>>)
        %add3A_1717 = arith.constant 64 : i32
        %add3A_1718 = arith.addi %mul3A_252, %add3A_1717 : i32
        %ge3A_1719 = arith.constant 1440 : i32
        %ge3A_1720 = arith.cmpi sge, %add3A_1718, %ge3A_1719 : i32
        %sub3A_1721 = arith.constant 1440 : i32
        %sub3A_1722 = arith.subi %add3A_1718, %sub3A_1721 : i32
        %select_n3A_1723 = arith.select %ge3A_1720, %sub3A_1722, %add3A_1718 : i32
        %add3A_1724 = arith.addi %mul3A_255, %select_n3A_1723 : i32
        %dma_start3A_1725 = arith.constant 64 : i32
        %dma_start3A_1726 = arith.constant 0 : i32
        %dma_start3A_1727 = tpu.memref_slice %arg25[%dma_start3A_1725, %dma_start3A_1726] : memref<72x64xf32, #tpu.memory_space<vmem>> -> memref<8x64xf32, #tpu.memory_space<vmem>>
        %dma_start3A_1728 = arith.constant 0 : i32
        %dma_start3A_1729 = tpu.memref_slice %arg2[%add3A_1724, %dma_start3A_1728] : memref<527040x64xf32, #tpu.memory_space<hbm>> -> memref<8x64xf32, #tpu.memory_space<hbm>>
        %dma_start3A_1730 = arith.constant 64 : i32
        %dma_start3A_1731 = arith.constant 0 : i32
        %dma_start3A_1732 = tpu.memref_slice %arg25[%dma_start3A_1730, %dma_start3A_1731] : memref<72x64xf32, #tpu.memory_space<vmem>> -> memref<8x64xf32, #tpu.memory_space<vmem>>
        %dma_start3A_1733 = arith.constant 0 : i32
        %dma_start3A_1734 = tpu.memref_slice %arg2[%add3A_1724, %dma_start3A_1733] : memref<527040x64xf32, #tpu.memory_space<hbm>> -> memref<8x64xf32, #tpu.memory_space<hbm>>
        tpu.enqueue_dma source(%dma_start3A_1734 : memref<8x64xf32, #tpu.memory_space<hbm>>) target(%dma_start3A_1732 : memref<8x64xf32, #tpu.memory_space<vmem>>) target_semaphore(%arg8 : memref<!tpu.dma_semaphore, #tpu.memory_space<semaphore_mem>>)
      } else {
      }
      %add3A_268 = arith.constant 1 : i32
      %add3A_269 = arith.addi %mul3A_113, %add3A_268 : i32
      %jit3A_270 = arith.constant 16 : i32
      %div3A_271 = arith.divsi %add3A_269, %jit3A_270 : i32
      %sign3A_272 = arith.constant 0 : i32
      %sign3A_273 = arith.cmpi sgt, %add3A_269, %sign3A_272 : i32
      %sign3A_274 = arith.extui %sign3A_273 : i1 to i32
      %sign3A_275 = arith.constant 0 : i32
      %sign3A_276 = arith.cmpi slt, %add3A_269, %sign3A_275 : i32
      %sign3A_277 = arith.extui %sign3A_276 : i1 to i32
      %sign3A_278 = arith.subi %sign3A_274, %sign3A_277 : i32
      %sign3A_279 = arith.constant 0 : i32
      %sign3A_280 = arith.cmpi sgt, %jit3A_270, %sign3A_279 : i32
      %sign3A_281 = arith.extui %sign3A_280 : i1 to i32
      %sign3A_282 = arith.constant 0 : i32
      %sign3A_283 = arith.cmpi slt, %jit3A_270, %sign3A_282 : i32
      %sign3A_284 = arith.extui %sign3A_283 : i1 to i32
      %sign3A_285 = arith.subi %sign3A_281, %sign3A_284 : i32
      %ne3A_286 = arith.cmpi ne, %sign3A_278, %sign3A_285 : i32
      %rem3A_287 = arith.remsi %add3A_269, %jit3A_270 : i32
      %ne3A_288 = arith.constant 0 : i32
      %ne3A_289 = arith.cmpi ne, %rem3A_287, %ne3A_288 : i32
      %and3A_290 = arith.andi %ne3A_286, %ne3A_289 : i1
      %sub3A_291 = arith.constant 1 : i32
      %sub3A_292 = arith.subi %div3A_271, %sub3A_291 : i32
      %select_n3A_293 = arith.select %and3A_290, %sub3A_292, %div3A_271 : i32
      %mul3A_294 = arith.constant 16 : i32
      %mul3A_295 = arith.muli %select_n3A_293, %mul3A_294 : i32
      %multiple_of3A_296 = tpu.assume_multiple %mul3A_295, 16 : i32
      %get3A_297 = arith.index_cast %multiple_of3A_296 : i32 to index
      %get3A_298 = tpu.vector_load %arg7[%get3A_297] {strides = array<i32>} : memref<512xi32, #tpu.memory_space<vmem>>, vector<16xi32>,
      %jit3A_299 = arith.constant 16 : i32
      %eq3A_300 = arith.constant 0 : i32
      %eq3A_301 = arith.cmpi eq, %jit3A_299, %eq3A_300 : i32
      %jit3A_302 = arith.constant 1 : i32
      %select_n3A_303 = arith.select %eq3A_301, %jit3A_302, %jit3A_299 : i32
      %rem3A_304 = arith.remsi %add3A_269, %select_n3A_303 : i32
      %ne3A_305 = arith.constant 0 : i32
      %ne3A_306 = arith.cmpi ne, %rem3A_304, %ne3A_305 : i32
      %lt3A_307 = arith.constant 0 : i32
      %lt3A_308 = arith.cmpi slt, %rem3A_304, %lt3A_307 : i32
      %lt3A_309 = arith.constant 0 : i32
      %lt3A_310 = arith.cmpi slt, %select_n3A_303, %lt3A_309 : i32
      %ne3A_311 = arith.xori %lt3A_308, %lt3A_310 : i1
      %and3A_312 = arith.andi %ne3A_311, %ne3A_306 : i1
      %add3A_313 = arith.addi %rem3A_304, %select_n3A_303 : i32
      %select_n3A_314 = arith.select %and3A_312, %add3A_313, %rem3A_304 : i32
      %eq3A_315 = vector.broadcast %select_n3A_314 : i32 to vector<16xi32>
      %eq3A_316 = arith.cmpi eq, %iota3A, %eq3A_315 : vector<16xi32>
      %jit3A_317 = arith.constant 0 : i32
      %broadcast_in_dim3A_318 = vector.broadcast %jit3A_317 : i32 to vector<16xi32>
      %select_n3A_319 = arith.select %eq3A_316, %get3A_298, %broadcast_in_dim3A_318 : vector<16xi1>, vector<16xi32>
      %reduce_sum3A_320 = arith.constant true
      %reduce_sum3A_321 = vector.broadcast %reduce_sum3A_320 : i1 to vector<16xi1>
      %reduce_sum3A_322 = tpu.scan <sum>, %select_n3A_319 masked %reduce_sum3A_321 : vector<16xi32>, vector<16xi1> -> vector<16xi32>
      %reduce_sum3A_323 = vector.extract %reduce_sum3A_322[15] : i32 from vector<16xi32>
      %jit3A_324 = arith.constant 16 : i32
      %div3A_325 = arith.divsi %add3A_269, %jit3A_324 : i32
      %sign3A_326 = arith.constant 0 : i32
      %sign3A_327 = arith.cmpi sgt, %add3A_269, %sign3A_326 : i32
      %sign3A_328 = arith.extui %sign3A_327 : i1 to i32
      %sign3A_329 = arith.constant 0 : i32
      %sign3A_330 = arith.cmpi slt, %add3A_269, %sign3A_329 : i32
      %sign3A_331 = arith.extui %sign3A_330 : i1 to i32
      %sign3A_332 = arith.subi %sign3A_328, %sign3A_331 : i32
      %sign3A_333 = arith.constant 0 : i32
      %sign3A_334 = arith.cmpi sgt, %jit3A_324, %sign3A_333 : i32
      %sign3A_335 = arith.extui %sign3A_334 : i1 to i32
      %sign3A_336 = arith.constant 0 : i32
      %sign3A_337 = arith.cmpi slt, %jit3A_324, %sign3A_336 : i32
      %sign3A_338 = arith.extui %sign3A_337 : i1 to i32
      %sign3A_339 = arith.subi %sign3A_335, %sign3A_338 : i32
      %ne3A_340 = arith.cmpi ne, %sign3A_332, %sign3A_339 : i32
      %rem3A_341 = arith.remsi %add3A_269, %jit3A_324 : i32
      %ne3A_342 = arith.constant 0 : i32
      %ne3A_343 = arith.cmpi ne, %rem3A_341, %ne3A_342 : i32
      %and3A_344 = arith.andi %ne3A_340, %ne3A_343 : i1
      %sub3A_345 = arith.constant 1 : i32
      %sub3A_346 = arith.subi %div3A_325, %sub3A_345 : i32
      %select_n3A_347 = arith.select %and3A_344, %sub3A_346, %div3A_325 : i32
      %mul3A_348 = arith.constant 16 : i32
      %mul3A_349 = arith.muli %select_n3A_347, %mul3A_348 : i32
      %multiple_of3A_350 = tpu.assume_multiple %mul3A_349, 16 : i32
      %get3A_351 = arith.index_cast %multiple_of3A_350 : i32 to index
      %get3A_352 = tpu.vector_load %arg33[%get3A_351] {strides = array<i32>} : memref<512xi32, #tpu.memory_space<vmem>>, vector<16xi32>,
      %jit3A_353 = arith.constant 16 : i32
      %eq3A_354 = arith.constant 0 : i32
      %eq3A_355 = arith.cmpi eq, %jit3A_353, %eq3A_354 : i32
      %jit3A_356 = arith.constant 1 : i32
      %select_n3A_357 = arith.select %eq3A_355, %jit3A_356, %jit3A_353 : i32
      %rem3A_358 = arith.remsi %add3A_269, %select_n3A_357 : i32
      %ne3A_359 = arith.constant 0 : i32
      %ne3A_360 = arith.cmpi ne, %rem3A_358, %ne3A_359 : i32
      %lt3A_361 = arith.constant 0 : i32
      %lt3A_362 = arith.cmpi slt, %rem3A_358, %lt3A_361 : i32
      %lt3A_363 = arith.constant 0 : i32
      %lt3A_364 = arith.cmpi slt, %select_n3A_357, %lt3A_363 : i32
      %ne3A_365 = arith.xori %lt3A_362, %lt3A_364 : i1
      %and3A_366 = arith.andi %ne3A_365, %ne3A_360 : i1
      %add3A_367 = arith.addi %rem3A_358, %select_n3A_357 : i32
      %select_n3A_368 = arith.select %and3A_366, %add3A_367, %rem3A_358 : i32
      %eq3A_369 = vector.broadcast %select_n3A_368 : i32 to vector<16xi32>
      %eq3A_370 = arith.cmpi eq, %iota3A, %eq3A_369 : vector<16xi32>
      %jit3A_371 = arith.constant 0 : i32
      %broadcast_in_dim3A_372 = vector.broadcast %jit3A_371 : i32 to vector<16xi32>
      %select_n3A_373 = arith.select %eq3A_370, %get3A_352, %broadcast_in_dim3A_372 : vector<16xi1>, vector<16xi32>
      %reduce_sum3A_374 = arith.constant true
      %reduce_sum3A_375 = vector.broadcast %reduce_sum3A_374 : i1 to vector<16xi1>
      %reduce_sum3A_376 = tpu.scan <sum>, %select_n3A_373 masked %reduce_sum3A_375 : vector<16xi32>, vector<16xi1> -> vector<16xi32>
      %reduce_sum3A_377 = vector.extract %reduce_sum3A_376[15] : i32 from vector<16xi32>
      %sub3A_378 = arith.constant 64 : i32
      %sub3A_379 = arith.subi %reduce_sum3A_8, %sub3A_378 : i32
      %add3A_380 = arith.addi %reduce_sum3A_377, %sub3A_379 : i32
      %rem3A_381 = arith.constant 1440 : i32
      %rem3A_382 = arith.remsi %add3A_380, %rem3A_381 : i32
      %lt3A_383 = arith.constant 0 : i32
      %lt3A_384 = arith.cmpi slt, %rem3A_382, %lt3A_383 : i32
      %add3A_385 = arith.constant 1440 : i32
      %add3A_386 = arith.addi %rem3A_382, %add3A_385 : i32
      %select_n3A_387 = arith.select %lt3A_384, %add3A_386, %rem3A_382 : i32
      %jit3A_388 = arith.constant 8 : i32
      %div3A_389 = arith.divsi %select_n3A_387, %jit3A_388 : i32
      %sign3A_390 = arith.constant 0 : i32
      %sign3A_391 = arith.cmpi sgt, %select_n3A_387, %sign3A_390 : i32
      %sign3A_392 = arith.extui %sign3A_391 : i1 to i32
      %sign3A_393 = arith.constant 0 : i32
      %sign3A_394 = arith.cmpi slt, %select_n3A_387, %sign3A_393 : i32
      %sign3A_395 = arith.extui %sign3A_394 : i1 to i32
      %sign3A_396 = arith.subi %sign3A_392, %sign3A_395 : i32
      %sign3A_397 = arith.constant 0 : i32
      %sign3A_398 = arith.cmpi sgt, %jit3A_388, %sign3A_397 : i32
      %sign3A_399 = arith.extui %sign3A_398 : i1 to i32
      %sign3A_400 = arith.constant 0 : i32
      %sign3A_401 = arith.cmpi slt, %jit3A_388, %sign3A_400 : i32
      %sign3A_402 = arith.extui %sign3A_401 : i1 to i32
      %sign3A_403 = arith.subi %sign3A_399, %sign3A_402 : i32
      %ne3A_404 = arith.cmpi ne, %sign3A_396, %sign3A_403 : i32
      %rem3A_405 = arith.remsi %select_n3A_387, %jit3A_388 : i32
      %ne3A_406 = arith.constant 0 : i32
      %ne3A_407 = arith.cmpi ne, %rem3A_405, %ne3A_406 : i32
      %and3A_408 = arith.andi %ne3A_404, %ne3A_407 : i1
      %sub3A_409 = arith.constant 1 : i32
      %sub3A_410 = arith.subi %div3A_389, %sub3A_409 : i32
      %select_n3A_411 = arith.select %and3A_408, %sub3A_410, %div3A_389 : i32
      %mul3A_412 = arith.constant 8 : i32
      %mul3A_413 = arith.muli %select_n3A_411, %mul3A_412 : i32
      %sub3A_414 = arith.subi %select_n3A_387, %mul3A_413 : i32
      %mul3A_415 = arith.constant 1440 : i32
      %mul3A_416 = arith.muli %reduce_sum3A_323, %mul3A_415 : i32
      %gt3A_417 = arith.constant 0 : i32
      %gt3A_418 = arith.cmpi sgt, %scan3A_110, %gt3A_417 : i32
      %convert_element_type3A_419 = arith.extui %gt3A_418 : i1 to i32
      %cond3A_420 = arith.constant 0 : i32
      %cond3A_421 = arith.cmpi ne, %convert_element_type3A_419, %cond3A_420 : i32
      scf.if %cond3A_421 {
        %dma_wait3A_1574 = arith.constant 0 : i32
        %dma_wait3A_1575 = arith.constant 0 : i32
        %dma_wait3A_1576 = tpu.memref_slice %arg26[%dma_wait3A_1574, %dma_wait3A_1575] : memref<72x64xf32, #tpu.memory_space<vmem>> -> memref<64x64xf32, #tpu.memory_space<vmem>>
        %dma_wait3A_1577 = arith.constant 0 : i32
        %dma_wait3A_1578 = arith.constant 0 : i32
        %dma_wait3A_1579 = tpu.memref_slice %arg6[%dma_wait3A_1577, %dma_wait3A_1578] : memref<1048576x64xf32, #tpu.memory_space<hbm>> -> memref<64x64xf32, #tpu.memory_space<hbm>>
        %dma_wait3A_1580 = arith.constant 0 : i32
        %dma_wait3A_1581 = arith.constant 0 : i32
        %dma_wait3A_1582 = tpu.memref_slice %arg6[%dma_wait3A_1580, %dma_wait3A_1581] : memref<1048576x64xf32, #tpu.memory_space<hbm>> -> memref<64x64xf32, #tpu.memory_space<hbm>>
        %dma_wait3A_1583 = arith.constant 0 : i32
        %dma_wait3A_1584 = arith.constant 0 : i32
        %dma_wait3A_1585 = tpu.memref_slice %arg26[%dma_wait3A_1583, %dma_wait3A_1584] : memref<72x64xf32, #tpu.memory_space<vmem>> -> memref<64x64xf32, #tpu.memory_space<vmem>>
        tpu.wait_dma2 semaphore(%arg17 : memref<!tpu.dma_semaphore, #tpu.memory_space<semaphore_mem>>) src(%dma_wait3A_1585 : memref<64x64xf32, #tpu.memory_space<vmem>>) dst(%dma_wait3A_1582 : memref<64x64xf32, #tpu.memory_space<hbm>>)
      } else {
      }
      %add3A_422 = arith.constant 72 : i32
      %add3A_423 = arith.addi %mul3A_413, %add3A_422 : i32
      %le3A_424 = arith.constant 1440 : i32
      %le3A_425 = arith.cmpi sle, %add3A_423, %le3A_424 : i32
      %convert_element_type3A_426 = arith.extui %le3A_425 : i1 to i32
      %cond3A_427 = arith.constant 0 : i32
      %cond3A_428 = arith.cmpi ne, %convert_element_type3A_426, %cond3A_427 : i32
      scf.if %cond3A_428 {
        %add3A_1574 = arith.addi %mul3A_416, %mul3A_413 : i32
        %dma_start3A_1575 = arith.constant 0 : i32
        %dma_start3A_1576 = tpu.memref_slice %arg2[%add3A_1574, %dma_start3A_1575] : memref<527040x64xf32, #tpu.memory_space<hbm>> -> memref<72x64xf32, #tpu.memory_space<hbm>>
        %dma_start3A_1577 = arith.constant 0 : i32
        %dma_start3A_1578 = tpu.memref_slice %arg2[%add3A_1574, %dma_start3A_1577] : memref<527040x64xf32, #tpu.memory_space<hbm>> -> memref<72x64xf32, #tpu.memory_space<hbm>>
        tpu.enqueue_dma source(%dma_start3A_1578 : memref<72x64xf32, #tpu.memory_space<hbm>>) target(%arg26 : memref<72x64xf32, #tpu.memory_space<vmem>>) target_semaphore(%arg9 : memref<!tpu.dma_semaphore, #tpu.memory_space<semaphore_mem>>)
      } else {
      }
      %not3A_429 = arith.constant true
      %not3A_430 = arith.xori %le3A_425, %not3A_429 : i1
      %convert_element_type3A_431 = arith.extui %not3A_430 : i1 to i32
      %cond3A_432 = arith.constant 0 : i32
      %cond3A_433 = arith.cmpi ne, %convert_element_type3A_431, %cond3A_432 : i32
      scf.if %cond3A_433 {
        %add3A_1574 = arith.constant 0 : i32
        %add3A_1575 = arith.addi %mul3A_413, %add3A_1574 : i32
        %ge3A = arith.constant 1440 : i32
        %ge3A_1576 = arith.cmpi sge, %add3A_1575, %ge3A : i32
        %sub3A_1577 = arith.constant 1440 : i32
        %sub3A_1578 = arith.subi %add3A_1575, %sub3A_1577 : i32
        %select_n3A_1579 = arith.select %ge3A_1576, %sub3A_1578, %add3A_1575 : i32
        %add3A_1580 = arith.addi %mul3A_416, %select_n3A_1579 : i32
        %dma_start3A_1581 = arith.constant 0 : i32
        %dma_start3A_1582 = arith.constant 0 : i32
        %dma_start3A_1583 = tpu.memref_slice %arg26[%dma_start3A_1581, %dma_start3A_1582] : memref<72x64xf32, #tpu.memory_space<vmem>> -> memref<8x64xf32, #tpu.memory_space<vmem>>
        %dma_start3A_1584 = arith.constant 0 : i32
        %dma_start3A_1585 = tpu.memref_slice %arg2[%add3A_1580, %dma_start3A_1584] : memref<527040x64xf32, #tpu.memory_space<hbm>> -> memref<8x64xf32, #tpu.memory_space<hbm>>
        %dma_start3A_1586 = arith.constant 0 : i32
        %dma_start3A_1587 = arith.constant 0 : i32
        %dma_start3A_1588 = tpu.memref_slice %arg26[%dma_start3A_1586, %dma_start3A_1587] : memref<72x64xf32, #tpu.memory_space<vmem>> -> memref<8x64xf32, #tpu.memory_space<vmem>>
        %dma_start3A_1589 = arith.constant 0 : i32
        %dma_start3A_1590 = tpu.memref_slice %arg2[%add3A_1580, %dma_start3A_1589] : memref<527040x64xf32, #tpu.memory_space<hbm>> -> memref<8x64xf32, #tpu.memory_space<hbm>>
        tpu.enqueue_dma source(%dma_start3A_1590 : memref<8x64xf32, #tpu.memory_space<hbm>>) target(%dma_start3A_1588 : memref<8x64xf32, #tpu.memory_space<vmem>>) target_semaphore(%arg9 : memref<!tpu.dma_semaphore, #tpu.memory_space<semaphore_mem>>)
        %add3A_1591 = arith.constant 8 : i32
        %add3A_1592 = arith.addi %mul3A_413, %add3A_1591 : i32
        %ge3A_1593 = arith.constant 1440 : i32
        %ge3A_1594 = arith.cmpi sge, %add3A_1592, %ge3A_1593 : i32
        %sub3A_1595 = arith.constant 1440 : i32
        %sub3A_1596 = arith.subi %add3A_1592, %sub3A_1595 : i32
        %select_n3A_1597 = arith.select %ge3A_1594, %sub3A_1596, %add3A_1592 : i32
        %add3A_1598 = arith.addi %mul3A_416, %select_n3A_1597 : i32
        %dma_start3A_1599 = arith.constant 8 : i32
        %dma_start3A_1600 = arith.constant 0 : i32
        %dma_start3A_1601 = tpu.memref_slice %arg26[%dma_start3A_1599, %dma_start3A_1600] : memref<72x64xf32, #tpu.memory_space<vmem>> -> memref<8x64xf32, #tpu.memory_space<vmem>>
        %dma_start3A_1602 = arith.constant 0 : i32
        %dma_start3A_1603 = tpu.memref_slice %arg2[%add3A_1598, %dma_start3A_1602] : memref<527040x64xf32, #tpu.memory_space<hbm>> -> memref<8x64xf32, #tpu.memory_space<hbm>>
        %dma_start3A_1604 = arith.constant 8 : i32
        %dma_start3A_1605 = arith.constant 0 : i32
        %dma_start3A_1606 = tpu.memref_slice %arg26[%dma_start3A_1604, %dma_start3A_1605] : memref<72x64xf32, #tpu.memory_space<vmem>> -> memref<8x64xf32, #tpu.memory_space<vmem>>
        %dma_start3A_1607 = arith.constant 0 : i32
        %dma_start3A_1608 = tpu.memref_slice %arg2[%add3A_1598, %dma_start3A_1607] : memref<527040x64xf32, #tpu.memory_space<hbm>> -> memref<8x64xf32, #tpu.memory_space<hbm>>
        tpu.enqueue_dma source(%dma_start3A_1608 : memref<8x64xf32, #tpu.memory_space<hbm>>) target(%dma_start3A_1606 : memref<8x64xf32, #tpu.memory_space<vmem>>) target_semaphore(%arg9 : memref<!tpu.dma_semaphore, #tpu.memory_space<semaphore_mem>>)
        %add3A_1609 = arith.constant 16 : i32
        %add3A_1610 = arith.addi %mul3A_413, %add3A_1609 : i32
        %ge3A_1611 = arith.constant 1440 : i32
        %ge3A_1612 = arith.cmpi sge, %add3A_1610, %ge3A_1611 : i32
        %sub3A_1613 = arith.constant 1440 : i32
        %sub3A_1614 = arith.subi %add3A_1610, %sub3A_1613 : i32
        %select_n3A_1615 = arith.select %ge3A_1612, %sub3A_1614, %add3A_1610 : i32
        %add3A_1616 = arith.addi %mul3A_416, %select_n3A_1615 : i32
        %dma_start3A_1617 = arith.constant 16 : i32
        %dma_start3A_1618 = arith.constant 0 : i32
        %dma_start3A_1619 = tpu.memref_slice %arg26[%dma_start3A_1617, %dma_start3A_1618] : memref<72x64xf32, #tpu.memory_space<vmem>> -> memref<8x64xf32, #tpu.memory_space<vmem>>
        %dma_start3A_1620 = arith.constant 0 : i32
        %dma_start3A_1621 = tpu.memref_slice %arg2[%add3A_1616, %dma_start3A_1620] : memref<527040x64xf32, #tpu.memory_space<hbm>> -> memref<8x64xf32, #tpu.memory_space<hbm>>
        %dma_start3A_1622 = arith.constant 16 : i32
        %dma_start3A_1623 = arith.constant 0 : i32
        %dma_start3A_1624 = tpu.memref_slice %arg26[%dma_start3A_1622, %dma_start3A_1623] : memref<72x64xf32, #tpu.memory_space<vmem>> -> memref<8x64xf32, #tpu.memory_space<vmem>>
        %dma_start3A_1625 = arith.constant 0 : i32
        %dma_start3A_1626 = tpu.memref_slice %arg2[%add3A_1616, %dma_start3A_1625] : memref<527040x64xf32, #tpu.memory_space<hbm>> -> memref<8x64xf32, #tpu.memory_space<hbm>>
        tpu.enqueue_dma source(%dma_start3A_1626 : memref<8x64xf32, #tpu.memory_space<hbm>>) target(%dma_start3A_1624 : memref<8x64xf32, #tpu.memory_space<vmem>>) target_semaphore(%arg9 : memref<!tpu.dma_semaphore, #tpu.memory_space<semaphore_mem>>)
        %add3A_1627 = arith.constant 24 : i32
        %add3A_1628 = arith.addi %mul3A_413, %add3A_1627 : i32
        %ge3A_1629 = arith.constant 1440 : i32
        %ge3A_1630 = arith.cmpi sge, %add3A_1628, %ge3A_1629 : i32
        %sub3A_1631 = arith.constant 1440 : i32
        %sub3A_1632 = arith.subi %add3A_1628, %sub3A_1631 : i32
        %select_n3A_1633 = arith.select %ge3A_1630, %sub3A_1632, %add3A_1628 : i32
        %add3A_1634 = arith.addi %mul3A_416, %select_n3A_1633 : i32
        %dma_start3A_1635 = arith.constant 24 : i32
        %dma_start3A_1636 = arith.constant 0 : i32
        %dma_start3A_1637 = tpu.memref_slice %arg26[%dma_start3A_1635, %dma_start3A_1636] : memref<72x64xf32, #tpu.memory_space<vmem>> -> memref<8x64xf32, #tpu.memory_space<vmem>>
        %dma_start3A_1638 = arith.constant 0 : i32
        %dma_start3A_1639 = tpu.memref_slice %arg2[%add3A_1634, %dma_start3A_1638] : memref<527040x64xf32, #tpu.memory_space<hbm>> -> memref<8x64xf32, #tpu.memory_space<hbm>>
        %dma_start3A_1640 = arith.constant 24 : i32
        %dma_start3A_1641 = arith.constant 0 : i32
        %dma_start3A_1642 = tpu.memref_slice %arg26[%dma_start3A_1640, %dma_start3A_1641] : memref<72x64xf32, #tpu.memory_space<vmem>> -> memref<8x64xf32, #tpu.memory_space<vmem>>
        %dma_start3A_1643 = arith.constant 0 : i32
        %dma_start3A_1644 = tpu.memref_slice %arg2[%add3A_1634, %dma_start3A_1643] : memref<527040x64xf32, #tpu.memory_space<hbm>> -> memref<8x64xf32, #tpu.memory_space<hbm>>
        tpu.enqueue_dma source(%dma_start3A_1644 : memref<8x64xf32, #tpu.memory_space<hbm>>) target(%dma_start3A_1642 : memref<8x64xf32, #tpu.memory_space<vmem>>) target_semaphore(%arg9 : memref<!tpu.dma_semaphore, #tpu.memory_space<semaphore_mem>>)
        %add3A_1645 = arith.constant 32 : i32
        %add3A_1646 = arith.addi %mul3A_413, %add3A_1645 : i32
        %ge3A_1647 = arith.constant 1440 : i32
        %ge3A_1648 = arith.cmpi sge, %add3A_1646, %ge3A_1647 : i32
        %sub3A_1649 = arith.constant 1440 : i32
        %sub3A_1650 = arith.subi %add3A_1646, %sub3A_1649 : i32
        %select_n3A_1651 = arith.select %ge3A_1648, %sub3A_1650, %add3A_1646 : i32
        %add3A_1652 = arith.addi %mul3A_416, %select_n3A_1651 : i32
        %dma_start3A_1653 = arith.constant 32 : i32
        %dma_start3A_1654 = arith.constant 0 : i32
        %dma_start3A_1655 = tpu.memref_slice %arg26[%dma_start3A_1653, %dma_start3A_1654] : memref<72x64xf32, #tpu.memory_space<vmem>> -> memref<8x64xf32, #tpu.memory_space<vmem>>
        %dma_start3A_1656 = arith.constant 0 : i32
        %dma_start3A_1657 = tpu.memref_slice %arg2[%add3A_1652, %dma_start3A_1656] : memref<527040x64xf32, #tpu.memory_space<hbm>> -> memref<8x64xf32, #tpu.memory_space<hbm>>
        %dma_start3A_1658 = arith.constant 32 : i32
        %dma_start3A_1659 = arith.constant 0 : i32
        %dma_start3A_1660 = tpu.memref_slice %arg26[%dma_start3A_1658, %dma_start3A_1659] : memref<72x64xf32, #tpu.memory_space<vmem>> -> memref<8x64xf32, #tpu.memory_space<vmem>>
        %dma_start3A_1661 = arith.constant 0 : i32
        %dma_start3A_1662 = tpu.memref_slice %arg2[%add3A_1652, %dma_start3A_1661] : memref<527040x64xf32, #tpu.memory_space<hbm>> -> memref<8x64xf32, #tpu.memory_space<hbm>>
        tpu.enqueue_dma source(%dma_start3A_1662 : memref<8x64xf32, #tpu.memory_space<hbm>>) target(%dma_start3A_1660 : memref<8x64xf32, #tpu.memory_space<vmem>>) target_semaphore(%arg9 : memref<!tpu.dma_semaphore, #tpu.memory_space<semaphore_mem>>)
        %add3A_1663 = arith.constant 40 : i32
        %add3A_1664 = arith.addi %mul3A_413, %add3A_1663 : i32
        %ge3A_1665 = arith.constant 1440 : i32
        %ge3A_1666 = arith.cmpi sge, %add3A_1664, %ge3A_1665 : i32
        %sub3A_1667 = arith.constant 1440 : i32
        %sub3A_1668 = arith.subi %add3A_1664, %sub3A_1667 : i32
        %select_n3A_1669 = arith.select %ge3A_1666, %sub3A_1668, %add3A_1664 : i32
        %add3A_1670 = arith.addi %mul3A_416, %select_n3A_1669 : i32
        %dma_start3A_1671 = arith.constant 40 : i32
        %dma_start3A_1672 = arith.constant 0 : i32
        %dma_start3A_1673 = tpu.memref_slice %arg26[%dma_start3A_1671, %dma_start3A_1672] : memref<72x64xf32, #tpu.memory_space<vmem>> -> memref<8x64xf32, #tpu.memory_space<vmem>>
        %dma_start3A_1674 = arith.constant 0 : i32
        %dma_start3A_1675 = tpu.memref_slice %arg2[%add3A_1670, %dma_start3A_1674] : memref<527040x64xf32, #tpu.memory_space<hbm>> -> memref<8x64xf32, #tpu.memory_space<hbm>>
        %dma_start3A_1676 = arith.constant 40 : i32
        %dma_start3A_1677 = arith.constant 0 : i32
        %dma_start3A_1678 = tpu.memref_slice %arg26[%dma_start3A_1676, %dma_start3A_1677] : memref<72x64xf32, #tpu.memory_space<vmem>> -> memref<8x64xf32, #tpu.memory_space<vmem>>
        %dma_start3A_1679 = arith.constant 0 : i32
        %dma_start3A_1680 = tpu.memref_slice %arg2[%add3A_1670, %dma_start3A_1679] : memref<527040x64xf32, #tpu.memory_space<hbm>> -> memref<8x64xf32, #tpu.memory_space<hbm>>
        tpu.enqueue_dma source(%dma_start3A_1680 : memref<8x64xf32, #tpu.memory_space<hbm>>) target(%dma_start3A_1678 : memref<8x64xf32, #tpu.memory_space<vmem>>) target_semaphore(%arg9 : memref<!tpu.dma_semaphore, #tpu.memory_space<semaphore_mem>>)
        %add3A_1681 = arith.constant 48 : i32
        %add3A_1682 = arith.addi %mul3A_413, %add3A_1681 : i32
        %ge3A_1683 = arith.constant 1440 : i32
        %ge3A_1684 = arith.cmpi sge, %add3A_1682, %ge3A_1683 : i32
        %sub3A_1685 = arith.constant 1440 : i32
        %sub3A_1686 = arith.subi %add3A_1682, %sub3A_1685 : i32
        %select_n3A_1687 = arith.select %ge3A_1684, %sub3A_1686, %add3A_1682 : i32
        %add3A_1688 = arith.addi %mul3A_416, %select_n3A_1687 : i32
        %dma_start3A_1689 = arith.constant 48 : i32
        %dma_start3A_1690 = arith.constant 0 : i32
        %dma_start3A_1691 = tpu.memref_slice %arg26[%dma_start3A_1689, %dma_start3A_1690] : memref<72x64xf32, #tpu.memory_space<vmem>> -> memref<8x64xf32, #tpu.memory_space<vmem>>
        %dma_start3A_1692 = arith.constant 0 : i32
        %dma_start3A_1693 = tpu.memref_slice %arg2[%add3A_1688, %dma_start3A_1692] : memref<527040x64xf32, #tpu.memory_space<hbm>> -> memref<8x64xf32, #tpu.memory_space<hbm>>
        %dma_start3A_1694 = arith.constant 48 : i32
        %dma_start3A_1695 = arith.constant 0 : i32
        %dma_start3A_1696 = tpu.memref_slice %arg26[%dma_start3A_1694, %dma_start3A_1695] : memref<72x64xf32, #tpu.memory_space<vmem>> -> memref<8x64xf32, #tpu.memory_space<vmem>>
        %dma_start3A_1697 = arith.constant 0 : i32
        %dma_start3A_1698 = tpu.memref_slice %arg2[%add3A_1688, %dma_start3A_1697] : memref<527040x64xf32, #tpu.memory_space<hbm>> -> memref<8x64xf32, #tpu.memory_space<hbm>>
        tpu.enqueue_dma source(%dma_start3A_1698 : memref<8x64xf32, #tpu.memory_space<hbm>>) target(%dma_start3A_1696 : memref<8x64xf32, #tpu.memory_space<vmem>>) target_semaphore(%arg9 : memref<!tpu.dma_semaphore, #tpu.memory_space<semaphore_mem>>)
        %add3A_1699 = arith.constant 56 : i32
        %add3A_1700 = arith.addi %mul3A_413, %add3A_1699 : i32
        %ge3A_1701 = arith.constant 1440 : i32
        %ge3A_1702 = arith.cmpi sge, %add3A_1700, %ge3A_1701 : i32
        %sub3A_1703 = arith.constant 1440 : i32
        %sub3A_1704 = arith.subi %add3A_1700, %sub3A_1703 : i32
        %select_n3A_1705 = arith.select %ge3A_1702, %sub3A_1704, %add3A_1700 : i32
        %add3A_1706 = arith.addi %mul3A_416, %select_n3A_1705 : i32
        %dma_start3A_1707 = arith.constant 56 : i32
        %dma_start3A_1708 = arith.constant 0 : i32
        %dma_start3A_1709 = tpu.memref_slice %arg26[%dma_start3A_1707, %dma_start3A_1708] : memref<72x64xf32, #tpu.memory_space<vmem>> -> memref<8x64xf32, #tpu.memory_space<vmem>>
        %dma_start3A_1710 = arith.constant 0 : i32
        %dma_start3A_1711 = tpu.memref_slice %arg2[%add3A_1706, %dma_start3A_1710] : memref<527040x64xf32, #tpu.memory_space<hbm>> -> memref<8x64xf32, #tpu.memory_space<hbm>>
        %dma_start3A_1712 = arith.constant 56 : i32
        %dma_start3A_1713 = arith.constant 0 : i32
        %dma_start3A_1714 = tpu.memref_slice %arg26[%dma_start3A_1712, %dma_start3A_1713] : memref<72x64xf32, #tpu.memory_space<vmem>> -> memref<8x64xf32, #tpu.memory_space<vmem>>
        %dma_start3A_1715 = arith.constant 0 : i32
        %dma_start3A_1716 = tpu.memref_slice %arg2[%add3A_1706, %dma_start3A_1715] : memref<527040x64xf32, #tpu.memory_space<hbm>> -> memref<8x64xf32, #tpu.memory_space<hbm>>
        tpu.enqueue_dma source(%dma_start3A_1716 : memref<8x64xf32, #tpu.memory_space<hbm>>) target(%dma_start3A_1714 : memref<8x64xf32, #tpu.memory_space<vmem>>) target_semaphore(%arg9 : memref<!tpu.dma_semaphore, #tpu.memory_space<semaphore_mem>>)
        %add3A_1717 = arith.constant 64 : i32
        %add3A_1718 = arith.addi %mul3A_413, %add3A_1717 : i32
        %ge3A_1719 = arith.constant 1440 : i32
        %ge3A_1720 = arith.cmpi sge, %add3A_1718, %ge3A_1719 : i32
        %sub3A_1721 = arith.constant 1440 : i32
        %sub3A_1722 = arith.subi %add3A_1718, %sub3A_1721 : i32
        %select_n3A_1723 = arith.select %ge3A_1720, %sub3A_1722, %add3A_1718 : i32
        %add3A_1724 = arith.addi %mul3A_416, %select_n3A_1723 : i32
        %dma_start3A_1725 = arith.constant 64 : i32
        %dma_start3A_1726 = arith.constant 0 : i32
        %dma_start3A_1727 = tpu.memref_slice %arg26[%dma_start3A_1725, %dma_start3A_1726] : memref<72x64xf32, #tpu.memory_space<vmem>> -> memref<8x64xf32, #tpu.memory_space<vmem>>
        %dma_start3A_1728 = arith.constant 0 : i32
        %dma_start3A_1729 = tpu.memref_slice %arg2[%add3A_1724, %dma_start3A_1728] : memref<527040x64xf32, #tpu.memory_space<hbm>> -> memref<8x64xf32, #tpu.memory_space<hbm>>
        %dma_start3A_1730 = arith.constant 64 : i32
        %dma_start3A_1731 = arith.constant 0 : i32
        %dma_start3A_1732 = tpu.memref_slice %arg26[%dma_start3A_1730, %dma_start3A_1731] : memref<72x64xf32, #tpu.memory_space<vmem>> -> memref<8x64xf32, #tpu.memory_space<vmem>>
        %dma_start3A_1733 = arith.constant 0 : i32
        %dma_start3A_1734 = tpu.memref_slice %arg2[%add3A_1724, %dma_start3A_1733] : memref<527040x64xf32, #tpu.memory_space<hbm>> -> memref<8x64xf32, #tpu.memory_space<hbm>>
        tpu.enqueue_dma source(%dma_start3A_1734 : memref<8x64xf32, #tpu.memory_space<hbm>>) target(%dma_start3A_1732 : memref<8x64xf32, #tpu.memory_space<vmem>>) target_semaphore(%arg9 : memref<!tpu.dma_semaphore, #tpu.memory_space<semaphore_mem>>)
      } else {
      }
      %add3A_434 = arith.constant 2 : i32
      %add3A_435 = arith.addi %mul3A_113, %add3A_434 : i32
      %jit3A_436 = arith.constant 16 : i32
      %div3A_437 = arith.divsi %add3A_435, %jit3A_436 : i32
      %sign3A_438 = arith.constant 0 : i32
      %sign3A_439 = arith.cmpi sgt, %add3A_435, %sign3A_438 : i32
      %sign3A_440 = arith.extui %sign3A_439 : i1 to i32
      %sign3A_441 = arith.constant 0 : i32
      %sign3A_442 = arith.cmpi slt, %add3A_435, %sign3A_441 : i32
      %sign3A_443 = arith.extui %sign3A_442 : i1 to i32
      %sign3A_444 = arith.subi %sign3A_440, %sign3A_443 : i32
      %sign3A_445 = arith.constant 0 : i32
      %sign3A_446 = arith.cmpi sgt, %jit3A_436, %sign3A_445 : i32
      %sign3A_447 = arith.extui %sign3A_446 : i1 to i32
      %sign3A_448 = arith.constant 0 : i32
      %sign3A_449 = arith.cmpi slt, %jit3A_436, %sign3A_448 : i32
      %sign3A_450 = arith.extui %sign3A_449 : i1 to i32
      %sign3A_451 = arith.subi %sign3A_447, %sign3A_450 : i32
      %ne3A_452 = arith.cmpi ne, %sign3A_444, %sign3A_451 : i32
      %rem3A_453 = arith.remsi %add3A_435, %jit3A_436 : i32
      %ne3A_454 = arith.constant 0 : i32
      %ne3A_455 = arith.cmpi ne, %rem3A_453, %ne3A_454 : i32
      %and3A_456 = arith.andi %ne3A_452, %ne3A_455 : i1
      %sub3A_457 = arith.constant 1 : i32
      %sub3A_458 = arith.subi %div3A_437, %sub3A_457 : i32
      %select_n3A_459 = arith.select %and3A_456, %sub3A_458, %div3A_437 : i32
      %mul3A_460 = arith.constant 16 : i32
      %mul3A_461 = arith.muli %select_n3A_459, %mul3A_460 : i32
      %multiple_of3A_462 = tpu.assume_multiple %mul3A_461, 16 : i32
      %get3A_463 = arith.index_cast %multiple_of3A_462 : i32 to index
      %get3A_464 = tpu.vector_load %arg7[%get3A_463] {strides = array<i32>} : memref<512xi32, #tpu.memory_space<vmem>>, vector<16xi32>,
      %jit3A_465 = arith.constant 16 : i32
      %eq3A_466 = arith.constant 0 : i32
      %eq3A_467 = arith.cmpi eq, %jit3A_465, %eq3A_466 : i32
      %jit3A_468 = arith.constant 1 : i32
      %select_n3A_469 = arith.select %eq3A_467, %jit3A_468, %jit3A_465 : i32
      %rem3A_470 = arith.remsi %add3A_435, %select_n3A_469 : i32
      %ne3A_471 = arith.constant 0 : i32
      %ne3A_472 = arith.cmpi ne, %rem3A_470, %ne3A_471 : i32
      %lt3A_473 = arith.constant 0 : i32
      %lt3A_474 = arith.cmpi slt, %rem3A_470, %lt3A_473 : i32
      %lt3A_475 = arith.constant 0 : i32
      %lt3A_476 = arith.cmpi slt, %select_n3A_469, %lt3A_475 : i32
      %ne3A_477 = arith.xori %lt3A_474, %lt3A_476 : i1
      %and3A_478 = arith.andi %ne3A_477, %ne3A_472 : i1
      %add3A_479 = arith.addi %rem3A_470, %select_n3A_469 : i32
      %select_n3A_480 = arith.select %and3A_478, %add3A_479, %rem3A_470 : i32
      %eq3A_481 = vector.broadcast %select_n3A_480 : i32 to vector<16xi32>
      %eq3A_482 = arith.cmpi eq, %iota3A, %eq3A_481 : vector<16xi32>
      %jit3A_483 = arith.constant 0 : i32
      %broadcast_in_dim3A_484 = vector.broadcast %jit3A_483 : i32 to vector<16xi32>
      %select_n3A_485 = arith.select %eq3A_482, %get3A_464, %broadcast_in_dim3A_484 : vector<16xi1>, vector<16xi32>
      %reduce_sum3A_486 = arith.constant true
      %reduce_sum3A_487 = vector.broadcast %reduce_sum3A_486 : i1 to vector<16xi1>
      %reduce_sum3A_488 = tpu.scan <sum>, %select_n3A_485 masked %reduce_sum3A_487 : vector<16xi32>, vector<16xi1> -> vector<16xi32>
      %reduce_sum3A_489 = vector.extract %reduce_sum3A_488[15] : i32 from vector<16xi32>
      %jit3A_490 = arith.constant 16 : i32
      %div3A_491 = arith.divsi %add3A_435, %jit3A_490 : i32
      %sign3A_492 = arith.constant 0 : i32
      %sign3A_493 = arith.cmpi sgt, %add3A_435, %sign3A_492 : i32
      %sign3A_494 = arith.extui %sign3A_493 : i1 to i32
      %sign3A_495 = arith.constant 0 : i32
      %sign3A_496 = arith.cmpi slt, %add3A_435, %sign3A_495 : i32
      %sign3A_497 = arith.extui %sign3A_496 : i1 to i32
      %sign3A_498 = arith.subi %sign3A_494, %sign3A_497 : i32
      %sign3A_499 = arith.constant 0 : i32
      %sign3A_500 = arith.cmpi sgt, %jit3A_490, %sign3A_499 : i32
      %sign3A_501 = arith.extui %sign3A_500 : i1 to i32
      %sign3A_502 = arith.constant 0 : i32
      %sign3A_503 = arith.cmpi slt, %jit3A_490, %sign3A_502 : i32
      %sign3A_504 = arith.extui %sign3A_503 : i1 to i32
      %sign3A_505 = arith.subi %sign3A_501, %sign3A_504 : i32
      %ne3A_506 = arith.cmpi ne, %sign3A_498, %sign3A_505 : i32
      %rem3A_507 = arith.remsi %add3A_435, %jit3A_490 : i32
      %ne3A_508 = arith.constant 0 : i32
      %ne3A_509 = arith.cmpi ne, %rem3A_507, %ne3A_508 : i32
      %and3A_510 = arith.andi %ne3A_506, %ne3A_509 : i1
      %sub3A_511 = arith.constant 1 : i32
      %sub3A_512 = arith.subi %div3A_491, %sub3A_511 : i32
      %select_n3A_513 = arith.select %and3A_510, %sub3A_512, %div3A_491 : i32
      %mul3A_514 = arith.constant 16 : i32
      %mul3A_515 = arith.muli %select_n3A_513, %mul3A_514 : i32
      %multiple_of3A_516 = tpu.assume_multiple %mul3A_515, 16 : i32
      %get3A_517 = arith.index_cast %multiple_of3A_516 : i32 to index
      %get3A_518 = tpu.vector_load %arg33[%get3A_517] {strides = array<i32>} : memref<512xi32, #tpu.memory_space<vmem>>, vector<16xi32>,
      %jit3A_519 = arith.constant 16 : i32
      %eq3A_520 = arith.constant 0 : i32
      %eq3A_521 = arith.cmpi eq, %jit3A_519, %eq3A_520 : i32
      %jit3A_522 = arith.constant 1 : i32
      %select_n3A_523 = arith.select %eq3A_521, %jit3A_522, %jit3A_519 : i32
      %rem3A_524 = arith.remsi %add3A_435, %select_n3A_523 : i32
      %ne3A_525 = arith.constant 0 : i32
      %ne3A_526 = arith.cmpi ne, %rem3A_524, %ne3A_525 : i32
      %lt3A_527 = arith.constant 0 : i32
      %lt3A_528 = arith.cmpi slt, %rem3A_524, %lt3A_527 : i32
      %lt3A_529 = arith.constant 0 : i32
      %lt3A_530 = arith.cmpi slt, %select_n3A_523, %lt3A_529 : i32
      %ne3A_531 = arith.xori %lt3A_528, %lt3A_530 : i1
      %and3A_532 = arith.andi %ne3A_531, %ne3A_526 : i1
      %add3A_533 = arith.addi %rem3A_524, %select_n3A_523 : i32
      %select_n3A_534 = arith.select %and3A_532, %add3A_533, %rem3A_524 : i32
      %eq3A_535 = vector.broadcast %select_n3A_534 : i32 to vector<16xi32>
      %eq3A_536 = arith.cmpi eq, %iota3A, %eq3A_535 : vector<16xi32>
      %jit3A_537 = arith.constant 0 : i32
      %broadcast_in_dim3A_538 = vector.broadcast %jit3A_537 : i32 to vector<16xi32>
      %select_n3A_539 = arith.select %eq3A_536, %get3A_518, %broadcast_in_dim3A_538 : vector<16xi1>, vector<16xi32>
      %reduce_sum3A_540 = arith.constant true
      %reduce_sum3A_541 = vector.broadcast %reduce_sum3A_540 : i1 to vector<16xi1>
      %reduce_sum3A_542 = tpu.scan <sum>, %select_n3A_539 masked %reduce_sum3A_541 : vector<16xi32>, vector<16xi1> -> vector<16xi32>
      %reduce_sum3A_543 = vector.extract %reduce_sum3A_542[15] : i32 from vector<16xi32>
      %sub3A_544 = arith.constant 64 : i32
      %sub3A_545 = arith.subi %reduce_sum3A_8, %sub3A_544 : i32
      %add3A_546 = arith.addi %reduce_sum3A_543, %sub3A_545 : i32
      %rem3A_547 = arith.constant 1440 : i32
      %rem3A_548 = arith.remsi %add3A_546, %rem3A_547 : i32
      %lt3A_549 = arith.constant 0 : i32
      %lt3A_550 = arith.cmpi slt, %rem3A_548, %lt3A_549 : i32
      %add3A_551 = arith.constant 1440 : i32
      %add3A_552 = arith.addi %rem3A_548, %add3A_551 : i32
      %select_n3A_553 = arith.select %lt3A_550, %add3A_552, %rem3A_548 : i32
      %jit3A_554 = arith.constant 8 : i32
      %div3A_555 = arith.divsi %select_n3A_553, %jit3A_554 : i32
      %sign3A_556 = arith.constant 0 : i32
      %sign3A_557 = arith.cmpi sgt, %select_n3A_553, %sign3A_556 : i32
      %sign3A_558 = arith.extui %sign3A_557 : i1 to i32
      %sign3A_559 = arith.constant 0 : i32
      %sign3A_560 = arith.cmpi slt, %select_n3A_553, %sign3A_559 : i32
      %sign3A_561 = arith.extui %sign3A_560 : i1 to i32
      %sign3A_562 = arith.subi %sign3A_558, %sign3A_561 : i32
      %sign3A_563 = arith.constant 0 : i32
      %sign3A_564 = arith.cmpi sgt, %jit3A_554, %sign3A_563 : i32
      %sign3A_565 = arith.extui %sign3A_564 : i1 to i32
      %sign3A_566 = arith.constant 0 : i32
      %sign3A_567 = arith.cmpi slt, %jit3A_554, %sign3A_566 : i32
      %sign3A_568 = arith.extui %sign3A_567 : i1 to i32
      %sign3A_569 = arith.subi %sign3A_565, %sign3A_568 : i32
      %ne3A_570 = arith.cmpi ne, %sign3A_562, %sign3A_569 : i32
      %rem3A_571 = arith.remsi %select_n3A_553, %jit3A_554 : i32
      %ne3A_572 = arith.constant 0 : i32
      %ne3A_573 = arith.cmpi ne, %rem3A_571, %ne3A_572 : i32
      %and3A_574 = arith.andi %ne3A_570, %ne3A_573 : i1
      %sub3A_575 = arith.constant 1 : i32
      %sub3A_576 = arith.subi %div3A_555, %sub3A_575 : i32
      %select_n3A_577 = arith.select %and3A_574, %sub3A_576, %div3A_555 : i32
      %mul3A_578 = arith.constant 8 : i32
      %mul3A_579 = arith.muli %select_n3A_577, %mul3A_578 : i32
      %sub3A_580 = arith.subi %select_n3A_553, %mul3A_579 : i32
      %mul3A_581 = arith.constant 1440 : i32
      %mul3A_582 = arith.muli %reduce_sum3A_489, %mul3A_581 : i32
      %gt3A_583 = arith.constant 0 : i32
      %gt3A_584 = arith.cmpi sgt, %scan3A_110, %gt3A_583 : i32
      %convert_element_type3A_585 = arith.extui %gt3A_584 : i1 to i32
      %cond3A_586 = arith.constant 0 : i32
      %cond3A_587 = arith.cmpi ne, %convert_element_type3A_585, %cond3A_586 : i32
      scf.if %cond3A_587 {
        %dma_wait3A_1574 = arith.constant 0 : i32
        %dma_wait3A_1575 = arith.constant 0 : i32
        %dma_wait3A_1576 = tpu.memref_slice %arg27[%dma_wait3A_1574, %dma_wait3A_1575] : memref<72x64xf32, #tpu.memory_space<vmem>> -> memref<64x64xf32, #tpu.memory_space<vmem>>
        %dma_wait3A_1577 = arith.constant 0 : i32
        %dma_wait3A_1578 = arith.constant 0 : i32
        %dma_wait3A_1579 = tpu.memref_slice %arg6[%dma_wait3A_1577, %dma_wait3A_1578] : memref<1048576x64xf32, #tpu.memory_space<hbm>> -> memref<64x64xf32, #tpu.memory_space<hbm>>
        %dma_wait3A_1580 = arith.constant 0 : i32
        %dma_wait3A_1581 = arith.constant 0 : i32
        %dma_wait3A_1582 = tpu.memref_slice %arg6[%dma_wait3A_1580, %dma_wait3A_1581] : memref<1048576x64xf32, #tpu.memory_space<hbm>> -> memref<64x64xf32, #tpu.memory_space<hbm>>
        %dma_wait3A_1583 = arith.constant 0 : i32
        %dma_wait3A_1584 = arith.constant 0 : i32
        %dma_wait3A_1585 = tpu.memref_slice %arg27[%dma_wait3A_1583, %dma_wait3A_1584] : memref<72x64xf32, #tpu.memory_space<vmem>> -> memref<64x64xf32, #tpu.memory_space<vmem>>
        tpu.wait_dma2 semaphore(%arg18 : memref<!tpu.dma_semaphore, #tpu.memory_space<semaphore_mem>>) src(%dma_wait3A_1585 : memref<64x64xf32, #tpu.memory_space<vmem>>) dst(%dma_wait3A_1582 : memref<64x64xf32, #tpu.memory_space<hbm>>)
      } else {
      }
      %add3A_588 = arith.constant 72 : i32
      %add3A_589 = arith.addi %mul3A_579, %add3A_588 : i32
      %le3A_590 = arith.constant 1440 : i32
      %le3A_591 = arith.cmpi sle, %add3A_589, %le3A_590 : i32
      %convert_element_type3A_592 = arith.extui %le3A_591 : i1 to i32
      %cond3A_593 = arith.constant 0 : i32
      %cond3A_594 = arith.cmpi ne, %convert_element_type3A_592, %cond3A_593 : i32
      scf.if %cond3A_594 {
        %add3A_1574 = arith.addi %mul3A_582, %mul3A_579 : i32
        %dma_start3A_1575 = arith.constant 0 : i32
        %dma_start3A_1576 = tpu.memref_slice %arg2[%add3A_1574, %dma_start3A_1575] : memref<527040x64xf32, #tpu.memory_space<hbm>> -> memref<72x64xf32, #tpu.memory_space<hbm>>
        %dma_start3A_1577 = arith.constant 0 : i32
        %dma_start3A_1578 = tpu.memref_slice %arg2[%add3A_1574, %dma_start3A_1577] : memref<527040x64xf32, #tpu.memory_space<hbm>> -> memref<72x64xf32, #tpu.memory_space<hbm>>
        tpu.enqueue_dma source(%dma_start3A_1578 : memref<72x64xf32, #tpu.memory_space<hbm>>) target(%arg27 : memref<72x64xf32, #tpu.memory_space<vmem>>) target_semaphore(%arg10 : memref<!tpu.dma_semaphore, #tpu.memory_space<semaphore_mem>>)
      } else {
      }
      %not3A_595 = arith.constant true
      %not3A_596 = arith.xori %le3A_591, %not3A_595 : i1
      %convert_element_type3A_597 = arith.extui %not3A_596 : i1 to i32
      %cond3A_598 = arith.constant 0 : i32
      %cond3A_599 = arith.cmpi ne, %convert_element_type3A_597, %cond3A_598 : i32
      scf.if %cond3A_599 {
        %add3A_1574 = arith.constant 0 : i32
        %add3A_1575 = arith.addi %mul3A_579, %add3A_1574 : i32
        %ge3A = arith.constant 1440 : i32
        %ge3A_1576 = arith.cmpi sge, %add3A_1575, %ge3A : i32
        %sub3A_1577 = arith.constant 1440 : i32
        %sub3A_1578 = arith.subi %add3A_1575, %sub3A_1577 : i32
        %select_n3A_1579 = arith.select %ge3A_1576, %sub3A_1578, %add3A_1575 : i32
        %add3A_1580 = arith.addi %mul3A_582, %select_n3A_1579 : i32
        %dma_start3A_1581 = arith.constant 0 : i32
        %dma_start3A_1582 = arith.constant 0 : i32
        %dma_start3A_1583 = tpu.memref_slice %arg27[%dma_start3A_1581, %dma_start3A_1582] : memref<72x64xf32, #tpu.memory_space<vmem>> -> memref<8x64xf32, #tpu.memory_space<vmem>>
        %dma_start3A_1584 = arith.constant 0 : i32
        %dma_start3A_1585 = tpu.memref_slice %arg2[%add3A_1580, %dma_start3A_1584] : memref<527040x64xf32, #tpu.memory_space<hbm>> -> memref<8x64xf32, #tpu.memory_space<hbm>>
        %dma_start3A_1586 = arith.constant 0 : i32
        %dma_start3A_1587 = arith.constant 0 : i32
        %dma_start3A_1588 = tpu.memref_slice %arg27[%dma_start3A_1586, %dma_start3A_1587] : memref<72x64xf32, #tpu.memory_space<vmem>> -> memref<8x64xf32, #tpu.memory_space<vmem>>
        %dma_start3A_1589 = arith.constant 0 : i32
        %dma_start3A_1590 = tpu.memref_slice %arg2[%add3A_1580, %dma_start3A_1589] : memref<527040x64xf32, #tpu.memory_space<hbm>> -> memref<8x64xf32, #tpu.memory_space<hbm>>
        tpu.enqueue_dma source(%dma_start3A_1590 : memref<8x64xf32, #tpu.memory_space<hbm>>) target(%dma_start3A_1588 : memref<8x64xf32, #tpu.memory_space<vmem>>) target_semaphore(%arg10 : memref<!tpu.dma_semaphore, #tpu.memory_space<semaphore_mem>>)
        %add3A_1591 = arith.constant 8 : i32
        %add3A_1592 = arith.addi %mul3A_579, %add3A_1591 : i32
        %ge3A_1593 = arith.constant 1440 : i32
        %ge3A_1594 = arith.cmpi sge, %add3A_1592, %ge3A_1593 : i32
        %sub3A_1595 = arith.constant 1440 : i32
        %sub3A_1596 = arith.subi %add3A_1592, %sub3A_1595 : i32
        %select_n3A_1597 = arith.select %ge3A_1594, %sub3A_1596, %add3A_1592 : i32
        %add3A_1598 = arith.addi %mul3A_582, %select_n3A_1597 : i32
        %dma_start3A_1599 = arith.constant 8 : i32
        %dma_start3A_1600 = arith.constant 0 : i32
        %dma_start3A_1601 = tpu.memref_slice %arg27[%dma_start3A_1599, %dma_start3A_1600] : memref<72x64xf32, #tpu.memory_space<vmem>> -> memref<8x64xf32, #tpu.memory_space<vmem>>
        %dma_start3A_1602 = arith.constant 0 : i32
        %dma_start3A_1603 = tpu.memref_slice %arg2[%add3A_1598, %dma_start3A_1602] : memref<527040x64xf32, #tpu.memory_space<hbm>> -> memref<8x64xf32, #tpu.memory_space<hbm>>
        %dma_start3A_1604 = arith.constant 8 : i32
        %dma_start3A_1605 = arith.constant 0 : i32
        %dma_start3A_1606 = tpu.memref_slice %arg27[%dma_start3A_1604, %dma_start3A_1605] : memref<72x64xf32, #tpu.memory_space<vmem>> -> memref<8x64xf32, #tpu.memory_space<vmem>>
        %dma_start3A_1607 = arith.constant 0 : i32
        %dma_start3A_1608 = tpu.memref_slice %arg2[%add3A_1598, %dma_start3A_1607] : memref<527040x64xf32, #tpu.memory_space<hbm>> -> memref<8x64xf32, #tpu.memory_space<hbm>>
        tpu.enqueue_dma source(%dma_start3A_1608 : memref<8x64xf32, #tpu.memory_space<hbm>>) target(%dma_start3A_1606 : memref<8x64xf32, #tpu.memory_space<vmem>>) target_semaphore(%arg10 : memref<!tpu.dma_semaphore, #tpu.memory_space<semaphore_mem>>)
        %add3A_1609 = arith.constant 16 : i32
        %add3A_1610 = arith.addi %mul3A_579, %add3A_1609 : i32
        %ge3A_1611 = arith.constant 1440 : i32
        %ge3A_1612 = arith.cmpi sge, %add3A_1610, %ge3A_1611 : i32
        %sub3A_1613 = arith.constant 1440 : i32
        %sub3A_1614 = arith.subi %add3A_1610, %sub3A_1613 : i32
        %select_n3A_1615 = arith.select %ge3A_1612, %sub3A_1614, %add3A_1610 : i32
        %add3A_1616 = arith.addi %mul3A_582, %select_n3A_1615 : i32
        %dma_start3A_1617 = arith.constant 16 : i32
        %dma_start3A_1618 = arith.constant 0 : i32
        %dma_start3A_1619 = tpu.memref_slice %arg27[%dma_start3A_1617, %dma_start3A_1618] : memref<72x64xf32, #tpu.memory_space<vmem>> -> memref<8x64xf32, #tpu.memory_space<vmem>>
        %dma_start3A_1620 = arith.constant 0 : i32
        %dma_start3A_1621 = tpu.memref_slice %arg2[%add3A_1616, %dma_start3A_1620] : memref<527040x64xf32, #tpu.memory_space<hbm>> -> memref<8x64xf32, #tpu.memory_space<hbm>>
        %dma_start3A_1622 = arith.constant 16 : i32
        %dma_start3A_1623 = arith.constant 0 : i32
        %dma_start3A_1624 = tpu.memref_slice %arg27[%dma_start3A_1622, %dma_start3A_1623] : memref<72x64xf32, #tpu.memory_space<vmem>> -> memref<8x64xf32, #tpu.memory_space<vmem>>
        %dma_start3A_1625 = arith.constant 0 : i32
        %dma_start3A_1626 = tpu.memref_slice %arg2[%add3A_1616, %dma_start3A_1625] : memref<527040x64xf32, #tpu.memory_space<hbm>> -> memref<8x64xf32, #tpu.memory_space<hbm>>
        tpu.enqueue_dma source(%dma_start3A_1626 : memref<8x64xf32, #tpu.memory_space<hbm>>) target(%dma_start3A_1624 : memref<8x64xf32, #tpu.memory_space<vmem>>) target_semaphore(%arg10 : memref<!tpu.dma_semaphore, #tpu.memory_space<semaphore_mem>>)
        %add3A_1627 = arith.constant 24 : i32
        %add3A_1628 = arith.addi %mul3A_579, %add3A_1627 : i32
        %ge3A_1629 = arith.constant 1440 : i32
        %ge3A_1630 = arith.cmpi sge, %add3A_1628, %ge3A_1629 : i32
        %sub3A_1631 = arith.constant 1440 : i32
        %sub3A_1632 = arith.subi %add3A_1628, %sub3A_1631 : i32
        %select_n3A_1633 = arith.select %ge3A_1630, %sub3A_1632, %add3A_1628 : i32
        %add3A_1634 = arith.addi %mul3A_582, %select_n3A_1633 : i32
        %dma_start3A_1635 = arith.constant 24 : i32
        %dma_start3A_1636 = arith.constant 0 : i32
        %dma_start3A_1637 = tpu.memref_slice %arg27[%dma_start3A_1635, %dma_start3A_1636] : memref<72x64xf32, #tpu.memory_space<vmem>> -> memref<8x64xf32, #tpu.memory_space<vmem>>
        %dma_start3A_1638 = arith.constant 0 : i32
        %dma_start3A_1639 = tpu.memref_slice %arg2[%add3A_1634, %dma_start3A_1638] : memref<527040x64xf32, #tpu.memory_space<hbm>> -> memref<8x64xf32, #tpu.memory_space<hbm>>
        %dma_start3A_1640 = arith.constant 24 : i32
        %dma_start3A_1641 = arith.constant 0 : i32
        %dma_start3A_1642 = tpu.memref_slice %arg27[%dma_start3A_1640, %dma_start3A_1641] : memref<72x64xf32, #tpu.memory_space<vmem>> -> memref<8x64xf32, #tpu.memory_space<vmem>>
        %dma_start3A_1643 = arith.constant 0 : i32
        %dma_start3A_1644 = tpu.memref_slice %arg2[%add3A_1634, %dma_start3A_1643] : memref<527040x64xf32, #tpu.memory_space<hbm>> -> memref<8x64xf32, #tpu.memory_space<hbm>>
        tpu.enqueue_dma source(%dma_start3A_1644 : memref<8x64xf32, #tpu.memory_space<hbm>>) target(%dma_start3A_1642 : memref<8x64xf32, #tpu.memory_space<vmem>>) target_semaphore(%arg10 : memref<!tpu.dma_semaphore, #tpu.memory_space<semaphore_mem>>)
        %add3A_1645 = arith.constant 32 : i32
        %add3A_1646 = arith.addi %mul3A_579, %add3A_1645 : i32
        %ge3A_1647 = arith.constant 1440 : i32
        %ge3A_1648 = arith.cmpi sge, %add3A_1646, %ge3A_1647 : i32
        %sub3A_1649 = arith.constant 1440 : i32
        %sub3A_1650 = arith.subi %add3A_1646, %sub3A_1649 : i32
        %select_n3A_1651 = arith.select %ge3A_1648, %sub3A_1650, %add3A_1646 : i32
        %add3A_1652 = arith.addi %mul3A_582, %select_n3A_1651 : i32
        %dma_start3A_1653 = arith.constant 32 : i32
        %dma_start3A_1654 = arith.constant 0 : i32
        %dma_start3A_1655 = tpu.memref_slice %arg27[%dma_start3A_1653, %dma_start3A_1654] : memref<72x64xf32, #tpu.memory_space<vmem>> -> memref<8x64xf32, #tpu.memory_space<vmem>>
        %dma_start3A_1656 = arith.constant 0 : i32
        %dma_start3A_1657 = tpu.memref_slice %arg2[%add3A_1652, %dma_start3A_1656] : memref<527040x64xf32, #tpu.memory_space<hbm>> -> memref<8x64xf32, #tpu.memory_space<hbm>>
        %dma_start3A_1658 = arith.constant 32 : i32
        %dma_start3A_1659 = arith.constant 0 : i32
        %dma_start3A_1660 = tpu.memref_slice %arg27[%dma_start3A_1658, %dma_start3A_1659] : memref<72x64xf32, #tpu.memory_space<vmem>> -> memref<8x64xf32, #tpu.memory_space<vmem>>
        %dma_start3A_1661 = arith.constant 0 : i32
        %dma_start3A_1662 = tpu.memref_slice %arg2[%add3A_1652, %dma_start3A_1661] : memref<527040x64xf32, #tpu.memory_space<hbm>> -> memref<8x64xf32, #tpu.memory_space<hbm>>
        tpu.enqueue_dma source(%dma_start3A_1662 : memref<8x64xf32, #tpu.memory_space<hbm>>) target(%dma_start3A_1660 : memref<8x64xf32, #tpu.memory_space<vmem>>) target_semaphore(%arg10 : memref<!tpu.dma_semaphore, #tpu.memory_space<semaphore_mem>>)
        %add3A_1663 = arith.constant 40 : i32
        %add3A_1664 = arith.addi %mul3A_579, %add3A_1663 : i32
        %ge3A_1665 = arith.constant 1440 : i32
        %ge3A_1666 = arith.cmpi sge, %add3A_1664, %ge3A_1665 : i32
        %sub3A_1667 = arith.constant 1440 : i32
        %sub3A_1668 = arith.subi %add3A_1664, %sub3A_1667 : i32
        %select_n3A_1669 = arith.select %ge3A_1666, %sub3A_1668, %add3A_1664 : i32
        %add3A_1670 = arith.addi %mul3A_582, %select_n3A_1669 : i32
        %dma_start3A_1671 = arith.constant 40 : i32
        %dma_start3A_1672 = arith.constant 0 : i32
        %dma_start3A_1673 = tpu.memref_slice %arg27[%dma_start3A_1671, %dma_start3A_1672] : memref<72x64xf32, #tpu.memory_space<vmem>> -> memref<8x64xf32, #tpu.memory_space<vmem>>
        %dma_start3A_1674 = arith.constant 0 : i32
        %dma_start3A_1675 = tpu.memref_slice %arg2[%add3A_1670, %dma_start3A_1674] : memref<527040x64xf32, #tpu.memory_space<hbm>> -> memref<8x64xf32, #tpu.memory_space<hbm>>
        %dma_start3A_1676 = arith.constant 40 : i32
        %dma_start3A_1677 = arith.constant 0 : i32
        %dma_start3A_1678 = tpu.memref_slice %arg27[%dma_start3A_1676, %dma_start3A_1677] : memref<72x64xf32, #tpu.memory_space<vmem>> -> memref<8x64xf32, #tpu.memory_space<vmem>>
        %dma_start3A_1679 = arith.constant 0 : i32
        %dma_start3A_1680 = tpu.memref_slice %arg2[%add3A_1670, %dma_start3A_1679] : memref<527040x64xf32, #tpu.memory_space<hbm>> -> memref<8x64xf32, #tpu.memory_space<hbm>>
        tpu.enqueue_dma source(%dma_start3A_1680 : memref<8x64xf32, #tpu.memory_space<hbm>>) target(%dma_start3A_1678 : memref<8x64xf32, #tpu.memory_space<vmem>>) target_semaphore(%arg10 : memref<!tpu.dma_semaphore, #tpu.memory_space<semaphore_mem>>)
        %add3A_1681 = arith.constant 48 : i32
        %add3A_1682 = arith.addi %mul3A_579, %add3A_1681 : i32
        %ge3A_1683 = arith.constant 1440 : i32
        %ge3A_1684 = arith.cmpi sge, %add3A_1682, %ge3A_1683 : i32
        %sub3A_1685 = arith.constant 1440 : i32
        %sub3A_1686 = arith.subi %add3A_1682, %sub3A_1685 : i32
        %select_n3A_1687 = arith.select %ge3A_1684, %sub3A_1686, %add3A_1682 : i32
        %add3A_1688 = arith.addi %mul3A_582, %select_n3A_1687 : i32
        %dma_start3A_1689 = arith.constant 48 : i32
        %dma_start3A_1690 = arith.constant 0 : i32
        %dma_start3A_1691 = tpu.memref_slice %arg27[%dma_start3A_1689, %dma_start3A_1690] : memref<72x64xf32, #tpu.memory_space<vmem>> -> memref<8x64xf32, #tpu.memory_space<vmem>>
        %dma_start3A_1692 = arith.constant 0 : i32
        %dma_start3A_1693 = tpu.memref_slice %arg2[%add3A_1688, %dma_start3A_1692] : memref<527040x64xf32, #tpu.memory_space<hbm>> -> memref<8x64xf32, #tpu.memory_space<hbm>>
        %dma_start3A_1694 = arith.constant 48 : i32
        %dma_start3A_1695 = arith.constant 0 : i32
        %dma_start3A_1696 = tpu.memref_slice %arg27[%dma_start3A_1694, %dma_start3A_1695] : memref<72x64xf32, #tpu.memory_space<vmem>> -> memref<8x64xf32, #tpu.memory_space<vmem>>
        %dma_start3A_1697 = arith.constant 0 : i32
        %dma_start3A_1698 = tpu.memref_slice %arg2[%add3A_1688, %dma_start3A_1697] : memref<527040x64xf32, #tpu.memory_space<hbm>> -> memref<8x64xf32, #tpu.memory_space<hbm>>
        tpu.enqueue_dma source(%dma_start3A_1698 : memref<8x64xf32, #tpu.memory_space<hbm>>) target(%dma_start3A_1696 : memref<8x64xf32, #tpu.memory_space<vmem>>) target_semaphore(%arg10 : memref<!tpu.dma_semaphore, #tpu.memory_space<semaphore_mem>>)
        %add3A_1699 = arith.constant 56 : i32
        %add3A_1700 = arith.addi %mul3A_579, %add3A_1699 : i32
        %ge3A_1701 = arith.constant 1440 : i32
        %ge3A_1702 = arith.cmpi sge, %add3A_1700, %ge3A_1701 : i32
        %sub3A_1703 = arith.constant 1440 : i32
        %sub3A_1704 = arith.subi %add3A_1700, %sub3A_1703 : i32
        %select_n3A_1705 = arith.select %ge3A_1702, %sub3A_1704, %add3A_1700 : i32
        %add3A_1706 = arith.addi %mul3A_582, %select_n3A_1705 : i32
        %dma_start3A_1707 = arith.constant 56 : i32
        %dma_start3A_1708 = arith.constant 0 : i32
        %dma_start3A_1709 = tpu.memref_slice %arg27[%dma_start3A_1707, %dma_start3A_1708] : memref<72x64xf32, #tpu.memory_space<vmem>> -> memref<8x64xf32, #tpu.memory_space<vmem>>
        %dma_start3A_1710 = arith.constant 0 : i32
        %dma_start3A_1711 = tpu.memref_slice %arg2[%add3A_1706, %dma_start3A_1710] : memref<527040x64xf32, #tpu.memory_space<hbm>> -> memref<8x64xf32, #tpu.memory_space<hbm>>
        %dma_start3A_1712 = arith.constant 56 : i32
        %dma_start3A_1713 = arith.constant 0 : i32
        %dma_start3A_1714 = tpu.memref_slice %arg27[%dma_start3A_1712, %dma_start3A_1713] : memref<72x64xf32, #tpu.memory_space<vmem>> -> memref<8x64xf32, #tpu.memory_space<vmem>>
        %dma_start3A_1715 = arith.constant 0 : i32
        %dma_start3A_1716 = tpu.memref_slice %arg2[%add3A_1706, %dma_start3A_1715] : memref<527040x64xf32, #tpu.memory_space<hbm>> -> memref<8x64xf32, #tpu.memory_space<hbm>>
        tpu.enqueue_dma source(%dma_start3A_1716 : memref<8x64xf32, #tpu.memory_space<hbm>>) target(%dma_start3A_1714 : memref<8x64xf32, #tpu.memory_space<vmem>>) target_semaphore(%arg10 : memref<!tpu.dma_semaphore, #tpu.memory_space<semaphore_mem>>)
        %add3A_1717 = arith.constant 64 : i32
        %add3A_1718 = arith.addi %mul3A_579, %add3A_1717 : i32
        %ge3A_1719 = arith.constant 1440 : i32
        %ge3A_1720 = arith.cmpi sge, %add3A_1718, %ge3A_1719 : i32
        %sub3A_1721 = arith.constant 1440 : i32
        %sub3A_1722 = arith.subi %add3A_1718, %sub3A_1721 : i32
        %select_n3A_1723 = arith.select %ge3A_1720, %sub3A_1722, %add3A_1718 : i32
        %add3A_1724 = arith.addi %mul3A_582, %select_n3A_1723 : i32
        %dma_start3A_1725 = arith.constant 64 : i32
        %dma_start3A_1726 = arith.constant 0 : i32
        %dma_start3A_1727 = tpu.memref_slice %arg27[%dma_start3A_1725, %dma_start3A_1726] : memref<72x64xf32, #tpu.memory_space<vmem>> -> memref<8x64xf32, #tpu.memory_space<vmem>>
        %dma_start3A_1728 = arith.constant 0 : i32
        %dma_start3A_1729 = tpu.memref_slice %arg2[%add3A_1724, %dma_start3A_1728] : memref<527040x64xf32, #tpu.memory_space<hbm>> -> memref<8x64xf32, #tpu.memory_space<hbm>>
        %dma_start3A_1730 = arith.constant 64 : i32
        %dma_start3A_1731 = arith.constant 0 : i32
        %dma_start3A_1732 = tpu.memref_slice %arg27[%dma_start3A_1730, %dma_start3A_1731] : memref<72x64xf32, #tpu.memory_space<vmem>> -> memref<8x64xf32, #tpu.memory_space<vmem>>
        %dma_start3A_1733 = arith.constant 0 : i32
        %dma_start3A_1734 = tpu.memref_slice %arg2[%add3A_1724, %dma_start3A_1733] : memref<527040x64xf32, #tpu.memory_space<hbm>> -> memref<8x64xf32, #tpu.memory_space<hbm>>
        tpu.enqueue_dma source(%dma_start3A_1734 : memref<8x64xf32, #tpu.memory_space<hbm>>) target(%dma_start3A_1732 : memref<8x64xf32, #tpu.memory_space<vmem>>) target_semaphore(%arg10 : memref<!tpu.dma_semaphore, #tpu.memory_space<semaphore_mem>>)
      } else {
      }
      %add3A_600 = arith.constant 3 : i32
      %add3A_601 = arith.addi %mul3A_113, %add3A_600 : i32
      %jit3A_602 = arith.constant 16 : i32
      %div3A_603 = arith.divsi %add3A_601, %jit3A_602 : i32
      %sign3A_604 = arith.constant 0 : i32
      %sign3A_605 = arith.cmpi sgt, %add3A_601, %sign3A_604 : i32
      %sign3A_606 = arith.extui %sign3A_605 : i1 to i32
      %sign3A_607 = arith.constant 0 : i32
      %sign3A_608 = arith.cmpi slt, %add3A_601, %sign3A_607 : i32
      %sign3A_609 = arith.extui %sign3A_608 : i1 to i32
      %sign3A_610 = arith.subi %sign3A_606, %sign3A_609 : i32
      %sign3A_611 = arith.constant 0 : i32
      %sign3A_612 = arith.cmpi sgt, %jit3A_602, %sign3A_611 : i32
      %sign3A_613 = arith.extui %sign3A_612 : i1 to i32
      %sign3A_614 = arith.constant 0 : i32
      %sign3A_615 = arith.cmpi slt, %jit3A_602, %sign3A_614 : i32
      %sign3A_616 = arith.extui %sign3A_615 : i1 to i32
      %sign3A_617 = arith.subi %sign3A_613, %sign3A_616 : i32
      %ne3A_618 = arith.cmpi ne, %sign3A_610, %sign3A_617 : i32
      %rem3A_619 = arith.remsi %add3A_601, %jit3A_602 : i32
      %ne3A_620 = arith.constant 0 : i32
      %ne3A_621 = arith.cmpi ne, %rem3A_619, %ne3A_620 : i32
      %and3A_622 = arith.andi %ne3A_618, %ne3A_621 : i1
      %sub3A_623 = arith.constant 1 : i32
      %sub3A_624 = arith.subi %div3A_603, %sub3A_623 : i32
      %select_n3A_625 = arith.select %and3A_622, %sub3A_624, %div3A_603 : i32
      %mul3A_626 = arith.constant 16 : i32
      %mul3A_627 = arith.muli %select_n3A_625, %mul3A_626 : i32
      %multiple_of3A_628 = tpu.assume_multiple %mul3A_627, 16 : i32
      %get3A_629 = arith.index_cast %multiple_of3A_628 : i32 to index
      %get3A_630 = tpu.vector_load %arg7[%get3A_629] {strides = array<i32>} : memref<512xi32, #tpu.memory_space<vmem>>, vector<16xi32>,
      %jit3A_631 = arith.constant 16 : i32
      %eq3A_632 = arith.constant 0 : i32
      %eq3A_633 = arith.cmpi eq, %jit3A_631, %eq3A_632 : i32
      %jit3A_634 = arith.constant 1 : i32
      %select_n3A_635 = arith.select %eq3A_633, %jit3A_634, %jit3A_631 : i32
      %rem3A_636 = arith.remsi %add3A_601, %select_n3A_635 : i32
      %ne3A_637 = arith.constant 0 : i32
      %ne3A_638 = arith.cmpi ne, %rem3A_636, %ne3A_637 : i32
      %lt3A_639 = arith.constant 0 : i32
      %lt3A_640 = arith.cmpi slt, %rem3A_636, %lt3A_639 : i32
      %lt3A_641 = arith.constant 0 : i32
      %lt3A_642 = arith.cmpi slt, %select_n3A_635, %lt3A_641 : i32
      %ne3A_643 = arith.xori %lt3A_640, %lt3A_642 : i1
      %and3A_644 = arith.andi %ne3A_643, %ne3A_638 : i1
      %add3A_645 = arith.addi %rem3A_636, %select_n3A_635 : i32
      %select_n3A_646 = arith.select %and3A_644, %add3A_645, %rem3A_636 : i32
      %eq3A_647 = vector.broadcast %select_n3A_646 : i32 to vector<16xi32>
      %eq3A_648 = arith.cmpi eq, %iota3A, %eq3A_647 : vector<16xi32>
      %jit3A_649 = arith.constant 0 : i32
      %broadcast_in_dim3A_650 = vector.broadcast %jit3A_649 : i32 to vector<16xi32>
      %select_n3A_651 = arith.select %eq3A_648, %get3A_630, %broadcast_in_dim3A_650 : vector<16xi1>, vector<16xi32>
      %reduce_sum3A_652 = arith.constant true
      %reduce_sum3A_653 = vector.broadcast %reduce_sum3A_652 : i1 to vector<16xi1>
      %reduce_sum3A_654 = tpu.scan <sum>, %select_n3A_651 masked %reduce_sum3A_653 : vector<16xi32>, vector<16xi1> -> vector<16xi32>
      %reduce_sum3A_655 = vector.extract %reduce_sum3A_654[15] : i32 from vector<16xi32>
      %jit3A_656 = arith.constant 16 : i32
      %div3A_657 = arith.divsi %add3A_601, %jit3A_656 : i32
      %sign3A_658 = arith.constant 0 : i32
      %sign3A_659 = arith.cmpi sgt, %add3A_601, %sign3A_658 : i32
      %sign3A_660 = arith.extui %sign3A_659 : i1 to i32
      %sign3A_661 = arith.constant 0 : i32
      %sign3A_662 = arith.cmpi slt, %add3A_601, %sign3A_661 : i32
      %sign3A_663 = arith.extui %sign3A_662 : i1 to i32
      %sign3A_664 = arith.subi %sign3A_660, %sign3A_663 : i32
      %sign3A_665 = arith.constant 0 : i32
      %sign3A_666 = arith.cmpi sgt, %jit3A_656, %sign3A_665 : i32
      %sign3A_667 = arith.extui %sign3A_666 : i1 to i32
      %sign3A_668 = arith.constant 0 : i32
      %sign3A_669 = arith.cmpi slt, %jit3A_656, %sign3A_668 : i32
      %sign3A_670 = arith.extui %sign3A_669 : i1 to i32
      %sign3A_671 = arith.subi %sign3A_667, %sign3A_670 : i32
      %ne3A_672 = arith.cmpi ne, %sign3A_664, %sign3A_671 : i32
      %rem3A_673 = arith.remsi %add3A_601, %jit3A_656 : i32
      %ne3A_674 = arith.constant 0 : i32
      %ne3A_675 = arith.cmpi ne, %rem3A_673, %ne3A_674 : i32
      %and3A_676 = arith.andi %ne3A_672, %ne3A_675 : i1
      %sub3A_677 = arith.constant 1 : i32
      %sub3A_678 = arith.subi %div3A_657, %sub3A_677 : i32
      %select_n3A_679 = arith.select %and3A_676, %sub3A_678, %div3A_657 : i32
      %mul3A_680 = arith.constant 16 : i32
      %mul3A_681 = arith.muli %select_n3A_679, %mul3A_680 : i32
      %multiple_of3A_682 = tpu.assume_multiple %mul3A_681, 16 : i32
      %get3A_683 = arith.index_cast %multiple_of3A_682 : i32 to index
      %get3A_684 = tpu.vector_load %arg33[%get3A_683] {strides = array<i32>} : memref<512xi32, #tpu.memory_space<vmem>>, vector<16xi32>,
      %jit3A_685 = arith.constant 16 : i32
      %eq3A_686 = arith.constant 0 : i32
      %eq3A_687 = arith.cmpi eq, %jit3A_685, %eq3A_686 : i32
      %jit3A_688 = arith.constant 1 : i32
      %select_n3A_689 = arith.select %eq3A_687, %jit3A_688, %jit3A_685 : i32
      %rem3A_690 = arith.remsi %add3A_601, %select_n3A_689 : i32
      %ne3A_691 = arith.constant 0 : i32
      %ne3A_692 = arith.cmpi ne, %rem3A_690, %ne3A_691 : i32
      %lt3A_693 = arith.constant 0 : i32
      %lt3A_694 = arith.cmpi slt, %rem3A_690, %lt3A_693 : i32
      %lt3A_695 = arith.constant 0 : i32
      %lt3A_696 = arith.cmpi slt, %select_n3A_689, %lt3A_695 : i32
      %ne3A_697 = arith.xori %lt3A_694, %lt3A_696 : i1
      %and3A_698 = arith.andi %ne3A_697, %ne3A_692 : i1
      %add3A_699 = arith.addi %rem3A_690, %select_n3A_689 : i32
      %select_n3A_700 = arith.select %and3A_698, %add3A_699, %rem3A_690 : i32
      %eq3A_701 = vector.broadcast %select_n3A_700 : i32 to vector<16xi32>
      %eq3A_702 = arith.cmpi eq, %iota3A, %eq3A_701 : vector<16xi32>
      %jit3A_703 = arith.constant 0 : i32
      %broadcast_in_dim3A_704 = vector.broadcast %jit3A_703 : i32 to vector<16xi32>
      %select_n3A_705 = arith.select %eq3A_702, %get3A_684, %broadcast_in_dim3A_704 : vector<16xi1>, vector<16xi32>
      %reduce_sum3A_706 = arith.constant true
      %reduce_sum3A_707 = vector.broadcast %reduce_sum3A_706 : i1 to vector<16xi1>
      %reduce_sum3A_708 = tpu.scan <sum>, %select_n3A_705 masked %reduce_sum3A_707 : vector<16xi32>, vector<16xi1> -> vector<16xi32>
      %reduce_sum3A_709 = vector.extract %reduce_sum3A_708[15] : i32 from vector<16xi32>
      %sub3A_710 = arith.constant 64 : i32
      %sub3A_711 = arith.subi %reduce_sum3A_8, %sub3A_710 : i32
      %add3A_712 = arith.addi %reduce_sum3A_709, %sub3A_711 : i32
      %rem3A_713 = arith.constant 1440 : i32
      %rem3A_714 = arith.remsi %add3A_712, %rem3A_713 : i32
      %lt3A_715 = arith.constant 0 : i32
      %lt3A_716 = arith.cmpi slt, %rem3A_714, %lt3A_715 : i32
      %add3A_717 = arith.constant 1440 : i32
      %add3A_718 = arith.addi %rem3A_714, %add3A_717 : i32
      %select_n3A_719 = arith.select %lt3A_716, %add3A_718, %rem3A_714 : i32
      %jit3A_720 = arith.constant 8 : i32
      %div3A_721 = arith.divsi %select_n3A_719, %jit3A_720 : i32
      %sign3A_722 = arith.constant 0 : i32
      %sign3A_723 = arith.cmpi sgt, %select_n3A_719, %sign3A_722 : i32
      %sign3A_724 = arith.extui %sign3A_723 : i1 to i32
      %sign3A_725 = arith.constant 0 : i32
      %sign3A_726 = arith.cmpi slt, %select_n3A_719, %sign3A_725 : i32
      %sign3A_727 = arith.extui %sign3A_726 : i1 to i32
      %sign3A_728 = arith.subi %sign3A_724, %sign3A_727 : i32
      %sign3A_729 = arith.constant 0 : i32
      %sign3A_730 = arith.cmpi sgt, %jit3A_720, %sign3A_729 : i32
      %sign3A_731 = arith.extui %sign3A_730 : i1 to i32
      %sign3A_732 = arith.constant 0 : i32
      %sign3A_733 = arith.cmpi slt, %jit3A_720, %sign3A_732 : i32
      %sign3A_734 = arith.extui %sign3A_733 : i1 to i32
      %sign3A_735 = arith.subi %sign3A_731, %sign3A_734 : i32
      %ne3A_736 = arith.cmpi ne, %sign3A_728, %sign3A_735 : i32
      %rem3A_737 = arith.remsi %select_n3A_719, %jit3A_720 : i32
      %ne3A_738 = arith.constant 0 : i32
      %ne3A_739 = arith.cmpi ne, %rem3A_737, %ne3A_738 : i32
      %and3A_740 = arith.andi %ne3A_736, %ne3A_739 : i1
      %sub3A_741 = arith.constant 1 : i32
      %sub3A_742 = arith.subi %div3A_721, %sub3A_741 : i32
      %select_n3A_743 = arith.select %and3A_740, %sub3A_742, %div3A_721 : i32
      %mul3A_744 = arith.constant 8 : i32
      %mul3A_745 = arith.muli %select_n3A_743, %mul3A_744 : i32
      %sub3A_746 = arith.subi %select_n3A_719, %mul3A_745 : i32
      %mul3A_747 = arith.constant 1440 : i32
      %mul3A_748 = arith.muli %reduce_sum3A_655, %mul3A_747 : i32
      %gt3A_749 = arith.constant 0 : i32
      %gt3A_750 = arith.cmpi sgt, %scan3A_110, %gt3A_749 : i32
      %convert_element_type3A_751 = arith.extui %gt3A_750 : i1 to i32
      %cond3A_752 = arith.constant 0 : i32
      %cond3A_753 = arith.cmpi ne, %convert_element_type3A_751, %cond3A_752 : i32
      scf.if %cond3A_753 {
        %dma_wait3A_1574 = arith.constant 0 : i32
        %dma_wait3A_1575 = arith.constant 0 : i32
        %dma_wait3A_1576 = tpu.memref_slice %arg28[%dma_wait3A_1574, %dma_wait3A_1575] : memref<72x64xf32, #tpu.memory_space<vmem>> -> memref<64x64xf32, #tpu.memory_space<vmem>>
        %dma_wait3A_1577 = arith.constant 0 : i32
        %dma_wait3A_1578 = arith.constant 0 : i32
        %dma_wait3A_1579 = tpu.memref_slice %arg6[%dma_wait3A_1577, %dma_wait3A_1578] : memref<1048576x64xf32, #tpu.memory_space<hbm>> -> memref<64x64xf32, #tpu.memory_space<hbm>>
        %dma_wait3A_1580 = arith.constant 0 : i32
        %dma_wait3A_1581 = arith.constant 0 : i32
        %dma_wait3A_1582 = tpu.memref_slice %arg6[%dma_wait3A_1580, %dma_wait3A_1581] : memref<1048576x64xf32, #tpu.memory_space<hbm>> -> memref<64x64xf32, #tpu.memory_space<hbm>>
        %dma_wait3A_1583 = arith.constant 0 : i32
        %dma_wait3A_1584 = arith.constant 0 : i32
        %dma_wait3A_1585 = tpu.memref_slice %arg28[%dma_wait3A_1583, %dma_wait3A_1584] : memref<72x64xf32, #tpu.memory_space<vmem>> -> memref<64x64xf32, #tpu.memory_space<vmem>>
        tpu.wait_dma2 semaphore(%arg19 : memref<!tpu.dma_semaphore, #tpu.memory_space<semaphore_mem>>) src(%dma_wait3A_1585 : memref<64x64xf32, #tpu.memory_space<vmem>>) dst(%dma_wait3A_1582 : memref<64x64xf32, #tpu.memory_space<hbm>>)
      } else {
      }
      %add3A_754 = arith.constant 72 : i32
      %add3A_755 = arith.addi %mul3A_745, %add3A_754 : i32
      %le3A_756 = arith.constant 1440 : i32
      %le3A_757 = arith.cmpi sle, %add3A_755, %le3A_756 : i32
      %convert_element_type3A_758 = arith.extui %le3A_757 : i1 to i32
      %cond3A_759 = arith.constant 0 : i32
      %cond3A_760 = arith.cmpi ne, %convert_element_type3A_758, %cond3A_759 : i32
      scf.if %cond3A_760 {
        %add3A_1574 = arith.addi %mul3A_748, %mul3A_745 : i32
        %dma_start3A_1575 = arith.constant 0 : i32
        %dma_start3A_1576 = tpu.memref_slice %arg2[%add3A_1574, %dma_start3A_1575] : memref<527040x64xf32, #tpu.memory_space<hbm>> -> memref<72x64xf32, #tpu.memory_space<hbm>>
        %dma_start3A_1577 = arith.constant 0 : i32
        %dma_start3A_1578 = tpu.memref_slice %arg2[%add3A_1574, %dma_start3A_1577] : memref<527040x64xf32, #tpu.memory_space<hbm>> -> memref<72x64xf32, #tpu.memory_space<hbm>>
        tpu.enqueue_dma source(%dma_start3A_1578 : memref<72x64xf32, #tpu.memory_space<hbm>>) target(%arg28 : memref<72x64xf32, #tpu.memory_space<vmem>>) target_semaphore(%arg11 : memref<!tpu.dma_semaphore, #tpu.memory_space<semaphore_mem>>)
      } else {
      }
      %not3A_761 = arith.constant true
      %not3A_762 = arith.xori %le3A_757, %not3A_761 : i1
      %convert_element_type3A_763 = arith.extui %not3A_762 : i1 to i32
      %cond3A_764 = arith.constant 0 : i32
      %cond3A_765 = arith.cmpi ne, %convert_element_type3A_763, %cond3A_764 : i32
      scf.if %cond3A_765 {
        %add3A_1574 = arith.constant 0 : i32
        %add3A_1575 = arith.addi %mul3A_745, %add3A_1574 : i32
        %ge3A = arith.constant 1440 : i32
        %ge3A_1576 = arith.cmpi sge, %add3A_1575, %ge3A : i32
        %sub3A_1577 = arith.constant 1440 : i32
        %sub3A_1578 = arith.subi %add3A_1575, %sub3A_1577 : i32
        %select_n3A_1579 = arith.select %ge3A_1576, %sub3A_1578, %add3A_1575 : i32
        %add3A_1580 = arith.addi %mul3A_748, %select_n3A_1579 : i32
        %dma_start3A_1581 = arith.constant 0 : i32
        %dma_start3A_1582 = arith.constant 0 : i32
        %dma_start3A_1583 = tpu.memref_slice %arg28[%dma_start3A_1581, %dma_start3A_1582] : memref<72x64xf32, #tpu.memory_space<vmem>> -> memref<8x64xf32, #tpu.memory_space<vmem>>
        %dma_start3A_1584 = arith.constant 0 : i32
        %dma_start3A_1585 = tpu.memref_slice %arg2[%add3A_1580, %dma_start3A_1584] : memref<527040x64xf32, #tpu.memory_space<hbm>> -> memref<8x64xf32, #tpu.memory_space<hbm>>
        %dma_start3A_1586 = arith.constant 0 : i32
        %dma_start3A_1587 = arith.constant 0 : i32
        %dma_start3A_1588 = tpu.memref_slice %arg28[%dma_start3A_1586, %dma_start3A_1587] : memref<72x64xf32, #tpu.memory_space<vmem>> -> memref<8x64xf32, #tpu.memory_space<vmem>>
        %dma_start3A_1589 = arith.constant 0 : i32
        %dma_start3A_1590 = tpu.memref_slice %arg2[%add3A_1580, %dma_start3A_1589] : memref<527040x64xf32, #tpu.memory_space<hbm>> -> memref<8x64xf32, #tpu.memory_space<hbm>>
        tpu.enqueue_dma source(%dma_start3A_1590 : memref<8x64xf32, #tpu.memory_space<hbm>>) target(%dma_start3A_1588 : memref<8x64xf32, #tpu.memory_space<vmem>>) target_semaphore(%arg11 : memref<!tpu.dma_semaphore, #tpu.memory_space<semaphore_mem>>)
        %add3A_1591 = arith.constant 8 : i32
        %add3A_1592 = arith.addi %mul3A_745, %add3A_1591 : i32
        %ge3A_1593 = arith.constant 1440 : i32
        %ge3A_1594 = arith.cmpi sge, %add3A_1592, %ge3A_1593 : i32
        %sub3A_1595 = arith.constant 1440 : i32
        %sub3A_1596 = arith.subi %add3A_1592, %sub3A_1595 : i32
        %select_n3A_1597 = arith.select %ge3A_1594, %sub3A_1596, %add3A_1592 : i32
        %add3A_1598 = arith.addi %mul3A_748, %select_n3A_1597 : i32
        %dma_start3A_1599 = arith.constant 8 : i32
        %dma_start3A_1600 = arith.constant 0 : i32
        %dma_start3A_1601 = tpu.memref_slice %arg28[%dma_start3A_1599, %dma_start3A_1600] : memref<72x64xf32, #tpu.memory_space<vmem>> -> memref<8x64xf32, #tpu.memory_space<vmem>>
        %dma_start3A_1602 = arith.constant 0 : i32
        %dma_start3A_1603 = tpu.memref_slice %arg2[%add3A_1598, %dma_start3A_1602] : memref<527040x64xf32, #tpu.memory_space<hbm>> -> memref<8x64xf32, #tpu.memory_space<hbm>>
        %dma_start3A_1604 = arith.constant 8 : i32
        %dma_start3A_1605 = arith.constant 0 : i32
        %dma_start3A_1606 = tpu.memref_slice %arg28[%dma_start3A_1604, %dma_start3A_1605] : memref<72x64xf32, #tpu.memory_space<vmem>> -> memref<8x64xf32, #tpu.memory_space<vmem>>
        %dma_start3A_1607 = arith.constant 0 : i32
        %dma_start3A_1608 = tpu.memref_slice %arg2[%add3A_1598, %dma_start3A_1607] : memref<527040x64xf32, #tpu.memory_space<hbm>> -> memref<8x64xf32, #tpu.memory_space<hbm>>
        tpu.enqueue_dma source(%dma_start3A_1608 : memref<8x64xf32, #tpu.memory_space<hbm>>) target(%dma_start3A_1606 : memref<8x64xf32, #tpu.memory_space<vmem>>) target_semaphore(%arg11 : memref<!tpu.dma_semaphore, #tpu.memory_space<semaphore_mem>>)
        %add3A_1609 = arith.constant 16 : i32
        %add3A_1610 = arith.addi %mul3A_745, %add3A_1609 : i32
        %ge3A_1611 = arith.constant 1440 : i32
        %ge3A_1612 = arith.cmpi sge, %add3A_1610, %ge3A_1611 : i32
        %sub3A_1613 = arith.constant 1440 : i32
        %sub3A_1614 = arith.subi %add3A_1610, %sub3A_1613 : i32
        %select_n3A_1615 = arith.select %ge3A_1612, %sub3A_1614, %add3A_1610 : i32
        %add3A_1616 = arith.addi %mul3A_748, %select_n3A_1615 : i32
        %dma_start3A_1617 = arith.constant 16 : i32
        %dma_start3A_1618 = arith.constant 0 : i32
        %dma_start3A_1619 = tpu.memref_slice %arg28[%dma_start3A_1617, %dma_start3A_1618] : memref<72x64xf32, #tpu.memory_space<vmem>> -> memref<8x64xf32, #tpu.memory_space<vmem>>
        %dma_start3A_1620 = arith.constant 0 : i32
        %dma_start3A_1621 = tpu.memref_slice %arg2[%add3A_1616, %dma_start3A_1620] : memref<527040x64xf32, #tpu.memory_space<hbm>> -> memref<8x64xf32, #tpu.memory_space<hbm>>
        %dma_start3A_1622 = arith.constant 16 : i32
        %dma_start3A_1623 = arith.constant 0 : i32
        %dma_start3A_1624 = tpu.memref_slice %arg28[%dma_start3A_1622, %dma_start3A_1623] : memref<72x64xf32, #tpu.memory_space<vmem>> -> memref<8x64xf32, #tpu.memory_space<vmem>>
        %dma_start3A_1625 = arith.constant 0 : i32
        %dma_start3A_1626 = tpu.memref_slice %arg2[%add3A_1616, %dma_start3A_1625] : memref<527040x64xf32, #tpu.memory_space<hbm>> -> memref<8x64xf32, #tpu.memory_space<hbm>>
        tpu.enqueue_dma source(%dma_start3A_1626 : memref<8x64xf32, #tpu.memory_space<hbm>>) target(%dma_start3A_1624 : memref<8x64xf32, #tpu.memory_space<vmem>>) target_semaphore(%arg11 : memref<!tpu.dma_semaphore, #tpu.memory_space<semaphore_mem>>)
        %add3A_1627 = arith.constant 24 : i32
        %add3A_1628 = arith.addi %mul3A_745, %add3A_1627 : i32
        %ge3A_1629 = arith.constant 1440 : i32
        %ge3A_1630 = arith.cmpi sge, %add3A_1628, %ge3A_1629 : i32
        %sub3A_1631 = arith.constant 1440 : i32
        %sub3A_1632 = arith.subi %add3A_1628, %sub3A_1631 : i32
        %select_n3A_1633 = arith.select %ge3A_1630, %sub3A_1632, %add3A_1628 : i32
        %add3A_1634 = arith.addi %mul3A_748, %select_n3A_1633 : i32
        %dma_start3A_1635 = arith.constant 24 : i32
        %dma_start3A_1636 = arith.constant 0 : i32
        %dma_start3A_1637 = tpu.memref_slice %arg28[%dma_start3A_1635, %dma_start3A_1636] : memref<72x64xf32, #tpu.memory_space<vmem>> -> memref<8x64xf32, #tpu.memory_space<vmem>>
        %dma_start3A_1638 = arith.constant 0 : i32
        %dma_start3A_1639 = tpu.memref_slice %arg2[%add3A_1634, %dma_start3A_1638] : memref<527040x64xf32, #tpu.memory_space<hbm>> -> memref<8x64xf32, #tpu.memory_space<hbm>>
        %dma_start3A_1640 = arith.constant 24 : i32
        %dma_start3A_1641 = arith.constant 0 : i32
        %dma_start3A_1642 = tpu.memref_slice %arg28[%dma_start3A_1640, %dma_start3A_1641] : memref<72x64xf32, #tpu.memory_space<vmem>> -> memref<8x64xf32, #tpu.memory_space<vmem>>
        %dma_start3A_1643 = arith.constant 0 : i32
        %dma_start3A_1644 = tpu.memref_slice %arg2[%add3A_1634, %dma_start3A_1643] : memref<527040x64xf32, #tpu.memory_space<hbm>> -> memref<8x64xf32, #tpu.memory_space<hbm>>
        tpu.enqueue_dma source(%dma_start3A_1644 : memref<8x64xf32, #tpu.memory_space<hbm>>) target(%dma_start3A_1642 : memref<8x64xf32, #tpu.memory_space<vmem>>) target_semaphore(%arg11 : memref<!tpu.dma_semaphore, #tpu.memory_space<semaphore_mem>>)
        %add3A_1645 = arith.constant 32 : i32
        %add3A_1646 = arith.addi %mul3A_745, %add3A_1645 : i32
        %ge3A_1647 = arith.constant 1440 : i32
        %ge3A_1648 = arith.cmpi sge, %add3A_1646, %ge3A_1647 : i32
        %sub3A_1649 = arith.constant 1440 : i32
        %sub3A_1650 = arith.subi %add3A_1646, %sub3A_1649 : i32
        %select_n3A_1651 = arith.select %ge3A_1648, %sub3A_1650, %add3A_1646 : i32
        %add3A_1652 = arith.addi %mul3A_748, %select_n3A_1651 : i32
        %dma_start3A_1653 = arith.constant 32 : i32
        %dma_start3A_1654 = arith.constant 0 : i32
        %dma_start3A_1655 = tpu.memref_slice %arg28[%dma_start3A_1653, %dma_start3A_1654] : memref<72x64xf32, #tpu.memory_space<vmem>> -> memref<8x64xf32, #tpu.memory_space<vmem>>
        %dma_start3A_1656 = arith.constant 0 : i32
        %dma_start3A_1657 = tpu.memref_slice %arg2[%add3A_1652, %dma_start3A_1656] : memref<527040x64xf32, #tpu.memory_space<hbm>> -> memref<8x64xf32, #tpu.memory_space<hbm>>
        %dma_start3A_1658 = arith.constant 32 : i32
        %dma_start3A_1659 = arith.constant 0 : i32
        %dma_start3A_1660 = tpu.memref_slice %arg28[%dma_start3A_1658, %dma_start3A_1659] : memref<72x64xf32, #tpu.memory_space<vmem>> -> memref<8x64xf32, #tpu.memory_space<vmem>>
        %dma_start3A_1661 = arith.constant 0 : i32
        %dma_start3A_1662 = tpu.memref_slice %arg2[%add3A_1652, %dma_start3A_1661] : memref<527040x64xf32, #tpu.memory_space<hbm>> -> memref<8x64xf32, #tpu.memory_space<hbm>>
        tpu.enqueue_dma source(%dma_start3A_1662 : memref<8x64xf32, #tpu.memory_space<hbm>>) target(%dma_start3A_1660 : memref<8x64xf32, #tpu.memory_space<vmem>>) target_semaphore(%arg11 : memref<!tpu.dma_semaphore, #tpu.memory_space<semaphore_mem>>)
        %add3A_1663 = arith.constant 40 : i32
        %add3A_1664 = arith.addi %mul3A_745, %add3A_1663 : i32
        %ge3A_1665 = arith.constant 1440 : i32
        %ge3A_1666 = arith.cmpi sge, %add3A_1664, %ge3A_1665 : i32
        %sub3A_1667 = arith.constant 1440 : i32
        %sub3A_1668 = arith.subi %add3A_1664, %sub3A_1667 : i32
        %select_n3A_1669 = arith.select %ge3A_1666, %sub3A_1668, %add3A_1664 : i32
        %add3A_1670 = arith.addi %mul3A_748, %select_n3A_1669 : i32
        %dma_start3A_1671 = arith.constant 40 : i32
        %dma_start3A_1672 = arith.constant 0 : i32
        %dma_start3A_1673 = tpu.memref_slice %arg28[%dma_start3A_1671, %dma_start3A_1672] : memref<72x64xf32, #tpu.memory_space<vmem>> -> memref<8x64xf32, #tpu.memory_space<vmem>>
        %dma_start3A_1674 = arith.constant 0 : i32
        %dma_start3A_1675 = tpu.memref_slice %arg2[%add3A_1670, %dma_start3A_1674] : memref<527040x64xf32, #tpu.memory_space<hbm>> -> memref<8x64xf32, #tpu.memory_space<hbm>>
        %dma_start3A_1676 = arith.constant 40 : i32
        %dma_start3A_1677 = arith.constant 0 : i32
        %dma_start3A_1678 = tpu.memref_slice %arg28[%dma_start3A_1676, %dma_start3A_1677] : memref<72x64xf32, #tpu.memory_space<vmem>> -> memref<8x64xf32, #tpu.memory_space<vmem>>
        %dma_start3A_1679 = arith.constant 0 : i32
        %dma_start3A_1680 = tpu.memref_slice %arg2[%add3A_1670, %dma_start3A_1679] : memref<527040x64xf32, #tpu.memory_space<hbm>> -> memref<8x64xf32, #tpu.memory_space<hbm>>
        tpu.enqueue_dma source(%dma_start3A_1680 : memref<8x64xf32, #tpu.memory_space<hbm>>) target(%dma_start3A_1678 : memref<8x64xf32, #tpu.memory_space<vmem>>) target_semaphore(%arg11 : memref<!tpu.dma_semaphore, #tpu.memory_space<semaphore_mem>>)
        %add3A_1681 = arith.constant 48 : i32
        %add3A_1682 = arith.addi %mul3A_745, %add3A_1681 : i32
        %ge3A_1683 = arith.constant 1440 : i32
        %ge3A_1684 = arith.cmpi sge, %add3A_1682, %ge3A_1683 : i32
        %sub3A_1685 = arith.constant 1440 : i32
        %sub3A_1686 = arith.subi %add3A_1682, %sub3A_1685 : i32
        %select_n3A_1687 = arith.select %ge3A_1684, %sub3A_1686, %add3A_1682 : i32
        %add3A_1688 = arith.addi %mul3A_748, %select_n3A_1687 : i32
        %dma_start3A_1689 = arith.constant 48 : i32
        %dma_start3A_1690 = arith.constant 0 : i32
        %dma_start3A_1691 = tpu.memref_slice %arg28[%dma_start3A_1689, %dma_start3A_1690] : memref<72x64xf32, #tpu.memory_space<vmem>> -> memref<8x64xf32, #tpu.memory_space<vmem>>
        %dma_start3A_1692 = arith.constant 0 : i32
        %dma_start3A_1693 = tpu.memref_slice %arg2[%add3A_1688, %dma_start3A_1692] : memref<527040x64xf32, #tpu.memory_space<hbm>> -> memref<8x64xf32, #tpu.memory_space<hbm>>
        %dma_start3A_1694 = arith.constant 48 : i32
        %dma_start3A_1695 = arith.constant 0 : i32
        %dma_start3A_1696 = tpu.memref_slice %arg28[%dma_start3A_1694, %dma_start3A_1695] : memref<72x64xf32, #tpu.memory_space<vmem>> -> memref<8x64xf32, #tpu.memory_space<vmem>>
        %dma_start3A_1697 = arith.constant 0 : i32
        %dma_start3A_1698 = tpu.memref_slice %arg2[%add3A_1688, %dma_start3A_1697] : memref<527040x64xf32, #tpu.memory_space<hbm>> -> memref<8x64xf32, #tpu.memory_space<hbm>>
        tpu.enqueue_dma source(%dma_start3A_1698 : memref<8x64xf32, #tpu.memory_space<hbm>>) target(%dma_start3A_1696 : memref<8x64xf32, #tpu.memory_space<vmem>>) target_semaphore(%arg11 : memref<!tpu.dma_semaphore, #tpu.memory_space<semaphore_mem>>)
        %add3A_1699 = arith.constant 56 : i32
        %add3A_1700 = arith.addi %mul3A_745, %add3A_1699 : i32
        %ge3A_1701 = arith.constant 1440 : i32
        %ge3A_1702 = arith.cmpi sge, %add3A_1700, %ge3A_1701 : i32
        %sub3A_1703 = arith.constant 1440 : i32
        %sub3A_1704 = arith.subi %add3A_1700, %sub3A_1703 : i32
        %select_n3A_1705 = arith.select %ge3A_1702, %sub3A_1704, %add3A_1700 : i32
        %add3A_1706 = arith.addi %mul3A_748, %select_n3A_1705 : i32
        %dma_start3A_1707 = arith.constant 56 : i32
        %dma_start3A_1708 = arith.constant 0 : i32
        %dma_start3A_1709 = tpu.memref_slice %arg28[%dma_start3A_1707, %dma_start3A_1708] : memref<72x64xf32, #tpu.memory_space<vmem>> -> memref<8x64xf32, #tpu.memory_space<vmem>>
        %dma_start3A_1710 = arith.constant 0 : i32
        %dma_start3A_1711 = tpu.memref_slice %arg2[%add3A_1706, %dma_start3A_1710] : memref<527040x64xf32, #tpu.memory_space<hbm>> -> memref<8x64xf32, #tpu.memory_space<hbm>>
        %dma_start3A_1712 = arith.constant 56 : i32
        %dma_start3A_1713 = arith.constant 0 : i32
        %dma_start3A_1714 = tpu.memref_slice %arg28[%dma_start3A_1712, %dma_start3A_1713] : memref<72x64xf32, #tpu.memory_space<vmem>> -> memref<8x64xf32, #tpu.memory_space<vmem>>
        %dma_start3A_1715 = arith.constant 0 : i32
        %dma_start3A_1716 = tpu.memref_slice %arg2[%add3A_1706, %dma_start3A_1715] : memref<527040x64xf32, #tpu.memory_space<hbm>> -> memref<8x64xf32, #tpu.memory_space<hbm>>
        tpu.enqueue_dma source(%dma_start3A_1716 : memref<8x64xf32, #tpu.memory_space<hbm>>) target(%dma_start3A_1714 : memref<8x64xf32, #tpu.memory_space<vmem>>) target_semaphore(%arg11 : memref<!tpu.dma_semaphore, #tpu.memory_space<semaphore_mem>>)
        %add3A_1717 = arith.constant 64 : i32
        %add3A_1718 = arith.addi %mul3A_745, %add3A_1717 : i32
        %ge3A_1719 = arith.constant 1440 : i32
        %ge3A_1720 = arith.cmpi sge, %add3A_1718, %ge3A_1719 : i32
        %sub3A_1721 = arith.constant 1440 : i32
        %sub3A_1722 = arith.subi %add3A_1718, %sub3A_1721 : i32
        %select_n3A_1723 = arith.select %ge3A_1720, %sub3A_1722, %add3A_1718 : i32
        %add3A_1724 = arith.addi %mul3A_748, %select_n3A_1723 : i32
        %dma_start3A_1725 = arith.constant 64 : i32
        %dma_start3A_1726 = arith.constant 0 : i32
        %dma_start3A_1727 = tpu.memref_slice %arg28[%dma_start3A_1725, %dma_start3A_1726] : memref<72x64xf32, #tpu.memory_space<vmem>> -> memref<8x64xf32, #tpu.memory_space<vmem>>
        %dma_start3A_1728 = arith.constant 0 : i32
        %dma_start3A_1729 = tpu.memref_slice %arg2[%add3A_1724, %dma_start3A_1728] : memref<527040x64xf32, #tpu.memory_space<hbm>> -> memref<8x64xf32, #tpu.memory_space<hbm>>
        %dma_start3A_1730 = arith.constant 64 : i32
        %dma_start3A_1731 = arith.constant 0 : i32
        %dma_start3A_1732 = tpu.memref_slice %arg28[%dma_start3A_1730, %dma_start3A_1731] : memref<72x64xf32, #tpu.memory_space<vmem>> -> memref<8x64xf32, #tpu.memory_space<vmem>>
        %dma_start3A_1733 = arith.constant 0 : i32
        %dma_start3A_1734 = tpu.memref_slice %arg2[%add3A_1724, %dma_start3A_1733] : memref<527040x64xf32, #tpu.memory_space<hbm>> -> memref<8x64xf32, #tpu.memory_space<hbm>>
        tpu.enqueue_dma source(%dma_start3A_1734 : memref<8x64xf32, #tpu.memory_space<hbm>>) target(%dma_start3A_1732 : memref<8x64xf32, #tpu.memory_space<vmem>>) target_semaphore(%arg11 : memref<!tpu.dma_semaphore, #tpu.memory_space<semaphore_mem>>)
      } else {
      }
      %add3A_766 = arith.constant 4 : i32
      %add3A_767 = arith.addi %mul3A_113, %add3A_766 : i32
      %jit3A_768 = arith.constant 16 : i32
      %div3A_769 = arith.divsi %add3A_767, %jit3A_768 : i32
      %sign3A_770 = arith.constant 0 : i32
      %sign3A_771 = arith.cmpi sgt, %add3A_767, %sign3A_770 : i32
      %sign3A_772 = arith.extui %sign3A_771 : i1 to i32
      %sign3A_773 = arith.constant 0 : i32
      %sign3A_774 = arith.cmpi slt, %add3A_767, %sign3A_773 : i32
      %sign3A_775 = arith.extui %sign3A_774 : i1 to i32
      %sign3A_776 = arith.subi %sign3A_772, %sign3A_775 : i32
      %sign3A_777 = arith.constant 0 : i32
      %sign3A_778 = arith.cmpi sgt, %jit3A_768, %sign3A_777 : i32
      %sign3A_779 = arith.extui %sign3A_778 : i1 to i32
      %sign3A_780 = arith.constant 0 : i32
      %sign3A_781 = arith.cmpi slt, %jit3A_768, %sign3A_780 : i32
      %sign3A_782 = arith.extui %sign3A_781 : i1 to i32
      %sign3A_783 = arith.subi %sign3A_779, %sign3A_782 : i32
      %ne3A_784 = arith.cmpi ne, %sign3A_776, %sign3A_783 : i32
      %rem3A_785 = arith.remsi %add3A_767, %jit3A_768 : i32
      %ne3A_786 = arith.constant 0 : i32
      %ne3A_787 = arith.cmpi ne, %rem3A_785, %ne3A_786 : i32
      %and3A_788 = arith.andi %ne3A_784, %ne3A_787 : i1
      %sub3A_789 = arith.constant 1 : i32
      %sub3A_790 = arith.subi %div3A_769, %sub3A_789 : i32
      %select_n3A_791 = arith.select %and3A_788, %sub3A_790, %div3A_769 : i32
      %mul3A_792 = arith.constant 16 : i32
      %mul3A_793 = arith.muli %select_n3A_791, %mul3A_792 : i32
      %multiple_of3A_794 = tpu.assume_multiple %mul3A_793, 16 : i32
      %get3A_795 = arith.index_cast %multiple_of3A_794 : i32 to index
      %get3A_796 = tpu.vector_load %arg7[%get3A_795] {strides = array<i32>} : memref<512xi32, #tpu.memory_space<vmem>>, vector<16xi32>,
      %jit3A_797 = arith.constant 16 : i32
      %eq3A_798 = arith.constant 0 : i32
      %eq3A_799 = arith.cmpi eq, %jit3A_797, %eq3A_798 : i32
      %jit3A_800 = arith.constant 1 : i32
      %select_n3A_801 = arith.select %eq3A_799, %jit3A_800, %jit3A_797 : i32
      %rem3A_802 = arith.remsi %add3A_767, %select_n3A_801 : i32
      %ne3A_803 = arith.constant 0 : i32
      %ne3A_804 = arith.cmpi ne, %rem3A_802, %ne3A_803 : i32
      %lt3A_805 = arith.constant 0 : i32
      %lt3A_806 = arith.cmpi slt, %rem3A_802, %lt3A_805 : i32
      %lt3A_807 = arith.constant 0 : i32
      %lt3A_808 = arith.cmpi slt, %select_n3A_801, %lt3A_807 : i32
      %ne3A_809 = arith.xori %lt3A_806, %lt3A_808 : i1
      %and3A_810 = arith.andi %ne3A_809, %ne3A_804 : i1
      %add3A_811 = arith.addi %rem3A_802, %select_n3A_801 : i32
      %select_n3A_812 = arith.select %and3A_810, %add3A_811, %rem3A_802 : i32
      %eq3A_813 = vector.broadcast %select_n3A_812 : i32 to vector<16xi32>
      %eq3A_814 = arith.cmpi eq, %iota3A, %eq3A_813 : vector<16xi32>
      %jit3A_815 = arith.constant 0 : i32
      %broadcast_in_dim3A_816 = vector.broadcast %jit3A_815 : i32 to vector<16xi32>
      %select_n3A_817 = arith.select %eq3A_814, %get3A_796, %broadcast_in_dim3A_816 : vector<16xi1>, vector<16xi32>
      %reduce_sum3A_818 = arith.constant true
      %reduce_sum3A_819 = vector.broadcast %reduce_sum3A_818 : i1 to vector<16xi1>
      %reduce_sum3A_820 = tpu.scan <sum>, %select_n3A_817 masked %reduce_sum3A_819 : vector<16xi32>, vector<16xi1> -> vector<16xi32>
      %reduce_sum3A_821 = vector.extract %reduce_sum3A_820[15] : i32 from vector<16xi32>
      %jit3A_822 = arith.constant 16 : i32
      %div3A_823 = arith.divsi %add3A_767, %jit3A_822 : i32
      %sign3A_824 = arith.constant 0 : i32
      %sign3A_825 = arith.cmpi sgt, %add3A_767, %sign3A_824 : i32
      %sign3A_826 = arith.extui %sign3A_825 : i1 to i32
      %sign3A_827 = arith.constant 0 : i32
      %sign3A_828 = arith.cmpi slt, %add3A_767, %sign3A_827 : i32
      %sign3A_829 = arith.extui %sign3A_828 : i1 to i32
      %sign3A_830 = arith.subi %sign3A_826, %sign3A_829 : i32
      %sign3A_831 = arith.constant 0 : i32
      %sign3A_832 = arith.cmpi sgt, %jit3A_822, %sign3A_831 : i32
      %sign3A_833 = arith.extui %sign3A_832 : i1 to i32
      %sign3A_834 = arith.constant 0 : i32
      %sign3A_835 = arith.cmpi slt, %jit3A_822, %sign3A_834 : i32
      %sign3A_836 = arith.extui %sign3A_835 : i1 to i32
      %sign3A_837 = arith.subi %sign3A_833, %sign3A_836 : i32
      %ne3A_838 = arith.cmpi ne, %sign3A_830, %sign3A_837 : i32
      %rem3A_839 = arith.remsi %add3A_767, %jit3A_822 : i32
      %ne3A_840 = arith.constant 0 : i32
      %ne3A_841 = arith.cmpi ne, %rem3A_839, %ne3A_840 : i32
      %and3A_842 = arith.andi %ne3A_838, %ne3A_841 : i1
      %sub3A_843 = arith.constant 1 : i32
      %sub3A_844 = arith.subi %div3A_823, %sub3A_843 : i32
      %select_n3A_845 = arith.select %and3A_842, %sub3A_844, %div3A_823 : i32
      %mul3A_846 = arith.constant 16 : i32
      %mul3A_847 = arith.muli %select_n3A_845, %mul3A_846 : i32
      %multiple_of3A_848 = tpu.assume_multiple %mul3A_847, 16 : i32
      %get3A_849 = arith.index_cast %multiple_of3A_848 : i32 to index
      %get3A_850 = tpu.vector_load %arg33[%get3A_849] {strides = array<i32>} : memref<512xi32, #tpu.memory_space<vmem>>, vector<16xi32>,
      %jit3A_851 = arith.constant 16 : i32
      %eq3A_852 = arith.constant 0 : i32
      %eq3A_853 = arith.cmpi eq, %jit3A_851, %eq3A_852 : i32
      %jit3A_854 = arith.constant 1 : i32
      %select_n3A_855 = arith.select %eq3A_853, %jit3A_854, %jit3A_851 : i32
      %rem3A_856 = arith.remsi %add3A_767, %select_n3A_855 : i32
      %ne3A_857 = arith.constant 0 : i32
      %ne3A_858 = arith.cmpi ne, %rem3A_856, %ne3A_857 : i32
      %lt3A_859 = arith.constant 0 : i32
      %lt3A_860 = arith.cmpi slt, %rem3A_856, %lt3A_859 : i32
      %lt3A_861 = arith.constant 0 : i32
      %lt3A_862 = arith.cmpi slt, %select_n3A_855, %lt3A_861 : i32
      %ne3A_863 = arith.xori %lt3A_860, %lt3A_862 : i1
      %and3A_864 = arith.andi %ne3A_863, %ne3A_858 : i1
      %add3A_865 = arith.addi %rem3A_856, %select_n3A_855 : i32
      %select_n3A_866 = arith.select %and3A_864, %add3A_865, %rem3A_856 : i32
      %eq3A_867 = vector.broadcast %select_n3A_866 : i32 to vector<16xi32>
      %eq3A_868 = arith.cmpi eq, %iota3A, %eq3A_867 : vector<16xi32>
      %jit3A_869 = arith.constant 0 : i32
      %broadcast_in_dim3A_870 = vector.broadcast %jit3A_869 : i32 to vector<16xi32>
      %select_n3A_871 = arith.select %eq3A_868, %get3A_850, %broadcast_in_dim3A_870 : vector<16xi1>, vector<16xi32>
      %reduce_sum3A_872 = arith.constant true
      %reduce_sum3A_873 = vector.broadcast %reduce_sum3A_872 : i1 to vector<16xi1>
      %reduce_sum3A_874 = tpu.scan <sum>, %select_n3A_871 masked %reduce_sum3A_873 : vector<16xi32>, vector<16xi1> -> vector<16xi32>
      %reduce_sum3A_875 = vector.extract %reduce_sum3A_874[15] : i32 from vector<16xi32>
      %sub3A_876 = arith.constant 64 : i32
      %sub3A_877 = arith.subi %reduce_sum3A_8, %sub3A_876 : i32
      %add3A_878 = arith.addi %reduce_sum3A_875, %sub3A_877 : i32
      %rem3A_879 = arith.constant 1440 : i32
      %rem3A_880 = arith.remsi %add3A_878, %rem3A_879 : i32
      %lt3A_881 = arith.constant 0 : i32
      %lt3A_882 = arith.cmpi slt, %rem3A_880, %lt3A_881 : i32
      %add3A_883 = arith.constant 1440 : i32
      %add3A_884 = arith.addi %rem3A_880, %add3A_883 : i32
      %select_n3A_885 = arith.select %lt3A_882, %add3A_884, %rem3A_880 : i32
      %jit3A_886 = arith.constant 8 : i32
      %div3A_887 = arith.divsi %select_n3A_885, %jit3A_886 : i32
      %sign3A_888 = arith.constant 0 : i32
      %sign3A_889 = arith.cmpi sgt, %select_n3A_885, %sign3A_888 : i32
      %sign3A_890 = arith.extui %sign3A_889 : i1 to i32
      %sign3A_891 = arith.constant 0 : i32
      %sign3A_892 = arith.cmpi slt, %select_n3A_885, %sign3A_891 : i32
      %sign3A_893 = arith.extui %sign3A_892 : i1 to i32
      %sign3A_894 = arith.subi %sign3A_890, %sign3A_893 : i32
      %sign3A_895 = arith.constant 0 : i32
      %sign3A_896 = arith.cmpi sgt, %jit3A_886, %sign3A_895 : i32
      %sign3A_897 = arith.extui %sign3A_896 : i1 to i32
      %sign3A_898 = arith.constant 0 : i32
      %sign3A_899 = arith.cmpi slt, %jit3A_886, %sign3A_898 : i32
      %sign3A_900 = arith.extui %sign3A_899 : i1 to i32
      %sign3A_901 = arith.subi %sign3A_897, %sign3A_900 : i32
      %ne3A_902 = arith.cmpi ne, %sign3A_894, %sign3A_901 : i32
      %rem3A_903 = arith.remsi %select_n3A_885, %jit3A_886 : i32
      %ne3A_904 = arith.constant 0 : i32
      %ne3A_905 = arith.cmpi ne, %rem3A_903, %ne3A_904 : i32
      %and3A_906 = arith.andi %ne3A_902, %ne3A_905 : i1
      %sub3A_907 = arith.constant 1 : i32
      %sub3A_908 = arith.subi %div3A_887, %sub3A_907 : i32
      %select_n3A_909 = arith.select %and3A_906, %sub3A_908, %div3A_887 : i32
      %mul3A_910 = arith.constant 8 : i32
      %mul3A_911 = arith.muli %select_n3A_909, %mul3A_910 : i32
      %sub3A_912 = arith.subi %select_n3A_885, %mul3A_911 : i32
      %mul3A_913 = arith.constant 1440 : i32
      %mul3A_914 = arith.muli %reduce_sum3A_821, %mul3A_913 : i32
      %gt3A_915 = arith.constant 0 : i32
      %gt3A_916 = arith.cmpi sgt, %scan3A_110, %gt3A_915 : i32
      %convert_element_type3A_917 = arith.extui %gt3A_916 : i1 to i32
      %cond3A_918 = arith.constant 0 : i32
      %cond3A_919 = arith.cmpi ne, %convert_element_type3A_917, %cond3A_918 : i32
      scf.if %cond3A_919 {
        %dma_wait3A_1574 = arith.constant 0 : i32
        %dma_wait3A_1575 = arith.constant 0 : i32
        %dma_wait3A_1576 = tpu.memref_slice %arg29[%dma_wait3A_1574, %dma_wait3A_1575] : memref<72x64xf32, #tpu.memory_space<vmem>> -> memref<64x64xf32, #tpu.memory_space<vmem>>
        %dma_wait3A_1577 = arith.constant 0 : i32
        %dma_wait3A_1578 = arith.constant 0 : i32
        %dma_wait3A_1579 = tpu.memref_slice %arg6[%dma_wait3A_1577, %dma_wait3A_1578] : memref<1048576x64xf32, #tpu.memory_space<hbm>> -> memref<64x64xf32, #tpu.memory_space<hbm>>
        %dma_wait3A_1580 = arith.constant 0 : i32
        %dma_wait3A_1581 = arith.constant 0 : i32
        %dma_wait3A_1582 = tpu.memref_slice %arg6[%dma_wait3A_1580, %dma_wait3A_1581] : memref<1048576x64xf32, #tpu.memory_space<hbm>> -> memref<64x64xf32, #tpu.memory_space<hbm>>
        %dma_wait3A_1583 = arith.constant 0 : i32
        %dma_wait3A_1584 = arith.constant 0 : i32
        %dma_wait3A_1585 = tpu.memref_slice %arg29[%dma_wait3A_1583, %dma_wait3A_1584] : memref<72x64xf32, #tpu.memory_space<vmem>> -> memref<64x64xf32, #tpu.memory_space<vmem>>
        tpu.wait_dma2 semaphore(%arg20 : memref<!tpu.dma_semaphore, #tpu.memory_space<semaphore_mem>>) src(%dma_wait3A_1585 : memref<64x64xf32, #tpu.memory_space<vmem>>) dst(%dma_wait3A_1582 : memref<64x64xf32, #tpu.memory_space<hbm>>)
      } else {
      }
      %add3A_920 = arith.constant 72 : i32
      %add3A_921 = arith.addi %mul3A_911, %add3A_920 : i32
      %le3A_922 = arith.constant 1440 : i32
      %le3A_923 = arith.cmpi sle, %add3A_921, %le3A_922 : i32
      %convert_element_type3A_924 = arith.extui %le3A_923 : i1 to i32
      %cond3A_925 = arith.constant 0 : i32
      %cond3A_926 = arith.cmpi ne, %convert_element_type3A_924, %cond3A_925 : i32
      scf.if %cond3A_926 {
        %add3A_1574 = arith.addi %mul3A_914, %mul3A_911 : i32
        %dma_start3A_1575 = arith.constant 0 : i32
        %dma_start3A_1576 = tpu.memref_slice %arg2[%add3A_1574, %dma_start3A_1575] : memref<527040x64xf32, #tpu.memory_space<hbm>> -> memref<72x64xf32, #tpu.memory_space<hbm>>
        %dma_start3A_1577 = arith.constant 0 : i32
        %dma_start3A_1578 = tpu.memref_slice %arg2[%add3A_1574, %dma_start3A_1577] : memref<527040x64xf32, #tpu.memory_space<hbm>> -> memref<72x64xf32, #tpu.memory_space<hbm>>
        tpu.enqueue_dma source(%dma_start3A_1578 : memref<72x64xf32, #tpu.memory_space<hbm>>) target(%arg29 : memref<72x64xf32, #tpu.memory_space<vmem>>) target_semaphore(%arg12 : memref<!tpu.dma_semaphore, #tpu.memory_space<semaphore_mem>>)
      } else {
      }
      %not3A_927 = arith.constant true
      %not3A_928 = arith.xori %le3A_923, %not3A_927 : i1
      %convert_element_type3A_929 = arith.extui %not3A_928 : i1 to i32
      %cond3A_930 = arith.constant 0 : i32
      %cond3A_931 = arith.cmpi ne, %convert_element_type3A_929, %cond3A_930 : i32
      scf.if %cond3A_931 {
        %add3A_1574 = arith.constant 0 : i32
        %add3A_1575 = arith.addi %mul3A_911, %add3A_1574 : i32
        %ge3A = arith.constant 1440 : i32
        %ge3A_1576 = arith.cmpi sge, %add3A_1575, %ge3A : i32
        %sub3A_1577 = arith.constant 1440 : i32
        %sub3A_1578 = arith.subi %add3A_1575, %sub3A_1577 : i32
        %select_n3A_1579 = arith.select %ge3A_1576, %sub3A_1578, %add3A_1575 : i32
        %add3A_1580 = arith.addi %mul3A_914, %select_n3A_1579 : i32
        %dma_start3A_1581 = arith.constant 0 : i32
        %dma_start3A_1582 = arith.constant 0 : i32
        %dma_start3A_1583 = tpu.memref_slice %arg29[%dma_start3A_1581, %dma_start3A_1582] : memref<72x64xf32, #tpu.memory_space<vmem>> -> memref<8x64xf32, #tpu.memory_space<vmem>>
        %dma_start3A_1584 = arith.constant 0 : i32
        %dma_start3A_1585 = tpu.memref_slice %arg2[%add3A_1580, %dma_start3A_1584] : memref<527040x64xf32, #tpu.memory_space<hbm>> -> memref<8x64xf32, #tpu.memory_space<hbm>>
        %dma_start3A_1586 = arith.constant 0 : i32
        %dma_start3A_1587 = arith.constant 0 : i32
        %dma_start3A_1588 = tpu.memref_slice %arg29[%dma_start3A_1586, %dma_start3A_1587] : memref<72x64xf32, #tpu.memory_space<vmem>> -> memref<8x64xf32, #tpu.memory_space<vmem>>
        %dma_start3A_1589 = arith.constant 0 : i32
        %dma_start3A_1590 = tpu.memref_slice %arg2[%add3A_1580, %dma_start3A_1589] : memref<527040x64xf32, #tpu.memory_space<hbm>> -> memref<8x64xf32, #tpu.memory_space<hbm>>
        tpu.enqueue_dma source(%dma_start3A_1590 : memref<8x64xf32, #tpu.memory_space<hbm>>) target(%dma_start3A_1588 : memref<8x64xf32, #tpu.memory_space<vmem>>) target_semaphore(%arg12 : memref<!tpu.dma_semaphore, #tpu.memory_space<semaphore_mem>>)
        %add3A_1591 = arith.constant 8 : i32
        %add3A_1592 = arith.addi %mul3A_911, %add3A_1591 : i32
        %ge3A_1593 = arith.constant 1440 : i32
        %ge3A_1594 = arith.cmpi sge, %add3A_1592, %ge3A_1593 : i32
        %sub3A_1595 = arith.constant 1440 : i32
        %sub3A_1596 = arith.subi %add3A_1592, %sub3A_1595 : i32
        %select_n3A_1597 = arith.select %ge3A_1594, %sub3A_1596, %add3A_1592 : i32
        %add3A_1598 = arith.addi %mul3A_914, %select_n3A_1597 : i32
        %dma_start3A_1599 = arith.constant 8 : i32
        %dma_start3A_1600 = arith.constant 0 : i32
        %dma_start3A_1601 = tpu.memref_slice %arg29[%dma_start3A_1599, %dma_start3A_1600] : memref<72x64xf32, #tpu.memory_space<vmem>> -> memref<8x64xf32, #tpu.memory_space<vmem>>
        %dma_start3A_1602 = arith.constant 0 : i32
        %dma_start3A_1603 = tpu.memref_slice %arg2[%add3A_1598, %dma_start3A_1602] : memref<527040x64xf32, #tpu.memory_space<hbm>> -> memref<8x64xf32, #tpu.memory_space<hbm>>
        %dma_start3A_1604 = arith.constant 8 : i32
        %dma_start3A_1605 = arith.constant 0 : i32
        %dma_start3A_1606 = tpu.memref_slice %arg29[%dma_start3A_1604, %dma_start3A_1605] : memref<72x64xf32, #tpu.memory_space<vmem>> -> memref<8x64xf32, #tpu.memory_space<vmem>>
        %dma_start3A_1607 = arith.constant 0 : i32
        %dma_start3A_1608 = tpu.memref_slice %arg2[%add3A_1598, %dma_start3A_1607] : memref<527040x64xf32, #tpu.memory_space<hbm>> -> memref<8x64xf32, #tpu.memory_space<hbm>>
        tpu.enqueue_dma source(%dma_start3A_1608 : memref<8x64xf32, #tpu.memory_space<hbm>>) target(%dma_start3A_1606 : memref<8x64xf32, #tpu.memory_space<vmem>>) target_semaphore(%arg12 : memref<!tpu.dma_semaphore, #tpu.memory_space<semaphore_mem>>)
        %add3A_1609 = arith.constant 16 : i32
        %add3A_1610 = arith.addi %mul3A_911, %add3A_1609 : i32
        %ge3A_1611 = arith.constant 1440 : i32
        %ge3A_1612 = arith.cmpi sge, %add3A_1610, %ge3A_1611 : i32
        %sub3A_1613 = arith.constant 1440 : i32
        %sub3A_1614 = arith.subi %add3A_1610, %sub3A_1613 : i32
        %select_n3A_1615 = arith.select %ge3A_1612, %sub3A_1614, %add3A_1610 : i32
        %add3A_1616 = arith.addi %mul3A_914, %select_n3A_1615 : i32
        %dma_start3A_1617 = arith.constant 16 : i32
        %dma_start3A_1618 = arith.constant 0 : i32
        %dma_start3A_1619 = tpu.memref_slice %arg29[%dma_start3A_1617, %dma_start3A_1618] : memref<72x64xf32, #tpu.memory_space<vmem>> -> memref<8x64xf32, #tpu.memory_space<vmem>>
        %dma_start3A_1620 = arith.constant 0 : i32
        %dma_start3A_1621 = tpu.memref_slice %arg2[%add3A_1616, %dma_start3A_1620] : memref<527040x64xf32, #tpu.memory_space<hbm>> -> memref<8x64xf32, #tpu.memory_space<hbm>>
        %dma_start3A_1622 = arith.constant 16 : i32
        %dma_start3A_1623 = arith.constant 0 : i32
        %dma_start3A_1624 = tpu.memref_slice %arg29[%dma_start3A_1622, %dma_start3A_1623] : memref<72x64xf32, #tpu.memory_space<vmem>> -> memref<8x64xf32, #tpu.memory_space<vmem>>
        %dma_start3A_1625 = arith.constant 0 : i32
        %dma_start3A_1626 = tpu.memref_slice %arg2[%add3A_1616, %dma_start3A_1625] : memref<527040x64xf32, #tpu.memory_space<hbm>> -> memref<8x64xf32, #tpu.memory_space<hbm>>
        tpu.enqueue_dma source(%dma_start3A_1626 : memref<8x64xf32, #tpu.memory_space<hbm>>) target(%dma_start3A_1624 : memref<8x64xf32, #tpu.memory_space<vmem>>) target_semaphore(%arg12 : memref<!tpu.dma_semaphore, #tpu.memory_space<semaphore_mem>>)
        %add3A_1627 = arith.constant 24 : i32
        %add3A_1628 = arith.addi %mul3A_911, %add3A_1627 : i32
        %ge3A_1629 = arith.constant 1440 : i32
        %ge3A_1630 = arith.cmpi sge, %add3A_1628, %ge3A_1629 : i32
        %sub3A_1631 = arith.constant 1440 : i32
        %sub3A_1632 = arith.subi %add3A_1628, %sub3A_1631 : i32
        %select_n3A_1633 = arith.select %ge3A_1630, %sub3A_1632, %add3A_1628 : i32
        %add3A_1634 = arith.addi %mul3A_914, %select_n3A_1633 : i32
        %dma_start3A_1635 = arith.constant 24 : i32
        %dma_start3A_1636 = arith.constant 0 : i32
        %dma_start3A_1637 = tpu.memref_slice %arg29[%dma_start3A_1635, %dma_start3A_1636] : memref<72x64xf32, #tpu.memory_space<vmem>> -> memref<8x64xf32, #tpu.memory_space<vmem>>
        %dma_start3A_1638 = arith.constant 0 : i32
        %dma_start3A_1639 = tpu.memref_slice %arg2[%add3A_1634, %dma_start3A_1638] : memref<527040x64xf32, #tpu.memory_space<hbm>> -> memref<8x64xf32, #tpu.memory_space<hbm>>
        %dma_start3A_1640 = arith.constant 24 : i32
        %dma_start3A_1641 = arith.constant 0 : i32
        %dma_start3A_1642 = tpu.memref_slice %arg29[%dma_start3A_1640, %dma_start3A_1641] : memref<72x64xf32, #tpu.memory_space<vmem>> -> memref<8x64xf32, #tpu.memory_space<vmem>>
        %dma_start3A_1643 = arith.constant 0 : i32
        %dma_start3A_1644 = tpu.memref_slice %arg2[%add3A_1634, %dma_start3A_1643] : memref<527040x64xf32, #tpu.memory_space<hbm>> -> memref<8x64xf32, #tpu.memory_space<hbm>>
        tpu.enqueue_dma source(%dma_start3A_1644 : memref<8x64xf32, #tpu.memory_space<hbm>>) target(%dma_start3A_1642 : memref<8x64xf32, #tpu.memory_space<vmem>>) target_semaphore(%arg12 : memref<!tpu.dma_semaphore, #tpu.memory_space<semaphore_mem>>)
        %add3A_1645 = arith.constant 32 : i32
        %add3A_1646 = arith.addi %mul3A_911, %add3A_1645 : i32
        %ge3A_1647 = arith.constant 1440 : i32
        %ge3A_1648 = arith.cmpi sge, %add3A_1646, %ge3A_1647 : i32
        %sub3A_1649 = arith.constant 1440 : i32
        %sub3A_1650 = arith.subi %add3A_1646, %sub3A_1649 : i32
        %select_n3A_1651 = arith.select %ge3A_1648, %sub3A_1650, %add3A_1646 : i32
        %add3A_1652 = arith.addi %mul3A_914, %select_n3A_1651 : i32
        %dma_start3A_1653 = arith.constant 32 : i32
        %dma_start3A_1654 = arith.constant 0 : i32
        %dma_start3A_1655 = tpu.memref_slice %arg29[%dma_start3A_1653, %dma_start3A_1654] : memref<72x64xf32, #tpu.memory_space<vmem>> -> memref<8x64xf32, #tpu.memory_space<vmem>>
        %dma_start3A_1656 = arith.constant 0 : i32
        %dma_start3A_1657 = tpu.memref_slice %arg2[%add3A_1652, %dma_start3A_1656] : memref<527040x64xf32, #tpu.memory_space<hbm>> -> memref<8x64xf32, #tpu.memory_space<hbm>>
        %dma_start3A_1658 = arith.constant 32 : i32
        %dma_start3A_1659 = arith.constant 0 : i32
        %dma_start3A_1660 = tpu.memref_slice %arg29[%dma_start3A_1658, %dma_start3A_1659] : memref<72x64xf32, #tpu.memory_space<vmem>> -> memref<8x64xf32, #tpu.memory_space<vmem>>
        %dma_start3A_1661 = arith.constant 0 : i32
        %dma_start3A_1662 = tpu.memref_slice %arg2[%add3A_1652, %dma_start3A_1661] : memref<527040x64xf32, #tpu.memory_space<hbm>> -> memref<8x64xf32, #tpu.memory_space<hbm>>
        tpu.enqueue_dma source(%dma_start3A_1662 : memref<8x64xf32, #tpu.memory_space<hbm>>) target(%dma_start3A_1660 : memref<8x64xf32, #tpu.memory_space<vmem>>) target_semaphore(%arg12 : memref<!tpu.dma_semaphore, #tpu.memory_space<semaphore_mem>>)
        %add3A_1663 = arith.constant 40 : i32
        %add3A_1664 = arith.addi %mul3A_911, %add3A_1663 : i32
        %ge3A_1665 = arith.constant 1440 : i32
        %ge3A_1666 = arith.cmpi sge, %add3A_1664, %ge3A_1665 : i32
        %sub3A_1667 = arith.constant 1440 : i32
        %sub3A_1668 = arith.subi %add3A_1664, %sub3A_1667 : i32
        %select_n3A_1669 = arith.select %ge3A_1666, %sub3A_1668, %add3A_1664 : i32
        %add3A_1670 = arith.addi %mul3A_914, %select_n3A_1669 : i32
        %dma_start3A_1671 = arith.constant 40 : i32
        %dma_start3A_1672 = arith.constant 0 : i32
        %dma_start3A_1673 = tpu.memref_slice %arg29[%dma_start3A_1671, %dma_start3A_1672] : memref<72x64xf32, #tpu.memory_space<vmem>> -> memref<8x64xf32, #tpu.memory_space<vmem>>
        %dma_start3A_1674 = arith.constant 0 : i32
        %dma_start3A_1675 = tpu.memref_slice %arg2[%add3A_1670, %dma_start3A_1674] : memref<527040x64xf32, #tpu.memory_space<hbm>> -> memref<8x64xf32, #tpu.memory_space<hbm>>
        %dma_start3A_1676 = arith.constant 40 : i32
        %dma_start3A_1677 = arith.constant 0 : i32
        %dma_start3A_1678 = tpu.memref_slice %arg29[%dma_start3A_1676, %dma_start3A_1677] : memref<72x64xf32, #tpu.memory_space<vmem>> -> memref<8x64xf32, #tpu.memory_space<vmem>>
        %dma_start3A_1679 = arith.constant 0 : i32
        %dma_start3A_1680 = tpu.memref_slice %arg2[%add3A_1670, %dma_start3A_1679] : memref<527040x64xf32, #tpu.memory_space<hbm>> -> memref<8x64xf32, #tpu.memory_space<hbm>>
        tpu.enqueue_dma source(%dma_start3A_1680 : memref<8x64xf32, #tpu.memory_space<hbm>>) target(%dma_start3A_1678 : memref<8x64xf32, #tpu.memory_space<vmem>>) target_semaphore(%arg12 : memref<!tpu.dma_semaphore, #tpu.memory_space<semaphore_mem>>)
        %add3A_1681 = arith.constant 48 : i32
        %add3A_1682 = arith.addi %mul3A_911, %add3A_1681 : i32
        %ge3A_1683 = arith.constant 1440 : i32
        %ge3A_1684 = arith.cmpi sge, %add3A_1682, %ge3A_1683 : i32
        %sub3A_1685 = arith.constant 1440 : i32
        %sub3A_1686 = arith.subi %add3A_1682, %sub3A_1685 : i32
        %select_n3A_1687 = arith.select %ge3A_1684, %sub3A_1686, %add3A_1682 : i32
        %add3A_1688 = arith.addi %mul3A_914, %select_n3A_1687 : i32
        %dma_start3A_1689 = arith.constant 48 : i32
        %dma_start3A_1690 = arith.constant 0 : i32
        %dma_start3A_1691 = tpu.memref_slice %arg29[%dma_start3A_1689, %dma_start3A_1690] : memref<72x64xf32, #tpu.memory_space<vmem>> -> memref<8x64xf32, #tpu.memory_space<vmem>>
        %dma_start3A_1692 = arith.constant 0 : i32
        %dma_start3A_1693 = tpu.memref_slice %arg2[%add3A_1688, %dma_start3A_1692] : memref<527040x64xf32, #tpu.memory_space<hbm>> -> memref<8x64xf32, #tpu.memory_space<hbm>>
        %dma_start3A_1694 = arith.constant 48 : i32
        %dma_start3A_1695 = arith.constant 0 : i32
        %dma_start3A_1696 = tpu.memref_slice %arg29[%dma_start3A_1694, %dma_start3A_1695] : memref<72x64xf32, #tpu.memory_space<vmem>> -> memref<8x64xf32, #tpu.memory_space<vmem>>
        %dma_start3A_1697 = arith.constant 0 : i32
        %dma_start3A_1698 = tpu.memref_slice %arg2[%add3A_1688, %dma_start3A_1697] : memref<527040x64xf32, #tpu.memory_space<hbm>> -> memref<8x64xf32, #tpu.memory_space<hbm>>
        tpu.enqueue_dma source(%dma_start3A_1698 : memref<8x64xf32, #tpu.memory_space<hbm>>) target(%dma_start3A_1696 : memref<8x64xf32, #tpu.memory_space<vmem>>) target_semaphore(%arg12 : memref<!tpu.dma_semaphore, #tpu.memory_space<semaphore_mem>>)
        %add3A_1699 = arith.constant 56 : i32
        %add3A_1700 = arith.addi %mul3A_911, %add3A_1699 : i32
        %ge3A_1701 = arith.constant 1440 : i32
        %ge3A_1702 = arith.cmpi sge, %add3A_1700, %ge3A_1701 : i32
        %sub3A_1703 = arith.constant 1440 : i32
        %sub3A_1704 = arith.subi %add3A_1700, %sub3A_1703 : i32
        %select_n3A_1705 = arith.select %ge3A_1702, %sub3A_1704, %add3A_1700 : i32
        %add3A_1706 = arith.addi %mul3A_914, %select_n3A_1705 : i32
        %dma_start3A_1707 = arith.constant 56 : i32
        %dma_start3A_1708 = arith.constant 0 : i32
        %dma_start3A_1709 = tpu.memref_slice %arg29[%dma_start3A_1707, %dma_start3A_1708] : memref<72x64xf32, #tpu.memory_space<vmem>> -> memref<8x64xf32, #tpu.memory_space<vmem>>
        %dma_start3A_1710 = arith.constant 0 : i32
        %dma_start3A_1711 = tpu.memref_slice %arg2[%add3A_1706, %dma_start3A_1710] : memref<527040x64xf32, #tpu.memory_space<hbm>> -> memref<8x64xf32, #tpu.memory_space<hbm>>
        %dma_start3A_1712 = arith.constant 56 : i32
        %dma_start3A_1713 = arith.constant 0 : i32
        %dma_start3A_1714 = tpu.memref_slice %arg29[%dma_start3A_1712, %dma_start3A_1713] : memref<72x64xf32, #tpu.memory_space<vmem>> -> memref<8x64xf32, #tpu.memory_space<vmem>>
        %dma_start3A_1715 = arith.constant 0 : i32
        %dma_start3A_1716 = tpu.memref_slice %arg2[%add3A_1706, %dma_start3A_1715] : memref<527040x64xf32, #tpu.memory_space<hbm>> -> memref<8x64xf32, #tpu.memory_space<hbm>>
        tpu.enqueue_dma source(%dma_start3A_1716 : memref<8x64xf32, #tpu.memory_space<hbm>>) target(%dma_start3A_1714 : memref<8x64xf32, #tpu.memory_space<vmem>>) target_semaphore(%arg12 : memref<!tpu.dma_semaphore, #tpu.memory_space<semaphore_mem>>)
        %add3A_1717 = arith.constant 64 : i32
        %add3A_1718 = arith.addi %mul3A_911, %add3A_1717 : i32
        %ge3A_1719 = arith.constant 1440 : i32
        %ge3A_1720 = arith.cmpi sge, %add3A_1718, %ge3A_1719 : i32
        %sub3A_1721 = arith.constant 1440 : i32
        %sub3A_1722 = arith.subi %add3A_1718, %sub3A_1721 : i32
        %select_n3A_1723 = arith.select %ge3A_1720, %sub3A_1722, %add3A_1718 : i32
        %add3A_1724 = arith.addi %mul3A_914, %select_n3A_1723 : i32
        %dma_start3A_1725 = arith.constant 64 : i32
        %dma_start3A_1726 = arith.constant 0 : i32
        %dma_start3A_1727 = tpu.memref_slice %arg29[%dma_start3A_1725, %dma_start3A_1726] : memref<72x64xf32, #tpu.memory_space<vmem>> -> memref<8x64xf32, #tpu.memory_space<vmem>>
        %dma_start3A_1728 = arith.constant 0 : i32
        %dma_start3A_1729 = tpu.memref_slice %arg2[%add3A_1724, %dma_start3A_1728] : memref<527040x64xf32, #tpu.memory_space<hbm>> -> memref<8x64xf32, #tpu.memory_space<hbm>>
        %dma_start3A_1730 = arith.constant 64 : i32
        %dma_start3A_1731 = arith.constant 0 : i32
        %dma_start3A_1732 = tpu.memref_slice %arg29[%dma_start3A_1730, %dma_start3A_1731] : memref<72x64xf32, #tpu.memory_space<vmem>> -> memref<8x64xf32, #tpu.memory_space<vmem>>
        %dma_start3A_1733 = arith.constant 0 : i32
        %dma_start3A_1734 = tpu.memref_slice %arg2[%add3A_1724, %dma_start3A_1733] : memref<527040x64xf32, #tpu.memory_space<hbm>> -> memref<8x64xf32, #tpu.memory_space<hbm>>
        tpu.enqueue_dma source(%dma_start3A_1734 : memref<8x64xf32, #tpu.memory_space<hbm>>) target(%dma_start3A_1732 : memref<8x64xf32, #tpu.memory_space<vmem>>) target_semaphore(%arg12 : memref<!tpu.dma_semaphore, #tpu.memory_space<semaphore_mem>>)
      } else {
      }
      %add3A_932 = arith.constant 5 : i32
      %add3A_933 = arith.addi %mul3A_113, %add3A_932 : i32
      %jit3A_934 = arith.constant 16 : i32
      %div3A_935 = arith.divsi %add3A_933, %jit3A_934 : i32
      %sign3A_936 = arith.constant 0 : i32
      %sign3A_937 = arith.cmpi sgt, %add3A_933, %sign3A_936 : i32
      %sign3A_938 = arith.extui %sign3A_937 : i1 to i32
      %sign3A_939 = arith.constant 0 : i32
      %sign3A_940 = arith.cmpi slt, %add3A_933, %sign3A_939 : i32
      %sign3A_941 = arith.extui %sign3A_940 : i1 to i32
      %sign3A_942 = arith.subi %sign3A_938, %sign3A_941 : i32
      %sign3A_943 = arith.constant 0 : i32
      %sign3A_944 = arith.cmpi sgt, %jit3A_934, %sign3A_943 : i32
      %sign3A_945 = arith.extui %sign3A_944 : i1 to i32
      %sign3A_946 = arith.constant 0 : i32
      %sign3A_947 = arith.cmpi slt, %jit3A_934, %sign3A_946 : i32
      %sign3A_948 = arith.extui %sign3A_947 : i1 to i32
      %sign3A_949 = arith.subi %sign3A_945, %sign3A_948 : i32
      %ne3A_950 = arith.cmpi ne, %sign3A_942, %sign3A_949 : i32
      %rem3A_951 = arith.remsi %add3A_933, %jit3A_934 : i32
      %ne3A_952 = arith.constant 0 : i32
      %ne3A_953 = arith.cmpi ne, %rem3A_951, %ne3A_952 : i32
      %and3A_954 = arith.andi %ne3A_950, %ne3A_953 : i1
      %sub3A_955 = arith.constant 1 : i32
      %sub3A_956 = arith.subi %div3A_935, %sub3A_955 : i32
      %select_n3A_957 = arith.select %and3A_954, %sub3A_956, %div3A_935 : i32
      %mul3A_958 = arith.constant 16 : i32
      %mul3A_959 = arith.muli %select_n3A_957, %mul3A_958 : i32
      %multiple_of3A_960 = tpu.assume_multiple %mul3A_959, 16 : i32
      %get3A_961 = arith.index_cast %multiple_of3A_960 : i32 to index
      %get3A_962 = tpu.vector_load %arg7[%get3A_961] {strides = array<i32>} : memref<512xi32, #tpu.memory_space<vmem>>, vector<16xi32>,
      %jit3A_963 = arith.constant 16 : i32
      %eq3A_964 = arith.constant 0 : i32
      %eq3A_965 = arith.cmpi eq, %jit3A_963, %eq3A_964 : i32
      %jit3A_966 = arith.constant 1 : i32
      %select_n3A_967 = arith.select %eq3A_965, %jit3A_966, %jit3A_963 : i32
      %rem3A_968 = arith.remsi %add3A_933, %select_n3A_967 : i32
      %ne3A_969 = arith.constant 0 : i32
      %ne3A_970 = arith.cmpi ne, %rem3A_968, %ne3A_969 : i32
      %lt3A_971 = arith.constant 0 : i32
      %lt3A_972 = arith.cmpi slt, %rem3A_968, %lt3A_971 : i32
      %lt3A_973 = arith.constant 0 : i32
      %lt3A_974 = arith.cmpi slt, %select_n3A_967, %lt3A_973 : i32
      %ne3A_975 = arith.xori %lt3A_972, %lt3A_974 : i1
      %and3A_976 = arith.andi %ne3A_975, %ne3A_970 : i1
      %add3A_977 = arith.addi %rem3A_968, %select_n3A_967 : i32
      %select_n3A_978 = arith.select %and3A_976, %add3A_977, %rem3A_968 : i32
      %eq3A_979 = vector.broadcast %select_n3A_978 : i32 to vector<16xi32>
      %eq3A_980 = arith.cmpi eq, %iota3A, %eq3A_979 : vector<16xi32>
      %jit3A_981 = arith.constant 0 : i32
      %broadcast_in_dim3A_982 = vector.broadcast %jit3A_981 : i32 to vector<16xi32>
      %select_n3A_983 = arith.select %eq3A_980, %get3A_962, %broadcast_in_dim3A_982 : vector<16xi1>, vector<16xi32>
      %reduce_sum3A_984 = arith.constant true
      %reduce_sum3A_985 = vector.broadcast %reduce_sum3A_984 : i1 to vector<16xi1>
      %reduce_sum3A_986 = tpu.scan <sum>, %select_n3A_983 masked %reduce_sum3A_985 : vector<16xi32>, vector<16xi1> -> vector<16xi32>
      %reduce_sum3A_987 = vector.extract %reduce_sum3A_986[15] : i32 from vector<16xi32>
      %jit3A_988 = arith.constant 16 : i32
      %div3A_989 = arith.divsi %add3A_933, %jit3A_988 : i32
      %sign3A_990 = arith.constant 0 : i32
      %sign3A_991 = arith.cmpi sgt, %add3A_933, %sign3A_990 : i32
      %sign3A_992 = arith.extui %sign3A_991 : i1 to i32
      %sign3A_993 = arith.constant 0 : i32
      %sign3A_994 = arith.cmpi slt, %add3A_933, %sign3A_993 : i32
      %sign3A_995 = arith.extui %sign3A_994 : i1 to i32
      %sign3A_996 = arith.subi %sign3A_992, %sign3A_995 : i32
      %sign3A_997 = arith.constant 0 : i32
      %sign3A_998 = arith.cmpi sgt, %jit3A_988, %sign3A_997 : i32
      %sign3A_999 = arith.extui %sign3A_998 : i1 to i32
      %sign3A_1000 = arith.constant 0 : i32
      %sign3A_1001 = arith.cmpi slt, %jit3A_988, %sign3A_1000 : i32
      %sign3A_1002 = arith.extui %sign3A_1001 : i1 to i32
      %sign3A_1003 = arith.subi %sign3A_999, %sign3A_1002 : i32
      %ne3A_1004 = arith.cmpi ne, %sign3A_996, %sign3A_1003 : i32
      %rem3A_1005 = arith.remsi %add3A_933, %jit3A_988 : i32
      %ne3A_1006 = arith.constant 0 : i32
      %ne3A_1007 = arith.cmpi ne, %rem3A_1005, %ne3A_1006 : i32
      %and3A_1008 = arith.andi %ne3A_1004, %ne3A_1007 : i1
      %sub3A_1009 = arith.constant 1 : i32
      %sub3A_1010 = arith.subi %div3A_989, %sub3A_1009 : i32
      %select_n3A_1011 = arith.select %and3A_1008, %sub3A_1010, %div3A_989 : i32
      %mul3A_1012 = arith.constant 16 : i32
      %mul3A_1013 = arith.muli %select_n3A_1011, %mul3A_1012 : i32
      %multiple_of3A_1014 = tpu.assume_multiple %mul3A_1013, 16 : i32
      %get3A_1015 = arith.index_cast %multiple_of3A_1014 : i32 to index
      %get3A_1016 = tpu.vector_load %arg33[%get3A_1015] {strides = array<i32>} : memref<512xi32, #tpu.memory_space<vmem>>, vector<16xi32>,
      %jit3A_1017 = arith.constant 16 : i32
      %eq3A_1018 = arith.constant 0 : i32
      %eq3A_1019 = arith.cmpi eq, %jit3A_1017, %eq3A_1018 : i32
      %jit3A_1020 = arith.constant 1 : i32
      %select_n3A_1021 = arith.select %eq3A_1019, %jit3A_1020, %jit3A_1017 : i32
      %rem3A_1022 = arith.remsi %add3A_933, %select_n3A_1021 : i32
      %ne3A_1023 = arith.constant 0 : i32
      %ne3A_1024 = arith.cmpi ne, %rem3A_1022, %ne3A_1023 : i32
      %lt3A_1025 = arith.constant 0 : i32
      %lt3A_1026 = arith.cmpi slt, %rem3A_1022, %lt3A_1025 : i32
      %lt3A_1027 = arith.constant 0 : i32
      %lt3A_1028 = arith.cmpi slt, %select_n3A_1021, %lt3A_1027 : i32
      %ne3A_1029 = arith.xori %lt3A_1026, %lt3A_1028 : i1
      %and3A_1030 = arith.andi %ne3A_1029, %ne3A_1024 : i1
      %add3A_1031 = arith.addi %rem3A_1022, %select_n3A_1021 : i32
      %select_n3A_1032 = arith.select %and3A_1030, %add3A_1031, %rem3A_1022 : i32
      %eq3A_1033 = vector.broadcast %select_n3A_1032 : i32 to vector<16xi32>
      %eq3A_1034 = arith.cmpi eq, %iota3A, %eq3A_1033 : vector<16xi32>
      %jit3A_1035 = arith.constant 0 : i32
      %broadcast_in_dim3A_1036 = vector.broadcast %jit3A_1035 : i32 to vector<16xi32>
      %select_n3A_1037 = arith.select %eq3A_1034, %get3A_1016, %broadcast_in_dim3A_1036 : vector<16xi1>, vector<16xi32>
      %reduce_sum3A_1038 = arith.constant true
      %reduce_sum3A_1039 = vector.broadcast %reduce_sum3A_1038 : i1 to vector<16xi1>
      %reduce_sum3A_1040 = tpu.scan <sum>, %select_n3A_1037 masked %reduce_sum3A_1039 : vector<16xi32>, vector<16xi1> -> vector<16xi32>
      %reduce_sum3A_1041 = vector.extract %reduce_sum3A_1040[15] : i32 from vector<16xi32>
      %sub3A_1042 = arith.constant 64 : i32
      %sub3A_1043 = arith.subi %reduce_sum3A_8, %sub3A_1042 : i32
      %add3A_1044 = arith.addi %reduce_sum3A_1041, %sub3A_1043 : i32
      %rem3A_1045 = arith.constant 1440 : i32
      %rem3A_1046 = arith.remsi %add3A_1044, %rem3A_1045 : i32
      %lt3A_1047 = arith.constant 0 : i32
      %lt3A_1048 = arith.cmpi slt, %rem3A_1046, %lt3A_1047 : i32
      %add3A_1049 = arith.constant 1440 : i32
      %add3A_1050 = arith.addi %rem3A_1046, %add3A_1049 : i32
      %select_n3A_1051 = arith.select %lt3A_1048, %add3A_1050, %rem3A_1046 : i32
      %jit3A_1052 = arith.constant 8 : i32
      %div3A_1053 = arith.divsi %select_n3A_1051, %jit3A_1052 : i32
      %sign3A_1054 = arith.constant 0 : i32
      %sign3A_1055 = arith.cmpi sgt, %select_n3A_1051, %sign3A_1054 : i32
      %sign3A_1056 = arith.extui %sign3A_1055 : i1 to i32
      %sign3A_1057 = arith.constant 0 : i32
      %sign3A_1058 = arith.cmpi slt, %select_n3A_1051, %sign3A_1057 : i32
      %sign3A_1059 = arith.extui %sign3A_1058 : i1 to i32
      %sign3A_1060 = arith.subi %sign3A_1056, %sign3A_1059 : i32
      %sign3A_1061 = arith.constant 0 : i32
      %sign3A_1062 = arith.cmpi sgt, %jit3A_1052, %sign3A_1061 : i32
      %sign3A_1063 = arith.extui %sign3A_1062 : i1 to i32
      %sign3A_1064 = arith.constant 0 : i32
      %sign3A_1065 = arith.cmpi slt, %jit3A_1052, %sign3A_1064 : i32
      %sign3A_1066 = arith.extui %sign3A_1065 : i1 to i32
      %sign3A_1067 = arith.subi %sign3A_1063, %sign3A_1066 : i32
      %ne3A_1068 = arith.cmpi ne, %sign3A_1060, %sign3A_1067 : i32
      %rem3A_1069 = arith.remsi %select_n3A_1051, %jit3A_1052 : i32
      %ne3A_1070 = arith.constant 0 : i32
      %ne3A_1071 = arith.cmpi ne, %rem3A_1069, %ne3A_1070 : i32
      %and3A_1072 = arith.andi %ne3A_1068, %ne3A_1071 : i1
      %sub3A_1073 = arith.constant 1 : i32
      %sub3A_1074 = arith.subi %div3A_1053, %sub3A_1073 : i32
      %select_n3A_1075 = arith.select %and3A_1072, %sub3A_1074, %div3A_1053 : i32
      %mul3A_1076 = arith.constant 8 : i32
      %mul3A_1077 = arith.muli %select_n3A_1075, %mul3A_1076 : i32
      %sub3A_1078 = arith.subi %select_n3A_1051, %mul3A_1077 : i32
      %mul3A_1079 = arith.constant 1440 : i32
      %mul3A_1080 = arith.muli %reduce_sum3A_987, %mul3A_1079 : i32
      %gt3A_1081 = arith.constant 0 : i32
      %gt3A_1082 = arith.cmpi sgt, %scan3A_110, %gt3A_1081 : i32
      %convert_element_type3A_1083 = arith.extui %gt3A_1082 : i1 to i32
      %cond3A_1084 = arith.constant 0 : i32
      %cond3A_1085 = arith.cmpi ne, %convert_element_type3A_1083, %cond3A_1084 : i32
      scf.if %cond3A_1085 {
        %dma_wait3A_1574 = arith.constant 0 : i32
        %dma_wait3A_1575 = arith.constant 0 : i32
        %dma_wait3A_1576 = tpu.memref_slice %arg30[%dma_wait3A_1574, %dma_wait3A_1575] : memref<72x64xf32, #tpu.memory_space<vmem>> -> memref<64x64xf32, #tpu.memory_space<vmem>>
        %dma_wait3A_1577 = arith.constant 0 : i32
        %dma_wait3A_1578 = arith.constant 0 : i32
        %dma_wait3A_1579 = tpu.memref_slice %arg6[%dma_wait3A_1577, %dma_wait3A_1578] : memref<1048576x64xf32, #tpu.memory_space<hbm>> -> memref<64x64xf32, #tpu.memory_space<hbm>>
        %dma_wait3A_1580 = arith.constant 0 : i32
        %dma_wait3A_1581 = arith.constant 0 : i32
        %dma_wait3A_1582 = tpu.memref_slice %arg6[%dma_wait3A_1580, %dma_wait3A_1581] : memref<1048576x64xf32, #tpu.memory_space<hbm>> -> memref<64x64xf32, #tpu.memory_space<hbm>>
        %dma_wait3A_1583 = arith.constant 0 : i32
        %dma_wait3A_1584 = arith.constant 0 : i32
        %dma_wait3A_1585 = tpu.memref_slice %arg30[%dma_wait3A_1583, %dma_wait3A_1584] : memref<72x64xf32, #tpu.memory_space<vmem>> -> memref<64x64xf32, #tpu.memory_space<vmem>>
        tpu.wait_dma2 semaphore(%arg21 : memref<!tpu.dma_semaphore, #tpu.memory_space<semaphore_mem>>) src(%dma_wait3A_1585 : memref<64x64xf32, #tpu.memory_space<vmem>>) dst(%dma_wait3A_1582 : memref<64x64xf32, #tpu.memory_space<hbm>>)
      } else {
      }
      %add3A_1086 = arith.constant 72 : i32
      %add3A_1087 = arith.addi %mul3A_1077, %add3A_1086 : i32
      %le3A_1088 = arith.constant 1440 : i32
      %le3A_1089 = arith.cmpi sle, %add3A_1087, %le3A_1088 : i32
      %convert_element_type3A_1090 = arith.extui %le3A_1089 : i1 to i32
      %cond3A_1091 = arith.constant 0 : i32
      %cond3A_1092 = arith.cmpi ne, %convert_element_type3A_1090, %cond3A_1091 : i32
      scf.if %cond3A_1092 {
        %add3A_1574 = arith.addi %mul3A_1080, %mul3A_1077 : i32
        %dma_start3A_1575 = arith.constant 0 : i32
        %dma_start3A_1576 = tpu.memref_slice %arg2[%add3A_1574, %dma_start3A_1575] : memref<527040x64xf32, #tpu.memory_space<hbm>> -> memref<72x64xf32, #tpu.memory_space<hbm>>
        %dma_start3A_1577 = arith.constant 0 : i32
        %dma_start3A_1578 = tpu.memref_slice %arg2[%add3A_1574, %dma_start3A_1577] : memref<527040x64xf32, #tpu.memory_space<hbm>> -> memref<72x64xf32, #tpu.memory_space<hbm>>
        tpu.enqueue_dma source(%dma_start3A_1578 : memref<72x64xf32, #tpu.memory_space<hbm>>) target(%arg30 : memref<72x64xf32, #tpu.memory_space<vmem>>) target_semaphore(%arg13 : memref<!tpu.dma_semaphore, #tpu.memory_space<semaphore_mem>>)
      } else {
      }
      %not3A_1093 = arith.constant true
      %not3A_1094 = arith.xori %le3A_1089, %not3A_1093 : i1
      %convert_element_type3A_1095 = arith.extui %not3A_1094 : i1 to i32
      %cond3A_1096 = arith.constant 0 : i32
      %cond3A_1097 = arith.cmpi ne, %convert_element_type3A_1095, %cond3A_1096 : i32
      scf.if %cond3A_1097 {
        %add3A_1574 = arith.constant 0 : i32
        %add3A_1575 = arith.addi %mul3A_1077, %add3A_1574 : i32
        %ge3A = arith.constant 1440 : i32
        %ge3A_1576 = arith.cmpi sge, %add3A_1575, %ge3A : i32
        %sub3A_1577 = arith.constant 1440 : i32
        %sub3A_1578 = arith.subi %add3A_1575, %sub3A_1577 : i32
        %select_n3A_1579 = arith.select %ge3A_1576, %sub3A_1578, %add3A_1575 : i32
        %add3A_1580 = arith.addi %mul3A_1080, %select_n3A_1579 : i32
        %dma_start3A_1581 = arith.constant 0 : i32
        %dma_start3A_1582 = arith.constant 0 : i32
        %dma_start3A_1583 = tpu.memref_slice %arg30[%dma_start3A_1581, %dma_start3A_1582] : memref<72x64xf32, #tpu.memory_space<vmem>> -> memref<8x64xf32, #tpu.memory_space<vmem>>
        %dma_start3A_1584 = arith.constant 0 : i32
        %dma_start3A_1585 = tpu.memref_slice %arg2[%add3A_1580, %dma_start3A_1584] : memref<527040x64xf32, #tpu.memory_space<hbm>> -> memref<8x64xf32, #tpu.memory_space<hbm>>
        %dma_start3A_1586 = arith.constant 0 : i32
        %dma_start3A_1587 = arith.constant 0 : i32
        %dma_start3A_1588 = tpu.memref_slice %arg30[%dma_start3A_1586, %dma_start3A_1587] : memref<72x64xf32, #tpu.memory_space<vmem>> -> memref<8x64xf32, #tpu.memory_space<vmem>>
        %dma_start3A_1589 = arith.constant 0 : i32
        %dma_start3A_1590 = tpu.memref_slice %arg2[%add3A_1580, %dma_start3A_1589] : memref<527040x64xf32, #tpu.memory_space<hbm>> -> memref<8x64xf32, #tpu.memory_space<hbm>>
        tpu.enqueue_dma source(%dma_start3A_1590 : memref<8x64xf32, #tpu.memory_space<hbm>>) target(%dma_start3A_1588 : memref<8x64xf32, #tpu.memory_space<vmem>>) target_semaphore(%arg13 : memref<!tpu.dma_semaphore, #tpu.memory_space<semaphore_mem>>)
        %add3A_1591 = arith.constant 8 : i32
        %add3A_1592 = arith.addi %mul3A_1077, %add3A_1591 : i32
        %ge3A_1593 = arith.constant 1440 : i32
        %ge3A_1594 = arith.cmpi sge, %add3A_1592, %ge3A_1593 : i32
        %sub3A_1595 = arith.constant 1440 : i32
        %sub3A_1596 = arith.subi %add3A_1592, %sub3A_1595 : i32
        %select_n3A_1597 = arith.select %ge3A_1594, %sub3A_1596, %add3A_1592 : i32
        %add3A_1598 = arith.addi %mul3A_1080, %select_n3A_1597 : i32
        %dma_start3A_1599 = arith.constant 8 : i32
        %dma_start3A_1600 = arith.constant 0 : i32
        %dma_start3A_1601 = tpu.memref_slice %arg30[%dma_start3A_1599, %dma_start3A_1600] : memref<72x64xf32, #tpu.memory_space<vmem>> -> memref<8x64xf32, #tpu.memory_space<vmem>>
        %dma_start3A_1602 = arith.constant 0 : i32
        %dma_start3A_1603 = tpu.memref_slice %arg2[%add3A_1598, %dma_start3A_1602] : memref<527040x64xf32, #tpu.memory_space<hbm>> -> memref<8x64xf32, #tpu.memory_space<hbm>>
        %dma_start3A_1604 = arith.constant 8 : i32
        %dma_start3A_1605 = arith.constant 0 : i32
        %dma_start3A_1606 = tpu.memref_slice %arg30[%dma_start3A_1604, %dma_start3A_1605] : memref<72x64xf32, #tpu.memory_space<vmem>> -> memref<8x64xf32, #tpu.memory_space<vmem>>
        %dma_start3A_1607 = arith.constant 0 : i32
        %dma_start3A_1608 = tpu.memref_slice %arg2[%add3A_1598, %dma_start3A_1607] : memref<527040x64xf32, #tpu.memory_space<hbm>> -> memref<8x64xf32, #tpu.memory_space<hbm>>
        tpu.enqueue_dma source(%dma_start3A_1608 : memref<8x64xf32, #tpu.memory_space<hbm>>) target(%dma_start3A_1606 : memref<8x64xf32, #tpu.memory_space<vmem>>) target_semaphore(%arg13 : memref<!tpu.dma_semaphore, #tpu.memory_space<semaphore_mem>>)
        %add3A_1609 = arith.constant 16 : i32
        %add3A_1610 = arith.addi %mul3A_1077, %add3A_1609 : i32
        %ge3A_1611 = arith.constant 1440 : i32
        %ge3A_1612 = arith.cmpi sge, %add3A_1610, %ge3A_1611 : i32
        %sub3A_1613 = arith.constant 1440 : i32
        %sub3A_1614 = arith.subi %add3A_1610, %sub3A_1613 : i32
        %select_n3A_1615 = arith.select %ge3A_1612, %sub3A_1614, %add3A_1610 : i32
        %add3A_1616 = arith.addi %mul3A_1080, %select_n3A_1615 : i32
        %dma_start3A_1617 = arith.constant 16 : i32
        %dma_start3A_1618 = arith.constant 0 : i32
        %dma_start3A_1619 = tpu.memref_slice %arg30[%dma_start3A_1617, %dma_start3A_1618] : memref<72x64xf32, #tpu.memory_space<vmem>> -> memref<8x64xf32, #tpu.memory_space<vmem>>
        %dma_start3A_1620 = arith.constant 0 : i32
        %dma_start3A_1621 = tpu.memref_slice %arg2[%add3A_1616, %dma_start3A_1620] : memref<527040x64xf32, #tpu.memory_space<hbm>> -> memref<8x64xf32, #tpu.memory_space<hbm>>
        %dma_start3A_1622 = arith.constant 16 : i32
        %dma_start3A_1623 = arith.constant 0 : i32
        %dma_start3A_1624 = tpu.memref_slice %arg30[%dma_start3A_1622, %dma_start3A_1623] : memref<72x64xf32, #tpu.memory_space<vmem>> -> memref<8x64xf32, #tpu.memory_space<vmem>>
        %dma_start3A_1625 = arith.constant 0 : i32
        %dma_start3A_1626 = tpu.memref_slice %arg2[%add3A_1616, %dma_start3A_1625] : memref<527040x64xf32, #tpu.memory_space<hbm>> -> memref<8x64xf32, #tpu.memory_space<hbm>>
        tpu.enqueue_dma source(%dma_start3A_1626 : memref<8x64xf32, #tpu.memory_space<hbm>>) target(%dma_start3A_1624 : memref<8x64xf32, #tpu.memory_space<vmem>>) target_semaphore(%arg13 : memref<!tpu.dma_semaphore, #tpu.memory_space<semaphore_mem>>)
        %add3A_1627 = arith.constant 24 : i32
        %add3A_1628 = arith.addi %mul3A_1077, %add3A_1627 : i32
        %ge3A_1629 = arith.constant 1440 : i32
        %ge3A_1630 = arith.cmpi sge, %add3A_1628, %ge3A_1629 : i32
        %sub3A_1631 = arith.constant 1440 : i32
        %sub3A_1632 = arith.subi %add3A_1628, %sub3A_1631 : i32
        %select_n3A_1633 = arith.select %ge3A_1630, %sub3A_1632, %add3A_1628 : i32
        %add3A_1634 = arith.addi %mul3A_1080, %select_n3A_1633 : i32
        %dma_start3A_1635 = arith.constant 24 : i32
        %dma_start3A_1636 = arith.constant 0 : i32
        %dma_start3A_1637 = tpu.memref_slice %arg30[%dma_start3A_1635, %dma_start3A_1636] : memref<72x64xf32, #tpu.memory_space<vmem>> -> memref<8x64xf32, #tpu.memory_space<vmem>>
        %dma_start3A_1638 = arith.constant 0 : i32
        %dma_start3A_1639 = tpu.memref_slice %arg2[%add3A_1634, %dma_start3A_1638] : memref<527040x64xf32, #tpu.memory_space<hbm>> -> memref<8x64xf32, #tpu.memory_space<hbm>>
        %dma_start3A_1640 = arith.constant 24 : i32
        %dma_start3A_1641 = arith.constant 0 : i32
        %dma_start3A_1642 = tpu.memref_slice %arg30[%dma_start3A_1640, %dma_start3A_1641] : memref<72x64xf32, #tpu.memory_space<vmem>> -> memref<8x64xf32, #tpu.memory_space<vmem>>
        %dma_start3A_1643 = arith.constant 0 : i32
        %dma_start3A_1644 = tpu.memref_slice %arg2[%add3A_1634, %dma_start3A_1643] : memref<527040x64xf32, #tpu.memory_space<hbm>> -> memref<8x64xf32, #tpu.memory_space<hbm>>
        tpu.enqueue_dma source(%dma_start3A_1644 : memref<8x64xf32, #tpu.memory_space<hbm>>) target(%dma_start3A_1642 : memref<8x64xf32, #tpu.memory_space<vmem>>) target_semaphore(%arg13 : memref<!tpu.dma_semaphore, #tpu.memory_space<semaphore_mem>>)
        %add3A_1645 = arith.constant 32 : i32
        %add3A_1646 = arith.addi %mul3A_1077, %add3A_1645 : i32
        %ge3A_1647 = arith.constant 1440 : i32
        %ge3A_1648 = arith.cmpi sge, %add3A_1646, %ge3A_1647 : i32
        %sub3A_1649 = arith.constant 1440 : i32
        %sub3A_1650 = arith.subi %add3A_1646, %sub3A_1649 : i32
        %select_n3A_1651 = arith.select %ge3A_1648, %sub3A_1650, %add3A_1646 : i32
        %add3A_1652 = arith.addi %mul3A_1080, %select_n3A_1651 : i32
        %dma_start3A_1653 = arith.constant 32 : i32
        %dma_start3A_1654 = arith.constant 0 : i32
        %dma_start3A_1655 = tpu.memref_slice %arg30[%dma_start3A_1653, %dma_start3A_1654] : memref<72x64xf32, #tpu.memory_space<vmem>> -> memref<8x64xf32, #tpu.memory_space<vmem>>
        %dma_start3A_1656 = arith.constant 0 : i32
        %dma_start3A_1657 = tpu.memref_slice %arg2[%add3A_1652, %dma_start3A_1656] : memref<527040x64xf32, #tpu.memory_space<hbm>> -> memref<8x64xf32, #tpu.memory_space<hbm>>
        %dma_start3A_1658 = arith.constant 32 : i32
        %dma_start3A_1659 = arith.constant 0 : i32
        %dma_start3A_1660 = tpu.memref_slice %arg30[%dma_start3A_1658, %dma_start3A_1659] : memref<72x64xf32, #tpu.memory_space<vmem>> -> memref<8x64xf32, #tpu.memory_space<vmem>>
        %dma_start3A_1661 = arith.constant 0 : i32
        %dma_start3A_1662 = tpu.memref_slice %arg2[%add3A_1652, %dma_start3A_1661] : memref<527040x64xf32, #tpu.memory_space<hbm>> -> memref<8x64xf32, #tpu.memory_space<hbm>>
        tpu.enqueue_dma source(%dma_start3A_1662 : memref<8x64xf32, #tpu.memory_space<hbm>>) target(%dma_start3A_1660 : memref<8x64xf32, #tpu.memory_space<vmem>>) target_semaphore(%arg13 : memref<!tpu.dma_semaphore, #tpu.memory_space<semaphore_mem>>)
        %add3A_1663 = arith.constant 40 : i32
        %add3A_1664 = arith.addi %mul3A_1077, %add3A_1663 : i32
        %ge3A_1665 = arith.constant 1440 : i32
        %ge3A_1666 = arith.cmpi sge, %add3A_1664, %ge3A_1665 : i32
        %sub3A_1667 = arith.constant 1440 : i32
        %sub3A_1668 = arith.subi %add3A_1664, %sub3A_1667 : i32
        %select_n3A_1669 = arith.select %ge3A_1666, %sub3A_1668, %add3A_1664 : i32
        %add3A_1670 = arith.addi %mul3A_1080, %select_n3A_1669 : i32
        %dma_start3A_1671 = arith.constant 40 : i32
        %dma_start3A_1672 = arith.constant 0 : i32
        %dma_start3A_1673 = tpu.memref_slice %arg30[%dma_start3A_1671, %dma_start3A_1672] : memref<72x64xf32, #tpu.memory_space<vmem>> -> memref<8x64xf32, #tpu.memory_space<vmem>>
        %dma_start3A_1674 = arith.constant 0 : i32
        %dma_start3A_1675 = tpu.memref_slice %arg2[%add3A_1670, %dma_start3A_1674] : memref<527040x64xf32, #tpu.memory_space<hbm>> -> memref<8x64xf32, #tpu.memory_space<hbm>>
        %dma_start3A_1676 = arith.constant 40 : i32
        %dma_start3A_1677 = arith.constant 0 : i32
        %dma_start3A_1678 = tpu.memref_slice %arg30[%dma_start3A_1676, %dma_start3A_1677] : memref<72x64xf32, #tpu.memory_space<vmem>> -> memref<8x64xf32, #tpu.memory_space<vmem>>
        %dma_start3A_1679 = arith.constant 0 : i32
        %dma_start3A_1680 = tpu.memref_slice %arg2[%add3A_1670, %dma_start3A_1679] : memref<527040x64xf32, #tpu.memory_space<hbm>> -> memref<8x64xf32, #tpu.memory_space<hbm>>
        tpu.enqueue_dma source(%dma_start3A_1680 : memref<8x64xf32, #tpu.memory_space<hbm>>) target(%dma_start3A_1678 : memref<8x64xf32, #tpu.memory_space<vmem>>) target_semaphore(%arg13 : memref<!tpu.dma_semaphore, #tpu.memory_space<semaphore_mem>>)
        %add3A_1681 = arith.constant 48 : i32
        %add3A_1682 = arith.addi %mul3A_1077, %add3A_1681 : i32
        %ge3A_1683 = arith.constant 1440 : i32
        %ge3A_1684 = arith.cmpi sge, %add3A_1682, %ge3A_1683 : i32
        %sub3A_1685 = arith.constant 1440 : i32
        %sub3A_1686 = arith.subi %add3A_1682, %sub3A_1685 : i32
        %select_n3A_1687 = arith.select %ge3A_1684, %sub3A_1686, %add3A_1682 : i32
        %add3A_1688 = arith.addi %mul3A_1080, %select_n3A_1687 : i32
        %dma_start3A_1689 = arith.constant 48 : i32
        %dma_start3A_1690 = arith.constant 0 : i32
        %dma_start3A_1691 = tpu.memref_slice %arg30[%dma_start3A_1689, %dma_start3A_1690] : memref<72x64xf32, #tpu.memory_space<vmem>> -> memref<8x64xf32, #tpu.memory_space<vmem>>
        %dma_start3A_1692 = arith.constant 0 : i32
        %dma_start3A_1693 = tpu.memref_slice %arg2[%add3A_1688, %dma_start3A_1692] : memref<527040x64xf32, #tpu.memory_space<hbm>> -> memref<8x64xf32, #tpu.memory_space<hbm>>
        %dma_start3A_1694 = arith.constant 48 : i32
        %dma_start3A_1695 = arith.constant 0 : i32
        %dma_start3A_1696 = tpu.memref_slice %arg30[%dma_start3A_1694, %dma_start3A_1695] : memref<72x64xf32, #tpu.memory_space<vmem>> -> memref<8x64xf32, #tpu.memory_space<vmem>>
        %dma_start3A_1697 = arith.constant 0 : i32
        %dma_start3A_1698 = tpu.memref_slice %arg2[%add3A_1688, %dma_start3A_1697] : memref<527040x64xf32, #tpu.memory_space<hbm>> -> memref<8x64xf32, #tpu.memory_space<hbm>>
        tpu.enqueue_dma source(%dma_start3A_1698 : memref<8x64xf32, #tpu.memory_space<hbm>>) target(%dma_start3A_1696 : memref<8x64xf32, #tpu.memory_space<vmem>>) target_semaphore(%arg13 : memref<!tpu.dma_semaphore, #tpu.memory_space<semaphore_mem>>)
        %add3A_1699 = arith.constant 56 : i32
        %add3A_1700 = arith.addi %mul3A_1077, %add3A_1699 : i32
        %ge3A_1701 = arith.constant 1440 : i32
        %ge3A_1702 = arith.cmpi sge, %add3A_1700, %ge3A_1701 : i32
        %sub3A_1703 = arith.constant 1440 : i32
        %sub3A_1704 = arith.subi %add3A_1700, %sub3A_1703 : i32
        %select_n3A_1705 = arith.select %ge3A_1702, %sub3A_1704, %add3A_1700 : i32
        %add3A_1706 = arith.addi %mul3A_1080, %select_n3A_1705 : i32
        %dma_start3A_1707 = arith.constant 56 : i32
        %dma_start3A_1708 = arith.constant 0 : i32
        %dma_start3A_1709 = tpu.memref_slice %arg30[%dma_start3A_1707, %dma_start3A_1708] : memref<72x64xf32, #tpu.memory_space<vmem>> -> memref<8x64xf32, #tpu.memory_space<vmem>>
        %dma_start3A_1710 = arith.constant 0 : i32
        %dma_start3A_1711 = tpu.memref_slice %arg2[%add3A_1706, %dma_start3A_1710] : memref<527040x64xf32, #tpu.memory_space<hbm>> -> memref<8x64xf32, #tpu.memory_space<hbm>>
        %dma_start3A_1712 = arith.constant 56 : i32
        %dma_start3A_1713 = arith.constant 0 : i32
        %dma_start3A_1714 = tpu.memref_slice %arg30[%dma_start3A_1712, %dma_start3A_1713] : memref<72x64xf32, #tpu.memory_space<vmem>> -> memref<8x64xf32, #tpu.memory_space<vmem>>
        %dma_start3A_1715 = arith.constant 0 : i32
        %dma_start3A_1716 = tpu.memref_slice %arg2[%add3A_1706, %dma_start3A_1715] : memref<527040x64xf32, #tpu.memory_space<hbm>> -> memref<8x64xf32, #tpu.memory_space<hbm>>
        tpu.enqueue_dma source(%dma_start3A_1716 : memref<8x64xf32, #tpu.memory_space<hbm>>) target(%dma_start3A_1714 : memref<8x64xf32, #tpu.memory_space<vmem>>) target_semaphore(%arg13 : memref<!tpu.dma_semaphore, #tpu.memory_space<semaphore_mem>>)
        %add3A_1717 = arith.constant 64 : i32
        %add3A_1718 = arith.addi %mul3A_1077, %add3A_1717 : i32
        %ge3A_1719 = arith.constant 1440 : i32
        %ge3A_1720 = arith.cmpi sge, %add3A_1718, %ge3A_1719 : i32
        %sub3A_1721 = arith.constant 1440 : i32
        %sub3A_1722 = arith.subi %add3A_1718, %sub3A_1721 : i32
        %select_n3A_1723 = arith.select %ge3A_1720, %sub3A_1722, %add3A_1718 : i32
        %add3A_1724 = arith.addi %mul3A_1080, %select_n3A_1723 : i32
        %dma_start3A_1725 = arith.constant 64 : i32
        %dma_start3A_1726 = arith.constant 0 : i32
        %dma_start3A_1727 = tpu.memref_slice %arg30[%dma_start3A_1725, %dma_start3A_1726] : memref<72x64xf32, #tpu.memory_space<vmem>> -> memref<8x64xf32, #tpu.memory_space<vmem>>
        %dma_start3A_1728 = arith.constant 0 : i32
        %dma_start3A_1729 = tpu.memref_slice %arg2[%add3A_1724, %dma_start3A_1728] : memref<527040x64xf32, #tpu.memory_space<hbm>> -> memref<8x64xf32, #tpu.memory_space<hbm>>
        %dma_start3A_1730 = arith.constant 64 : i32
        %dma_start3A_1731 = arith.constant 0 : i32
        %dma_start3A_1732 = tpu.memref_slice %arg30[%dma_start3A_1730, %dma_start3A_1731] : memref<72x64xf32, #tpu.memory_space<vmem>> -> memref<8x64xf32, #tpu.memory_space<vmem>>
        %dma_start3A_1733 = arith.constant 0 : i32
        %dma_start3A_1734 = tpu.memref_slice %arg2[%add3A_1724, %dma_start3A_1733] : memref<527040x64xf32, #tpu.memory_space<hbm>> -> memref<8x64xf32, #tpu.memory_space<hbm>>
        tpu.enqueue_dma source(%dma_start3A_1734 : memref<8x64xf32, #tpu.memory_space<hbm>>) target(%dma_start3A_1732 : memref<8x64xf32, #tpu.memory_space<vmem>>) target_semaphore(%arg13 : memref<!tpu.dma_semaphore, #tpu.memory_space<semaphore_mem>>)
      } else {
      }
      %add3A_1098 = arith.constant 6 : i32
      %add3A_1099 = arith.addi %mul3A_113, %add3A_1098 : i32
      %jit3A_1100 = arith.constant 16 : i32
      %div3A_1101 = arith.divsi %add3A_1099, %jit3A_1100 : i32
      %sign3A_1102 = arith.constant 0 : i32
      %sign3A_1103 = arith.cmpi sgt, %add3A_1099, %sign3A_1102 : i32
      %sign3A_1104 = arith.extui %sign3A_1103 : i1 to i32
      %sign3A_1105 = arith.constant 0 : i32
      %sign3A_1106 = arith.cmpi slt, %add3A_1099, %sign3A_1105 : i32
      %sign3A_1107 = arith.extui %sign3A_1106 : i1 to i32
      %sign3A_1108 = arith.subi %sign3A_1104, %sign3A_1107 : i32
      %sign3A_1109 = arith.constant 0 : i32
      %sign3A_1110 = arith.cmpi sgt, %jit3A_1100, %sign3A_1109 : i32
      %sign3A_1111 = arith.extui %sign3A_1110 : i1 to i32
      %sign3A_1112 = arith.constant 0 : i32
      %sign3A_1113 = arith.cmpi slt, %jit3A_1100, %sign3A_1112 : i32
      %sign3A_1114 = arith.extui %sign3A_1113 : i1 to i32
      %sign3A_1115 = arith.subi %sign3A_1111, %sign3A_1114 : i32
      %ne3A_1116 = arith.cmpi ne, %sign3A_1108, %sign3A_1115 : i32
      %rem3A_1117 = arith.remsi %add3A_1099, %jit3A_1100 : i32
      %ne3A_1118 = arith.constant 0 : i32
      %ne3A_1119 = arith.cmpi ne, %rem3A_1117, %ne3A_1118 : i32
      %and3A_1120 = arith.andi %ne3A_1116, %ne3A_1119 : i1
      %sub3A_1121 = arith.constant 1 : i32
      %sub3A_1122 = arith.subi %div3A_1101, %sub3A_1121 : i32
      %select_n3A_1123 = arith.select %and3A_1120, %sub3A_1122, %div3A_1101 : i32
      %mul3A_1124 = arith.constant 16 : i32
      %mul3A_1125 = arith.muli %select_n3A_1123, %mul3A_1124 : i32
      %multiple_of3A_1126 = tpu.assume_multiple %mul3A_1125, 16 : i32
      %get3A_1127 = arith.index_cast %multiple_of3A_1126 : i32 to index
      %get3A_1128 = tpu.vector_load %arg7[%get3A_1127] {strides = array<i32>} : memref<512xi32, #tpu.memory_space<vmem>>, vector<16xi32>,
      %jit3A_1129 = arith.constant 16 : i32
      %eq3A_1130 = arith.constant 0 : i32
      %eq3A_1131 = arith.cmpi eq, %jit3A_1129, %eq3A_1130 : i32
      %jit3A_1132 = arith.constant 1 : i32
      %select_n3A_1133 = arith.select %eq3A_1131, %jit3A_1132, %jit3A_1129 : i32
      %rem3A_1134 = arith.remsi %add3A_1099, %select_n3A_1133 : i32
      %ne3A_1135 = arith.constant 0 : i32
      %ne3A_1136 = arith.cmpi ne, %rem3A_1134, %ne3A_1135 : i32
      %lt3A_1137 = arith.constant 0 : i32
      %lt3A_1138 = arith.cmpi slt, %rem3A_1134, %lt3A_1137 : i32
      %lt3A_1139 = arith.constant 0 : i32
      %lt3A_1140 = arith.cmpi slt, %select_n3A_1133, %lt3A_1139 : i32
      %ne3A_1141 = arith.xori %lt3A_1138, %lt3A_1140 : i1
      %and3A_1142 = arith.andi %ne3A_1141, %ne3A_1136 : i1
      %add3A_1143 = arith.addi %rem3A_1134, %select_n3A_1133 : i32
      %select_n3A_1144 = arith.select %and3A_1142, %add3A_1143, %rem3A_1134 : i32
      %eq3A_1145 = vector.broadcast %select_n3A_1144 : i32 to vector<16xi32>
      %eq3A_1146 = arith.cmpi eq, %iota3A, %eq3A_1145 : vector<16xi32>
      %jit3A_1147 = arith.constant 0 : i32
      %broadcast_in_dim3A_1148 = vector.broadcast %jit3A_1147 : i32 to vector<16xi32>
      %select_n3A_1149 = arith.select %eq3A_1146, %get3A_1128, %broadcast_in_dim3A_1148 : vector<16xi1>, vector<16xi32>
      %reduce_sum3A_1150 = arith.constant true
      %reduce_sum3A_1151 = vector.broadcast %reduce_sum3A_1150 : i1 to vector<16xi1>
      %reduce_sum3A_1152 = tpu.scan <sum>, %select_n3A_1149 masked %reduce_sum3A_1151 : vector<16xi32>, vector<16xi1> -> vector<16xi32>
      %reduce_sum3A_1153 = vector.extract %reduce_sum3A_1152[15] : i32 from vector<16xi32>
      %jit3A_1154 = arith.constant 16 : i32
      %div3A_1155 = arith.divsi %add3A_1099, %jit3A_1154 : i32
      %sign3A_1156 = arith.constant 0 : i32
      %sign3A_1157 = arith.cmpi sgt, %add3A_1099, %sign3A_1156 : i32
      %sign3A_1158 = arith.extui %sign3A_1157 : i1 to i32
      %sign3A_1159 = arith.constant 0 : i32
      %sign3A_1160 = arith.cmpi slt, %add3A_1099, %sign3A_1159 : i32
      %sign3A_1161 = arith.extui %sign3A_1160 : i1 to i32
      %sign3A_1162 = arith.subi %sign3A_1158, %sign3A_1161 : i32
      %sign3A_1163 = arith.constant 0 : i32
      %sign3A_1164 = arith.cmpi sgt, %jit3A_1154, %sign3A_1163 : i32
      %sign3A_1165 = arith.extui %sign3A_1164 : i1 to i32
      %sign3A_1166 = arith.constant 0 : i32
      %sign3A_1167 = arith.cmpi slt, %jit3A_1154, %sign3A_1166 : i32
      %sign3A_1168 = arith.extui %sign3A_1167 : i1 to i32
      %sign3A_1169 = arith.subi %sign3A_1165, %sign3A_1168 : i32
      %ne3A_1170 = arith.cmpi ne, %sign3A_1162, %sign3A_1169 : i32
      %rem3A_1171 = arith.remsi %add3A_1099, %jit3A_1154 : i32
      %ne3A_1172 = arith.constant 0 : i32
      %ne3A_1173 = arith.cmpi ne, %rem3A_1171, %ne3A_1172 : i32
      %and3A_1174 = arith.andi %ne3A_1170, %ne3A_1173 : i1
      %sub3A_1175 = arith.constant 1 : i32
      %sub3A_1176 = arith.subi %div3A_1155, %sub3A_1175 : i32
      %select_n3A_1177 = arith.select %and3A_1174, %sub3A_1176, %div3A_1155 : i32
      %mul3A_1178 = arith.constant 16 : i32
      %mul3A_1179 = arith.muli %select_n3A_1177, %mul3A_1178 : i32
      %multiple_of3A_1180 = tpu.assume_multiple %mul3A_1179, 16 : i32
      %get3A_1181 = arith.index_cast %multiple_of3A_1180 : i32 to index
      %get3A_1182 = tpu.vector_load %arg33[%get3A_1181] {strides = array<i32>} : memref<512xi32, #tpu.memory_space<vmem>>, vector<16xi32>,
      %jit3A_1183 = arith.constant 16 : i32
      %eq3A_1184 = arith.constant 0 : i32
      %eq3A_1185 = arith.cmpi eq, %jit3A_1183, %eq3A_1184 : i32
      %jit3A_1186 = arith.constant 1 : i32
      %select_n3A_1187 = arith.select %eq3A_1185, %jit3A_1186, %jit3A_1183 : i32
      %rem3A_1188 = arith.remsi %add3A_1099, %select_n3A_1187 : i32
      %ne3A_1189 = arith.constant 0 : i32
      %ne3A_1190 = arith.cmpi ne, %rem3A_1188, %ne3A_1189 : i32
      %lt3A_1191 = arith.constant 0 : i32
      %lt3A_1192 = arith.cmpi slt, %rem3A_1188, %lt3A_1191 : i32
      %lt3A_1193 = arith.constant 0 : i32
      %lt3A_1194 = arith.cmpi slt, %select_n3A_1187, %lt3A_1193 : i32
      %ne3A_1195 = arith.xori %lt3A_1192, %lt3A_1194 : i1
      %and3A_1196 = arith.andi %ne3A_1195, %ne3A_1190 : i1
      %add3A_1197 = arith.addi %rem3A_1188, %select_n3A_1187 : i32
      %select_n3A_1198 = arith.select %and3A_1196, %add3A_1197, %rem3A_1188 : i32
      %eq3A_1199 = vector.broadcast %select_n3A_1198 : i32 to vector<16xi32>
      %eq3A_1200 = arith.cmpi eq, %iota3A, %eq3A_1199 : vector<16xi32>
      %jit3A_1201 = arith.constant 0 : i32
      %broadcast_in_dim3A_1202 = vector.broadcast %jit3A_1201 : i32 to vector<16xi32>
      %select_n3A_1203 = arith.select %eq3A_1200, %get3A_1182, %broadcast_in_dim3A_1202 : vector<16xi1>, vector<16xi32>
      %reduce_sum3A_1204 = arith.constant true
      %reduce_sum3A_1205 = vector.broadcast %reduce_sum3A_1204 : i1 to vector<16xi1>
      %reduce_sum3A_1206 = tpu.scan <sum>, %select_n3A_1203 masked %reduce_sum3A_1205 : vector<16xi32>, vector<16xi1> -> vector<16xi32>
      %reduce_sum3A_1207 = vector.extract %reduce_sum3A_1206[15] : i32 from vector<16xi32>
      %sub3A_1208 = arith.constant 64 : i32
      %sub3A_1209 = arith.subi %reduce_sum3A_8, %sub3A_1208 : i32
      %add3A_1210 = arith.addi %reduce_sum3A_1207, %sub3A_1209 : i32
      %rem3A_1211 = arith.constant 1440 : i32
      %rem3A_1212 = arith.remsi %add3A_1210, %rem3A_1211 : i32
      %lt3A_1213 = arith.constant 0 : i32
      %lt3A_1214 = arith.cmpi slt, %rem3A_1212, %lt3A_1213 : i32
      %add3A_1215 = arith.constant 1440 : i32
      %add3A_1216 = arith.addi %rem3A_1212, %add3A_1215 : i32
      %select_n3A_1217 = arith.select %lt3A_1214, %add3A_1216, %rem3A_1212 : i32
      %jit3A_1218 = arith.constant 8 : i32
      %div3A_1219 = arith.divsi %select_n3A_1217, %jit3A_1218 : i32
      %sign3A_1220 = arith.constant 0 : i32
      %sign3A_1221 = arith.cmpi sgt, %select_n3A_1217, %sign3A_1220 : i32
      %sign3A_1222 = arith.extui %sign3A_1221 : i1 to i32
      %sign3A_1223 = arith.constant 0 : i32
      %sign3A_1224 = arith.cmpi slt, %select_n3A_1217, %sign3A_1223 : i32
      %sign3A_1225 = arith.extui %sign3A_1224 : i1 to i32
      %sign3A_1226 = arith.subi %sign3A_1222, %sign3A_1225 : i32
      %sign3A_1227 = arith.constant 0 : i32
      %sign3A_1228 = arith.cmpi sgt, %jit3A_1218, %sign3A_1227 : i32
      %sign3A_1229 = arith.extui %sign3A_1228 : i1 to i32
      %sign3A_1230 = arith.constant 0 : i32
      %sign3A_1231 = arith.cmpi slt, %jit3A_1218, %sign3A_1230 : i32
      %sign3A_1232 = arith.extui %sign3A_1231 : i1 to i32
      %sign3A_1233 = arith.subi %sign3A_1229, %sign3A_1232 : i32
      %ne3A_1234 = arith.cmpi ne, %sign3A_1226, %sign3A_1233 : i32
      %rem3A_1235 = arith.remsi %select_n3A_1217, %jit3A_1218 : i32
      %ne3A_1236 = arith.constant 0 : i32
      %ne3A_1237 = arith.cmpi ne, %rem3A_1235, %ne3A_1236 : i32
      %and3A_1238 = arith.andi %ne3A_1234, %ne3A_1237 : i1
      %sub3A_1239 = arith.constant 1 : i32
      %sub3A_1240 = arith.subi %div3A_1219, %sub3A_1239 : i32
      %select_n3A_1241 = arith.select %and3A_1238, %sub3A_1240, %div3A_1219 : i32
      %mul3A_1242 = arith.constant 8 : i32
      %mul3A_1243 = arith.muli %select_n3A_1241, %mul3A_1242 : i32
      %sub3A_1244 = arith.subi %select_n3A_1217, %mul3A_1243 : i32
      %mul3A_1245 = arith.constant 1440 : i32
      %mul3A_1246 = arith.muli %reduce_sum3A_1153, %mul3A_1245 : i32
      %gt3A_1247 = arith.constant 0 : i32
      %gt3A_1248 = arith.cmpi sgt, %scan3A_110, %gt3A_1247 : i32
      %convert_element_type3A_1249 = arith.extui %gt3A_1248 : i1 to i32
      %cond3A_1250 = arith.constant 0 : i32
      %cond3A_1251 = arith.cmpi ne, %convert_element_type3A_1249, %cond3A_1250 : i32
      scf.if %cond3A_1251 {
        %dma_wait3A_1574 = arith.constant 0 : i32
        %dma_wait3A_1575 = arith.constant 0 : i32
        %dma_wait3A_1576 = tpu.memref_slice %arg31[%dma_wait3A_1574, %dma_wait3A_1575] : memref<72x64xf32, #tpu.memory_space<vmem>> -> memref<64x64xf32, #tpu.memory_space<vmem>>
        %dma_wait3A_1577 = arith.constant 0 : i32
        %dma_wait3A_1578 = arith.constant 0 : i32
        %dma_wait3A_1579 = tpu.memref_slice %arg6[%dma_wait3A_1577, %dma_wait3A_1578] : memref<1048576x64xf32, #tpu.memory_space<hbm>> -> memref<64x64xf32, #tpu.memory_space<hbm>>
        %dma_wait3A_1580 = arith.constant 0 : i32
        %dma_wait3A_1581 = arith.constant 0 : i32
        %dma_wait3A_1582 = tpu.memref_slice %arg6[%dma_wait3A_1580, %dma_wait3A_1581] : memref<1048576x64xf32, #tpu.memory_space<hbm>> -> memref<64x64xf32, #tpu.memory_space<hbm>>
        %dma_wait3A_1583 = arith.constant 0 : i32
        %dma_wait3A_1584 = arith.constant 0 : i32
        %dma_wait3A_1585 = tpu.memref_slice %arg31[%dma_wait3A_1583, %dma_wait3A_1584] : memref<72x64xf32, #tpu.memory_space<vmem>> -> memref<64x64xf32, #tpu.memory_space<vmem>>
        tpu.wait_dma2 semaphore(%arg22 : memref<!tpu.dma_semaphore, #tpu.memory_space<semaphore_mem>>) src(%dma_wait3A_1585 : memref<64x64xf32, #tpu.memory_space<vmem>>) dst(%dma_wait3A_1582 : memref<64x64xf32, #tpu.memory_space<hbm>>)
      } else {
      }
      %add3A_1252 = arith.constant 72 : i32
      %add3A_1253 = arith.addi %mul3A_1243, %add3A_1252 : i32
      %le3A_1254 = arith.constant 1440 : i32
      %le3A_1255 = arith.cmpi sle, %add3A_1253, %le3A_1254 : i32
      %convert_element_type3A_1256 = arith.extui %le3A_1255 : i1 to i32
      %cond3A_1257 = arith.constant 0 : i32
      %cond3A_1258 = arith.cmpi ne, %convert_element_type3A_1256, %cond3A_1257 : i32
      scf.if %cond3A_1258 {
        %add3A_1574 = arith.addi %mul3A_1246, %mul3A_1243 : i32
        %dma_start3A_1575 = arith.constant 0 : i32
        %dma_start3A_1576 = tpu.memref_slice %arg2[%add3A_1574, %dma_start3A_1575] : memref<527040x64xf32, #tpu.memory_space<hbm>> -> memref<72x64xf32, #tpu.memory_space<hbm>>
        %dma_start3A_1577 = arith.constant 0 : i32
        %dma_start3A_1578 = tpu.memref_slice %arg2[%add3A_1574, %dma_start3A_1577] : memref<527040x64xf32, #tpu.memory_space<hbm>> -> memref<72x64xf32, #tpu.memory_space<hbm>>
        tpu.enqueue_dma source(%dma_start3A_1578 : memref<72x64xf32, #tpu.memory_space<hbm>>) target(%arg31 : memref<72x64xf32, #tpu.memory_space<vmem>>) target_semaphore(%arg14 : memref<!tpu.dma_semaphore, #tpu.memory_space<semaphore_mem>>)
      } else {
      }
      %not3A_1259 = arith.constant true
      %not3A_1260 = arith.xori %le3A_1255, %not3A_1259 : i1
      %convert_element_type3A_1261 = arith.extui %not3A_1260 : i1 to i32
      %cond3A_1262 = arith.constant 0 : i32
      %cond3A_1263 = arith.cmpi ne, %convert_element_type3A_1261, %cond3A_1262 : i32
      scf.if %cond3A_1263 {
        %add3A_1574 = arith.constant 0 : i32
        %add3A_1575 = arith.addi %mul3A_1243, %add3A_1574 : i32
        %ge3A = arith.constant 1440 : i32
        %ge3A_1576 = arith.cmpi sge, %add3A_1575, %ge3A : i32
        %sub3A_1577 = arith.constant 1440 : i32
        %sub3A_1578 = arith.subi %add3A_1575, %sub3A_1577 : i32
        %select_n3A_1579 = arith.select %ge3A_1576, %sub3A_1578, %add3A_1575 : i32
        %add3A_1580 = arith.addi %mul3A_1246, %select_n3A_1579 : i32
        %dma_start3A_1581 = arith.constant 0 : i32
        %dma_start3A_1582 = arith.constant 0 : i32
        %dma_start3A_1583 = tpu.memref_slice %arg31[%dma_start3A_1581, %dma_start3A_1582] : memref<72x64xf32, #tpu.memory_space<vmem>> -> memref<8x64xf32, #tpu.memory_space<vmem>>
        %dma_start3A_1584 = arith.constant 0 : i32
        %dma_start3A_1585 = tpu.memref_slice %arg2[%add3A_1580, %dma_start3A_1584] : memref<527040x64xf32, #tpu.memory_space<hbm>> -> memref<8x64xf32, #tpu.memory_space<hbm>>
        %dma_start3A_1586 = arith.constant 0 : i32
        %dma_start3A_1587 = arith.constant 0 : i32
        %dma_start3A_1588 = tpu.memref_slice %arg31[%dma_start3A_1586, %dma_start3A_1587] : memref<72x64xf32, #tpu.memory_space<vmem>> -> memref<8x64xf32, #tpu.memory_space<vmem>>
        %dma_start3A_1589 = arith.constant 0 : i32
        %dma_start3A_1590 = tpu.memref_slice %arg2[%add3A_1580, %dma_start3A_1589] : memref<527040x64xf32, #tpu.memory_space<hbm>> -> memref<8x64xf32, #tpu.memory_space<hbm>>
        tpu.enqueue_dma source(%dma_start3A_1590 : memref<8x64xf32, #tpu.memory_space<hbm>>) target(%dma_start3A_1588 : memref<8x64xf32, #tpu.memory_space<vmem>>) target_semaphore(%arg14 : memref<!tpu.dma_semaphore, #tpu.memory_space<semaphore_mem>>)
        %add3A_1591 = arith.constant 8 : i32
        %add3A_1592 = arith.addi %mul3A_1243, %add3A_1591 : i32
        %ge3A_1593 = arith.constant 1440 : i32
        %ge3A_1594 = arith.cmpi sge, %add3A_1592, %ge3A_1593 : i32
        %sub3A_1595 = arith.constant 1440 : i32
        %sub3A_1596 = arith.subi %add3A_1592, %sub3A_1595 : i32
        %select_n3A_1597 = arith.select %ge3A_1594, %sub3A_1596, %add3A_1592 : i32
        %add3A_1598 = arith.addi %mul3A_1246, %select_n3A_1597 : i32
        %dma_start3A_1599 = arith.constant 8 : i32
        %dma_start3A_1600 = arith.constant 0 : i32
        %dma_start3A_1601 = tpu.memref_slice %arg31[%dma_start3A_1599, %dma_start3A_1600] : memref<72x64xf32, #tpu.memory_space<vmem>> -> memref<8x64xf32, #tpu.memory_space<vmem>>
        %dma_start3A_1602 = arith.constant 0 : i32
        %dma_start3A_1603 = tpu.memref_slice %arg2[%add3A_1598, %dma_start3A_1602] : memref<527040x64xf32, #tpu.memory_space<hbm>> -> memref<8x64xf32, #tpu.memory_space<hbm>>
        %dma_start3A_1604 = arith.constant 8 : i32
        %dma_start3A_1605 = arith.constant 0 : i32
        %dma_start3A_1606 = tpu.memref_slice %arg31[%dma_start3A_1604, %dma_start3A_1605] : memref<72x64xf32, #tpu.memory_space<vmem>> -> memref<8x64xf32, #tpu.memory_space<vmem>>
        %dma_start3A_1607 = arith.constant 0 : i32
        %dma_start3A_1608 = tpu.memref_slice %arg2[%add3A_1598, %dma_start3A_1607] : memref<527040x64xf32, #tpu.memory_space<hbm>> -> memref<8x64xf32, #tpu.memory_space<hbm>>
        tpu.enqueue_dma source(%dma_start3A_1608 : memref<8x64xf32, #tpu.memory_space<hbm>>) target(%dma_start3A_1606 : memref<8x64xf32, #tpu.memory_space<vmem>>) target_semaphore(%arg14 : memref<!tpu.dma_semaphore, #tpu.memory_space<semaphore_mem>>)
        %add3A_1609 = arith.constant 16 : i32
        %add3A_1610 = arith.addi %mul3A_1243, %add3A_1609 : i32
        %ge3A_1611 = arith.constant 1440 : i32
        %ge3A_1612 = arith.cmpi sge, %add3A_1610, %ge3A_1611 : i32
        %sub3A_1613 = arith.constant 1440 : i32
        %sub3A_1614 = arith.subi %add3A_1610, %sub3A_1613 : i32
        %select_n3A_1615 = arith.select %ge3A_1612, %sub3A_1614, %add3A_1610 : i32
        %add3A_1616 = arith.addi %mul3A_1246, %select_n3A_1615 : i32
        %dma_start3A_1617 = arith.constant 16 : i32
        %dma_start3A_1618 = arith.constant 0 : i32
        %dma_start3A_1619 = tpu.memref_slice %arg31[%dma_start3A_1617, %dma_start3A_1618] : memref<72x64xf32, #tpu.memory_space<vmem>> -> memref<8x64xf32, #tpu.memory_space<vmem>>
        %dma_start3A_1620 = arith.constant 0 : i32
        %dma_start3A_1621 = tpu.memref_slice %arg2[%add3A_1616, %dma_start3A_1620] : memref<527040x64xf32, #tpu.memory_space<hbm>> -> memref<8x64xf32, #tpu.memory_space<hbm>>
        %dma_start3A_1622 = arith.constant 16 : i32
        %dma_start3A_1623 = arith.constant 0 : i32
        %dma_start3A_1624 = tpu.memref_slice %arg31[%dma_start3A_1622, %dma_start3A_1623] : memref<72x64xf32, #tpu.memory_space<vmem>> -> memref<8x64xf32, #tpu.memory_space<vmem>>
        %dma_start3A_1625 = arith.constant 0 : i32
        %dma_start3A_1626 = tpu.memref_slice %arg2[%add3A_1616, %dma_start3A_1625] : memref<527040x64xf32, #tpu.memory_space<hbm>> -> memref<8x64xf32, #tpu.memory_space<hbm>>
        tpu.enqueue_dma source(%dma_start3A_1626 : memref<8x64xf32, #tpu.memory_space<hbm>>) target(%dma_start3A_1624 : memref<8x64xf32, #tpu.memory_space<vmem>>) target_semaphore(%arg14 : memref<!tpu.dma_semaphore, #tpu.memory_space<semaphore_mem>>)
        %add3A_1627 = arith.constant 24 : i32
        %add3A_1628 = arith.addi %mul3A_1243, %add3A_1627 : i32
        %ge3A_1629 = arith.constant 1440 : i32
        %ge3A_1630 = arith.cmpi sge, %add3A_1628, %ge3A_1629 : i32
        %sub3A_1631 = arith.constant 1440 : i32
        %sub3A_1632 = arith.subi %add3A_1628, %sub3A_1631 : i32
        %select_n3A_1633 = arith.select %ge3A_1630, %sub3A_1632, %add3A_1628 : i32
        %add3A_1634 = arith.addi %mul3A_1246, %select_n3A_1633 : i32
        %dma_start3A_1635 = arith.constant 24 : i32
        %dma_start3A_1636 = arith.constant 0 : i32
        %dma_start3A_1637 = tpu.memref_slice %arg31[%dma_start3A_1635, %dma_start3A_1636] : memref<72x64xf32, #tpu.memory_space<vmem>> -> memref<8x64xf32, #tpu.memory_space<vmem>>
        %dma_start3A_1638 = arith.constant 0 : i32
        %dma_start3A_1639 = tpu.memref_slice %arg2[%add3A_1634, %dma_start3A_1638] : memref<527040x64xf32, #tpu.memory_space<hbm>> -> memref<8x64xf32, #tpu.memory_space<hbm>>
        %dma_start3A_1640 = arith.constant 24 : i32
        %dma_start3A_1641 = arith.constant 0 : i32
        %dma_start3A_1642 = tpu.memref_slice %arg31[%dma_start3A_1640, %dma_start3A_1641] : memref<72x64xf32, #tpu.memory_space<vmem>> -> memref<8x64xf32, #tpu.memory_space<vmem>>
        %dma_start3A_1643 = arith.constant 0 : i32
        %dma_start3A_1644 = tpu.memref_slice %arg2[%add3A_1634, %dma_start3A_1643] : memref<527040x64xf32, #tpu.memory_space<hbm>> -> memref<8x64xf32, #tpu.memory_space<hbm>>
        tpu.enqueue_dma source(%dma_start3A_1644 : memref<8x64xf32, #tpu.memory_space<hbm>>) target(%dma_start3A_1642 : memref<8x64xf32, #tpu.memory_space<vmem>>) target_semaphore(%arg14 : memref<!tpu.dma_semaphore, #tpu.memory_space<semaphore_mem>>)
        %add3A_1645 = arith.constant 32 : i32
        %add3A_1646 = arith.addi %mul3A_1243, %add3A_1645 : i32
        %ge3A_1647 = arith.constant 1440 : i32
        %ge3A_1648 = arith.cmpi sge, %add3A_1646, %ge3A_1647 : i32
        %sub3A_1649 = arith.constant 1440 : i32
        %sub3A_1650 = arith.subi %add3A_1646, %sub3A_1649 : i32
        %select_n3A_1651 = arith.select %ge3A_1648, %sub3A_1650, %add3A_1646 : i32
        %add3A_1652 = arith.addi %mul3A_1246, %select_n3A_1651 : i32
        %dma_start3A_1653 = arith.constant 32 : i32
        %dma_start3A_1654 = arith.constant 0 : i32
        %dma_start3A_1655 = tpu.memref_slice %arg31[%dma_start3A_1653, %dma_start3A_1654] : memref<72x64xf32, #tpu.memory_space<vmem>> -> memref<8x64xf32, #tpu.memory_space<vmem>>
        %dma_start3A_1656 = arith.constant 0 : i32
        %dma_start3A_1657 = tpu.memref_slice %arg2[%add3A_1652, %dma_start3A_1656] : memref<527040x64xf32, #tpu.memory_space<hbm>> -> memref<8x64xf32, #tpu.memory_space<hbm>>
        %dma_start3A_1658 = arith.constant 32 : i32
        %dma_start3A_1659 = arith.constant 0 : i32
        %dma_start3A_1660 = tpu.memref_slice %arg31[%dma_start3A_1658, %dma_start3A_1659] : memref<72x64xf32, #tpu.memory_space<vmem>> -> memref<8x64xf32, #tpu.memory_space<vmem>>
        %dma_start3A_1661 = arith.constant 0 : i32
        %dma_start3A_1662 = tpu.memref_slice %arg2[%add3A_1652, %dma_start3A_1661] : memref<527040x64xf32, #tpu.memory_space<hbm>> -> memref<8x64xf32, #tpu.memory_space<hbm>>
        tpu.enqueue_dma source(%dma_start3A_1662 : memref<8x64xf32, #tpu.memory_space<hbm>>) target(%dma_start3A_1660 : memref<8x64xf32, #tpu.memory_space<vmem>>) target_semaphore(%arg14 : memref<!tpu.dma_semaphore, #tpu.memory_space<semaphore_mem>>)
        %add3A_1663 = arith.constant 40 : i32
        %add3A_1664 = arith.addi %mul3A_1243, %add3A_1663 : i32
        %ge3A_1665 = arith.constant 1440 : i32
        %ge3A_1666 = arith.cmpi sge, %add3A_1664, %ge3A_1665 : i32
        %sub3A_1667 = arith.constant 1440 : i32
        %sub3A_1668 = arith.subi %add3A_1664, %sub3A_1667 : i32
        %select_n3A_1669 = arith.select %ge3A_1666, %sub3A_1668, %add3A_1664 : i32
        %add3A_1670 = arith.addi %mul3A_1246, %select_n3A_1669 : i32
        %dma_start3A_1671 = arith.constant 40 : i32
        %dma_start3A_1672 = arith.constant 0 : i32
        %dma_start3A_1673 = tpu.memref_slice %arg31[%dma_start3A_1671, %dma_start3A_1672] : memref<72x64xf32, #tpu.memory_space<vmem>> -> memref<8x64xf32, #tpu.memory_space<vmem>>
        %dma_start3A_1674 = arith.constant 0 : i32
        %dma_start3A_1675 = tpu.memref_slice %arg2[%add3A_1670, %dma_start3A_1674] : memref<527040x64xf32, #tpu.memory_space<hbm>> -> memref<8x64xf32, #tpu.memory_space<hbm>>
        %dma_start3A_1676 = arith.constant 40 : i32
        %dma_start3A_1677 = arith.constant 0 : i32
        %dma_start3A_1678 = tpu.memref_slice %arg31[%dma_start3A_1676, %dma_start3A_1677] : memref<72x64xf32, #tpu.memory_space<vmem>> -> memref<8x64xf32, #tpu.memory_space<vmem>>
        %dma_start3A_1679 = arith.constant 0 : i32
        %dma_start3A_1680 = tpu.memref_slice %arg2[%add3A_1670, %dma_start3A_1679] : memref<527040x64xf32, #tpu.memory_space<hbm>> -> memref<8x64xf32, #tpu.memory_space<hbm>>
        tpu.enqueue_dma source(%dma_start3A_1680 : memref<8x64xf32, #tpu.memory_space<hbm>>) target(%dma_start3A_1678 : memref<8x64xf32, #tpu.memory_space<vmem>>) target_semaphore(%arg14 : memref<!tpu.dma_semaphore, #tpu.memory_space<semaphore_mem>>)
        %add3A_1681 = arith.constant 48 : i32
        %add3A_1682 = arith.addi %mul3A_1243, %add3A_1681 : i32
        %ge3A_1683 = arith.constant 1440 : i32
        %ge3A_1684 = arith.cmpi sge, %add3A_1682, %ge3A_1683 : i32
        %sub3A_1685 = arith.constant 1440 : i32
        %sub3A_1686 = arith.subi %add3A_1682, %sub3A_1685 : i32
        %select_n3A_1687 = arith.select %ge3A_1684, %sub3A_1686, %add3A_1682 : i32
        %add3A_1688 = arith.addi %mul3A_1246, %select_n3A_1687 : i32
        %dma_start3A_1689 = arith.constant 48 : i32
        %dma_start3A_1690 = arith.constant 0 : i32
        %dma_start3A_1691 = tpu.memref_slice %arg31[%dma_start3A_1689, %dma_start3A_1690] : memref<72x64xf32, #tpu.memory_space<vmem>> -> memref<8x64xf32, #tpu.memory_space<vmem>>
        %dma_start3A_1692 = arith.constant 0 : i32
        %dma_start3A_1693 = tpu.memref_slice %arg2[%add3A_1688, %dma_start3A_1692] : memref<527040x64xf32, #tpu.memory_space<hbm>> -> memref<8x64xf32, #tpu.memory_space<hbm>>
        %dma_start3A_1694 = arith.constant 48 : i32
        %dma_start3A_1695 = arith.constant 0 : i32
        %dma_start3A_1696 = tpu.memref_slice %arg31[%dma_start3A_1694, %dma_start3A_1695] : memref<72x64xf32, #tpu.memory_space<vmem>> -> memref<8x64xf32, #tpu.memory_space<vmem>>
        %dma_start3A_1697 = arith.constant 0 : i32
        %dma_start3A_1698 = tpu.memref_slice %arg2[%add3A_1688, %dma_start3A_1697] : memref<527040x64xf32, #tpu.memory_space<hbm>> -> memref<8x64xf32, #tpu.memory_space<hbm>>
        tpu.enqueue_dma source(%dma_start3A_1698 : memref<8x64xf32, #tpu.memory_space<hbm>>) target(%dma_start3A_1696 : memref<8x64xf32, #tpu.memory_space<vmem>>) target_semaphore(%arg14 : memref<!tpu.dma_semaphore, #tpu.memory_space<semaphore_mem>>)
        %add3A_1699 = arith.constant 56 : i32
        %add3A_1700 = arith.addi %mul3A_1243, %add3A_1699 : i32
        %ge3A_1701 = arith.constant 1440 : i32
        %ge3A_1702 = arith.cmpi sge, %add3A_1700, %ge3A_1701 : i32
        %sub3A_1703 = arith.constant 1440 : i32
        %sub3A_1704 = arith.subi %add3A_1700, %sub3A_1703 : i32
        %select_n3A_1705 = arith.select %ge3A_1702, %sub3A_1704, %add3A_1700 : i32
        %add3A_1706 = arith.addi %mul3A_1246, %select_n3A_1705 : i32
        %dma_start3A_1707 = arith.constant 56 : i32
        %dma_start3A_1708 = arith.constant 0 : i32
        %dma_start3A_1709 = tpu.memref_slice %arg31[%dma_start3A_1707, %dma_start3A_1708] : memref<72x64xf32, #tpu.memory_space<vmem>> -> memref<8x64xf32, #tpu.memory_space<vmem>>
        %dma_start3A_1710 = arith.constant 0 : i32
        %dma_start3A_1711 = tpu.memref_slice %arg2[%add3A_1706, %dma_start3A_1710] : memref<527040x64xf32, #tpu.memory_space<hbm>> -> memref<8x64xf32, #tpu.memory_space<hbm>>
        %dma_start3A_1712 = arith.constant 56 : i32
        %dma_start3A_1713 = arith.constant 0 : i32
        %dma_start3A_1714 = tpu.memref_slice %arg31[%dma_start3A_1712, %dma_start3A_1713] : memref<72x64xf32, #tpu.memory_space<vmem>> -> memref<8x64xf32, #tpu.memory_space<vmem>>
        %dma_start3A_1715 = arith.constant 0 : i32
        %dma_start3A_1716 = tpu.memref_slice %arg2[%add3A_1706, %dma_start3A_1715] : memref<527040x64xf32, #tpu.memory_space<hbm>> -> memref<8x64xf32, #tpu.memory_space<hbm>>
        tpu.enqueue_dma source(%dma_start3A_1716 : memref<8x64xf32, #tpu.memory_space<hbm>>) target(%dma_start3A_1714 : memref<8x64xf32, #tpu.memory_space<vmem>>) target_semaphore(%arg14 : memref<!tpu.dma_semaphore, #tpu.memory_space<semaphore_mem>>)
        %add3A_1717 = arith.constant 64 : i32
        %add3A_1718 = arith.addi %mul3A_1243, %add3A_1717 : i32
        %ge3A_1719 = arith.constant 1440 : i32
        %ge3A_1720 = arith.cmpi sge, %add3A_1718, %ge3A_1719 : i32
        %sub3A_1721 = arith.constant 1440 : i32
        %sub3A_1722 = arith.subi %add3A_1718, %sub3A_1721 : i32
        %select_n3A_1723 = arith.select %ge3A_1720, %sub3A_1722, %add3A_1718 : i32
        %add3A_1724 = arith.addi %mul3A_1246, %select_n3A_1723 : i32
        %dma_start3A_1725 = arith.constant 64 : i32
        %dma_start3A_1726 = arith.constant 0 : i32
        %dma_start3A_1727 = tpu.memref_slice %arg31[%dma_start3A_1725, %dma_start3A_1726] : memref<72x64xf32, #tpu.memory_space<vmem>> -> memref<8x64xf32, #tpu.memory_space<vmem>>
        %dma_start3A_1728 = arith.constant 0 : i32
        %dma_start3A_1729 = tpu.memref_slice %arg2[%add3A_1724, %dma_start3A_1728] : memref<527040x64xf32, #tpu.memory_space<hbm>> -> memref<8x64xf32, #tpu.memory_space<hbm>>
        %dma_start3A_1730 = arith.constant 64 : i32
        %dma_start3A_1731 = arith.constant 0 : i32
        %dma_start3A_1732 = tpu.memref_slice %arg31[%dma_start3A_1730, %dma_start3A_1731] : memref<72x64xf32, #tpu.memory_space<vmem>> -> memref<8x64xf32, #tpu.memory_space<vmem>>
        %dma_start3A_1733 = arith.constant 0 : i32
        %dma_start3A_1734 = tpu.memref_slice %arg2[%add3A_1724, %dma_start3A_1733] : memref<527040x64xf32, #tpu.memory_space<hbm>> -> memref<8x64xf32, #tpu.memory_space<hbm>>
        tpu.enqueue_dma source(%dma_start3A_1734 : memref<8x64xf32, #tpu.memory_space<hbm>>) target(%dma_start3A_1732 : memref<8x64xf32, #tpu.memory_space<vmem>>) target_semaphore(%arg14 : memref<!tpu.dma_semaphore, #tpu.memory_space<semaphore_mem>>)
      } else {
      }
      %add3A_1264 = arith.constant 7 : i32
      %add3A_1265 = arith.addi %mul3A_113, %add3A_1264 : i32
      %jit3A_1266 = arith.constant 16 : i32
      %div3A_1267 = arith.divsi %add3A_1265, %jit3A_1266 : i32
      %sign3A_1268 = arith.constant 0 : i32
      %sign3A_1269 = arith.cmpi sgt, %add3A_1265, %sign3A_1268 : i32
      %sign3A_1270 = arith.extui %sign3A_1269 : i1 to i32
      %sign3A_1271 = arith.constant 0 : i32
      %sign3A_1272 = arith.cmpi slt, %add3A_1265, %sign3A_1271 : i32
      %sign3A_1273 = arith.extui %sign3A_1272 : i1 to i32
      %sign3A_1274 = arith.subi %sign3A_1270, %sign3A_1273 : i32
      %sign3A_1275 = arith.constant 0 : i32
      %sign3A_1276 = arith.cmpi sgt, %jit3A_1266, %sign3A_1275 : i32
      %sign3A_1277 = arith.extui %sign3A_1276 : i1 to i32
      %sign3A_1278 = arith.constant 0 : i32
      %sign3A_1279 = arith.cmpi slt, %jit3A_1266, %sign3A_1278 : i32
      %sign3A_1280 = arith.extui %sign3A_1279 : i1 to i32
      %sign3A_1281 = arith.subi %sign3A_1277, %sign3A_1280 : i32
      %ne3A_1282 = arith.cmpi ne, %sign3A_1274, %sign3A_1281 : i32
      %rem3A_1283 = arith.remsi %add3A_1265, %jit3A_1266 : i32
      %ne3A_1284 = arith.constant 0 : i32
      %ne3A_1285 = arith.cmpi ne, %rem3A_1283, %ne3A_1284 : i32
      %and3A_1286 = arith.andi %ne3A_1282, %ne3A_1285 : i1
      %sub3A_1287 = arith.constant 1 : i32
      %sub3A_1288 = arith.subi %div3A_1267, %sub3A_1287 : i32
      %select_n3A_1289 = arith.select %and3A_1286, %sub3A_1288, %div3A_1267 : i32
      %mul3A_1290 = arith.constant 16 : i32
      %mul3A_1291 = arith.muli %select_n3A_1289, %mul3A_1290 : i32
      %multiple_of3A_1292 = tpu.assume_multiple %mul3A_1291, 16 : i32
      %get3A_1293 = arith.index_cast %multiple_of3A_1292 : i32 to index
      %get3A_1294 = tpu.vector_load %arg7[%get3A_1293] {strides = array<i32>} : memref<512xi32, #tpu.memory_space<vmem>>, vector<16xi32>,
      %jit3A_1295 = arith.constant 16 : i32
      %eq3A_1296 = arith.constant 0 : i32
      %eq3A_1297 = arith.cmpi eq, %jit3A_1295, %eq3A_1296 : i32
      %jit3A_1298 = arith.constant 1 : i32
      %select_n3A_1299 = arith.select %eq3A_1297, %jit3A_1298, %jit3A_1295 : i32
      %rem3A_1300 = arith.remsi %add3A_1265, %select_n3A_1299 : i32
      %ne3A_1301 = arith.constant 0 : i32
      %ne3A_1302 = arith.cmpi ne, %rem3A_1300, %ne3A_1301 : i32
      %lt3A_1303 = arith.constant 0 : i32
      %lt3A_1304 = arith.cmpi slt, %rem3A_1300, %lt3A_1303 : i32
      %lt3A_1305 = arith.constant 0 : i32
      %lt3A_1306 = arith.cmpi slt, %select_n3A_1299, %lt3A_1305 : i32
      %ne3A_1307 = arith.xori %lt3A_1304, %lt3A_1306 : i1
      %and3A_1308 = arith.andi %ne3A_1307, %ne3A_1302 : i1
      %add3A_1309 = arith.addi %rem3A_1300, %select_n3A_1299 : i32
      %select_n3A_1310 = arith.select %and3A_1308, %add3A_1309, %rem3A_1300 : i32
      %eq3A_1311 = vector.broadcast %select_n3A_1310 : i32 to vector<16xi32>
      %eq3A_1312 = arith.cmpi eq, %iota3A, %eq3A_1311 : vector<16xi32>
      %jit3A_1313 = arith.constant 0 : i32
      %broadcast_in_dim3A_1314 = vector.broadcast %jit3A_1313 : i32 to vector<16xi32>
      %select_n3A_1315 = arith.select %eq3A_1312, %get3A_1294, %broadcast_in_dim3A_1314 : vector<16xi1>, vector<16xi32>
      %reduce_sum3A_1316 = arith.constant true
      %reduce_sum3A_1317 = vector.broadcast %reduce_sum3A_1316 : i1 to vector<16xi1>
      %reduce_sum3A_1318 = tpu.scan <sum>, %select_n3A_1315 masked %reduce_sum3A_1317 : vector<16xi32>, vector<16xi1> -> vector<16xi32>
      %reduce_sum3A_1319 = vector.extract %reduce_sum3A_1318[15] : i32 from vector<16xi32>
      %jit3A_1320 = arith.constant 16 : i32
      %div3A_1321 = arith.divsi %add3A_1265, %jit3A_1320 : i32
      %sign3A_1322 = arith.constant 0 : i32
      %sign3A_1323 = arith.cmpi sgt, %add3A_1265, %sign3A_1322 : i32
      %sign3A_1324 = arith.extui %sign3A_1323 : i1 to i32
      %sign3A_1325 = arith.constant 0 : i32
      %sign3A_1326 = arith.cmpi slt, %add3A_1265, %sign3A_1325 : i32
      %sign3A_1327 = arith.extui %sign3A_1326 : i1 to i32
      %sign3A_1328 = arith.subi %sign3A_1324, %sign3A_1327 : i32
      %sign3A_1329 = arith.constant 0 : i32
      %sign3A_1330 = arith.cmpi sgt, %jit3A_1320, %sign3A_1329 : i32
      %sign3A_1331 = arith.extui %sign3A_1330 : i1 to i32
      %sign3A_1332 = arith.constant 0 : i32
      %sign3A_1333 = arith.cmpi slt, %jit3A_1320, %sign3A_1332 : i32
      %sign3A_1334 = arith.extui %sign3A_1333 : i1 to i32
      %sign3A_1335 = arith.subi %sign3A_1331, %sign3A_1334 : i32
      %ne3A_1336 = arith.cmpi ne, %sign3A_1328, %sign3A_1335 : i32
      %rem3A_1337 = arith.remsi %add3A_1265, %jit3A_1320 : i32
      %ne3A_1338 = arith.constant 0 : i32
      %ne3A_1339 = arith.cmpi ne, %rem3A_1337, %ne3A_1338 : i32
      %and3A_1340 = arith.andi %ne3A_1336, %ne3A_1339 : i1
      %sub3A_1341 = arith.constant 1 : i32
      %sub3A_1342 = arith.subi %div3A_1321, %sub3A_1341 : i32
      %select_n3A_1343 = arith.select %and3A_1340, %sub3A_1342, %div3A_1321 : i32
      %mul3A_1344 = arith.constant 16 : i32
      %mul3A_1345 = arith.muli %select_n3A_1343, %mul3A_1344 : i32
      %multiple_of3A_1346 = tpu.assume_multiple %mul3A_1345, 16 : i32
      %get3A_1347 = arith.index_cast %multiple_of3A_1346 : i32 to index
      %get3A_1348 = tpu.vector_load %arg33[%get3A_1347] {strides = array<i32>} : memref<512xi32, #tpu.memory_space<vmem>>, vector<16xi32>,
      %jit3A_1349 = arith.constant 16 : i32
      %eq3A_1350 = arith.constant 0 : i32
      %eq3A_1351 = arith.cmpi eq, %jit3A_1349, %eq3A_1350 : i32
      %jit3A_1352 = arith.constant 1 : i32
      %select_n3A_1353 = arith.select %eq3A_1351, %jit3A_1352, %jit3A_1349 : i32
      %rem3A_1354 = arith.remsi %add3A_1265, %select_n3A_1353 : i32
      %ne3A_1355 = arith.constant 0 : i32
      %ne3A_1356 = arith.cmpi ne, %rem3A_1354, %ne3A_1355 : i32
      %lt3A_1357 = arith.constant 0 : i32
      %lt3A_1358 = arith.cmpi slt, %rem3A_1354, %lt3A_1357 : i32
      %lt3A_1359 = arith.constant 0 : i32
      %lt3A_1360 = arith.cmpi slt, %select_n3A_1353, %lt3A_1359 : i32
      %ne3A_1361 = arith.xori %lt3A_1358, %lt3A_1360 : i1
      %and3A_1362 = arith.andi %ne3A_1361, %ne3A_1356 : i1
      %add3A_1363 = arith.addi %rem3A_1354, %select_n3A_1353 : i32
      %select_n3A_1364 = arith.select %and3A_1362, %add3A_1363, %rem3A_1354 : i32
      %eq3A_1365 = vector.broadcast %select_n3A_1364 : i32 to vector<16xi32>
      %eq3A_1366 = arith.cmpi eq, %iota3A, %eq3A_1365 : vector<16xi32>
      %jit3A_1367 = arith.constant 0 : i32
      %broadcast_in_dim3A_1368 = vector.broadcast %jit3A_1367 : i32 to vector<16xi32>
      %select_n3A_1369 = arith.select %eq3A_1366, %get3A_1348, %broadcast_in_dim3A_1368 : vector<16xi1>, vector<16xi32>
      %reduce_sum3A_1370 = arith.constant true
      %reduce_sum3A_1371 = vector.broadcast %reduce_sum3A_1370 : i1 to vector<16xi1>
      %reduce_sum3A_1372 = tpu.scan <sum>, %select_n3A_1369 masked %reduce_sum3A_1371 : vector<16xi32>, vector<16xi1> -> vector<16xi32>
      %reduce_sum3A_1373 = vector.extract %reduce_sum3A_1372[15] : i32 from vector<16xi32>
      %sub3A_1374 = arith.constant 64 : i32
      %sub3A_1375 = arith.subi %reduce_sum3A_8, %sub3A_1374 : i32
      %add3A_1376 = arith.addi %reduce_sum3A_1373, %sub3A_1375 : i32
      %rem3A_1377 = arith.constant 1440 : i32
      %rem3A_1378 = arith.remsi %add3A_1376, %rem3A_1377 : i32
      %lt3A_1379 = arith.constant 0 : i32
      %lt3A_1380 = arith.cmpi slt, %rem3A_1378, %lt3A_1379 : i32
      %add3A_1381 = arith.constant 1440 : i32
      %add3A_1382 = arith.addi %rem3A_1378, %add3A_1381 : i32
      %select_n3A_1383 = arith.select %lt3A_1380, %add3A_1382, %rem3A_1378 : i32
      %jit3A_1384 = arith.constant 8 : i32
      %div3A_1385 = arith.divsi %select_n3A_1383, %jit3A_1384 : i32
      %sign3A_1386 = arith.constant 0 : i32
      %sign3A_1387 = arith.cmpi sgt, %select_n3A_1383, %sign3A_1386 : i32
      %sign3A_1388 = arith.extui %sign3A_1387 : i1 to i32
      %sign3A_1389 = arith.constant 0 : i32
      %sign3A_1390 = arith.cmpi slt, %select_n3A_1383, %sign3A_1389 : i32
      %sign3A_1391 = arith.extui %sign3A_1390 : i1 to i32
      %sign3A_1392 = arith.subi %sign3A_1388, %sign3A_1391 : i32
      %sign3A_1393 = arith.constant 0 : i32
      %sign3A_1394 = arith.cmpi sgt, %jit3A_1384, %sign3A_1393 : i32
      %sign3A_1395 = arith.extui %sign3A_1394 : i1 to i32
      %sign3A_1396 = arith.constant 0 : i32
      %sign3A_1397 = arith.cmpi slt, %jit3A_1384, %sign3A_1396 : i32
      %sign3A_1398 = arith.extui %sign3A_1397 : i1 to i32
      %sign3A_1399 = arith.subi %sign3A_1395, %sign3A_1398 : i32
      %ne3A_1400 = arith.cmpi ne, %sign3A_1392, %sign3A_1399 : i32
      %rem3A_1401 = arith.remsi %select_n3A_1383, %jit3A_1384 : i32
      %ne3A_1402 = arith.constant 0 : i32
      %ne3A_1403 = arith.cmpi ne, %rem3A_1401, %ne3A_1402 : i32
      %and3A_1404 = arith.andi %ne3A_1400, %ne3A_1403 : i1
      %sub3A_1405 = arith.constant 1 : i32
      %sub3A_1406 = arith.subi %div3A_1385, %sub3A_1405 : i32
      %select_n3A_1407 = arith.select %and3A_1404, %sub3A_1406, %div3A_1385 : i32
      %mul3A_1408 = arith.constant 8 : i32
      %mul3A_1409 = arith.muli %select_n3A_1407, %mul3A_1408 : i32
      %sub3A_1410 = arith.subi %select_n3A_1383, %mul3A_1409 : i32
      %mul3A_1411 = arith.constant 1440 : i32
      %mul3A_1412 = arith.muli %reduce_sum3A_1319, %mul3A_1411 : i32
      %gt3A_1413 = arith.constant 0 : i32
      %gt3A_1414 = arith.cmpi sgt, %scan3A_110, %gt3A_1413 : i32
      %convert_element_type3A_1415 = arith.extui %gt3A_1414 : i1 to i32
      %cond3A_1416 = arith.constant 0 : i32
      %cond3A_1417 = arith.cmpi ne, %convert_element_type3A_1415, %cond3A_1416 : i32
      scf.if %cond3A_1417 {
        %dma_wait3A_1574 = arith.constant 0 : i32
        %dma_wait3A_1575 = arith.constant 0 : i32
        %dma_wait3A_1576 = tpu.memref_slice %arg32[%dma_wait3A_1574, %dma_wait3A_1575] : memref<72x64xf32, #tpu.memory_space<vmem>> -> memref<64x64xf32, #tpu.memory_space<vmem>>
        %dma_wait3A_1577 = arith.constant 0 : i32
        %dma_wait3A_1578 = arith.constant 0 : i32
        %dma_wait3A_1579 = tpu.memref_slice %arg6[%dma_wait3A_1577, %dma_wait3A_1578] : memref<1048576x64xf32, #tpu.memory_space<hbm>> -> memref<64x64xf32, #tpu.memory_space<hbm>>
        %dma_wait3A_1580 = arith.constant 0 : i32
        %dma_wait3A_1581 = arith.constant 0 : i32
        %dma_wait3A_1582 = tpu.memref_slice %arg6[%dma_wait3A_1580, %dma_wait3A_1581] : memref<1048576x64xf32, #tpu.memory_space<hbm>> -> memref<64x64xf32, #tpu.memory_space<hbm>>
        %dma_wait3A_1583 = arith.constant 0 : i32
        %dma_wait3A_1584 = arith.constant 0 : i32
        %dma_wait3A_1585 = tpu.memref_slice %arg32[%dma_wait3A_1583, %dma_wait3A_1584] : memref<72x64xf32, #tpu.memory_space<vmem>> -> memref<64x64xf32, #tpu.memory_space<vmem>>
        tpu.wait_dma2 semaphore(%arg23 : memref<!tpu.dma_semaphore, #tpu.memory_space<semaphore_mem>>) src(%dma_wait3A_1585 : memref<64x64xf32, #tpu.memory_space<vmem>>) dst(%dma_wait3A_1582 : memref<64x64xf32, #tpu.memory_space<hbm>>)
      } else {
      }
      %add3A_1418 = arith.constant 72 : i32
      %add3A_1419 = arith.addi %mul3A_1409, %add3A_1418 : i32
      %le3A_1420 = arith.constant 1440 : i32
      %le3A_1421 = arith.cmpi sle, %add3A_1419, %le3A_1420 : i32
      %convert_element_type3A_1422 = arith.extui %le3A_1421 : i1 to i32
      %cond3A_1423 = arith.constant 0 : i32
      %cond3A_1424 = arith.cmpi ne, %convert_element_type3A_1422, %cond3A_1423 : i32
      scf.if %cond3A_1424 {
        %add3A_1574 = arith.addi %mul3A_1412, %mul3A_1409 : i32
        %dma_start3A_1575 = arith.constant 0 : i32
        %dma_start3A_1576 = tpu.memref_slice %arg2[%add3A_1574, %dma_start3A_1575] : memref<527040x64xf32, #tpu.memory_space<hbm>> -> memref<72x64xf32, #tpu.memory_space<hbm>>
        %dma_start3A_1577 = arith.constant 0 : i32
        %dma_start3A_1578 = tpu.memref_slice %arg2[%add3A_1574, %dma_start3A_1577] : memref<527040x64xf32, #tpu.memory_space<hbm>> -> memref<72x64xf32, #tpu.memory_space<hbm>>
        tpu.enqueue_dma source(%dma_start3A_1578 : memref<72x64xf32, #tpu.memory_space<hbm>>) target(%arg32 : memref<72x64xf32, #tpu.memory_space<vmem>>) target_semaphore(%arg15 : memref<!tpu.dma_semaphore, #tpu.memory_space<semaphore_mem>>)
      } else {
      }
      %not3A_1425 = arith.constant true
      %not3A_1426 = arith.xori %le3A_1421, %not3A_1425 : i1
      %convert_element_type3A_1427 = arith.extui %not3A_1426 : i1 to i32
      %cond3A_1428 = arith.constant 0 : i32
      %cond3A_1429 = arith.cmpi ne, %convert_element_type3A_1427, %cond3A_1428 : i32
      scf.if %cond3A_1429 {
        %add3A_1574 = arith.constant 0 : i32
        %add3A_1575 = arith.addi %mul3A_1409, %add3A_1574 : i32
        %ge3A = arith.constant 1440 : i32
        %ge3A_1576 = arith.cmpi sge, %add3A_1575, %ge3A : i32
        %sub3A_1577 = arith.constant 1440 : i32
        %sub3A_1578 = arith.subi %add3A_1575, %sub3A_1577 : i32
        %select_n3A_1579 = arith.select %ge3A_1576, %sub3A_1578, %add3A_1575 : i32
        %add3A_1580 = arith.addi %mul3A_1412, %select_n3A_1579 : i32
        %dma_start3A_1581 = arith.constant 0 : i32
        %dma_start3A_1582 = arith.constant 0 : i32
        %dma_start3A_1583 = tpu.memref_slice %arg32[%dma_start3A_1581, %dma_start3A_1582] : memref<72x64xf32, #tpu.memory_space<vmem>> -> memref<8x64xf32, #tpu.memory_space<vmem>>
        %dma_start3A_1584 = arith.constant 0 : i32
        %dma_start3A_1585 = tpu.memref_slice %arg2[%add3A_1580, %dma_start3A_1584] : memref<527040x64xf32, #tpu.memory_space<hbm>> -> memref<8x64xf32, #tpu.memory_space<hbm>>
        %dma_start3A_1586 = arith.constant 0 : i32
        %dma_start3A_1587 = arith.constant 0 : i32
        %dma_start3A_1588 = tpu.memref_slice %arg32[%dma_start3A_1586, %dma_start3A_1587] : memref<72x64xf32, #tpu.memory_space<vmem>> -> memref<8x64xf32, #tpu.memory_space<vmem>>
        %dma_start3A_1589 = arith.constant 0 : i32
        %dma_start3A_1590 = tpu.memref_slice %arg2[%add3A_1580, %dma_start3A_1589] : memref<527040x64xf32, #tpu.memory_space<hbm>> -> memref<8x64xf32, #tpu.memory_space<hbm>>
        tpu.enqueue_dma source(%dma_start3A_1590 : memref<8x64xf32, #tpu.memory_space<hbm>>) target(%dma_start3A_1588 : memref<8x64xf32, #tpu.memory_space<vmem>>) target_semaphore(%arg15 : memref<!tpu.dma_semaphore, #tpu.memory_space<semaphore_mem>>)
        %add3A_1591 = arith.constant 8 : i32
        %add3A_1592 = arith.addi %mul3A_1409, %add3A_1591 : i32
        %ge3A_1593 = arith.constant 1440 : i32
        %ge3A_1594 = arith.cmpi sge, %add3A_1592, %ge3A_1593 : i32
        %sub3A_1595 = arith.constant 1440 : i32
        %sub3A_1596 = arith.subi %add3A_1592, %sub3A_1595 : i32
        %select_n3A_1597 = arith.select %ge3A_1594, %sub3A_1596, %add3A_1592 : i32
        %add3A_1598 = arith.addi %mul3A_1412, %select_n3A_1597 : i32
        %dma_start3A_1599 = arith.constant 8 : i32
        %dma_start3A_1600 = arith.constant 0 : i32
        %dma_start3A_1601 = tpu.memref_slice %arg32[%dma_start3A_1599, %dma_start3A_1600] : memref<72x64xf32, #tpu.memory_space<vmem>> -> memref<8x64xf32, #tpu.memory_space<vmem>>
        %dma_start3A_1602 = arith.constant 0 : i32
        %dma_start3A_1603 = tpu.memref_slice %arg2[%add3A_1598, %dma_start3A_1602] : memref<527040x64xf32, #tpu.memory_space<hbm>> -> memref<8x64xf32, #tpu.memory_space<hbm>>
        %dma_start3A_1604 = arith.constant 8 : i32
        %dma_start3A_1605 = arith.constant 0 : i32
        %dma_start3A_1606 = tpu.memref_slice %arg32[%dma_start3A_1604, %dma_start3A_1605] : memref<72x64xf32, #tpu.memory_space<vmem>> -> memref<8x64xf32, #tpu.memory_space<vmem>>
        %dma_start3A_1607 = arith.constant 0 : i32
        %dma_start3A_1608 = tpu.memref_slice %arg2[%add3A_1598, %dma_start3A_1607] : memref<527040x64xf32, #tpu.memory_space<hbm>> -> memref<8x64xf32, #tpu.memory_space<hbm>>
        tpu.enqueue_dma source(%dma_start3A_1608 : memref<8x64xf32, #tpu.memory_space<hbm>>) target(%dma_start3A_1606 : memref<8x64xf32, #tpu.memory_space<vmem>>) target_semaphore(%arg15 : memref<!tpu.dma_semaphore, #tpu.memory_space<semaphore_mem>>)
        %add3A_1609 = arith.constant 16 : i32
        %add3A_1610 = arith.addi %mul3A_1409, %add3A_1609 : i32
        %ge3A_1611 = arith.constant 1440 : i32
        %ge3A_1612 = arith.cmpi sge, %add3A_1610, %ge3A_1611 : i32
        %sub3A_1613 = arith.constant 1440 : i32
        %sub3A_1614 = arith.subi %add3A_1610, %sub3A_1613 : i32
        %select_n3A_1615 = arith.select %ge3A_1612, %sub3A_1614, %add3A_1610 : i32
        %add3A_1616 = arith.addi %mul3A_1412, %select_n3A_1615 : i32
        %dma_start3A_1617 = arith.constant 16 : i32
        %dma_start3A_1618 = arith.constant 0 : i32
        %dma_start3A_1619 = tpu.memref_slice %arg32[%dma_start3A_1617, %dma_start3A_1618] : memref<72x64xf32, #tpu.memory_space<vmem>> -> memref<8x64xf32, #tpu.memory_space<vmem>>
        %dma_start3A_1620 = arith.constant 0 : i32
        %dma_start3A_1621 = tpu.memref_slice %arg2[%add3A_1616, %dma_start3A_1620] : memref<527040x64xf32, #tpu.memory_space<hbm>> -> memref<8x64xf32, #tpu.memory_space<hbm>>
        %dma_start3A_1622 = arith.constant 16 : i32
        %dma_start3A_1623 = arith.constant 0 : i32
        %dma_start3A_1624 = tpu.memref_slice %arg32[%dma_start3A_1622, %dma_start3A_1623] : memref<72x64xf32, #tpu.memory_space<vmem>> -> memref<8x64xf32, #tpu.memory_space<vmem>>
        %dma_start3A_1625 = arith.constant 0 : i32
        %dma_start3A_1626 = tpu.memref_slice %arg2[%add3A_1616, %dma_start3A_1625] : memref<527040x64xf32, #tpu.memory_space<hbm>> -> memref<8x64xf32, #tpu.memory_space<hbm>>
        tpu.enqueue_dma source(%dma_start3A_1626 : memref<8x64xf32, #tpu.memory_space<hbm>>) target(%dma_start3A_1624 : memref<8x64xf32, #tpu.memory_space<vmem>>) target_semaphore(%arg15 : memref<!tpu.dma_semaphore, #tpu.memory_space<semaphore_mem>>)
        %add3A_1627 = arith.constant 24 : i32
        %add3A_1628 = arith.addi %mul3A_1409, %add3A_1627 : i32
        %ge3A_1629 = arith.constant 1440 : i32
        %ge3A_1630 = arith.cmpi sge, %add3A_1628, %ge3A_1629 : i32
        %sub3A_1631 = arith.constant 1440 : i32
        %sub3A_1632 = arith.subi %add3A_1628, %sub3A_1631 : i32
        %select_n3A_1633 = arith.select %ge3A_1630, %sub3A_1632, %add3A_1628 : i32
        %add3A_1634 = arith.addi %mul3A_1412, %select_n3A_1633 : i32
        %dma_start3A_1635 = arith.constant 24 : i32
        %dma_start3A_1636 = arith.constant 0 : i32
        %dma_start3A_1637 = tpu.memref_slice %arg32[%dma_start3A_1635, %dma_start3A_1636] : memref<72x64xf32, #tpu.memory_space<vmem>> -> memref<8x64xf32, #tpu.memory_space<vmem>>
        %dma_start3A_1638 = arith.constant 0 : i32
        %dma_start3A_1639 = tpu.memref_slice %arg2[%add3A_1634, %dma_start3A_1638] : memref<527040x64xf32, #tpu.memory_space<hbm>> -> memref<8x64xf32, #tpu.memory_space<hbm>>
        %dma_start3A_1640 = arith.constant 24 : i32
        %dma_start3A_1641 = arith.constant 0 : i32
        %dma_start3A_1642 = tpu.memref_slice %arg32[%dma_start3A_1640, %dma_start3A_1641] : memref<72x64xf32, #tpu.memory_space<vmem>> -> memref<8x64xf32, #tpu.memory_space<vmem>>
        %dma_start3A_1643 = arith.constant 0 : i32
        %dma_start3A_1644 = tpu.memref_slice %arg2[%add3A_1634, %dma_start3A_1643] : memref<527040x64xf32, #tpu.memory_space<hbm>> -> memref<8x64xf32, #tpu.memory_space<hbm>>
        tpu.enqueue_dma source(%dma_start3A_1644 : memref<8x64xf32, #tpu.memory_space<hbm>>) target(%dma_start3A_1642 : memref<8x64xf32, #tpu.memory_space<vmem>>) target_semaphore(%arg15 : memref<!tpu.dma_semaphore, #tpu.memory_space<semaphore_mem>>)
        %add3A_1645 = arith.constant 32 : i32
        %add3A_1646 = arith.addi %mul3A_1409, %add3A_1645 : i32
        %ge3A_1647 = arith.constant 1440 : i32
        %ge3A_1648 = arith.cmpi sge, %add3A_1646, %ge3A_1647 : i32
        %sub3A_1649 = arith.constant 1440 : i32
        %sub3A_1650 = arith.subi %add3A_1646, %sub3A_1649 : i32
        %select_n3A_1651 = arith.select %ge3A_1648, %sub3A_1650, %add3A_1646 : i32
        %add3A_1652 = arith.addi %mul3A_1412, %select_n3A_1651 : i32
        %dma_start3A_1653 = arith.constant 32 : i32
        %dma_start3A_1654 = arith.constant 0 : i32
        %dma_start3A_1655 = tpu.memref_slice %arg32[%dma_start3A_1653, %dma_start3A_1654] : memref<72x64xf32, #tpu.memory_space<vmem>> -> memref<8x64xf32, #tpu.memory_space<vmem>>
        %dma_start3A_1656 = arith.constant 0 : i32
        %dma_start3A_1657 = tpu.memref_slice %arg2[%add3A_1652, %dma_start3A_1656] : memref<527040x64xf32, #tpu.memory_space<hbm>> -> memref<8x64xf32, #tpu.memory_space<hbm>>
        %dma_start3A_1658 = arith.constant 32 : i32
        %dma_start3A_1659 = arith.constant 0 : i32
        %dma_start3A_1660 = tpu.memref_slice %arg32[%dma_start3A_1658, %dma_start3A_1659] : memref<72x64xf32, #tpu.memory_space<vmem>> -> memref<8x64xf32, #tpu.memory_space<vmem>>
        %dma_start3A_1661 = arith.constant 0 : i32
        %dma_start3A_1662 = tpu.memref_slice %arg2[%add3A_1652, %dma_start3A_1661] : memref<527040x64xf32, #tpu.memory_space<hbm>> -> memref<8x64xf32, #tpu.memory_space<hbm>>
        tpu.enqueue_dma source(%dma_start3A_1662 : memref<8x64xf32, #tpu.memory_space<hbm>>) target(%dma_start3A_1660 : memref<8x64xf32, #tpu.memory_space<vmem>>) target_semaphore(%arg15 : memref<!tpu.dma_semaphore, #tpu.memory_space<semaphore_mem>>)
        %add3A_1663 = arith.constant 40 : i32
        %add3A_1664 = arith.addi %mul3A_1409, %add3A_1663 : i32
        %ge3A_1665 = arith.constant 1440 : i32
        %ge3A_1666 = arith.cmpi sge, %add3A_1664, %ge3A_1665 : i32
        %sub3A_1667 = arith.constant 1440 : i32
        %sub3A_1668 = arith.subi %add3A_1664, %sub3A_1667 : i32
        %select_n3A_1669 = arith.select %ge3A_1666, %sub3A_1668, %add3A_1664 : i32
        %add3A_1670 = arith.addi %mul3A_1412, %select_n3A_1669 : i32
        %dma_start3A_1671 = arith.constant 40 : i32
        %dma_start3A_1672 = arith.constant 0 : i32
        %dma_start3A_1673 = tpu.memref_slice %arg32[%dma_start3A_1671, %dma_start3A_1672] : memref<72x64xf32, #tpu.memory_space<vmem>> -> memref<8x64xf32, #tpu.memory_space<vmem>>
        %dma_start3A_1674 = arith.constant 0 : i32
        %dma_start3A_1675 = tpu.memref_slice %arg2[%add3A_1670, %dma_start3A_1674] : memref<527040x64xf32, #tpu.memory_space<hbm>> -> memref<8x64xf32, #tpu.memory_space<hbm>>
        %dma_start3A_1676 = arith.constant 40 : i32
        %dma_start3A_1677 = arith.constant 0 : i32
        %dma_start3A_1678 = tpu.memref_slice %arg32[%dma_start3A_1676, %dma_start3A_1677] : memref<72x64xf32, #tpu.memory_space<vmem>> -> memref<8x64xf32, #tpu.memory_space<vmem>>
        %dma_start3A_1679 = arith.constant 0 : i32
        %dma_start3A_1680 = tpu.memref_slice %arg2[%add3A_1670, %dma_start3A_1679] : memref<527040x64xf32, #tpu.memory_space<hbm>> -> memref<8x64xf32, #tpu.memory_space<hbm>>
        tpu.enqueue_dma source(%dma_start3A_1680 : memref<8x64xf32, #tpu.memory_space<hbm>>) target(%dma_start3A_1678 : memref<8x64xf32, #tpu.memory_space<vmem>>) target_semaphore(%arg15 : memref<!tpu.dma_semaphore, #tpu.memory_space<semaphore_mem>>)
        %add3A_1681 = arith.constant 48 : i32
        %add3A_1682 = arith.addi %mul3A_1409, %add3A_1681 : i32
        %ge3A_1683 = arith.constant 1440 : i32
        %ge3A_1684 = arith.cmpi sge, %add3A_1682, %ge3A_1683 : i32
        %sub3A_1685 = arith.constant 1440 : i32
        %sub3A_1686 = arith.subi %add3A_1682, %sub3A_1685 : i32
        %select_n3A_1687 = arith.select %ge3A_1684, %sub3A_1686, %add3A_1682 : i32
        %add3A_1688 = arith.addi %mul3A_1412, %select_n3A_1687 : i32
        %dma_start3A_1689 = arith.constant 48 : i32
        %dma_start3A_1690 = arith.constant 0 : i32
        %dma_start3A_1691 = tpu.memref_slice %arg32[%dma_start3A_1689, %dma_start3A_1690] : memref<72x64xf32, #tpu.memory_space<vmem>> -> memref<8x64xf32, #tpu.memory_space<vmem>>
        %dma_start3A_1692 = arith.constant 0 : i32
        %dma_start3A_1693 = tpu.memref_slice %arg2[%add3A_1688, %dma_start3A_1692] : memref<527040x64xf32, #tpu.memory_space<hbm>> -> memref<8x64xf32, #tpu.memory_space<hbm>>
        %dma_start3A_1694 = arith.constant 48 : i32
        %dma_start3A_1695 = arith.constant 0 : i32
        %dma_start3A_1696 = tpu.memref_slice %arg32[%dma_start3A_1694, %dma_start3A_1695] : memref<72x64xf32, #tpu.memory_space<vmem>> -> memref<8x64xf32, #tpu.memory_space<vmem>>
        %dma_start3A_1697 = arith.constant 0 : i32
        %dma_start3A_1698 = tpu.memref_slice %arg2[%add3A_1688, %dma_start3A_1697] : memref<527040x64xf32, #tpu.memory_space<hbm>> -> memref<8x64xf32, #tpu.memory_space<hbm>>
        tpu.enqueue_dma source(%dma_start3A_1698 : memref<8x64xf32, #tpu.memory_space<hbm>>) target(%dma_start3A_1696 : memref<8x64xf32, #tpu.memory_space<vmem>>) target_semaphore(%arg15 : memref<!tpu.dma_semaphore, #tpu.memory_space<semaphore_mem>>)
        %add3A_1699 = arith.constant 56 : i32
        %add3A_1700 = arith.addi %mul3A_1409, %add3A_1699 : i32
        %ge3A_1701 = arith.constant 1440 : i32
        %ge3A_1702 = arith.cmpi sge, %add3A_1700, %ge3A_1701 : i32
        %sub3A_1703 = arith.constant 1440 : i32
        %sub3A_1704 = arith.subi %add3A_1700, %sub3A_1703 : i32
        %select_n3A_1705 = arith.select %ge3A_1702, %sub3A_1704, %add3A_1700 : i32
        %add3A_1706 = arith.addi %mul3A_1412, %select_n3A_1705 : i32
        %dma_start3A_1707 = arith.constant 56 : i32
        %dma_start3A_1708 = arith.constant 0 : i32
        %dma_start3A_1709 = tpu.memref_slice %arg32[%dma_start3A_1707, %dma_start3A_1708] : memref<72x64xf32, #tpu.memory_space<vmem>> -> memref<8x64xf32, #tpu.memory_space<vmem>>
        %dma_start3A_1710 = arith.constant 0 : i32
        %dma_start3A_1711 = tpu.memref_slice %arg2[%add3A_1706, %dma_start3A_1710] : memref<527040x64xf32, #tpu.memory_space<hbm>> -> memref<8x64xf32, #tpu.memory_space<hbm>>
        %dma_start3A_1712 = arith.constant 56 : i32
        %dma_start3A_1713 = arith.constant 0 : i32
        %dma_start3A_1714 = tpu.memref_slice %arg32[%dma_start3A_1712, %dma_start3A_1713] : memref<72x64xf32, #tpu.memory_space<vmem>> -> memref<8x64xf32, #tpu.memory_space<vmem>>
        %dma_start3A_1715 = arith.constant 0 : i32
        %dma_start3A_1716 = tpu.memref_slice %arg2[%add3A_1706, %dma_start3A_1715] : memref<527040x64xf32, #tpu.memory_space<hbm>> -> memref<8x64xf32, #tpu.memory_space<hbm>>
        tpu.enqueue_dma source(%dma_start3A_1716 : memref<8x64xf32, #tpu.memory_space<hbm>>) target(%dma_start3A_1714 : memref<8x64xf32, #tpu.memory_space<vmem>>) target_semaphore(%arg15 : memref<!tpu.dma_semaphore, #tpu.memory_space<semaphore_mem>>)
        %add3A_1717 = arith.constant 64 : i32
        %add3A_1718 = arith.addi %mul3A_1409, %add3A_1717 : i32
        %ge3A_1719 = arith.constant 1440 : i32
        %ge3A_1720 = arith.cmpi sge, %add3A_1718, %ge3A_1719 : i32
        %sub3A_1721 = arith.constant 1440 : i32
        %sub3A_1722 = arith.subi %add3A_1718, %sub3A_1721 : i32
        %select_n3A_1723 = arith.select %ge3A_1720, %sub3A_1722, %add3A_1718 : i32
        %add3A_1724 = arith.addi %mul3A_1412, %select_n3A_1723 : i32
        %dma_start3A_1725 = arith.constant 64 : i32
        %dma_start3A_1726 = arith.constant 0 : i32
        %dma_start3A_1727 = tpu.memref_slice %arg32[%dma_start3A_1725, %dma_start3A_1726] : memref<72x64xf32, #tpu.memory_space<vmem>> -> memref<8x64xf32, #tpu.memory_space<vmem>>
        %dma_start3A_1728 = arith.constant 0 : i32
        %dma_start3A_1729 = tpu.memref_slice %arg2[%add3A_1724, %dma_start3A_1728] : memref<527040x64xf32, #tpu.memory_space<hbm>> -> memref<8x64xf32, #tpu.memory_space<hbm>>
        %dma_start3A_1730 = arith.constant 64 : i32
        %dma_start3A_1731 = arith.constant 0 : i32
        %dma_start3A_1732 = tpu.memref_slice %arg32[%dma_start3A_1730, %dma_start3A_1731] : memref<72x64xf32, #tpu.memory_space<vmem>> -> memref<8x64xf32, #tpu.memory_space<vmem>>
        %dma_start3A_1733 = arith.constant 0 : i32
        %dma_start3A_1734 = tpu.memref_slice %arg2[%add3A_1724, %dma_start3A_1733] : memref<527040x64xf32, #tpu.memory_space<hbm>> -> memref<8x64xf32, #tpu.memory_space<hbm>>
        tpu.enqueue_dma source(%dma_start3A_1734 : memref<8x64xf32, #tpu.memory_space<hbm>>) target(%dma_start3A_1732 : memref<8x64xf32, #tpu.memory_space<vmem>>) target_semaphore(%arg15 : memref<!tpu.dma_semaphore, #tpu.memory_space<semaphore_mem>>)
      } else {
      }
      %dma_wait3A_1430 = arith.constant 0 : i32
      %dma_wait3A_1431 = arith.constant 0 : i32
      %dma_wait3A_1432 = tpu.memref_slice %arg2[%dma_wait3A_1430, %dma_wait3A_1431] : memref<527040x64xf32, #tpu.memory_space<hbm>> -> memref<72x64xf32, #tpu.memory_space<hbm>>
      %dma_wait3A_1433 = arith.constant 0 : i32
      %dma_wait3A_1434 = arith.constant 0 : i32
      %dma_wait3A_1435 = tpu.memref_slice %arg2[%dma_wait3A_1433, %dma_wait3A_1434] : memref<527040x64xf32, #tpu.memory_space<hbm>> -> memref<72x64xf32, #tpu.memory_space<hbm>>
      tpu.wait_dma2 semaphore(%arg8 : memref<!tpu.dma_semaphore, #tpu.memory_space<semaphore_mem>>) src(%dma_wait3A_1435 : memref<72x64xf32, #tpu.memory_space<hbm>>) dst(%arg25 : memref<72x64xf32, #tpu.memory_space<vmem>>)
      %add3A_1436 = arith.addi %multiple_of3A, %add3A_115 : i32
      %mul3A_1437 = arith.constant 64 : i32
      %mul3A_1438 = arith.muli %add3A_1436, %mul3A_1437 : i32
      %multiple_of3A_1439 = tpu.assume_multiple %mul3A_1438, 64 : i32
      %dma_start3A = arith.constant 0 : i32
      %dma_start3A_1440 = tpu.memref_slice %arg25[%sub3A_253, %dma_start3A] : memref<72x64xf32, #tpu.memory_space<vmem>> -> memref<64x64xf32, #tpu.memory_space<vmem>>
      %dma_start3A_1441 = arith.constant 0 : i32
      %dma_start3A_1442 = tpu.memref_slice %arg6[%multiple_of3A_1439, %dma_start3A_1441] : memref<1048576x64xf32, #tpu.memory_space<hbm>> -> memref<64x64xf32, #tpu.memory_space<hbm>>
      %dma_start3A_1443 = arith.constant 0 : i32
      %dma_start3A_1444 = tpu.memref_slice %arg6[%multiple_of3A_1439, %dma_start3A_1443] : memref<1048576x64xf32, #tpu.memory_space<hbm>> -> memref<64x64xf32, #tpu.memory_space<hbm>>
      %dma_start3A_1445 = arith.constant 0 : i32
      %dma_start3A_1446 = tpu.memref_slice %arg25[%sub3A_253, %dma_start3A_1445] : memref<72x64xf32, #tpu.memory_space<vmem>> -> memref<64x64xf32, #tpu.memory_space<vmem>>
      tpu.enqueue_dma source(%dma_start3A_1446 : memref<64x64xf32, #tpu.memory_space<vmem>>) target(%dma_start3A_1444 : memref<64x64xf32, #tpu.memory_space<hbm>>) target_semaphore(%arg16 : memref<!tpu.dma_semaphore, #tpu.memory_space<semaphore_mem>>)
      %dma_wait3A_1447 = arith.constant 0 : i32
      %dma_wait3A_1448 = arith.constant 0 : i32
      %dma_wait3A_1449 = tpu.memref_slice %arg2[%dma_wait3A_1447, %dma_wait3A_1448] : memref<527040x64xf32, #tpu.memory_space<hbm>> -> memref<72x64xf32, #tpu.memory_space<hbm>>
      %dma_wait3A_1450 = arith.constant 0 : i32
      %dma_wait3A_1451 = arith.constant 0 : i32
      %dma_wait3A_1452 = tpu.memref_slice %arg2[%dma_wait3A_1450, %dma_wait3A_1451] : memref<527040x64xf32, #tpu.memory_space<hbm>> -> memref<72x64xf32, #tpu.memory_space<hbm>>
      tpu.wait_dma2 semaphore(%arg9 : memref<!tpu.dma_semaphore, #tpu.memory_space<semaphore_mem>>) src(%dma_wait3A_1452 : memref<72x64xf32, #tpu.memory_space<hbm>>) dst(%arg26 : memref<72x64xf32, #tpu.memory_space<vmem>>)
      %add3A_1453 = arith.addi %multiple_of3A, %add3A_269 : i32
      %mul3A_1454 = arith.constant 64 : i32
      %mul3A_1455 = arith.muli %add3A_1453, %mul3A_1454 : i32
      %multiple_of3A_1456 = tpu.assume_multiple %mul3A_1455, 64 : i32
      %dma_start3A_1457 = arith.constant 0 : i32
      %dma_start3A_1458 = tpu.memref_slice %arg26[%sub3A_414, %dma_start3A_1457] : memref<72x64xf32, #tpu.memory_space<vmem>> -> memref<64x64xf32, #tpu.memory_space<vmem>>
      %dma_start3A_1459 = arith.constant 0 : i32
      %dma_start3A_1460 = tpu.memref_slice %arg6[%multiple_of3A_1456, %dma_start3A_1459] : memref<1048576x64xf32, #tpu.memory_space<hbm>> -> memref<64x64xf32, #tpu.memory_space<hbm>>
      %dma_start3A_1461 = arith.constant 0 : i32
      %dma_start3A_1462 = tpu.memref_slice %arg6[%multiple_of3A_1456, %dma_start3A_1461] : memref<1048576x64xf32, #tpu.memory_space<hbm>> -> memref<64x64xf32, #tpu.memory_space<hbm>>
      %dma_start3A_1463 = arith.constant 0 : i32
      %dma_start3A_1464 = tpu.memref_slice %arg26[%sub3A_414, %dma_start3A_1463] : memref<72x64xf32, #tpu.memory_space<vmem>> -> memref<64x64xf32, #tpu.memory_space<vmem>>
      tpu.enqueue_dma source(%dma_start3A_1464 : memref<64x64xf32, #tpu.memory_space<vmem>>) target(%dma_start3A_1462 : memref<64x64xf32, #tpu.memory_space<hbm>>) target_semaphore(%arg17 : memref<!tpu.dma_semaphore, #tpu.memory_space<semaphore_mem>>)
      %dma_wait3A_1465 = arith.constant 0 : i32
      %dma_wait3A_1466 = arith.constant 0 : i32
      %dma_wait3A_1467 = tpu.memref_slice %arg2[%dma_wait3A_1465, %dma_wait3A_1466] : memref<527040x64xf32, #tpu.memory_space<hbm>> -> memref<72x64xf32, #tpu.memory_space<hbm>>
      %dma_wait3A_1468 = arith.constant 0 : i32
      %dma_wait3A_1469 = arith.constant 0 : i32
      %dma_wait3A_1470 = tpu.memref_slice %arg2[%dma_wait3A_1468, %dma_wait3A_1469] : memref<527040x64xf32, #tpu.memory_space<hbm>> -> memref<72x64xf32, #tpu.memory_space<hbm>>
      tpu.wait_dma2 semaphore(%arg10 : memref<!tpu.dma_semaphore, #tpu.memory_space<semaphore_mem>>) src(%dma_wait3A_1470 : memref<72x64xf32, #tpu.memory_space<hbm>>) dst(%arg27 : memref<72x64xf32, #tpu.memory_space<vmem>>)
      %add3A_1471 = arith.addi %multiple_of3A, %add3A_435 : i32
      %mul3A_1472 = arith.constant 64 : i32
      %mul3A_1473 = arith.muli %add3A_1471, %mul3A_1472 : i32
      %multiple_of3A_1474 = tpu.assume_multiple %mul3A_1473, 64 : i32
      %dma_start3A_1475 = arith.constant 0 : i32
      %dma_start3A_1476 = tpu.memref_slice %arg27[%sub3A_580, %dma_start3A_1475] : memref<72x64xf32, #tpu.memory_space<vmem>> -> memref<64x64xf32, #tpu.memory_space<vmem>>
      %dma_start3A_1477 = arith.constant 0 : i32
      %dma_start3A_1478 = tpu.memref_slice %arg6[%multiple_of3A_1474, %dma_start3A_1477] : memref<1048576x64xf32, #tpu.memory_space<hbm>> -> memref<64x64xf32, #tpu.memory_space<hbm>>
      %dma_start3A_1479 = arith.constant 0 : i32
      %dma_start3A_1480 = tpu.memref_slice %arg6[%multiple_of3A_1474, %dma_start3A_1479] : memref<1048576x64xf32, #tpu.memory_space<hbm>> -> memref<64x64xf32, #tpu.memory_space<hbm>>
      %dma_start3A_1481 = arith.constant 0 : i32
      %dma_start3A_1482 = tpu.memref_slice %arg27[%sub3A_580, %dma_start3A_1481] : memref<72x64xf32, #tpu.memory_space<vmem>> -> memref<64x64xf32, #tpu.memory_space<vmem>>
      tpu.enqueue_dma source(%dma_start3A_1482 : memref<64x64xf32, #tpu.memory_space<vmem>>) target(%dma_start3A_1480 : memref<64x64xf32, #tpu.memory_space<hbm>>) target_semaphore(%arg18 : memref<!tpu.dma_semaphore, #tpu.memory_space<semaphore_mem>>)
      %dma_wait3A_1483 = arith.constant 0 : i32
      %dma_wait3A_1484 = arith.constant 0 : i32
      %dma_wait3A_1485 = tpu.memref_slice %arg2[%dma_wait3A_1483, %dma_wait3A_1484] : memref<527040x64xf32, #tpu.memory_space<hbm>> -> memref<72x64xf32, #tpu.memory_space<hbm>>
      %dma_wait3A_1486 = arith.constant 0 : i32
      %dma_wait3A_1487 = arith.constant 0 : i32
      %dma_wait3A_1488 = tpu.memref_slice %arg2[%dma_wait3A_1486, %dma_wait3A_1487] : memref<527040x64xf32, #tpu.memory_space<hbm>> -> memref<72x64xf32, #tpu.memory_space<hbm>>
      tpu.wait_dma2 semaphore(%arg11 : memref<!tpu.dma_semaphore, #tpu.memory_space<semaphore_mem>>) src(%dma_wait3A_1488 : memref<72x64xf32, #tpu.memory_space<hbm>>) dst(%arg28 : memref<72x64xf32, #tpu.memory_space<vmem>>)
      %add3A_1489 = arith.addi %multiple_of3A, %add3A_601 : i32
      %mul3A_1490 = arith.constant 64 : i32
      %mul3A_1491 = arith.muli %add3A_1489, %mul3A_1490 : i32
      %multiple_of3A_1492 = tpu.assume_multiple %mul3A_1491, 64 : i32
      %dma_start3A_1493 = arith.constant 0 : i32
      %dma_start3A_1494 = tpu.memref_slice %arg28[%sub3A_746, %dma_start3A_1493] : memref<72x64xf32, #tpu.memory_space<vmem>> -> memref<64x64xf32, #tpu.memory_space<vmem>>
      %dma_start3A_1495 = arith.constant 0 : i32
      %dma_start3A_1496 = tpu.memref_slice %arg6[%multiple_of3A_1492, %dma_start3A_1495] : memref<1048576x64xf32, #tpu.memory_space<hbm>> -> memref<64x64xf32, #tpu.memory_space<hbm>>
      %dma_start3A_1497 = arith.constant 0 : i32
      %dma_start3A_1498 = tpu.memref_slice %arg6[%multiple_of3A_1492, %dma_start3A_1497] : memref<1048576x64xf32, #tpu.memory_space<hbm>> -> memref<64x64xf32, #tpu.memory_space<hbm>>
      %dma_start3A_1499 = arith.constant 0 : i32
      %dma_start3A_1500 = tpu.memref_slice %arg28[%sub3A_746, %dma_start3A_1499] : memref<72x64xf32, #tpu.memory_space<vmem>> -> memref<64x64xf32, #tpu.memory_space<vmem>>
      tpu.enqueue_dma source(%dma_start3A_1500 : memref<64x64xf32, #tpu.memory_space<vmem>>) target(%dma_start3A_1498 : memref<64x64xf32, #tpu.memory_space<hbm>>) target_semaphore(%arg19 : memref<!tpu.dma_semaphore, #tpu.memory_space<semaphore_mem>>)
      %dma_wait3A_1501 = arith.constant 0 : i32
      %dma_wait3A_1502 = arith.constant 0 : i32
      %dma_wait3A_1503 = tpu.memref_slice %arg2[%dma_wait3A_1501, %dma_wait3A_1502] : memref<527040x64xf32, #tpu.memory_space<hbm>> -> memref<72x64xf32, #tpu.memory_space<hbm>>
      %dma_wait3A_1504 = arith.constant 0 : i32
      %dma_wait3A_1505 = arith.constant 0 : i32
      %dma_wait3A_1506 = tpu.memref_slice %arg2[%dma_wait3A_1504, %dma_wait3A_1505] : memref<527040x64xf32, #tpu.memory_space<hbm>> -> memref<72x64xf32, #tpu.memory_space<hbm>>
      tpu.wait_dma2 semaphore(%arg12 : memref<!tpu.dma_semaphore, #tpu.memory_space<semaphore_mem>>) src(%dma_wait3A_1506 : memref<72x64xf32, #tpu.memory_space<hbm>>) dst(%arg29 : memref<72x64xf32, #tpu.memory_space<vmem>>)
      %add3A_1507 = arith.addi %multiple_of3A, %add3A_767 : i32
      %mul3A_1508 = arith.constant 64 : i32
      %mul3A_1509 = arith.muli %add3A_1507, %mul3A_1508 : i32
      %multiple_of3A_1510 = tpu.assume_multiple %mul3A_1509, 64 : i32
      %dma_start3A_1511 = arith.constant 0 : i32
      %dma_start3A_1512 = tpu.memref_slice %arg29[%sub3A_912, %dma_start3A_1511] : memref<72x64xf32, #tpu.memory_space<vmem>> -> memref<64x64xf32, #tpu.memory_space<vmem>>
      %dma_start3A_1513 = arith.constant 0 : i32
      %dma_start3A_1514 = tpu.memref_slice %arg6[%multiple_of3A_1510, %dma_start3A_1513] : memref<1048576x64xf32, #tpu.memory_space<hbm>> -> memref<64x64xf32, #tpu.memory_space<hbm>>
      %dma_start3A_1515 = arith.constant 0 : i32
      %dma_start3A_1516 = tpu.memref_slice %arg6[%multiple_of3A_1510, %dma_start3A_1515] : memref<1048576x64xf32, #tpu.memory_space<hbm>> -> memref<64x64xf32, #tpu.memory_space<hbm>>
      %dma_start3A_1517 = arith.constant 0 : i32
      %dma_start3A_1518 = tpu.memref_slice %arg29[%sub3A_912, %dma_start3A_1517] : memref<72x64xf32, #tpu.memory_space<vmem>> -> memref<64x64xf32, #tpu.memory_space<vmem>>
      tpu.enqueue_dma source(%dma_start3A_1518 : memref<64x64xf32, #tpu.memory_space<vmem>>) target(%dma_start3A_1516 : memref<64x64xf32, #tpu.memory_space<hbm>>) target_semaphore(%arg20 : memref<!tpu.dma_semaphore, #tpu.memory_space<semaphore_mem>>)
      %dma_wait3A_1519 = arith.constant 0 : i32
      %dma_wait3A_1520 = arith.constant 0 : i32
      %dma_wait3A_1521 = tpu.memref_slice %arg2[%dma_wait3A_1519, %dma_wait3A_1520] : memref<527040x64xf32, #tpu.memory_space<hbm>> -> memref<72x64xf32, #tpu.memory_space<hbm>>
      %dma_wait3A_1522 = arith.constant 0 : i32
      %dma_wait3A_1523 = arith.constant 0 : i32
      %dma_wait3A_1524 = tpu.memref_slice %arg2[%dma_wait3A_1522, %dma_wait3A_1523] : memref<527040x64xf32, #tpu.memory_space<hbm>> -> memref<72x64xf32, #tpu.memory_space<hbm>>
      tpu.wait_dma2 semaphore(%arg13 : memref<!tpu.dma_semaphore, #tpu.memory_space<semaphore_mem>>) src(%dma_wait3A_1524 : memref<72x64xf32, #tpu.memory_space<hbm>>) dst(%arg30 : memref<72x64xf32, #tpu.memory_space<vmem>>)
      %add3A_1525 = arith.addi %multiple_of3A, %add3A_933 : i32
      %mul3A_1526 = arith.constant 64 : i32
      %mul3A_1527 = arith.muli %add3A_1525, %mul3A_1526 : i32
      %multiple_of3A_1528 = tpu.assume_multiple %mul3A_1527, 64 : i32
      %dma_start3A_1529 = arith.constant 0 : i32
      %dma_start3A_1530 = tpu.memref_slice %arg30[%sub3A_1078, %dma_start3A_1529] : memref<72x64xf32, #tpu.memory_space<vmem>> -> memref<64x64xf32, #tpu.memory_space<vmem>>
      %dma_start3A_1531 = arith.constant 0 : i32
      %dma_start3A_1532 = tpu.memref_slice %arg6[%multiple_of3A_1528, %dma_start3A_1531] : memref<1048576x64xf32, #tpu.memory_space<hbm>> -> memref<64x64xf32, #tpu.memory_space<hbm>>
      %dma_start3A_1533 = arith.constant 0 : i32
      %dma_start3A_1534 = tpu.memref_slice %arg6[%multiple_of3A_1528, %dma_start3A_1533] : memref<1048576x64xf32, #tpu.memory_space<hbm>> -> memref<64x64xf32, #tpu.memory_space<hbm>>
      %dma_start3A_1535 = arith.constant 0 : i32
      %dma_start3A_1536 = tpu.memref_slice %arg30[%sub3A_1078, %dma_start3A_1535] : memref<72x64xf32, #tpu.memory_space<vmem>> -> memref<64x64xf32, #tpu.memory_space<vmem>>
      tpu.enqueue_dma source(%dma_start3A_1536 : memref<64x64xf32, #tpu.memory_space<vmem>>) target(%dma_start3A_1534 : memref<64x64xf32, #tpu.memory_space<hbm>>) target_semaphore(%arg21 : memref<!tpu.dma_semaphore, #tpu.memory_space<semaphore_mem>>)
      %dma_wait3A_1537 = arith.constant 0 : i32
      %dma_wait3A_1538 = arith.constant 0 : i32
      %dma_wait3A_1539 = tpu.memref_slice %arg2[%dma_wait3A_1537, %dma_wait3A_1538] : memref<527040x64xf32, #tpu.memory_space<hbm>> -> memref<72x64xf32, #tpu.memory_space<hbm>>
      %dma_wait3A_1540 = arith.constant 0 : i32
      %dma_wait3A_1541 = arith.constant 0 : i32
      %dma_wait3A_1542 = tpu.memref_slice %arg2[%dma_wait3A_1540, %dma_wait3A_1541] : memref<527040x64xf32, #tpu.memory_space<hbm>> -> memref<72x64xf32, #tpu.memory_space<hbm>>
      tpu.wait_dma2 semaphore(%arg14 : memref<!tpu.dma_semaphore, #tpu.memory_space<semaphore_mem>>) src(%dma_wait3A_1542 : memref<72x64xf32, #tpu.memory_space<hbm>>) dst(%arg31 : memref<72x64xf32, #tpu.memory_space<vmem>>)
      %add3A_1543 = arith.addi %multiple_of3A, %add3A_1099 : i32
      %mul3A_1544 = arith.constant 64 : i32
      %mul3A_1545 = arith.muli %add3A_1543, %mul3A_1544 : i32
      %multiple_of3A_1546 = tpu.assume_multiple %mul3A_1545, 64 : i32
      %dma_start3A_1547 = arith.constant 0 : i32
      %dma_start3A_1548 = tpu.memref_slice %arg31[%sub3A_1244, %dma_start3A_1547] : memref<72x64xf32, #tpu.memory_space<vmem>> -> memref<64x64xf32, #tpu.memory_space<vmem>>
      %dma_start3A_1549 = arith.constant 0 : i32
      %dma_start3A_1550 = tpu.memref_slice %arg6[%multiple_of3A_1546, %dma_start3A_1549] : memref<1048576x64xf32, #tpu.memory_space<hbm>> -> memref<64x64xf32, #tpu.memory_space<hbm>>
      %dma_start3A_1551 = arith.constant 0 : i32
      %dma_start3A_1552 = tpu.memref_slice %arg6[%multiple_of3A_1546, %dma_start3A_1551] : memref<1048576x64xf32, #tpu.memory_space<hbm>> -> memref<64x64xf32, #tpu.memory_space<hbm>>
      %dma_start3A_1553 = arith.constant 0 : i32
      %dma_start3A_1554 = tpu.memref_slice %arg31[%sub3A_1244, %dma_start3A_1553] : memref<72x64xf32, #tpu.memory_space<vmem>> -> memref<64x64xf32, #tpu.memory_space<vmem>>
      tpu.enqueue_dma source(%dma_start3A_1554 : memref<64x64xf32, #tpu.memory_space<vmem>>) target(%dma_start3A_1552 : memref<64x64xf32, #tpu.memory_space<hbm>>) target_semaphore(%arg22 : memref<!tpu.dma_semaphore, #tpu.memory_space<semaphore_mem>>)
      %dma_wait3A_1555 = arith.constant 0 : i32
      %dma_wait3A_1556 = arith.constant 0 : i32
      %dma_wait3A_1557 = tpu.memref_slice %arg2[%dma_wait3A_1555, %dma_wait3A_1556] : memref<527040x64xf32, #tpu.memory_space<hbm>> -> memref<72x64xf32, #tpu.memory_space<hbm>>
      %dma_wait3A_1558 = arith.constant 0 : i32
      %dma_wait3A_1559 = arith.constant 0 : i32
      %dma_wait3A_1560 = tpu.memref_slice %arg2[%dma_wait3A_1558, %dma_wait3A_1559] : memref<527040x64xf32, #tpu.memory_space<hbm>> -> memref<72x64xf32, #tpu.memory_space<hbm>>
      tpu.wait_dma2 semaphore(%arg15 : memref<!tpu.dma_semaphore, #tpu.memory_space<semaphore_mem>>) src(%dma_wait3A_1560 : memref<72x64xf32, #tpu.memory_space<hbm>>) dst(%arg32 : memref<72x64xf32, #tpu.memory_space<vmem>>)
      %add3A_1561 = arith.addi %multiple_of3A, %add3A_1265 : i32
      %mul3A_1562 = arith.constant 64 : i32
      %mul3A_1563 = arith.muli %add3A_1561, %mul3A_1562 : i32
      %multiple_of3A_1564 = tpu.assume_multiple %mul3A_1563, 64 : i32
      %dma_start3A_1565 = arith.constant 0 : i32
      %dma_start3A_1566 = tpu.memref_slice %arg32[%sub3A_1410, %dma_start3A_1565] : memref<72x64xf32, #tpu.memory_space<vmem>> -> memref<64x64xf32, #tpu.memory_space<vmem>>
      %dma_start3A_1567 = arith.constant 0 : i32
      %dma_start3A_1568 = tpu.memref_slice %arg6[%multiple_of3A_1564, %dma_start3A_1567] : memref<1048576x64xf32, #tpu.memory_space<hbm>> -> memref<64x64xf32, #tpu.memory_space<hbm>>
      %dma_start3A_1569 = arith.constant 0 : i32
      %dma_start3A_1570 = tpu.memref_slice %arg6[%multiple_of3A_1564, %dma_start3A_1569] : memref<1048576x64xf32, #tpu.memory_space<hbm>> -> memref<64x64xf32, #tpu.memory_space<hbm>>
      %dma_start3A_1571 = arith.constant 0 : i32
      %dma_start3A_1572 = tpu.memref_slice %arg32[%sub3A_1410, %dma_start3A_1571] : memref<72x64xf32, #tpu.memory_space<vmem>> -> memref<64x64xf32, #tpu.memory_space<vmem>>
      tpu.enqueue_dma source(%dma_start3A_1572 : memref<64x64xf32, #tpu.memory_space<vmem>>) target(%dma_start3A_1570 : memref<64x64xf32, #tpu.memory_space<hbm>>) target_semaphore(%arg23 : memref<!tpu.dma_semaphore, #tpu.memory_space<semaphore_mem>>)
      %scan3A_1573 = arith.constant 0 : i32
      scf.yield %scan3A_1573 : i32
    }
    %scan3A_14 = arith.constant 64 : i32
    %dma_wait3A = arith.constant 0 : i32
    %dma_wait3A_15 = arith.constant 0 : i32
    %dma_wait3A_16 = tpu.memref_slice %arg25[%dma_wait3A, %dma_wait3A_15] : memref<72x64xf32, #tpu.memory_space<vmem>> -> memref<64x64xf32, #tpu.memory_space<vmem>>
    %dma_wait3A_17 = arith.constant 0 : i32
    %dma_wait3A_18 = arith.constant 0 : i32
    %dma_wait3A_19 = tpu.memref_slice %arg6[%dma_wait3A_17, %dma_wait3A_18] : memref<1048576x64xf32, #tpu.memory_space<hbm>> -> memref<64x64xf32, #tpu.memory_space<hbm>>
    %dma_wait3A_20 = arith.constant 0 : i32
    %dma_wait3A_21 = arith.constant 0 : i32
    %dma_wait3A_22 = tpu.memref_slice %arg6[%dma_wait3A_20, %dma_wait3A_21] : memref<1048576x64xf32, #tpu.memory_space<hbm>> -> memref<64x64xf32, #tpu.memory_space<hbm>>
    %dma_wait3A_23 = arith.constant 0 : i32
    %dma_wait3A_24 = arith.constant 0 : i32
    %dma_wait3A_25 = tpu.memref_slice %arg25[%dma_wait3A_23, %dma_wait3A_24] : memref<72x64xf32, #tpu.memory_space<vmem>> -> memref<64x64xf32, #tpu.memory_space<vmem>>
    tpu.wait_dma2 semaphore(%arg16 : memref<!tpu.dma_semaphore, #tpu.memory_space<semaphore_mem>>) src(%dma_wait3A_25 : memref<64x64xf32, #tpu.memory_space<vmem>>) dst(%dma_wait3A_22 : memref<64x64xf32, #tpu.memory_space<hbm>>)
    %dma_wait3A_26 = arith.constant 0 : i32
    %dma_wait3A_27 = arith.constant 0 : i32
    %dma_wait3A_28 = tpu.memref_slice %arg26[%dma_wait3A_26, %dma_wait3A_27] : memref<72x64xf32, #tpu.memory_space<vmem>> -> memref<64x64xf32, #tpu.memory_space<vmem>>
    %dma_wait3A_29 = arith.constant 0 : i32
    %dma_wait3A_30 = arith.constant 0 : i32
    %dma_wait3A_31 = tpu.memref_slice %arg6[%dma_wait3A_29, %dma_wait3A_30] : memref<1048576x64xf32, #tpu.memory_space<hbm>> -> memref<64x64xf32, #tpu.memory_space<hbm>>
    %dma_wait3A_32 = arith.constant 0 : i32
    %dma_wait3A_33 = arith.constant 0 : i32
    %dma_wait3A_34 = tpu.memref_slice %arg6[%dma_wait3A_32, %dma_wait3A_33] : memref<1048576x64xf32, #tpu.memory_space<hbm>> -> memref<64x64xf32, #tpu.memory_space<hbm>>
    %dma_wait3A_35 = arith.constant 0 : i32
    %dma_wait3A_36 = arith.constant 0 : i32
    %dma_wait3A_37 = tpu.memref_slice %arg26[%dma_wait3A_35, %dma_wait3A_36] : memref<72x64xf32, #tpu.memory_space<vmem>> -> memref<64x64xf32, #tpu.memory_space<vmem>>
    tpu.wait_dma2 semaphore(%arg17 : memref<!tpu.dma_semaphore, #tpu.memory_space<semaphore_mem>>) src(%dma_wait3A_37 : memref<64x64xf32, #tpu.memory_space<vmem>>) dst(%dma_wait3A_34 : memref<64x64xf32, #tpu.memory_space<hbm>>)
    %dma_wait3A_38 = arith.constant 0 : i32
    %dma_wait3A_39 = arith.constant 0 : i32
    %dma_wait3A_40 = tpu.memref_slice %arg27[%dma_wait3A_38, %dma_wait3A_39] : memref<72x64xf32, #tpu.memory_space<vmem>> -> memref<64x64xf32, #tpu.memory_space<vmem>>
    %dma_wait3A_41 = arith.constant 0 : i32
    %dma_wait3A_42 = arith.constant 0 : i32
    %dma_wait3A_43 = tpu.memref_slice %arg6[%dma_wait3A_41, %dma_wait3A_42] : memref<1048576x64xf32, #tpu.memory_space<hbm>> -> memref<64x64xf32, #tpu.memory_space<hbm>>
    %dma_wait3A_44 = arith.constant 0 : i32
    %dma_wait3A_45 = arith.constant 0 : i32
    %dma_wait3A_46 = tpu.memref_slice %arg6[%dma_wait3A_44, %dma_wait3A_45] : memref<1048576x64xf32, #tpu.memory_space<hbm>> -> memref<64x64xf32, #tpu.memory_space<hbm>>
    %dma_wait3A_47 = arith.constant 0 : i32
    %dma_wait3A_48 = arith.constant 0 : i32
    %dma_wait3A_49 = tpu.memref_slice %arg27[%dma_wait3A_47, %dma_wait3A_48] : memref<72x64xf32, #tpu.memory_space<vmem>> -> memref<64x64xf32, #tpu.memory_space<vmem>>
    tpu.wait_dma2 semaphore(%arg18 : memref<!tpu.dma_semaphore, #tpu.memory_space<semaphore_mem>>) src(%dma_wait3A_49 : memref<64x64xf32, #tpu.memory_space<vmem>>) dst(%dma_wait3A_46 : memref<64x64xf32, #tpu.memory_space<hbm>>)
    %dma_wait3A_50 = arith.constant 0 : i32
    %dma_wait3A_51 = arith.constant 0 : i32
    %dma_wait3A_52 = tpu.memref_slice %arg28[%dma_wait3A_50, %dma_wait3A_51] : memref<72x64xf32, #tpu.memory_space<vmem>> -> memref<64x64xf32, #tpu.memory_space<vmem>>
    %dma_wait3A_53 = arith.constant 0 : i32
    %dma_wait3A_54 = arith.constant 0 : i32
    %dma_wait3A_55 = tpu.memref_slice %arg6[%dma_wait3A_53, %dma_wait3A_54] : memref<1048576x64xf32, #tpu.memory_space<hbm>> -> memref<64x64xf32, #tpu.memory_space<hbm>>
    %dma_wait3A_56 = arith.constant 0 : i32
    %dma_wait3A_57 = arith.constant 0 : i32
    %dma_wait3A_58 = tpu.memref_slice %arg6[%dma_wait3A_56, %dma_wait3A_57] : memref<1048576x64xf32, #tpu.memory_space<hbm>> -> memref<64x64xf32, #tpu.memory_space<hbm>>
    %dma_wait3A_59 = arith.constant 0 : i32
    %dma_wait3A_60 = arith.constant 0 : i32
    %dma_wait3A_61 = tpu.memref_slice %arg28[%dma_wait3A_59, %dma_wait3A_60] : memref<72x64xf32, #tpu.memory_space<vmem>> -> memref<64x64xf32, #tpu.memory_space<vmem>>
    tpu.wait_dma2 semaphore(%arg19 : memref<!tpu.dma_semaphore, #tpu.memory_space<semaphore_mem>>) src(%dma_wait3A_61 : memref<64x64xf32, #tpu.memory_space<vmem>>) dst(%dma_wait3A_58 : memref<64x64xf32, #tpu.memory_space<hbm>>)
    %dma_wait3A_62 = arith.constant 0 : i32
    %dma_wait3A_63 = arith.constant 0 : i32
    %dma_wait3A_64 = tpu.memref_slice %arg29[%dma_wait3A_62, %dma_wait3A_63] : memref<72x64xf32, #tpu.memory_space<vmem>> -> memref<64x64xf32, #tpu.memory_space<vmem>>
    %dma_wait3A_65 = arith.constant 0 : i32
    %dma_wait3A_66 = arith.constant 0 : i32
    %dma_wait3A_67 = tpu.memref_slice %arg6[%dma_wait3A_65, %dma_wait3A_66] : memref<1048576x64xf32, #tpu.memory_space<hbm>> -> memref<64x64xf32, #tpu.memory_space<hbm>>
    %dma_wait3A_68 = arith.constant 0 : i32
    %dma_wait3A_69 = arith.constant 0 : i32
    %dma_wait3A_70 = tpu.memref_slice %arg6[%dma_wait3A_68, %dma_wait3A_69] : memref<1048576x64xf32, #tpu.memory_space<hbm>> -> memref<64x64xf32, #tpu.memory_space<hbm>>
    %dma_wait3A_71 = arith.constant 0 : i32
    %dma_wait3A_72 = arith.constant 0 : i32
    %dma_wait3A_73 = tpu.memref_slice %arg29[%dma_wait3A_71, %dma_wait3A_72] : memref<72x64xf32, #tpu.memory_space<vmem>> -> memref<64x64xf32, #tpu.memory_space<vmem>>
    tpu.wait_dma2 semaphore(%arg20 : memref<!tpu.dma_semaphore, #tpu.memory_space<semaphore_mem>>) src(%dma_wait3A_73 : memref<64x64xf32, #tpu.memory_space<vmem>>) dst(%dma_wait3A_70 : memref<64x64xf32, #tpu.memory_space<hbm>>)
    %dma_wait3A_74 = arith.constant 0 : i32
    %dma_wait3A_75 = arith.constant 0 : i32
    %dma_wait3A_76 = tpu.memref_slice %arg30[%dma_wait3A_74, %dma_wait3A_75] : memref<72x64xf32, #tpu.memory_space<vmem>> -> memref<64x64xf32, #tpu.memory_space<vmem>>
    %dma_wait3A_77 = arith.constant 0 : i32
    %dma_wait3A_78 = arith.constant 0 : i32
    %dma_wait3A_79 = tpu.memref_slice %arg6[%dma_wait3A_77, %dma_wait3A_78] : memref<1048576x64xf32, #tpu.memory_space<hbm>> -> memref<64x64xf32, #tpu.memory_space<hbm>>
    %dma_wait3A_80 = arith.constant 0 : i32
    %dma_wait3A_81 = arith.constant 0 : i32
    %dma_wait3A_82 = tpu.memref_slice %arg6[%dma_wait3A_80, %dma_wait3A_81] : memref<1048576x64xf32, #tpu.memory_space<hbm>> -> memref<64x64xf32, #tpu.memory_space<hbm>>
    %dma_wait3A_83 = arith.constant 0 : i32
    %dma_wait3A_84 = arith.constant 0 : i32
    %dma_wait3A_85 = tpu.memref_slice %arg30[%dma_wait3A_83, %dma_wait3A_84] : memref<72x64xf32, #tpu.memory_space<vmem>> -> memref<64x64xf32, #tpu.memory_space<vmem>>
    tpu.wait_dma2 semaphore(%arg21 : memref<!tpu.dma_semaphore, #tpu.memory_space<semaphore_mem>>) src(%dma_wait3A_85 : memref<64x64xf32, #tpu.memory_space<vmem>>) dst(%dma_wait3A_82 : memref<64x64xf32, #tpu.memory_space<hbm>>)
    %dma_wait3A_86 = arith.constant 0 : i32
    %dma_wait3A_87 = arith.constant 0 : i32
    %dma_wait3A_88 = tpu.memref_slice %arg31[%dma_wait3A_86, %dma_wait3A_87] : memref<72x64xf32, #tpu.memory_space<vmem>> -> memref<64x64xf32, #tpu.memory_space<vmem>>
    %dma_wait3A_89 = arith.constant 0 : i32
    %dma_wait3A_90 = arith.constant 0 : i32
    %dma_wait3A_91 = tpu.memref_slice %arg6[%dma_wait3A_89, %dma_wait3A_90] : memref<1048576x64xf32, #tpu.memory_space<hbm>> -> memref<64x64xf32, #tpu.memory_space<hbm>>
    %dma_wait3A_92 = arith.constant 0 : i32
    %dma_wait3A_93 = arith.constant 0 : i32
    %dma_wait3A_94 = tpu.memref_slice %arg6[%dma_wait3A_92, %dma_wait3A_93] : memref<1048576x64xf32, #tpu.memory_space<hbm>> -> memref<64x64xf32, #tpu.memory_space<hbm>>
    %dma_wait3A_95 = arith.constant 0 : i32
    %dma_wait3A_96 = arith.constant 0 : i32
    %dma_wait3A_97 = tpu.memref_slice %arg31[%dma_wait3A_95, %dma_wait3A_96] : memref<72x64xf32, #tpu.memory_space<vmem>> -> memref<64x64xf32, #tpu.memory_space<vmem>>
    tpu.wait_dma2 semaphore(%arg22 : memref<!tpu.dma_semaphore, #tpu.memory_space<semaphore_mem>>) src(%dma_wait3A_97 : memref<64x64xf32, #tpu.memory_space<vmem>>) dst(%dma_wait3A_94 : memref<64x64xf32, #tpu.memory_space<hbm>>)
    %dma_wait3A_98 = arith.constant 0 : i32
    %dma_wait3A_99 = arith.constant 0 : i32
    %dma_wait3A_100 = tpu.memref_slice %arg32[%dma_wait3A_98, %dma_wait3A_99] : memref<72x64xf32, #tpu.memory_space<vmem>> -> memref<64x64xf32, #tpu.memory_space<vmem>>
    %dma_wait3A_101 = arith.constant 0 : i32
    %dma_wait3A_102 = arith.constant 0 : i32
    %dma_wait3A_103 = tpu.memref_slice %arg6[%dma_wait3A_101, %dma_wait3A_102] : memref<1048576x64xf32, #tpu.memory_space<hbm>> -> memref<64x64xf32, #tpu.memory_space<hbm>>
    %dma_wait3A_104 = arith.constant 0 : i32
    %dma_wait3A_105 = arith.constant 0 : i32
    %dma_wait3A_106 = tpu.memref_slice %arg6[%dma_wait3A_104, %dma_wait3A_105] : memref<1048576x64xf32, #tpu.memory_space<hbm>> -> memref<64x64xf32, #tpu.memory_space<hbm>>
    %dma_wait3A_107 = arith.constant 0 : i32
    %dma_wait3A_108 = arith.constant 0 : i32
    %dma_wait3A_109 = tpu.memref_slice %arg32[%dma_wait3A_107, %dma_wait3A_108] : memref<72x64xf32, #tpu.memory_space<vmem>> -> memref<64x64xf32, #tpu.memory_space<vmem>>
    tpu.wait_dma2 semaphore(%arg23 : memref<!tpu.dma_semaphore, #tpu.memory_space<semaphore_mem>>) src(%dma_wait3A_109 : memref<64x64xf32, #tpu.memory_space<vmem>>) dst(%dma_wait3A_106 : memref<64x64xf32, #tpu.memory_space<hbm>>)
    return
  }
}

</mosaic_0001>

<sc_bundles>
// kernel: kernel.3.cloned.1.call-start
scs
__scs_entry_jumppad:
0x0: {  	(pc) =	sbr.rel $0x88, $3  }
0x1: {  	(tag) =	ssettag $0x0;
	lr =	simm.s32 $0x1  }
0x2: {  	[smem:$0x3F9D] =	sst lr;
	_ =	strace $0xD0000000  }
0x3: {  	_ = 	snop  }
0x4: {  	_ = 	snop  }
0x5: {  	_ = 	snop  }
0x6: {  	_ = 	snop  }
0x7: {  	_ = 	snop  }
__scs_overlays_trampoline_lowered:
0x8: {  	[smem:$0x3FAC] =	sst s0  }
0x9: {  	[smem:$0x3FAD] =	sst s1  }
0xa: {  	[smem:$0x3FAE] =	sst s2  }
0xb: {  	[smem:$0x3FAF] =	sst s3  }
0xc: {  	[smem:$0x3FB0] =	sst s4  }
0xd: {  	[smem:$0x3FB1] =	sst s5  }
0xe: {  	[smem:$0x3FB2] =	sst s6  }
0xf: {  	[smem:$0x3FB3] =	sst s7  }
0x10: {  	[smem:$0x3FB4] =	sst s8  }
0x11: {  	[smem:$0x3FB5] =	sst s9;
	s0 =	simm.s32 @!p0 $0x0  }
0x12: {  	s1 =	sld [smem:$0x3F9B];
	s0 =	simm.s32 @p0 $0x1  }
0x13: {  	[smem:$0x3FB6] =	sst s0;
	s0 =	simm.s32 @!p1 $0x0  }
0x14: {  	s2 =	sld [smem:$0x3F9A];
	s0 =	simm.s32 @p1 $0x1  }
0x15: {  	[smem:$0x3FB7] =	sst s0;
	s0 =	simm.s32 @!p2 $0x0  }
0x16: {  	s3 =	sld [smem:$0x3FDB];
	s0 =	simm.s32 @p2 $0x1  }
0x17: {  	s4 =	simm.s32 $0x1BF5;
	[smem:$0x3FB9] =	sst s0  }
0x18: {  	s0 =	sld [smem:$0x3F9C];
	_ =	swait.ge [sflag:s4], $0x0  }
0x19: {  	s7 =	sld [smem:$0x3F9D]  }
0x1a: {  	s8 =	sadd.s32 $0xFFFFE003, lr  }
0x1b: {  	s9 =	sadd.s32 $0xFFFFFEF7, lr;
	s5 =	simm.s32 $0xFFFFFFFF;
	p2 =	slt.u32 s8, $0xFFFFF086  }
0x1c: {  	p1 =	slt.u32 s9, $0xF7A;
	s5 =	simm.s32 @!p2 $0x0  }
0x1d: {  	s5 =	simm.s32 @p1 $0x1;
	p0 =	seq.s32 s7, s2  }
0x1e: {  	s7 =	smul.u32 @!p0 $0xF7A, s2;
	p2 =	seq.s32 @!p0 s5, $0x0  }
0x1f: {  	s9 =	smul.u32 $0xF7A, s1;
	s8 =	simm.s32 @!p0 $0x1BF5;
	p2 =	por !p2, p0  }
0x20: {  	[sflag:s8] =	ssyncset.s32 @!p0 $0xFFFFF086;
	s6 =	sadd.s32 @!p0 s3, s7;
	s7 =	simm.s32 @!p0 $0x108  }
0x21: {  	s3 =	sadd.s32 s3, s9;
	s6 =	sadd.s32 @!p0 $0x88, s6;
	s7 =	simm.s32 @p2 $0x1082  }
0x22: {  	[simem:s7], [sflag:s8] =	dma.local @!p0 [hbm:s6], $0xF7A  }
0x23: {  	s9 =	sor.u32 $0xD0000000, s2;
	s6 =	simm.s32 $0x108;
	_ =	swait.ge @!p0 [sflag:s8], $0x0  }
0x24: {  	s3 =	sadd.s32 $0x88, s3;
	s6 =	simm.s32 @!p1 $0x1082;
	[sflag:s4] =	ssyncset.s32 $0xFFFFF086  }
0x25: {  	[simem:s6], [sflag:s4] =	dma.local [hbm:s3], $0xF7A  }
0x26: {  	[smem:$0x3F9D] =	sst s1;
	(tag) =	ssettag s2;
	_ =	strace s9  }
0x27: {  	s1 =	sld [smem:$0x3FAD]  }
0x28: {  	s2 =	sld [smem:$0x3FAE]  }
0x29: {  	s4 =	sld [smem:$0x3FB0]  }
0x2a: {  	p0 =	seq.s32 s5, $0x0;
	s5 =	sld [smem:$0x3FB1]  }
0x2b: {  	s6 =	sld [smem:$0x3FB2]  }
0x2c: {  	s7 =	sld [smem:$0x3FB3]  }
0x2d: {  	s3 =	simm.s32 $0x108;
	s8 =	sld [smem:$0x3FB4]  }
0x2e: {  	s3 =	simm.s32 @!p0 $0x1082;
	s9 =	sld [smem:$0x3FB5]  }
0x2f: {  	lr =	sadd.s32 s0, s3;
	s0 =	sld [smem:$0x3FAC]  }
0x30: {  	s3 =	sld [smem:$0x3FAF]  }
0x31: {  	[smem:$0x3FB8] =	sst s10  }
0x32: {  	s10 =	sld [smem:$0x3FB6];
	_ =	sdelay $0x3  }
0x33: {  	p0 =	seq.s32 s10, $0x1;
	s10 =	sld [smem:$0x3FB8];
	_ =	sdelay $0x3  }
0x34: {  	[smem:$0x3FB8] =	sst s10  }
0x35: {  	s10 =	sld [smem:$0x3FB7];
	_ =	sdelay $0x3  }
0x36: {  	p1 =	seq.s32 s10, $0x1;
	s10 =	sld [smem:$0x3FB8];
	_ =	sdelay $0x3  }
0x37: {  	[smem:$0x3FB8] =	sst s10  }
0x38: {  	s10 =	sld [smem:$0x3FB9]  }
0x39: {  	_ = 	snop;
	(pc) =	sbr.ind lr, $3  }
0x3a: {  	_ = 	snop  }
0x3b: {  	_ = 	snop  }
0x3c: {  	p2 =	seq.s32 s10, $0x1;
	s10 =	sld [smem:$0x3FB8]  }
0x3d: {  	_ =	shalt  }
0x3e: {  	_ =	shalt  }
0x3f: {  	_ =	shalt  }
0x40: {  	_ =	shalt  }
0x41: {  	_ =	shalt  }
0x42: {  	_ =	shalt  }
0x43: {  	_ =	shalt  }
0x44: {  	_ =	shalt  }
0x45: {  	_ =	shalt  }
0x46: {  	_ =	shalt  }
0x47: {  	_ =	shalt  }
0x48: {  	_ =	shalt  }
0x49: {  	_ =	shalt  }
0x4a: {  	_ =	shalt  }
0x4b: {  	_ =	shalt  }
0x4c: {  	_ =	shalt  }
0x4d: {  	_ =	shalt  }
0x4e: {  	_ =	shalt  }
0x4f: {  	_ =	shalt  }
0x50: {  	_ =	shalt  }
0x51: {  	_ =	shalt  }
0x52: {  	_ =	shalt  }
0x53: {  	_ =	shalt  }
0x54: {  	_ =	shalt  }
0x55: {  	_ =	shalt  }
0x56: {  	_ =	shalt  }
0x57: {  	_ =	shalt  }
0x58: {  	_ =	shalt  }
0x59: {  	_ =	shalt  }
0x5a: {  	_ =	shalt  }
0x5b: {  	_ =	shalt  }
0x5c: {  	_ =	shalt  }
0x5d: {  	_ =	shalt  }
0x5e: {  	_ =	shalt  }
0x5f: {  	_ =	shalt  }
0x60: {  	_ =	shalt  }
0x61: {  	_ =	shalt  }
0x62: {  	_ =	shalt  }
0x63: {  	_ =	shalt  }
0x64: {  	_ =	shalt  }
0x65: {  	_ =	shalt  }
0x66: {  	_ =	shalt  }
0x67: {  	_ =	shalt  }
0x68: {  	_ =	shalt  }
0x69: {  	_ =	shalt  }
0x6a: {  	_ =	shalt  }
0x6b: {  	_ =	shalt  }
0x6c: {  	_ =	shalt  }
0x6d: {  	_ =	shalt  }
0x6e: {  	_ =	shalt  }
0x6f: {  	_ =	shalt  }
0x70: {  	_ =	shalt  }
0x71: {  	_ =	shalt  }
0x72: {  	_ =	shalt  }
0x73: {  	_ =	shalt  }
0x74: {  	_ =	shalt  }
0x75: {  	_ =	shalt  }
0x76: {  	_ =	shalt  }
0x77: {  	_ =	shalt  }
0x78: {  	_ =	shalt  }
0x79: {  	_ =	shalt  }
0x7a: {  	_ =	shalt  }
0x7b: {  	_ =	shalt  }
0x7c: {  	_ =	shalt  }
0x7d: {  	_ =	shalt  }
0x7e: {  	_ =	shalt  }
0x7f: {  	_ =	shalt  }
0x80: {  	_ =	shalt  }
0x81: {  	_ =	shalt  }
0x82: {  	_ =	shalt  }
0x83: {  	_ =	shalt  }
0x84: {  	_ =	shalt  }
0x85: {  	_ =	shalt  }
0x86: {  	_ =	shalt  }
0x87: {  	_ =	shalt  }
.Lfunc_end0:
.L_simem_size_0:
called_computation.1_lowered:
.L_overlay_start_0:
0x88: {  	s2 =	sld [smem:$0x3FD9]  }
0x89: {  	s3 =	sld [smem:$0x3FFE];
	_ =	sdelay $0x1  }
0x8a: {  	s1 =	srdreg.scid  }
0x8b: {  	s0 =	sand.u32 $0x1, s1  }
0x8c: {  	s17 =	sshll.u32 s0, $0xA;
	s2 =	sadd.s32 s3, s2  }
0x8d: {  	s2 =	sadd.s32 s2, s17  }
0x8e: {  	[smem:$0x3FC4] =	sst s2  }
0x8f: {  	_ = 	snop  }
0x90: {  	s2 =	sld [smem:$0x3FC8]  }
0x91: {  	s18 =	sld [smem:$0x3FC7]  }
0x92: {  	s4 =	sld [smem:$0x3FD0];
	(tm) =	ssettm $0x1  }
0x93: {  	s5 =	sld [smem:$0x3FFB];
	_ =	sdelay $0x3  }
0x94: {  	_ =	strace s5  }
0x95: {  	s5 =	sld [smem:$0x3FFC];
	_ =	sdelay $0x3  }
0x96: {  	_ =	strace s5  }
0x97: {  	s5 =	sld [smem:$0x3FFD];
	_ =	sdelay $0x3  }
0x98: {  	_ =	strace s5  }
0x99: {  	_ =	strace $0x8FFFFFFF  }
0x9a: {  	s19 =	sld [smem:$0x3FDB];
	_ =	sdelay $0x1  }
0x9b: {  	s6 =	simm.s32 $_scs_section_size  }
0x9c: {  	s7 =	simm.s32 $_size__tile_overlayer_lowered;
	s8 =	simm.s32 $_tile_overlayer_lowered  }
0x9d: {  	s22 =	simm.s32 $0x1BFF;
	s21 =	sshll.u32 s8, $0x1;
	s5 =	sadd.s32 s6, s19  }
0x9e: {  	s9 =	simm.s32 $0x0;
	s20 =	sshll.u32 s7, $0x1;
	s7 =	sadd.s32 s21, s5  }
0x9f: {  	[timem:s9], [sflag:s22] =	dma.local [hbm:s7], s20  }
0xa0: {  	_ =	swait.ge [sflag:s22], s20  }
0xa1: {  	s6 =	ssub.s32 $0x0, s20;
	[sflag:s22] =	ssyncset.done $0x0  }
0xa2: {  	[sflag:s22] =	ssyncadd.s32 s6;
	_ =	sdelay $0x1  }
0xa3: {  	s23 =	simm.s32 $0x1B8B  }
0xa4: {  	_ =	swait.ge [sflag:s23], $0x1  }
0xa5: {  	[sflag:s23] =	ssyncset.done $0x0  }
0xa6: {  	s25 =	simm.s32 $0x1B8E;
	s24 =	sld [smem:$0x3FFE];
	[sflag:s23] =	ssyncadd.s32 $0xFFFFFFFF  }
0xa7: {  	s26 =	simm.s32 $execute0_lowered;
	[smem:$0x3FD2] =	sst s25  }
0xa8: {  	s7 =	sshll.u32 s26, $0x1;
	_ =	strace $0x80000046;
	[dreg:$0x1] =	wrdreg $0xFFFFFFFF  }
0xa9: {  	s28 =	simm.s32 $_size_execute0_lowered;
	s5 =	sadd.s32 s5, s7;
	[dreg:$0x0] =	wrdreg $0x0  }
0xaa: {  	s7 =	sshll.u32 s28, $0x1;
	[dreg:$0x2] =	wrdreg s5  }
0xab: {  	[dreg:$0x3] =	wrdreg s7  }
0xac: {  	[dreg:$0x4] =	wrdreg $0xC0  }
0xad: {  	_ =	task [dreg:s9], $0x5FFFF  }
0xae: {  	[dreg:$0x1] =	wrdreg $0xFFFFFFFF  }
0xaf: {  	[dreg:$0x0] =	wrdreg $0x60  }
0xb0: {  	[dreg:$0x2] =	wrdreg s24  }
0xb1: {  	[dreg:$0x3] =	wrdreg s2  }
0xb2: {  	[dreg:$0x4] =	wrdreg s18  }
0xb3: {  	[dreg:$0x5] =	wrdreg s4  }
0xb4: {  	[dreg:$0x6] =	wrdreg $0x9  }
0xb5: {  	_ =	task.clear_ibuf [dreg:s9], $0x7FFFF;
	_ =	strace $0x90000046  }
0xb6: {  	s29 =	simm.s32 $0x9;
	_ =	strace $0x80000048  }
0xb7: {  	_ =	swait.ge [sflag:s29], $0x1  }
0xb8: {  	[sflag:s29] =	ssyncadd.s32 $0xFFFFFFFF  }
0xb9: {  	_ =	strace $0x90000048  }
0xba: {  	_ =	sfence  }
0xbb: {  	s30 =	sld [smem:$0x0];
	_ =	sdelay $0x2  }
0xbc: {  	s31 =	sshll.u32 s1, $0xD;
	s1 =	sshrl.u32 s1, $0x2  }
0xbd: {  	s3 =	sand.u32 $0x4000, s31;
	s1 =	sadd.s32 s1, s30  }
0xbe: {  	s0 =	sor.u32 s3, s0;
	s1 =	sshll.u32 s1, $0x11  }
0xbf: {  	s0 =	sor.u32 s1, s0  }
0xc0: {  	s0 =	sadd.s32 $0x8F2B, s0  }
0xc1: {  	[sflag:s0] =	ssyncadd.remote.s32 $0x1  }
0xc2: {  	_ =	sfence.sel $0xFFFF  }
0xc3: {  	[dreg:$0x0] =	wrdreg $0xFFFFFFFF;
	(pc) =	sbr.abs _section_cstart, $3  }
0xc4: {  	[dreg:$0x1] =	wrdreg $0xFFFFFFFF  }
0xc5: {  	_ =	task.clear_ibuf [dreg:s9], $0x2FFFF;
	_ =	strace $0x9FFFFFFF  }
0xc6: {  	(tm) =	ssettm $0x7FFFFFFF  }
0xc7: {  	_ =	shalt  }
tec
execute0_lowered:
.L_overlay_start_1:
0x0: {  	(tag) =	ssettag $0x1  }
0x1: {  	s0 =	rddreg [dreg:$0x0]  }
0x2: {  	s1 =	rddreg [dreg:$0x1]  }
0x3: {  	s3 =	rddreg [dreg:$0x2];
	s2 =	simm.s32 $0x0;
	s5 =	srdreg.scid  }
0x4: {  	s9 =	stileid.u32;
	s28 =	simm.s32 $0x7;
	[smem:$0x7FF] =	sst s2  }
0x5: {  	s4 =	sadd.s32 $0x800, s0;
	s5 =	sand.u32 $0x1, s5;
	s7 =	sshll.u32 s9, $0xA  }
0x6: {  	s9 =	sshll.u32 s9, $0x14;
	_ =	strace $0x80000047;
	s6 =	ssub.s32 $0x2, s5  }
0x7: {  	s8 =	sshll.u32 s5, $0x9;
	s9 =	sadd.s32 s9, s0;
	s26 =	sshll.u32 s5, $0x13  }
0x8: {  	s7 =	sor.u32 s8, s7;
	s8 =	sadd.s32 $0xFFFFB200, s0;
	s31 =	sadd.s32 s26, s9  }
.Ltmp0:
0x9: {  	s7 =	sshrl.u32 s7, $0x3;
	s0 =	sadd.s32 $0x80B400, s31;
	(pc) =	sbr.rel .LBB2_1-.Ltmp0, $4  }
0xa: {  	s10 =	sshrl.u32 s6, $0x1;
	s1 =	sadd.s32 s1, s7;
	[dreg:$0x8] =	wrdreg s0  }
0xb: {  	s6 =	ssub.s32 s6, s10;
	s25 =	sadd.s32 s3, s7;
	[dreg:$0x5] =	wrdreg s1  }
0xc: {  	s29 =	simm.s32 $0x8;
	s30 =	smax.u32 s6, $0x1;
	[dreg:$0x6] =	wrdreg s25  }
0xd: {  	vm0 =	vmmov $0x1;
	v0 =	vlaneseq.u32;
	s26 =	simm.s32 $0x6;
	s3 =	simm.s32 $0x0;
	[dreg:$0x7] =	wrdreg s30  }
.LBB2_27:
0xe: {  	s0 =	simm.s32 $0x9  }
0xf: {  	_ =	swait.ge [sflag:s0], $0x2000  }
0x10: {  	[sflag:s0] =	ssyncset.done $0x0  }
0x11: {  	s21 =	simm.s32 $0xA;
	[sflag:s0] =	ssyncadd.s32 $0xFFFFE000  }
0x12: {  	_ =	swait.ge [sflag:s21], $0x2000  }
0x13: {  	[sflag:s21] =	ssyncset.done $0x0  }
0x14: {  	s22 =	simm.s32 $0xB;
	[sflag:s21] =	ssyncadd.s32 $0xFFFFE000  }
0x15: {  	_ =	swait.ge [sflag:s22], $0x2000  }
0x16: {  	[sflag:s22] =	ssyncset.done $0x0  }
0x17: {  	s23 =	simm.s32 $0xC;
	[sflag:s22] =	ssyncadd.s32 $0xFFFFE000  }
0x18: {  	_ =	swait.ge [sflag:s23], $0x2000  }
0x19: {  	[sflag:s23] =	ssyncset.done $0x0  }
0x1a: {  	s24 =	simm.s32 $0xD;
	[sflag:s23] =	ssyncadd.s32 $0xFFFFE000  }
0x1b: {  	_ =	swait.ge [sflag:s24], $0x2000  }
0x1c: {  	[sflag:s24] =	ssyncset.done $0x0  }
0x1d: {  	s25 =	simm.s32 $0xE;
	[sflag:s24] =	ssyncadd.s32 $0xFFFFE000  }
0x1e: {  	_ =	swait.ge [sflag:s25], $0x2000  }
0x1f: {  	[sflag:s25] =	ssyncset.done $0x0  }
0x20: {  	s30 =	simm.s32 $0xF;
	[sflag:s25] =	ssyncadd.s32 $0xFFFFE000  }
0x21: {  	_ =	swait.ge [sflag:s30], $0x2000  }
0x22: {  	[sflag:s30] =	ssyncset.done $0x0  }
0x23: {  	s1 =	simm.s32 $0x10;
	[sflag:s30] =	ssyncadd.s32 $0xFFFFE000  }
0x24: {  	_ =	swait.ge [sflag:s1], $0x2000  }
0x25: {  	s3 =	rddreg [dreg:$0x9]  }
0x26: {  	s31 =	rddreg [dreg:$0x7];
	s3 =	sadd.s32 $0x1, s3  }
0x27: {  	p0 =	sne.s32 s3, s31  }
.Ltmp1:
0x28: {  	_ = 	snop;
	(pc) =	sbr.rel @!p0 .LBB2_28-.Ltmp1, $3  }
0x29: {  	_ =	sdelay $0x1  }
0x2a: {  	[sflag:s1] =	ssyncset.done $0x0  }
0x2b: {  	[sflag:s1] =	ssyncadd.s32 $0xFFFFE000  }
.LBB2_1:
0x2c: {  	[dreg:$0x9] =	wrdreg s3  }
0x2d: {  	s0 =	rddreg [dreg:$0x5];
	s1 =	simm.s32 $0x11  }
0x2e: {  	[tilespmem:s2], [sflag:$0x11] =	stream.linear.gather [hbm4b:s0+s2], $0x200, $0x38;
	[tilespmem:$0x12480] =	vst v63  }
0x2f: {  	_ =	swait.ge [sflag:s1], $0x200  }
0x30: {  	[sflag:s1] =	ssyncset.done $0x0  }
0x31: {  	s23 =	simm.s32 $0x12280;
	s22 =	rddreg [dreg:$0x6];
	[sflag:s1] =	ssyncadd.s32 $0xFFFFFE00  }
0x32: {  	[tilespmem:s23], [sflag:$0x11] =	stream.linear.gather [hbm4b:s22+s2], $0x200, $0x38;
	[tilespmem:$0x12480] =	vst v63  }
0x33: {  	_ =	swait.ge [sflag:s1], $0x200  }
0x34: {  	[sflag:s1] =	ssyncset.done $0x0  }
0x35: {  	[sflag:s1] =	ssyncadd.s32 $0xFFFFFE00  }
0x36: {  	s25 =	simm.s32 $0x200;
	s24 =	rddreg [dreg:$0x3]  }
0x37: {  	[tilespmem:s25], [sflag:$0x11] =	stream.linear.gather [hbm4b:s24+s2], $0x80, $0x38;
	[tilespmem:$0x12480] =	vst v63  }
0x38: {  	_ =	swait.ge [sflag:s1], $0x80  }
0x39: {  	[sflag:s1] =	ssyncset.done $0x0  }
0x3a: {  	[sflag:s1] =	ssyncadd.s32 $0xFFFFFF80  }
0x3b: {  	v1 =	vld [tilespmem:$0x200];
	_ =	sdelay $0x4  }
0x3c: {  	v1 =	vnsel vm0, $0x0, v1  }
0x3d: {  	(xrf0) =	vadd.scan.msk.s32 $0xffff, v1;
	_ =	sdelay $0x5  }
0x3e: {  	v1, _, _ =	vpop (xrf0)  }
0x3f: {  	(v2sf) =	vpush v1, $0xF;
	_ =	sdelay $0xb  }
.Ltmp2:
0x40: {  	_ = 	snop;
	(pc) =	sbr.rel .LBB2_2-.Ltmp2, $3  }
0x41: {  	_ =	sdelay $0x1  }
0x42: {  	s30 =	spop (v2sf)  }
0x43: {  	s3 =	simm.s32 $0x0;
	s0 =	rddreg [dreg:$0x8];
	s31 =	sadd.s32 $0xFFFFFFC0, s30  }
.LBB2_25:
0x44: {  	p0 =	sgt.u32 s13, $0xB3;
	s19 =	sadd.s32 $0xFFFFFA60, s25;
	s20 =	smov.u32 s25  }
0x45: {  	s20 =	smov.u32 @p0 s19  }
0x46: {  	s19 =	sadd.s32 s21, s20  }
0x47: {  	s19 =	sshll.u32 s19, $0x4  }
0x48: {  	s20 =	simm.s32 $0xFE80;
	s19 =	sadd.s32 s4, s19  }
0x49: {  	[tilespmem:s20], [sflag:$0x8] =	stream.linear.gather [hbm4b:s19+s2], $0x400, $0x38;
	[tilespmem:$0x12480] =	vst v63  }
0x4a: {  	p0 =	sgt.u32 s13, $0xB2;
	s19 =	simm.s32 $0xFFFFFA68  }
0x4b: {  	s19 =	simm.s32 @!p0 $0x8  }
0x4c: {  	s19 =	sadd.s32 s19, s23  }
0x4d: {  	s19 =	sshll.u32 s19, $0x4  }
0x4e: {  	s20 =	simm.s32 $0x10280;
	s19 =	sadd.s32 s4, s19  }
0x4f: {  	[tilespmem:s20], [sflag:$0x8] =	stream.linear.gather [hbm4b:s19+s2], $0x400, $0x38;
	[tilespmem:$0x12480] =	vst v63  }
0x50: {  	p0 =	sgt.u32 s13, $0xB1;
	s19 =	simm.s32 $0xFFFFFA70  }
0x51: {  	s19 =	simm.s32 @!p0 $0x10  }
0x52: {  	s19 =	sadd.s32 s19, s23  }
0x53: {  	s19 =	sshll.u32 s19, $0x4  }
0x54: {  	s20 =	simm.s32 $0x10680;
	s19 =	sadd.s32 s4, s19  }
0x55: {  	[tilespmem:s20], [sflag:$0x8] =	stream.linear.gather [hbm4b:s19+s2], $0x400, $0x38;
	[tilespmem:$0x12480] =	vst v63  }
0x56: {  	p0 =	sgt.u32 s13, $0xB0;
	s19 =	simm.s32 $0xFFFFFA78  }
0x57: {  	s19 =	simm.s32 @!p0 $0x18  }
0x58: {  	s19 =	sadd.s32 s19, s23  }
0x59: {  	s19 =	sshll.u32 s19, $0x4  }
0x5a: {  	s20 =	simm.s32 $0x10A80;
	s19 =	sadd.s32 s4, s19  }
0x5b: {  	[tilespmem:s20], [sflag:$0x8] =	stream.linear.gather [hbm4b:s19+s2], $0x400, $0x38;
	[tilespmem:$0x12480] =	vst v63  }
0x5c: {  	p0 =	sgt.u32 s13, $0xAF;
	s19 =	simm.s32 $0xFFFFFA80  }
0x5d: {  	s19 =	simm.s32 @!p0 $0x20  }
0x5e: {  	s19 =	sadd.s32 s19, s23  }
0x5f: {  	s19 =	sshll.u32 s19, $0x4  }
0x60: {  	s20 =	simm.s32 $0x10E80;
	s19 =	sadd.s32 s4, s19  }
0x61: {  	[tilespmem:s20], [sflag:$0x8] =	stream.linear.gather [hbm4b:s19+s2], $0x400, $0x38;
	[tilespmem:$0x12480] =	vst v63  }
0x62: {  	p0 =	sgt.u32 s13, $0xAE;
	s19 =	simm.s32 $0xFFFFFA88  }
0x63: {  	s19 =	simm.s32 @!p0 $0x28  }
0x64: {  	s19 =	sadd.s32 s19, s23  }
0x65: {  	s19 =	sshll.u32 s19, $0x4  }
0x66: {  	s20 =	simm.s32 $0x11280;
	s19 =	sadd.s32 s4, s19  }
0x67: {  	[tilespmem:s20], [sflag:$0x8] =	stream.linear.gather [hbm4b:s19+s2], $0x400, $0x38;
	[tilespmem:$0x12480] =	vst v63  }
0x68: {  	p0 =	sgt.u32 s13, $0xAD;
	s19 =	simm.s32 $0xFFFFFA90  }
0x69: {  	s19 =	simm.s32 @!p0 $0x30;
	p0 =	seq.s32 s13, $0xAC;
	s13 =	sadd.s32 $0xFFFFFA98, s25  }
0x6a: {  	s19 =	sadd.s32 s19, s23;
	s13 =	simm.s32 @p0 $0x598  }
0x6b: {  	s19 =	sshll.u32 s19, $0x4;
	s13 =	sadd.s32 s21, s13  }
0x6c: {  	s23 =	simm.s32 $0x11680;
	s19 =	sadd.s32 s4, s19;
	s13 =	sshll.u32 s13, $0x4  }
0x6d: {  	[tilespmem:s23], [sflag:$0x8] =	stream.linear.gather [hbm4b:s19+s2], $0x400, $0x38;
	[tilespmem:$0x12480] =	vst v63  }
0x6e: {  	s21 =	simm.s32 $0x11A80;
	s13 =	sadd.s32 s4, s13  }
0x6f: {  	[tilespmem:s21], [sflag:$0x8] =	stream.linear.gather [hbm4b:s13+s2], $0x400, $0x38;
	[tilespmem:$0x12480] =	vst v63  }
0x70: {  	s22 =	sadd.s32 s8, s22;
	s23 =	simm.s32 $0x11E80  }
0x71: {  	[tilespmem:s23], [sflag:$0x8] =	stream.linear.gather [hbm4b:s22+s2], $0x400, $0x38;
	[tilespmem:$0x12480] =	vst v63  }
.LBB2_26:
0x72: {  	s1 =	ssub.s32 s1, s11;
	s20 =	simm.s32 $0x1  }
0x73: {  	_ =	swait.ge [sflag:s20], $0x2400;
	s1 =	sshll.u32 s1, $0x9  }
0x74: {  	s5 =	ssub.s32 s5, s10;
	[sflag:s20] =	ssyncset.done $0x0;
	s1 =	sshra.s32 s1, $0x2  }
0x75: {  	s21 =	simm.s32 $0x2;
	[sflag:s20] =	ssyncadd.s32 $0xFFFFDC00;
	s1 =	sadd.s32 $0x280, s1  }
0x76: {  	[hbm4b:s0+s2] =	stream.linear.scatter [tilespmem:s1], [sflag:$0x9], $0x2000, $0x38;
	[tilespmem:$0x12480] =	vst v63  }
0x77: {  	s23 =	sadd.s32 $0x400, s0;
	s22 =	sshll.u32 s5, $0x9;
	_ =	swait.ge [sflag:s21], $0x2400  }
0x78: {  	s5 =	ssub.s32 s6, s7;
	s1 =	sshra.s32 s22, $0x2;
	[sflag:s21] =	ssyncset.done $0x0  }
0x79: {  	s6 =	simm.s32 $0x3;
	s1 =	sadd.s32 $0x2680, s1;
	[sflag:s21] =	ssyncadd.s32 $0xFFFFDC00  }
0x7a: {  	[hbm4b:s23+s2] =	stream.linear.scatter [tilespmem:s1], [sflag:$0xA], $0x2000, $0x38;
	[tilespmem:$0x12480] =	vst v63  }
0x7b: {  	s10 =	ssub.s32 s9, s30;
	s1 =	sshll.u32 s5, $0x9;
	_ =	swait.ge [sflag:s6], $0x2400  }
0x7c: {  	s11 =	simm.s32 $0x4;
	s1 =	sshra.s32 s1, $0x2;
	[sflag:s6] =	ssyncset.done $0x0  }
0x7d: {  	s7 =	sadd.s32 $0x800, s0;
	s1 =	sadd.s32 $0x4A80, s1;
	[sflag:s6] =	ssyncadd.s32 $0xFFFFDC00  }
0x7e: {  	[hbm4b:s7+s2] =	stream.linear.scatter [tilespmem:s1], [sflag:$0xB], $0x2000, $0x38;
	[tilespmem:$0x12480] =	vst v63  }
0x7f: {  	s13 =	sadd.s32 $0xC00, s0;
	s1 =	sshll.u32 s10, $0x9;
	_ =	swait.ge [sflag:s11], $0x2400  }
0x80: {  	s15 =	ssub.s32 s14, s15;
	s1 =	sshra.s32 s1, $0x2;
	[sflag:s11] =	ssyncset.done $0x0  }
0x81: {  	s19 =	simm.s32 $0x5;
	s1 =	sadd.s32 $0x6E80, s1;
	[sflag:s11] =	ssyncadd.s32 $0xFFFFDC00  }
0x82: {  	[hbm4b:s13+s2] =	stream.linear.scatter [tilespmem:s1], [sflag:$0xC], $0x2000, $0x38;
	[tilespmem:$0x12480] =	vst v63  }
0x83: {  	s1 =	sshll.u32 s15, $0x9;
	_ =	swait.ge [sflag:s19], $0x2400  }
0x84: {  	s20 =	sadd.s32 $0x1000, s0;
	s1 =	sshra.s32 s1, $0x2;
	[sflag:s19] =	ssyncset.done $0x0  }
0x85: {  	s21 =	ssub.s32 s16, s17;
	s1 =	sadd.s32 $0x9280, s1;
	[sflag:s19] =	ssyncadd.s32 $0xFFFFDC00  }
0x86: {  	[hbm4b:s20+s2] =	stream.linear.scatter [tilespmem:s1], [sflag:$0xD], $0x2000, $0x38;
	[tilespmem:$0x12480] =	vst v63  }
0x87: {  	s1 =	sshll.u32 s21, $0x9;
	_ =	swait.ge [sflag:s26], $0x2400  }
0x88: {  	s22 =	sadd.s32 $0x1400, s0;
	s1 =	sshra.s32 s1, $0x2;
	[sflag:s26] =	ssyncset.done $0x0  }
0x89: {  	s23 =	ssub.s32 s18, s24;
	s1 =	sadd.s32 $0xB680, s1;
	[sflag:s26] =	ssyncadd.s32 $0xFFFFDC00  }
0x8a: {  	[hbm4b:s22+s2] =	stream.linear.scatter [tilespmem:s1], [sflag:$0xE], $0x2000, $0x38;
	[tilespmem:$0x12480] =	vst v63  }
0x8b: {  	s3 =	sadd.s32 $0x8, s3;
	s1 =	sshll.u32 s23, $0x9;
	_ =	swait.ge [sflag:s28], $0x2400  }
0x8c: {  	p0 =	sne.s32 s3, $0x200;
	s1 =	sshra.s32 s1, $0x2;
	[sflag:s28] =	ssyncset.done $0x0  }
0x8d: {  	s24 =	sadd.s32 $0x1800, s0;
	s1 =	sadd.s32 $0xDA80, s1;
	[sflag:s28] =	ssyncadd.s32 $0xFFFFDC00  }
0x8e: {  	[hbm4b:s24+s2] =	stream.linear.scatter [tilespmem:s1], [sflag:$0xF], $0x2000, $0x38;
	[tilespmem:$0x12480] =	vst v63  }
.Ltmp3:
0x8f: {  	s25 =	ssub.s32 s12, s25;
	(pc) =	sbr.rel @!p0 .LBB2_27-.Ltmp3, $4  }
0x90: {  	s1 =	sshll.u32 s25, $0x9;
	_ =	swait.ge [sflag:s29], $0x2400  }
0x91: {  	s30 =	sadd.s32 $0x1C00, s0;
	s1 =	sshra.s32 s1, $0x2;
	[sflag:s29] =	ssyncset.done $0x0  }
0x92: {  	s0 =	sadd.s32 $0x2000, s0;
	s1 =	sadd.s32 $0xFE80, s1;
	[sflag:s29] =	ssyncadd.s32 $0xFFFFDC00  }
0x93: {  	[hbm4b:s30+s2] =	stream.linear.scatter [tilespmem:s1], [sflag:$0x10], $0x2000, $0x38;
	[tilespmem:$0x12480] =	vst v63  }
.LBB2_2:
0x94: {  	s12 =	sand.u32 $0x1F0, s3  }
0x95: {  	v1 =	vld [tilespmem:s12+$0x0]  }
0x96: {  	v2 =	vld [tilespmem:s12+$0x12280]  }
0x97: {  	s1 =	sand.u32 $0x8, s3  }
0x98: {  	v3 =	vmov s1  }
0x99: {  	vm1 =	veq.s32 v3, v0  }
0x9a: {  	v1 =	vnsel vm1, $0x0, v1  }
0x9b: {  	(xrf0) =	vadd.scan.msk.s32 $0xffff, v1;
	v1 =	vnsel vm1, $0x0, v2  }
0x9c: {  	(xrf0) =	vadd.scan.msk.s32 $0xffff, v1;
	_ =	sdelay $0x4  }
0x9d: {  	v1, _, _ =	vpop (xrf0)  }
0x9e: {  	(v2sf) =	vpush v1, $0xF;
	v1, _, _ =	vpop (xrf0)  }
0x9f: {  	(v2sf) =	vpush v1, $0xF;
	_ =	sdelay $0xd  }
0xa0: {  	s5 =	spop (v2sf)  }
0xa1: {  	s24 =	spop (v2sf)  }
0xa2: {  	s1 =	sadd.s32 s31, s24  }
0xa3: {  	s6 =	smulhi.u32 $0xB60B60B7, s1;
	s7 =	sshra.s32 s1, $0x1F  }
0xa4: {  	s7 =	smul.u32 $0xB60B60B7, s7  }
0xa5: {  	s6 =	ssub.s32 s6, s1  }
0xa6: {  	s6 =	sadd.s32 s7, s6  }
0xa7: {  	s6 =	sadd.s32 s1, s6  }
0xa8: {  	s25 =	sshrl.u32 s6, $0x1F;
	s6 =	sshra.s32 s6, $0xA  }
0xa9: {  	s6 =	sadd.s32 s25, s6  }
0xaa: {  	s6 =	smul.u32 $0x5A0, s6;
	_ =	sdelay $0x1  }
0xab: {  	s1 =	ssub.s32 s1, s6  }
0xac: {  	p0 =	slt.s32 s1, $0x0;
	s6 =	sadd.s32 $0x5A0, s1  }
0xad: {  	s1 =	smov.u32 @p0 s6  }
0xae: {  	s6 =	sshll.u32 s1, $0x10  }
0xaf: {  	s30 =	sand.u32 $0x7, s1;
	s6 =	sshra.s32 s6, $0x1F  }
0xb0: {  	p0 =	slt.s32 s1, $0x1;
	p1 =	sne.s32 s30, $0x0;
	s6 =	sand.u32 $0x7, s6  }
0xb1: {  	p0 =	por !p0, !p1;
	s6 =	sadd.s32 s6, s1  }
0xb2: {  	s7 =	simm.s32 $0x1;
	p0 =	por !p0, !p0;
	s6 =	sshll.u32 s6, $0x10  }
0xb3: {  	s7 =	simm.s32 @!p0 $0x0;
	s6 =	sshra.s32 s6, $0x13  }
0xb4: {  	s6 =	ssub.s32 s6, s7  }
0xb5: {  	p1 =	sgt.s32 s6, $0xAB  }
.Ltmp4:
0xb6: {  	p0 =	seq.s32 s3, $0x0;
	(pc) =	sbr.rel @p1 .LBB2_4-.Ltmp4, $4  }
0xb7: {  	s5 =	smul.u32 $0x5A0, s5;
	s7 =	simm.s32 @!p0 $0x9  }
0xb8: {  	s11 =	sshll.u32 s6, $0x3;
	_ =	swait.ge @!p0 [sflag:s7], $0x2000  }
0xb9: {  	[sflag:s7] =	ssyncset.done @!p0 $0x0;
	s9 =	sadd.s32 s5, s11  }
0xba: {  	[sflag:s7] =	ssyncadd.s32 @!p0 $0xFFFFE000;
	s7 =	sshll.u32 s9, $0x4  }
.Ltmp5:
0xbb: {  	(pc) =	sbr.rel .LBB2_5-.Ltmp5, $3  }
0xbc: {  	_ =	sdelay $0x1  }
0xbd: {  	s5 =	sadd.s32 s4, s7;
	s6 =	simm.s32 $0x280  }
0xbe: {  	[tilespmem:s6], [sflag:$0x1] =	stream.linear.gather [hbm4b:s5+s2], $0x2400, $0x38;
	[tilespmem:$0x12480] =	vst v63  }
.LBB2_4:
0xbf: {  	p1 =	sgt.u32 s6, $0xB3;
	s10 =	sadd.s32 $0xFFFFFA60, s11;
	s13 =	smov.u32 s11  }
0xc0: {  	s13 =	smov.u32 @p1 s10  }
0xc1: {  	s10 =	sadd.s32 s5, s13  }
0xc2: {  	s10 =	sshll.u32 s10, $0x4  }
0xc3: {  	s15 =	simm.s32 $0x280;
	s10 =	sadd.s32 s4, s10  }
0xc4: {  	[tilespmem:s15], [sflag:$0x1] =	stream.linear.gather [hbm4b:s10+s2], $0x400, $0x38;
	[tilespmem:$0x12480] =	vst v63  }
0xc5: {  	p1 =	sgt.u32 s6, $0xB2;
	s10 =	simm.s32 $0xFFFFFA68  }
0xc6: {  	s10 =	simm.s32 @!p1 $0x8  }
0xc7: {  	s10 =	sadd.s32 s10, s9  }
0xc8: {  	s10 =	sshll.u32 s10, $0x4  }
0xc9: {  	s16 =	simm.s32 $0x680;
	s10 =	sadd.s32 s4, s10  }
0xca: {  	[tilespmem:s16], [sflag:$0x1] =	stream.linear.gather [hbm4b:s10+s2], $0x400, $0x38;
	[tilespmem:$0x12480] =	vst v63  }
0xcb: {  	p1 =	sgt.u32 s6, $0xB1;
	s10 =	simm.s32 $0xFFFFFA70  }
0xcc: {  	s10 =	simm.s32 @!p1 $0x10  }
0xcd: {  	s10 =	sadd.s32 s10, s9  }
0xce: {  	s10 =	sshll.u32 s10, $0x4  }
0xcf: {  	s17 =	simm.s32 $0xA80;
	s10 =	sadd.s32 s4, s10  }
0xd0: {  	[tilespmem:s17], [sflag:$0x1] =	stream.linear.gather [hbm4b:s10+s2], $0x400, $0x38;
	[tilespmem:$0x12480] =	vst v63  }
0xd1: {  	p1 =	sgt.u32 s6, $0xB0;
	s10 =	simm.s32 $0xFFFFFA78  }
0xd2: {  	s10 =	simm.s32 @!p1 $0x18  }
0xd3: {  	s10 =	sadd.s32 s10, s9  }
0xd4: {  	s10 =	sshll.u32 s10, $0x4  }
0xd5: {  	s18 =	simm.s32 $0xE80;
	s10 =	sadd.s32 s4, s10  }
0xd6: {  	[tilespmem:s18], [sflag:$0x1] =	stream.linear.gather [hbm4b:s10+s2], $0x400, $0x38;
	[tilespmem:$0x12480] =	vst v63  }
0xd7: {  	p1 =	sgt.u32 s6, $0xAF;
	s10 =	simm.s32 $0xFFFFFA80  }
0xd8: {  	s10 =	simm.s32 @!p1 $0x20  }
0xd9: {  	s10 =	sadd.s32 s10, s9  }
0xda: {  	s10 =	sshll.u32 s10, $0x4  }
0xdb: {  	s19 =	simm.s32 $0x1280;
	s10 =	sadd.s32 s4, s10  }
0xdc: {  	[tilespmem:s19], [sflag:$0x1] =	stream.linear.gather [hbm4b:s10+s2], $0x400, $0x38;
	[tilespmem:$0x12480] =	vst v63  }
0xdd: {  	p1 =	sgt.u32 s6, $0xAE;
	s10 =	simm.s32 $0xFFFFFA88  }
0xde: {  	s10 =	simm.s32 @!p1 $0x28  }
0xdf: {  	s10 =	sadd.s32 s10, s9  }
0xe0: {  	s10 =	sshll.u32 s10, $0x4  }
0xe1: {  	s20 =	simm.s32 $0x1680;
	s10 =	sadd.s32 s4, s10  }
0xe2: {  	[tilespmem:s20], [sflag:$0x1] =	stream.linear.gather [hbm4b:s10+s2], $0x400, $0x38;
	[tilespmem:$0x12480] =	vst v63  }
0xe3: {  	p1 =	sgt.u32 s6, $0xAD;
	s10 =	simm.s32 $0xFFFFFA90  }
0xe4: {  	s10 =	simm.s32 @!p1 $0x30;
	p1 =	seq.s32 s6, $0xAC;
	s6 =	sadd.s32 $0xFFFFFA98, s11  }
0xe5: {  	s21 =	sadd.s32 s10, s9;
	s6 =	simm.s32 @p1 $0x598  }
0xe6: {  	s9 =	sshll.u32 s21, $0x4;
	s23 =	sadd.s32 s5, s6  }
0xe7: {  	s22 =	simm.s32 $0x1A80;
	s9 =	sadd.s32 s4, s9;
	s5 =	sshll.u32 s23, $0x4  }
0xe8: {  	[tilespmem:s22], [sflag:$0x1] =	stream.linear.gather [hbm4b:s9+s2], $0x400, $0x38;
	[tilespmem:$0x12480] =	vst v63  }
0xe9: {  	s24 =	simm.s32 $0x1E80;
	s5 =	sadd.s32 s4, s5  }
0xea: {  	[tilespmem:s24], [sflag:$0x1] =	stream.linear.gather [hbm4b:s5+s2], $0x400, $0x38;
	[tilespmem:$0x12480] =	vst v63  }
0xeb: {  	s25 =	sadd.s32 s8, s7;
	s30 =	simm.s32 $0x2280  }
0xec: {  	[tilespmem:s30], [sflag:$0x1] =	stream.linear.gather [hbm4b:s25+s2], $0x400, $0x38;
	[tilespmem:$0x12480] =	vst v63  }
.LBB2_5:
0xed: {  	v1 =	vld [tilespmem:s12+$0x0]  }
0xee: {  	s5 =	sadd.s32 $0x1, s3;
	v2 =	vld [tilespmem:s12+$0x12280]  }
0xef: {  	s5 =	sand.u32 $0x9, s5  }
0xf0: {  	v3 =	vmov s5  }
0xf1: {  	vm1 =	veq.s32 v3, v0  }
0xf2: {  	v1 =	vnsel vm1, $0x0, v1  }
0xf3: {  	(xrf0) =	vadd.scan.msk.s32 $0xffff, v1;
	v1 =	vnsel vm1, $0x0, v2  }
0xf4: {  	(xrf0) =	vadd.scan.msk.s32 $0xffff, v1;
	_ =	sdelay $0x4  }
0xf5: {  	v1, _, _ =	vpop (xrf0)  }
0xf6: {  	(v2sf) =	vpush v1, $0xF;
	v1, _, _ =	vpop (xrf0)  }
0xf7: {  	(v2sf) =	vpush v1, $0xF;
	_ =	sdelay $0xd  }
0xf8: {  	s6 =	spop (v2sf)  }
0xf9: {  	s24 =	spop (v2sf)  }
0xfa: {  	s5 =	sadd.s32 s31, s24  }
0xfb: {  	s7 =	smulhi.u32 $0xB60B60B7, s5;
	s9 =	sshra.s32 s5, $0x1F  }
0xfc: {  	s9 =	smul.u32 $0xB60B60B7, s9  }
0xfd: {  	s7 =	ssub.s32 s7, s5  }
0xfe: {  	s7 =	sadd.s32 s9, s7  }
0xff: {  	s7 =	sadd.s32 s5, s7  }
0x100: {  	s25 =	sshrl.u32 s7, $0x1F;
	s7 =	sshra.s32 s7, $0xA  }
0x101: {  	s7 =	sadd.s32 s25, s7  }
0x102: {  	s7 =	smul.u32 $0x5A0, s7;
	_ =	sdelay $0x1  }
0x103: {  	s5 =	ssub.s32 s5, s7  }
0x104: {  	p1 =	slt.s32 s5, $0x0;
	s7 =	sadd.s32 $0x5A0, s5  }
0x105: {  	s5 =	smov.u32 @p1 s7  }
0x106: {  	s7 =	sshll.u32 s5, $0x10  }
0x107: {  	s30 =	sand.u32 $0x7, s5;
	s7 =	sshra.s32 s7, $0x1F  }
0x108: {  	p1 =	slt.s32 s5, $0x1;
	p2 =	sne.s32 s30, $0x0;
	s7 =	sand.u32 $0x7, s7  }
0x109: {  	p1 =	por !p1, !p2;
	s7 =	sadd.s32 s7, s5  }
0x10a: {  	s9 =	simm.s32 $0x1;
	p1 =	por !p1, !p1;
	s7 =	sshll.u32 s7, $0x10  }
0x10b: {  	s9 =	simm.s32 @!p1 $0x0;
	s7 =	sshra.s32 s7, $0x13  }
0x10c: {  	s7 =	ssub.s32 s7, s9  }
0x10d: {  	p1 =	sgt.s32 s7, $0xAB  }
.Ltmp6:
0x10e: {  	_ = 	snop;
	(pc) =	sbr.rel @p1 .LBB2_7-.Ltmp6, $4  }
0x10f: {  	s6 =	smul.u32 $0x5A0, s6;
	s9 =	simm.s32 @!p0 $0xA  }
0x110: {  	s10 =	sshll.u32 s7, $0x3;
	_ =	swait.ge @!p0 [sflag:s9], $0x2000  }
0x111: {  	[sflag:s9] =	ssyncset.done @!p0 $0x0;
	s13 =	sadd.s32 s6, s10  }
0x112: {  	[sflag:s9] =	ssyncadd.s32 @!p0 $0xFFFFE000;
	s9 =	sshll.u32 s13, $0x4  }
.Ltmp7:
0x113: {  	(pc) =	sbr.rel .LBB2_8-.Ltmp7, $3  }
0x114: {  	_ =	sdelay $0x1  }
0x115: {  	s6 =	sadd.s32 s4, s9;
	s7 =	simm.s32 $0x2680  }
0x116: {  	[tilespmem:s7], [sflag:$0x2] =	stream.linear.gather [hbm4b:s6+s2], $0x2400, $0x38;
	[tilespmem:$0x12480] =	vst v63  }
.LBB2_7:
0x117: {  	p1 =	sgt.u32 s7, $0xB3;
	s14 =	sadd.s32 $0xFFFFFA60, s10;
	s15 =	smov.u32 s10  }
0x118: {  	s15 =	smov.u32 @p1 s14  }
0x119: {  	s14 =	sadd.s32 s6, s15  }
0x11a: {  	s14 =	sshll.u32 s14, $0x4  }
0x11b: {  	s30 =	simm.s32 $0x2680;
	s14 =	sadd.s32 s4, s14  }
0x11c: {  	[tilespmem:s30], [sflag:$0x2] =	stream.linear.gather [hbm4b:s14+s2], $0x400, $0x38;
	[tilespmem:$0x12480] =	vst v63  }
0x11d: {  	p1 =	sgt.u32 s7, $0xB2;
	s14 =	simm.s32 $0xFFFFFA68  }
0x11e: {  	s14 =	simm.s32 @!p1 $0x8  }
0x11f: {  	s14 =	sadd.s32 s14, s13  }
0x120: {  	s14 =	sshll.u32 s14, $0x4  }
0x121: {  	s16 =	simm.s32 $0x2A80;
	s14 =	sadd.s32 s4, s14  }
0x122: {  	[tilespmem:s16], [sflag:$0x2] =	stream.linear.gather [hbm4b:s14+s2], $0x400, $0x38;
	[tilespmem:$0x12480] =	vst v63  }
0x123: {  	p1 =	sgt.u32 s7, $0xB1;
	s14 =	simm.s32 $0xFFFFFA70  }
0x124: {  	s14 =	simm.s32 @!p1 $0x10  }
0x125: {  	s14 =	sadd.s32 s14, s13  }
0x126: {  	s14 =	sshll.u32 s14, $0x4  }
0x127: {  	s17 =	simm.s32 $0x2E80;
	s14 =	sadd.s32 s4, s14  }
0x128: {  	[tilespmem:s17], [sflag:$0x2] =	stream.linear.gather [hbm4b:s14+s2], $0x400, $0x38;
	[tilespmem:$0x12480] =	vst v63  }
0x129: {  	p1 =	sgt.u32 s7, $0xB0;
	s14 =	simm.s32 $0xFFFFFA78  }
0x12a: {  	s14 =	simm.s32 @!p1 $0x18  }
0x12b: {  	s14 =	sadd.s32 s14, s13  }
0x12c: {  	s14 =	sshll.u32 s14, $0x4  }
0x12d: {  	s18 =	simm.s32 $0x3280;
	s14 =	sadd.s32 s4, s14  }
0x12e: {  	[tilespmem:s18], [sflag:$0x2] =	stream.linear.gather [hbm4b:s14+s2], $0x400, $0x38;
	[tilespmem:$0x12480] =	vst v63  }
0x12f: {  	p1 =	sgt.u32 s7, $0xAF;
	s14 =	simm.s32 $0xFFFFFA80  }
0x130: {  	s14 =	simm.s32 @!p1 $0x20  }
0x131: {  	s14 =	sadd.s32 s14, s13  }
0x132: {  	s14 =	sshll.u32 s14, $0x4  }
0x133: {  	s19 =	simm.s32 $0x3680;
	s14 =	sadd.s32 s4, s14  }
0x134: {  	[tilespmem:s19], [sflag:$0x2] =	stream.linear.gather [hbm4b:s14+s2], $0x400, $0x38;
	[tilespmem:$0x12480] =	vst v63  }
0x135: {  	p1 =	sgt.u32 s7, $0xAE;
	s14 =	simm.s32 $0xFFFFFA88  }
0x136: {  	s14 =	simm.s32 @!p1 $0x28  }
0x137: {  	s14 =	sadd.s32 s14, s13  }
0x138: {  	s14 =	sshll.u32 s14, $0x4  }
0x139: {  	s20 =	simm.s32 $0x3A80;
	s14 =	sadd.s32 s4, s14  }
0x13a: {  	[tilespmem:s20], [sflag:$0x2] =	stream.linear.gather [hbm4b:s14+s2], $0x400, $0x38;
	[tilespmem:$0x12480] =	vst v63  }
0x13b: {  	p1 =	sgt.u32 s7, $0xAD;
	s14 =	simm.s32 $0xFFFFFA90  }
0x13c: {  	s14 =	simm.s32 @!p1 $0x30;
	p1 =	seq.s32 s7, $0xAC;
	s7 =	sadd.s32 $0xFFFFFA98, s10  }
0x13d: {  	s21 =	sadd.s32 s14, s13;
	s7 =	simm.s32 @p1 $0x598  }
0x13e: {  	s13 =	sshll.u32 s21, $0x4;
	s23 =	sadd.s32 s6, s7  }
0x13f: {  	s22 =	simm.s32 $0x3E80;
	s13 =	sadd.s32 s4, s13;
	s6 =	sshll.u32 s23, $0x4  }
0x140: {  	[tilespmem:s22], [sflag:$0x2] =	stream.linear.gather [hbm4b:s13+s2], $0x400, $0x38;
	[tilespmem:$0x12480] =	vst v63  }
0x141: {  	s24 =	simm.s32 $0x4280;
	s6 =	sadd.s32 s4, s6  }
0x142: {  	[tilespmem:s24], [sflag:$0x2] =	stream.linear.gather [hbm4b:s6+s2], $0x400, $0x38;
	[tilespmem:$0x12480] =	vst v63  }
0x143: {  	s25 =	sadd.s32 s8, s9;
	s30 =	simm.s32 $0x4680  }
0x144: {  	[tilespmem:s30], [sflag:$0x2] =	stream.linear.gather [hbm4b:s25+s2], $0x400, $0x38;
	[tilespmem:$0x12480] =	vst v63  }
.LBB2_8:
0x145: {  	v1 =	vld [tilespmem:s12+$0x0]  }
0x146: {  	s6 =	sadd.s32 $0x2, s3;
	v2 =	vld [tilespmem:s12+$0x12280]  }
0x147: {  	s6 =	sand.u32 $0xA, s6  }
0x148: {  	v3 =	vmov s6  }
0x149: {  	vm1 =	veq.s32 v3, v0  }
0x14a: {  	v1 =	vnsel vm1, $0x0, v1  }
0x14b: {  	(xrf0) =	vadd.scan.msk.s32 $0xffff, v1;
	v1 =	vnsel vm1, $0x0, v2  }
0x14c: {  	(xrf0) =	vadd.scan.msk.s32 $0xffff, v1;
	_ =	sdelay $0x4  }
0x14d: {  	v1, _, _ =	vpop (xrf0)  }
0x14e: {  	(v2sf) =	vpush v1, $0xF;
	v1, _, _ =	vpop (xrf0)  }
0x14f: {  	(v2sf) =	vpush v1, $0xF;
	_ =	sdelay $0xd  }
0x150: {  	s7 =	spop (v2sf)  }
0x151: {  	s24 =	spop (v2sf)  }
0x152: {  	s6 =	sadd.s32 s31, s24  }
0x153: {  	s9 =	smulhi.u32 $0xB60B60B7, s6;
	s13 =	sshra.s32 s6, $0x1F  }
0x154: {  	s13 =	smul.u32 $0xB60B60B7, s13  }
0x155: {  	s9 =	ssub.s32 s9, s6  }
0x156: {  	s9 =	sadd.s32 s13, s9  }
0x157: {  	s9 =	sadd.s32 s6, s9  }
0x158: {  	s25 =	sshrl.u32 s9, $0x1F;
	s9 =	sshra.s32 s9, $0xA  }
0x159: {  	s9 =	sadd.s32 s25, s9  }
0x15a: {  	s9 =	smul.u32 $0x5A0, s9;
	_ =	sdelay $0x1  }
0x15b: {  	s6 =	ssub.s32 s6, s9  }
0x15c: {  	p1 =	slt.s32 s6, $0x0;
	s9 =	sadd.s32 $0x5A0, s6  }
0x15d: {  	s6 =	smov.u32 @p1 s9  }
0x15e: {  	s9 =	sshll.u32 s6, $0x10  }
0x15f: {  	s30 =	sand.u32 $0x7, s6;
	s9 =	sshra.s32 s9, $0x1F  }
0x160: {  	p1 =	slt.s32 s6, $0x1;
	p2 =	sne.s32 s30, $0x0;
	s9 =	sand.u32 $0x7, s9  }
0x161: {  	p1 =	por !p1, !p2;
	s9 =	sadd.s32 s9, s6  }
0x162: {  	s13 =	simm.s32 $0x1;
	p1 =	por !p1, !p1;
	s9 =	sshll.u32 s9, $0x10  }
0x163: {  	s13 =	simm.s32 @!p1 $0x0;
	s9 =	sshra.s32 s9, $0x13  }
0x164: {  	s14 =	ssub.s32 s9, s13  }
0x165: {  	p1 =	sgt.s32 s14, $0xAB  }
.Ltmp8:
0x166: {  	_ = 	snop;
	(pc) =	sbr.rel @p1 .LBB2_10-.Ltmp8, $4  }
0x167: {  	s9 =	smul.u32 $0x5A0, s7;
	s13 =	simm.s32 @!p0 $0xB  }
0x168: {  	s7 =	sshll.u32 s14, $0x3;
	_ =	swait.ge @!p0 [sflag:s13], $0x2000  }
0x169: {  	[sflag:s13] =	ssyncset.done @!p0 $0x0;
	s15 =	sadd.s32 s9, s7  }
0x16a: {  	[sflag:s13] =	ssyncadd.s32 @!p0 $0xFFFFE000;
	s13 =	sshll.u32 s15, $0x4  }
.Ltmp9:
0x16b: {  	(pc) =	sbr.rel .LBB2_11-.Ltmp9, $3  }
0x16c: {  	_ =	sdelay $0x1  }
0x16d: {  	s9 =	sadd.s32 s4, s13;
	s30 =	simm.s32 $0x4A80  }
0x16e: {  	[tilespmem:s30], [sflag:$0x3] =	stream.linear.gather [hbm4b:s9+s2], $0x2400, $0x38;
	[tilespmem:$0x12480] =	vst v63  }
.LBB2_10:
0x16f: {  	p1 =	sgt.u32 s14, $0xB3;
	s16 =	sadd.s32 $0xFFFFFA60, s7;
	s17 =	smov.u32 s7  }
0x170: {  	s17 =	smov.u32 @p1 s16  }
0x171: {  	s16 =	sadd.s32 s9, s17  }
0x172: {  	s16 =	sshll.u32 s16, $0x4  }
0x173: {  	s24 =	simm.s32 $0x4A80;
	s16 =	sadd.s32 s4, s16  }
0x174: {  	[tilespmem:s24], [sflag:$0x3] =	stream.linear.gather [hbm4b:s16+s2], $0x400, $0x38;
	[tilespmem:$0x12480] =	vst v63  }
0x175: {  	p1 =	sgt.u32 s14, $0xB2;
	s16 =	simm.s32 $0xFFFFFA68  }
0x176: {  	s16 =	simm.s32 @!p1 $0x8  }
0x177: {  	s16 =	sadd.s32 s16, s15  }
0x178: {  	s16 =	sshll.u32 s16, $0x4  }
0x179: {  	s25 =	simm.s32 $0x4E80;
	s16 =	sadd.s32 s4, s16  }
0x17a: {  	[tilespmem:s25], [sflag:$0x3] =	stream.linear.gather [hbm4b:s16+s2], $0x400, $0x38;
	[tilespmem:$0x12480] =	vst v63  }
0x17b: {  	p1 =	sgt.u32 s14, $0xB1;
	s16 =	simm.s32 $0xFFFFFA70  }
0x17c: {  	s16 =	simm.s32 @!p1 $0x10  }
0x17d: {  	s16 =	sadd.s32 s16, s15  }
0x17e: {  	s16 =	sshll.u32 s16, $0x4  }
0x17f: {  	s30 =	simm.s32 $0x5280;
	s16 =	sadd.s32 s4, s16  }
0x180: {  	[tilespmem:s30], [sflag:$0x3] =	stream.linear.gather [hbm4b:s16+s2], $0x400, $0x38;
	[tilespmem:$0x12480] =	vst v63  }
0x181: {  	p1 =	sgt.u32 s14, $0xB0;
	s16 =	simm.s32 $0xFFFFFA78  }
0x182: {  	s16 =	simm.s32 @!p1 $0x18  }
0x183: {  	s16 =	sadd.s32 s16, s15  }
0x184: {  	s16 =	sshll.u32 s16, $0x4  }
0x185: {  	s18 =	simm.s32 $0x5680;
	s16 =	sadd.s32 s4, s16  }
0x186: {  	[tilespmem:s18], [sflag:$0x3] =	stream.linear.gather [hbm4b:s16+s2], $0x400, $0x38;
	[tilespmem:$0x12480] =	vst v63  }
0x187: {  	p1 =	sgt.u32 s14, $0xAF;
	s16 =	simm.s32 $0xFFFFFA80  }
0x188: {  	s16 =	simm.s32 @!p1 $0x20  }
0x189: {  	s16 =	sadd.s32 s16, s15  }
0x18a: {  	s16 =	sshll.u32 s16, $0x4  }
0x18b: {  	s19 =	simm.s32 $0x5A80;
	s16 =	sadd.s32 s4, s16  }
0x18c: {  	[tilespmem:s19], [sflag:$0x3] =	stream.linear.gather [hbm4b:s16+s2], $0x400, $0x38;
	[tilespmem:$0x12480] =	vst v63  }
0x18d: {  	p1 =	sgt.u32 s14, $0xAE;
	s16 =	simm.s32 $0xFFFFFA88  }
0x18e: {  	s16 =	simm.s32 @!p1 $0x28  }
0x18f: {  	s16 =	sadd.s32 s16, s15  }
0x190: {  	s16 =	sshll.u32 s16, $0x4  }
0x191: {  	s20 =	simm.s32 $0x5E80;
	s16 =	sadd.s32 s4, s16  }
0x192: {  	[tilespmem:s20], [sflag:$0x3] =	stream.linear.gather [hbm4b:s16+s2], $0x400, $0x38;
	[tilespmem:$0x12480] =	vst v63  }
0x193: {  	p1 =	sgt.u32 s14, $0xAD;
	s16 =	simm.s32 $0xFFFFFA90  }
0x194: {  	s16 =	simm.s32 @!p1 $0x30;
	p1 =	seq.s32 s14, $0xAC;
	s14 =	sadd.s32 $0xFFFFFA98, s7  }
0x195: {  	s21 =	sadd.s32 s16, s15;
	s14 =	simm.s32 @p1 $0x598  }
0x196: {  	s15 =	sshll.u32 s21, $0x4;
	s23 =	sadd.s32 s9, s14  }
0x197: {  	s22 =	simm.s32 $0x6280;
	s15 =	sadd.s32 s4, s15;
	s9 =	sshll.u32 s23, $0x4  }
0x198: {  	[tilespmem:s22], [sflag:$0x3] =	stream.linear.gather [hbm4b:s15+s2], $0x400, $0x38;
	[tilespmem:$0x12480] =	vst v63  }
0x199: {  	s24 =	simm.s32 $0x6680;
	s9 =	sadd.s32 s4, s9  }
0x19a: {  	[tilespmem:s24], [sflag:$0x3] =	stream.linear.gather [hbm4b:s9+s2], $0x400, $0x38;
	[tilespmem:$0x12480] =	vst v63  }
0x19b: {  	s25 =	sadd.s32 s8, s13;
	s30 =	simm.s32 $0x6A80  }
0x19c: {  	[tilespmem:s30], [sflag:$0x3] =	stream.linear.gather [hbm4b:s25+s2], $0x400, $0x38;
	[tilespmem:$0x12480] =	vst v63  }
.LBB2_11:
0x19d: {  	v1 =	vld [tilespmem:s12+$0x0]  }
0x19e: {  	s9 =	sadd.s32 $0x3, s3;
	v2 =	vld [tilespmem:s12+$0x12280]  }
0x19f: {  	s9 =	sand.u32 $0xB, s9  }
0x1a0: {  	v3 =	vmov s9  }
0x1a1: {  	vm1 =	veq.s32 v3, v0  }
0x1a2: {  	v1 =	vnsel vm1, $0x0, v1  }
0x1a3: {  	(xrf0) =	vadd.scan.msk.s32 $0xffff, v1;
	v1 =	vnsel vm1, $0x0, v2  }
0x1a4: {  	(xrf0) =	vadd.scan.msk.s32 $0xffff, v1;
	_ =	sdelay $0x4  }
0x1a5: {  	v1, _, _ =	vpop (xrf0)  }
0x1a6: {  	(v2sf) =	vpush v1, $0xF;
	v1, _, _ =	vpop (xrf0)  }
0x1a7: {  	(v2sf) =	vpush v1, $0xF;
	_ =	sdelay $0xd  }
0x1a8: {  	s13 =	spop (v2sf)  }
0x1a9: {  	s23 =	spop (v2sf)  }
0x1aa: {  	s9 =	sadd.s32 s31, s23  }
0x1ab: {  	s14 =	smulhi.u32 $0xB60B60B7, s9;
	s15 =	sshra.s32 s9, $0x1F  }
0x1ac: {  	s15 =	smul.u32 $0xB60B60B7, s15  }
0x1ad: {  	s14 =	ssub.s32 s14, s9  }
0x1ae: {  	s14 =	sadd.s32 s15, s14  }
0x1af: {  	s14 =	sadd.s32 s9, s14  }
0x1b0: {  	s24 =	sshrl.u32 s14, $0x1F;
	s14 =	sshra.s32 s14, $0xA  }
0x1b1: {  	s14 =	sadd.s32 s24, s14  }
0x1b2: {  	s14 =	smul.u32 $0x5A0, s14;
	_ =	sdelay $0x1  }
0x1b3: {  	s9 =	ssub.s32 s9, s14  }
0x1b4: {  	p1 =	slt.s32 s9, $0x0;
	s14 =	sadd.s32 $0x5A0, s9  }
0x1b5: {  	s9 =	smov.u32 @p1 s14  }
0x1b6: {  	s14 =	sshll.u32 s9, $0x10  }
0x1b7: {  	s25 =	sand.u32 $0x7, s9;
	s14 =	sshra.s32 s14, $0x1F  }
0x1b8: {  	p1 =	slt.s32 s9, $0x1;
	p2 =	sne.s32 s25, $0x0;
	s14 =	sand.u32 $0x7, s14  }
0x1b9: {  	p1 =	por !p1, !p2;
	s14 =	sadd.s32 s14, s9  }
0x1ba: {  	s15 =	simm.s32 $0x1;
	p1 =	por !p1, !p1;
	s14 =	sshll.u32 s14, $0x10  }
0x1bb: {  	s15 =	simm.s32 @!p1 $0x0;
	s14 =	sshra.s32 s14, $0x13  }
0x1bc: {  	s15 =	ssub.s32 s14, s15  }
0x1bd: {  	p1 =	sgt.s32 s15, $0xAB  }
.Ltmp10:
0x1be: {  	_ = 	snop;
	(pc) =	sbr.rel @p1 .LBB2_13-.Ltmp10, $4  }
0x1bf: {  	s14 =	smul.u32 $0x5A0, s13;
	s13 =	simm.s32 @!p0 $0xC  }
0x1c0: {  	s30 =	sshll.u32 s15, $0x3;
	_ =	swait.ge @!p0 [sflag:s13], $0x2000  }
0x1c1: {  	[sflag:s13] =	ssyncset.done @!p0 $0x0;
	s16 =	sadd.s32 s14, s30  }
0x1c2: {  	[sflag:s13] =	ssyncadd.s32 @!p0 $0xFFFFE000;
	s13 =	sshll.u32 s16, $0x4  }
.Ltmp11:
0x1c3: {  	(pc) =	sbr.rel .LBB2_14-.Ltmp11, $3  }
0x1c4: {  	_ =	sdelay $0x1  }
0x1c5: {  	s13 =	sadd.s32 s4, s13;
	s14 =	simm.s32 $0x6E80  }
0x1c6: {  	[tilespmem:s14], [sflag:$0x4] =	stream.linear.gather [hbm4b:s13+s2], $0x2400, $0x38;
	[tilespmem:$0x12480] =	vst v63  }
.LBB2_13:
0x1c7: {  	p1 =	sgt.u32 s15, $0xB3;
	s17 =	sadd.s32 $0xFFFFFA60, s30;
	s18 =	smov.u32 s30  }
0x1c8: {  	s18 =	smov.u32 @p1 s17  }
0x1c9: {  	s17 =	sadd.s32 s14, s18  }
0x1ca: {  	s17 =	sshll.u32 s17, $0x4  }
0x1cb: {  	s22 =	simm.s32 $0x6E80;
	s17 =	sadd.s32 s4, s17  }
0x1cc: {  	[tilespmem:s22], [sflag:$0x4] =	stream.linear.gather [hbm4b:s17+s2], $0x400, $0x38;
	[tilespmem:$0x12480] =	vst v63  }
0x1cd: {  	p1 =	sgt.u32 s15, $0xB2;
	s17 =	simm.s32 $0xFFFFFA68  }
0x1ce: {  	s17 =	simm.s32 @!p1 $0x8  }
0x1cf: {  	s17 =	sadd.s32 s17, s16  }
0x1d0: {  	s17 =	sshll.u32 s17, $0x4  }
0x1d1: {  	s23 =	simm.s32 $0x7280;
	s17 =	sadd.s32 s4, s17  }
0x1d2: {  	[tilespmem:s23], [sflag:$0x4] =	stream.linear.gather [hbm4b:s17+s2], $0x400, $0x38;
	[tilespmem:$0x12480] =	vst v63  }
0x1d3: {  	p1 =	sgt.u32 s15, $0xB1;
	s17 =	simm.s32 $0xFFFFFA70  }
0x1d4: {  	s17 =	simm.s32 @!p1 $0x10  }
0x1d5: {  	s17 =	sadd.s32 s17, s16  }
0x1d6: {  	s17 =	sshll.u32 s17, $0x4  }
0x1d7: {  	s24 =	simm.s32 $0x7680;
	s17 =	sadd.s32 s4, s17  }
0x1d8: {  	[tilespmem:s24], [sflag:$0x4] =	stream.linear.gather [hbm4b:s17+s2], $0x400, $0x38;
	[tilespmem:$0x12480] =	vst v63  }
0x1d9: {  	p1 =	sgt.u32 s15, $0xB0;
	s17 =	simm.s32 $0xFFFFFA78  }
0x1da: {  	s17 =	simm.s32 @!p1 $0x18  }
0x1db: {  	s17 =	sadd.s32 s17, s16  }
0x1dc: {  	s17 =	sshll.u32 s17, $0x4  }
0x1dd: {  	s25 =	simm.s32 $0x7A80;
	s17 =	sadd.s32 s4, s17  }
0x1de: {  	[tilespmem:s25], [sflag:$0x4] =	stream.linear.gather [hbm4b:s17+s2], $0x400, $0x38;
	[tilespmem:$0x12480] =	vst v63  }
0x1df: {  	p1 =	sgt.u32 s15, $0xAF;
	s17 =	simm.s32 $0xFFFFFA80  }
0x1e0: {  	s17 =	simm.s32 @!p1 $0x20  }
0x1e1: {  	s17 =	sadd.s32 s17, s16  }
0x1e2: {  	s17 =	sshll.u32 s17, $0x4  }
0x1e3: {  	s19 =	simm.s32 $0x7E80;
	s17 =	sadd.s32 s4, s17  }
0x1e4: {  	[tilespmem:s19], [sflag:$0x4] =	stream.linear.gather [hbm4b:s17+s2], $0x400, $0x38;
	[tilespmem:$0x12480] =	vst v63  }
0x1e5: {  	p1 =	sgt.u32 s15, $0xAE;
	s17 =	simm.s32 $0xFFFFFA88  }
0x1e6: {  	s17 =	simm.s32 @!p1 $0x28  }
0x1e7: {  	s17 =	sadd.s32 s17, s16  }
0x1e8: {  	s17 =	sshll.u32 s17, $0x4  }
0x1e9: {  	s20 =	simm.s32 $0x8280;
	s17 =	sadd.s32 s4, s17  }
0x1ea: {  	[tilespmem:s20], [sflag:$0x4] =	stream.linear.gather [hbm4b:s17+s2], $0x400, $0x38;
	[tilespmem:$0x12480] =	vst v63  }
0x1eb: {  	p1 =	sgt.u32 s15, $0xAD;
	s17 =	simm.s32 $0xFFFFFA90  }
0x1ec: {  	s17 =	simm.s32 @!p1 $0x30;
	p1 =	seq.s32 s15, $0xAC;
	s15 =	sadd.s32 $0xFFFFFA98, s30  }
0x1ed: {  	s21 =	sadd.s32 s17, s16;
	s15 =	simm.s32 @p1 $0x598  }
0x1ee: {  	s16 =	sshll.u32 s21, $0x4;
	s23 =	sadd.s32 s14, s15  }
0x1ef: {  	s22 =	simm.s32 $0x8680;
	s16 =	sadd.s32 s4, s16;
	s14 =	sshll.u32 s23, $0x4  }
0x1f0: {  	[tilespmem:s22], [sflag:$0x4] =	stream.linear.gather [hbm4b:s16+s2], $0x400, $0x38;
	[tilespmem:$0x12480] =	vst v63  }
0x1f1: {  	s24 =	simm.s32 $0x8A80;
	s14 =	sadd.s32 s4, s14  }
0x1f2: {  	[tilespmem:s24], [sflag:$0x4] =	stream.linear.gather [hbm4b:s14+s2], $0x400, $0x38;
	[tilespmem:$0x12480] =	vst v63  }
0x1f3: {  	s13 =	sadd.s32 s8, s13;
	s25 =	simm.s32 $0x8E80  }
0x1f4: {  	[tilespmem:s25], [sflag:$0x4] =	stream.linear.gather [hbm4b:s13+s2], $0x400, $0x38;
	[tilespmem:$0x12480] =	vst v63  }
.LBB2_14:
0x1f5: {  	v1 =	vld [tilespmem:s12+$0x0]  }
0x1f6: {  	s13 =	sadd.s32 $0x4, s3;
	v2 =	vld [tilespmem:s12+$0x12280]  }
0x1f7: {  	s13 =	sand.u32 $0xC, s13  }
0x1f8: {  	v3 =	vmov s13  }
0x1f9: {  	vm1 =	veq.s32 v3, v0  }
0x1fa: {  	v1 =	vnsel vm1, $0x0, v1  }
0x1fb: {  	(xrf0) =	vadd.scan.msk.s32 $0xffff, v1;
	v1 =	vnsel vm1, $0x0, v2  }
0x1fc: {  	(xrf0) =	vadd.scan.msk.s32 $0xffff, v1;
	_ =	sdelay $0x4  }
0x1fd: {  	v1, _, _ =	vpop (xrf0)  }
0x1fe: {  	(v2sf) =	vpush v1, $0xF;
	v1, _, _ =	vpop (xrf0)  }
0x1ff: {  	(v2sf) =	vpush v1, $0xF;
	_ =	sdelay $0xd  }
0x200: {  	s23 =	spop (v2sf)  }
0x201: {  	s14 =	spop (v2sf)  }
0x202: {  	s14 =	sadd.s32 s31, s14  }
0x203: {  	s15 =	smulhi.u32 $0xB60B60B7, s14;
	s16 =	sshra.s32 s14, $0x1F  }
0x204: {  	s16 =	smul.u32 $0xB60B60B7, s16  }
0x205: {  	s15 =	ssub.s32 s15, s14  }
0x206: {  	s15 =	sadd.s32 s16, s15  }
0x207: {  	s15 =	sadd.s32 s14, s15  }
0x208: {  	s24 =	sshrl.u32 s15, $0x1F;
	s15 =	sshra.s32 s15, $0xA  }
0x209: {  	s15 =	sadd.s32 s24, s15  }
0x20a: {  	s15 =	smul.u32 $0x5A0, s15;
	_ =	sdelay $0x1  }
0x20b: {  	s14 =	ssub.s32 s14, s15  }
0x20c: {  	p1 =	slt.s32 s14, $0x0;
	s15 =	sadd.s32 $0x5A0, s14  }
0x20d: {  	s14 =	smov.u32 @p1 s15  }
0x20e: {  	s15 =	sshll.u32 s14, $0x10  }
0x20f: {  	s25 =	sand.u32 $0x7, s14;
	s15 =	sshra.s32 s15, $0x1F  }
0x210: {  	p1 =	slt.s32 s14, $0x1;
	p2 =	sne.s32 s25, $0x0;
	s15 =	sand.u32 $0x7, s15  }
0x211: {  	p1 =	por !p1, !p2;
	s15 =	sadd.s32 s15, s14  }
0x212: {  	s16 =	simm.s32 $0x1;
	p1 =	por !p1, !p1;
	s15 =	sshll.u32 s15, $0x10  }
0x213: {  	s16 =	simm.s32 @!p1 $0x0;
	s15 =	sshra.s32 s15, $0x13  }
0x214: {  	s17 =	ssub.s32 s15, s16  }
0x215: {  	p1 =	sgt.s32 s17, $0xAB  }
.Ltmp12:
0x216: {  	_ = 	snop;
	(pc) =	sbr.rel @p1 .LBB2_16-.Ltmp12, $4  }
0x217: {  	s13 =	simm.s32 @!p0 $0xD;
	s16 =	smul.u32 $0x5A0, s23  }
0x218: {  	_ =	swait.ge @!p0 [sflag:s13], $0x2000;
	s15 =	sshll.u32 s17, $0x3  }
0x219: {  	[sflag:s13] =	ssyncset.done @!p0 $0x0;
	s18 =	sadd.s32 s16, s15  }
0x21a: {  	[sflag:s13] =	ssyncadd.s32 @!p0 $0xFFFFE000;
	s13 =	sshll.u32 s18, $0x4  }
.Ltmp13:
0x21b: {  	(pc) =	sbr.rel .LBB2_17-.Ltmp13, $3  }
0x21c: {  	_ =	sdelay $0x1  }
0x21d: {  	s13 =	sadd.s32 s4, s13;
	s16 =	simm.s32 $0x9280  }
0x21e: {  	[tilespmem:s16], [sflag:$0x5] =	stream.linear.gather [hbm4b:s13+s2], $0x2400, $0x38;
	[tilespmem:$0x12480] =	vst v63  }
.LBB2_16:
0x21f: {  	p1 =	sgt.u32 s17, $0xB3;
	s19 =	sadd.s32 $0xFFFFFA60, s15;
	s20 =	smov.u32 s15  }
0x220: {  	s20 =	smov.u32 @p1 s19  }
0x221: {  	s19 =	sadd.s32 s16, s20  }
0x222: {  	s19 =	sshll.u32 s19, $0x4  }
0x223: {  	s25 =	simm.s32 $0x9280;
	s19 =	sadd.s32 s4, s19  }
0x224: {  	[tilespmem:s25], [sflag:$0x5] =	stream.linear.gather [hbm4b:s19+s2], $0x400, $0x38;
	[tilespmem:$0x12480] =	vst v63  }
0x225: {  	p1 =	sgt.u32 s17, $0xB2;
	s19 =	simm.s32 $0xFFFFFA68  }
0x226: {  	s19 =	simm.s32 @!p1 $0x8  }
0x227: {  	s19 =	sadd.s32 s19, s18  }
0x228: {  	s19 =	sshll.u32 s19, $0x4  }
0x229: {  	s21 =	simm.s32 $0x9680;
	s19 =	sadd.s32 s4, s19  }
0x22a: {  	[tilespmem:s21], [sflag:$0x5] =	stream.linear.gather [hbm4b:s19+s2], $0x400, $0x38;
	[tilespmem:$0x12480] =	vst v63  }
0x22b: {  	p1 =	sgt.u32 s17, $0xB1;
	s19 =	simm.s32 $0xFFFFFA70  }
0x22c: {  	s19 =	simm.s32 @!p1 $0x10  }
0x22d: {  	s19 =	sadd.s32 s19, s18  }
0x22e: {  	s19 =	sshll.u32 s19, $0x4  }
0x22f: {  	s22 =	simm.s32 $0x9A80;
	s19 =	sadd.s32 s4, s19  }
0x230: {  	[tilespmem:s22], [sflag:$0x5] =	stream.linear.gather [hbm4b:s19+s2], $0x400, $0x38;
	[tilespmem:$0x12480] =	vst v63  }
0x231: {  	p1 =	sgt.u32 s17, $0xB0;
	s19 =	simm.s32 $0xFFFFFA78  }
0x232: {  	s19 =	simm.s32 @!p1 $0x18  }
0x233: {  	s19 =	sadd.s32 s19, s18  }
0x234: {  	s19 =	sshll.u32 s19, $0x4  }
0x235: {  	s23 =	simm.s32 $0x9E80;
	s19 =	sadd.s32 s4, s19  }
0x236: {  	[tilespmem:s23], [sflag:$0x5] =	stream.linear.gather [hbm4b:s19+s2], $0x400, $0x38;
	[tilespmem:$0x12480] =	vst v63  }
0x237: {  	p1 =	sgt.u32 s17, $0xAF;
	s19 =	simm.s32 $0xFFFFFA80  }
0x238: {  	s19 =	simm.s32 @!p1 $0x20  }
0x239: {  	s19 =	sadd.s32 s19, s18  }
0x23a: {  	s19 =	sshll.u32 s19, $0x4  }
0x23b: {  	s24 =	simm.s32 $0xA280;
	s19 =	sadd.s32 s4, s19  }
0x23c: {  	[tilespmem:s24], [sflag:$0x5] =	stream.linear.gather [hbm4b:s19+s2], $0x400, $0x38;
	[tilespmem:$0x12480] =	vst v63  }
0x23d: {  	p1 =	sgt.u32 s17, $0xAE;
	s19 =	simm.s32 $0xFFFFFA88  }
0x23e: {  	s19 =	simm.s32 @!p1 $0x28  }
0x23f: {  	s19 =	sadd.s32 s19, s18  }
0x240: {  	s19 =	sshll.u32 s19, $0x4  }
0x241: {  	s25 =	simm.s32 $0xA680;
	s19 =	sadd.s32 s4, s19  }
0x242: {  	[tilespmem:s25], [sflag:$0x5] =	stream.linear.gather [hbm4b:s19+s2], $0x400, $0x38;
	[tilespmem:$0x12480] =	vst v63  }
0x243: {  	p1 =	sgt.u32 s17, $0xAD;
	s19 =	simm.s32 $0xFFFFFA90  }
0x244: {  	s19 =	simm.s32 @!p1 $0x30;
	p1 =	seq.s32 s17, $0xAC;
	s17 =	sadd.s32 $0xFFFFFA98, s15  }
0x245: {  	s21 =	sadd.s32 s19, s18;
	s17 =	simm.s32 @p1 $0x598  }
0x246: {  	s18 =	sshll.u32 s21, $0x4;
	s23 =	sadd.s32 s16, s17  }
0x247: {  	s22 =	simm.s32 $0xAA80;
	s18 =	sadd.s32 s4, s18;
	s16 =	sshll.u32 s23, $0x4  }
0x248: {  	[tilespmem:s22], [sflag:$0x5] =	stream.linear.gather [hbm4b:s18+s2], $0x400, $0x38;
	[tilespmem:$0x12480] =	vst v63  }
0x249: {  	s24 =	simm.s32 $0xAE80;
	s16 =	sadd.s32 s4, s16  }
0x24a: {  	[tilespmem:s24], [sflag:$0x5] =	stream.linear.gather [hbm4b:s16+s2], $0x400, $0x38;
	[tilespmem:$0x12480] =	vst v63  }
0x24b: {  	s13 =	sadd.s32 s8, s13;
	s25 =	simm.s32 $0xB280  }
0x24c: {  	[tilespmem:s25], [sflag:$0x5] =	stream.linear.gather [hbm4b:s13+s2], $0x400, $0x38;
	[tilespmem:$0x12480] =	vst v63  }
.LBB2_17:
0x24d: {  	v1 =	vld [tilespmem:s12+$0x0]  }
0x24e: {  	s13 =	sadd.s32 $0x5, s3;
	v2 =	vld [tilespmem:s12+$0x12280]  }
0x24f: {  	s13 =	sand.u32 $0xD, s13  }
0x250: {  	v3 =	vmov s13  }
0x251: {  	vm1 =	veq.s32 v3, v0  }
0x252: {  	v1 =	vnsel vm1, $0x0, v1  }
0x253: {  	(xrf0) =	vadd.scan.msk.s32 $0xffff, v1;
	v1 =	vnsel vm1, $0x0, v2  }
0x254: {  	(xrf0) =	vadd.scan.msk.s32 $0xffff, v1;
	_ =	sdelay $0x4  }
0x255: {  	v1, _, _ =	vpop (xrf0)  }
0x256: {  	(v2sf) =	vpush v1, $0xF;
	v1, _, _ =	vpop (xrf0)  }
0x257: {  	(v2sf) =	vpush v1, $0xF;
	_ =	sdelay $0xd  }
0x258: {  	s23 =	spop (v2sf)  }
0x259: {  	s16 =	spop (v2sf)  }
0x25a: {  	s16 =	sadd.s32 s31, s16  }
0x25b: {  	s17 =	smulhi.u32 $0xB60B60B7, s16;
	s18 =	sshra.s32 s16, $0x1F  }
0x25c: {  	s18 =	smul.u32 $0xB60B60B7, s18  }
0x25d: {  	s17 =	ssub.s32 s17, s16  }
0x25e: {  	s17 =	sadd.s32 s18, s17  }
0x25f: {  	s17 =	sadd.s32 s16, s17  }
0x260: {  	s24 =	sshrl.u32 s17, $0x1F;
	s17 =	sshra.s32 s17, $0xA  }
0x261: {  	s17 =	sadd.s32 s24, s17  }
0x262: {  	s17 =	smul.u32 $0x5A0, s17;
	_ =	sdelay $0x1  }
0x263: {  	s16 =	ssub.s32 s16, s17  }
0x264: {  	p1 =	slt.s32 s16, $0x0;
	s17 =	sadd.s32 $0x5A0, s16  }
0x265: {  	s16 =	smov.u32 @p1 s17  }
0x266: {  	s17 =	sshll.u32 s16, $0x10  }
0x267: {  	s25 =	sand.u32 $0x7, s16;
	s17 =	sshra.s32 s17, $0x1F  }
0x268: {  	p1 =	slt.s32 s16, $0x1;
	p2 =	sne.s32 s25, $0x0;
	s17 =	sand.u32 $0x7, s17  }
0x269: {  	p1 =	por !p1, !p2;
	s17 =	sadd.s32 s17, s16  }
0x26a: {  	s18 =	simm.s32 $0x1;
	p1 =	por !p1, !p1;
	s17 =	sshll.u32 s17, $0x10  }
0x26b: {  	s18 =	simm.s32 @!p1 $0x0;
	s17 =	sshra.s32 s17, $0x13  }
0x26c: {  	s19 =	ssub.s32 s17, s18  }
0x26d: {  	p1 =	sgt.s32 s19, $0xAB  }
.Ltmp14:
0x26e: {  	_ = 	snop;
	(pc) =	sbr.rel @p1 .LBB2_19-.Ltmp14, $4  }
0x26f: {  	s13 =	simm.s32 @!p0 $0xE;
	s18 =	smul.u32 $0x5A0, s23  }
0x270: {  	_ =	swait.ge @!p0 [sflag:s13], $0x2000;
	s17 =	sshll.u32 s19, $0x3  }
0x271: {  	[sflag:s13] =	ssyncset.done @!p0 $0x0;
	s20 =	sadd.s32 s18, s17  }
0x272: {  	[sflag:s13] =	ssyncadd.s32 @!p0 $0xFFFFE000;
	s13 =	sshll.u32 s20, $0x4  }
.Ltmp15:
0x273: {  	(pc) =	sbr.rel .LBB2_20-.Ltmp15, $3  }
0x274: {  	_ =	sdelay $0x1  }
0x275: {  	s13 =	sadd.s32 s4, s13;
	s18 =	simm.s32 $0xB680  }
0x276: {  	[tilespmem:s18], [sflag:$0x6] =	stream.linear.gather [hbm4b:s13+s2], $0x2400, $0x38;
	[tilespmem:$0x12480] =	vst v63  }
.LBB2_19:
0x277: {  	p1 =	sgt.u32 s19, $0xB3;
	s21 =	sadd.s32 $0xFFFFFA60, s17;
	s22 =	smov.u32 s17  }
0x278: {  	s22 =	smov.u32 @p1 s21  }
0x279: {  	s21 =	sadd.s32 s18, s22  }
0x27a: {  	s21 =	sshll.u32 s21, $0x4  }
0x27b: {  	s23 =	simm.s32 $0xB680;
	s21 =	sadd.s32 s4, s21  }
0x27c: {  	[tilespmem:s23], [sflag:$0x6] =	stream.linear.gather [hbm4b:s21+s2], $0x400, $0x38;
	[tilespmem:$0x12480] =	vst v63  }
0x27d: {  	p1 =	sgt.u32 s19, $0xB2;
	s21 =	simm.s32 $0xFFFFFA68  }
0x27e: {  	s21 =	simm.s32 @!p1 $0x8  }
0x27f: {  	s21 =	sadd.s32 s21, s20  }
0x280: {  	s21 =	sshll.u32 s21, $0x4  }
0x281: {  	s24 =	simm.s32 $0xBA80;
	s21 =	sadd.s32 s4, s21  }
0x282: {  	[tilespmem:s24], [sflag:$0x6] =	stream.linear.gather [hbm4b:s21+s2], $0x400, $0x38;
	[tilespmem:$0x12480] =	vst v63  }
0x283: {  	p1 =	sgt.u32 s19, $0xB1;
	s21 =	simm.s32 $0xFFFFFA70  }
0x284: {  	s21 =	simm.s32 @!p1 $0x10  }
0x285: {  	s21 =	sadd.s32 s21, s20  }
0x286: {  	s21 =	sshll.u32 s21, $0x4  }
0x287: {  	s25 =	simm.s32 $0xBE80;
	s21 =	sadd.s32 s4, s21  }
0x288: {  	[tilespmem:s25], [sflag:$0x6] =	stream.linear.gather [hbm4b:s21+s2], $0x400, $0x38;
	[tilespmem:$0x12480] =	vst v63  }
0x289: {  	p1 =	sgt.u32 s19, $0xB0;
	s21 =	simm.s32 $0xFFFFFA78  }
0x28a: {  	s21 =	simm.s32 @!p1 $0x18  }
0x28b: {  	s21 =	sadd.s32 s21, s20  }
0x28c: {  	s21 =	sshll.u32 s21, $0x4  }
0x28d: {  	s23 =	simm.s32 $0xC280;
	s21 =	sadd.s32 s4, s21  }
0x28e: {  	[tilespmem:s23], [sflag:$0x6] =	stream.linear.gather [hbm4b:s21+s2], $0x400, $0x38;
	[tilespmem:$0x12480] =	vst v63  }
0x28f: {  	p1 =	sgt.u32 s19, $0xAF;
	s21 =	simm.s32 $0xFFFFFA80  }
0x290: {  	s21 =	simm.s32 @!p1 $0x20  }
0x291: {  	s21 =	sadd.s32 s21, s20  }
0x292: {  	s21 =	sshll.u32 s21, $0x4  }
0x293: {  	s24 =	simm.s32 $0xC680;
	s21 =	sadd.s32 s4, s21  }
0x294: {  	[tilespmem:s24], [sflag:$0x6] =	stream.linear.gather [hbm4b:s21+s2], $0x400, $0x38;
	[tilespmem:$0x12480] =	vst v63  }
0x295: {  	p1 =	sgt.u32 s19, $0xAE;
	s21 =	simm.s32 $0xFFFFFA88  }
0x296: {  	s21 =	simm.s32 @!p1 $0x28  }
0x297: {  	s21 =	sadd.s32 s21, s20  }
0x298: {  	s21 =	sshll.u32 s21, $0x4  }
0x299: {  	s25 =	simm.s32 $0xCA80;
	s21 =	sadd.s32 s4, s21  }
0x29a: {  	[tilespmem:s25], [sflag:$0x6] =	stream.linear.gather [hbm4b:s21+s2], $0x400, $0x38;
	[tilespmem:$0x12480] =	vst v63  }
0x29b: {  	p1 =	sgt.u32 s19, $0xAD;
	s21 =	simm.s32 $0xFFFFFA90  }
0x29c: {  	s21 =	simm.s32 @!p1 $0x30;
	p1 =	seq.s32 s19, $0xAC;
	s19 =	sadd.s32 $0xFFFFFA98, s17  }
0x29d: {  	s21 =	sadd.s32 s21, s20;
	s19 =	simm.s32 @p1 $0x598  }
0x29e: {  	s20 =	sshll.u32 s21, $0x4;
	s23 =	sadd.s32 s18, s19  }
0x29f: {  	s22 =	simm.s32 $0xCE80;
	s20 =	sadd.s32 s4, s20;
	s18 =	sshll.u32 s23, $0x4  }
0x2a0: {  	[tilespmem:s22], [sflag:$0x6] =	stream.linear.gather [hbm4b:s20+s2], $0x400, $0x38;
	[tilespmem:$0x12480] =	vst v63  }
0x2a1: {  	s24 =	simm.s32 $0xD280;
	s18 =	sadd.s32 s4, s18  }
0x2a2: {  	[tilespmem:s24], [sflag:$0x6] =	stream.linear.gather [hbm4b:s18+s2], $0x400, $0x38;
	[tilespmem:$0x12480] =	vst v63  }
0x2a3: {  	s13 =	sadd.s32 s8, s13;
	s25 =	simm.s32 $0xD680  }
0x2a4: {  	[tilespmem:s25], [sflag:$0x6] =	stream.linear.gather [hbm4b:s13+s2], $0x400, $0x38;
	[tilespmem:$0x12480] =	vst v63  }
.LBB2_20:
0x2a5: {  	v1 =	vld [tilespmem:s12+$0x0]  }
0x2a6: {  	s13 =	sadd.s32 $0x6, s3;
	v2 =	vld [tilespmem:s12+$0x12280]  }
0x2a7: {  	s13 =	sand.u32 $0xE, s13  }
0x2a8: {  	v3 =	vmov s13  }
0x2a9: {  	vm1 =	veq.s32 v3, v0  }
0x2aa: {  	v1 =	vnsel vm1, $0x0, v1  }
0x2ab: {  	(xrf0) =	vadd.scan.msk.s32 $0xffff, v1;
	v1 =	vnsel vm1, $0x0, v2  }
0x2ac: {  	(xrf0) =	vadd.scan.msk.s32 $0xffff, v1;
	_ =	sdelay $0x4  }
0x2ad: {  	v1, _, _ =	vpop (xrf0)  }
0x2ae: {  	(v2sf) =	vpush v1, $0xF;
	v1, _, _ =	vpop (xrf0)  }
0x2af: {  	(v2sf) =	vpush v1, $0xF;
	_ =	sdelay $0xd  }
0x2b0: {  	s23 =	spop (v2sf)  }
0x2b1: {  	s18 =	spop (v2sf)  }
0x2b2: {  	s18 =	sadd.s32 s31, s18  }
0x2b3: {  	s19 =	smulhi.u32 $0xB60B60B7, s18;
	s20 =	sshra.s32 s18, $0x1F  }
0x2b4: {  	s20 =	smul.u32 $0xB60B60B7, s20  }
0x2b5: {  	s19 =	ssub.s32 s19, s18  }
0x2b6: {  	s19 =	sadd.s32 s20, s19  }
0x2b7: {  	s19 =	sadd.s32 s18, s19  }
0x2b8: {  	s24 =	sshrl.u32 s19, $0x1F;
	s19 =	sshra.s32 s19, $0xA  }
0x2b9: {  	s19 =	sadd.s32 s24, s19  }
0x2ba: {  	s19 =	smul.u32 $0x5A0, s19;
	_ =	sdelay $0x1  }
0x2bb: {  	s18 =	ssub.s32 s18, s19  }
0x2bc: {  	p1 =	slt.s32 s18, $0x0;
	s19 =	sadd.s32 $0x5A0, s18  }
0x2bd: {  	s18 =	smov.u32 @p1 s19  }
0x2be: {  	s19 =	sshll.u32 s18, $0x10  }
0x2bf: {  	s25 =	sand.u32 $0x7, s18;
	s19 =	sshra.s32 s19, $0x1F  }
0x2c0: {  	p1 =	slt.s32 s18, $0x1;
	p2 =	sne.s32 s25, $0x0;
	s19 =	sand.u32 $0x7, s19  }
0x2c1: {  	p1 =	por !p1, !p2;
	s19 =	sadd.s32 s19, s18  }
0x2c2: {  	s20 =	simm.s32 $0x1;
	p1 =	por !p1, !p1;
	s19 =	sshll.u32 s19, $0x10  }
0x2c3: {  	s20 =	simm.s32 @!p1 $0x0;
	s19 =	sshra.s32 s19, $0x13  }
0x2c4: {  	s21 =	ssub.s32 s19, s20  }
0x2c5: {  	p1 =	sgt.s32 s21, $0xAB  }
.Ltmp16:
0x2c6: {  	_ = 	snop;
	(pc) =	sbr.rel @p1 .LBB2_22-.Ltmp16, $4  }
0x2c7: {  	s13 =	simm.s32 @!p0 $0xF;
	s20 =	smul.u32 $0x5A0, s23  }
0x2c8: {  	_ =	swait.ge @!p0 [sflag:s13], $0x2000;
	s24 =	sshll.u32 s21, $0x3  }
0x2c9: {  	[sflag:s13] =	ssyncset.done @!p0 $0x0;
	s22 =	sadd.s32 s20, s24  }
0x2ca: {  	[sflag:s13] =	ssyncadd.s32 @!p0 $0xFFFFE000;
	s13 =	sshll.u32 s22, $0x4  }
.Ltmp17:
0x2cb: {  	(pc) =	sbr.rel .LBB2_23-.Ltmp17, $3  }
0x2cc: {  	_ =	sdelay $0x1  }
0x2cd: {  	s13 =	sadd.s32 s4, s13;
	s19 =	simm.s32 $0xDA80  }
0x2ce: {  	[tilespmem:s19], [sflag:$0x7] =	stream.linear.gather [hbm4b:s13+s2], $0x2400, $0x38;
	[tilespmem:$0x12480] =	vst v63  }
.LBB2_22:
0x2cf: {  	p1 =	sgt.u32 s21, $0xB3;
	s23 =	sadd.s32 $0xFFFFFA60, s24;
	s19 =	smov.u32 s24  }
0x2d0: {  	s19 =	smov.u32 @p1 s23  }
0x2d1: {  	s19 =	sadd.s32 s20, s19  }
0x2d2: {  	s19 =	sshll.u32 s19, $0x4  }
0x2d3: {  	s25 =	simm.s32 $0xDA80;
	s19 =	sadd.s32 s4, s19  }
0x2d4: {  	[tilespmem:s25], [sflag:$0x7] =	stream.linear.gather [hbm4b:s19+s2], $0x400, $0x38;
	[tilespmem:$0x12480] =	vst v63  }
0x2d5: {  	p1 =	sgt.u32 s21, $0xB2;
	s19 =	simm.s32 $0xFFFFFA68  }
0x2d6: {  	s19 =	simm.s32 @!p1 $0x8  }
0x2d7: {  	s19 =	sadd.s32 s19, s22  }
0x2d8: {  	s19 =	sshll.u32 s19, $0x4  }
0x2d9: {  	s25 =	simm.s32 $0xDE80;
	s19 =	sadd.s32 s4, s19  }
0x2da: {  	[tilespmem:s25], [sflag:$0x7] =	stream.linear.gather [hbm4b:s19+s2], $0x400, $0x38;
	[tilespmem:$0x12480] =	vst v63  }
0x2db: {  	p1 =	sgt.u32 s21, $0xB1;
	s19 =	simm.s32 $0xFFFFFA70  }
0x2dc: {  	s19 =	simm.s32 @!p1 $0x10  }
0x2dd: {  	s19 =	sadd.s32 s19, s22  }
0x2de: {  	s19 =	sshll.u32 s19, $0x4  }
0x2df: {  	s25 =	simm.s32 $0xE280;
	s19 =	sadd.s32 s4, s19  }
0x2e0: {  	[tilespmem:s25], [sflag:$0x7] =	stream.linear.gather [hbm4b:s19+s2], $0x400, $0x38;
	[tilespmem:$0x12480] =	vst v63  }
0x2e1: {  	p1 =	sgt.u32 s21, $0xB0;
	s19 =	simm.s32 $0xFFFFFA78  }
0x2e2: {  	s19 =	simm.s32 @!p1 $0x18  }
0x2e3: {  	s19 =	sadd.s32 s19, s22  }
0x2e4: {  	s19 =	sshll.u32 s19, $0x4  }
0x2e5: {  	s25 =	simm.s32 $0xE680;
	s19 =	sadd.s32 s4, s19  }
0x2e6: {  	[tilespmem:s25], [sflag:$0x7] =	stream.linear.gather [hbm4b:s19+s2], $0x400, $0x38;
	[tilespmem:$0x12480] =	vst v63  }
0x2e7: {  	p1 =	sgt.u32 s21, $0xAF;
	s19 =	simm.s32 $0xFFFFFA80  }
0x2e8: {  	s19 =	simm.s32 @!p1 $0x20  }
0x2e9: {  	s19 =	sadd.s32 s19, s22  }
0x2ea: {  	s19 =	sshll.u32 s19, $0x4  }
0x2eb: {  	s25 =	simm.s32 $0xEA80;
	s19 =	sadd.s32 s4, s19  }
0x2ec: {  	[tilespmem:s25], [sflag:$0x7] =	stream.linear.gather [hbm4b:s19+s2], $0x400, $0x38;
	[tilespmem:$0x12480] =	vst v63  }
0x2ed: {  	p1 =	sgt.u32 s21, $0xAE;
	s19 =	simm.s32 $0xFFFFFA88  }
0x2ee: {  	s19 =	simm.s32 @!p1 $0x28  }
0x2ef: {  	s19 =	sadd.s32 s19, s22  }
0x2f0: {  	s19 =	sshll.u32 s19, $0x4  }
0x2f1: {  	s25 =	simm.s32 $0xEE80;
	s19 =	sadd.s32 s4, s19  }
0x2f2: {  	[tilespmem:s25], [sflag:$0x7] =	stream.linear.gather [hbm4b:s19+s2], $0x400, $0x38;
	[tilespmem:$0x12480] =	vst v63  }
0x2f3: {  	p1 =	sgt.u32 s21, $0xAD;
	s19 =	simm.s32 $0xFFFFFA90  }
0x2f4: {  	s19 =	simm.s32 @!p1 $0x30  }
0x2f5: {  	s19 =	sadd.s32 s19, s22  }
0x2f6: {  	s19 =	sshll.u32 s19, $0x4  }
0x2f7: {  	s25 =	simm.s32 $0xF280;
	s19 =	sadd.s32 s4, s19  }
0x2f8: {  	[tilespmem:s25], [sflag:$0x7] =	stream.linear.gather [hbm4b:s19+s2], $0x400, $0x38;
	[tilespmem:$0x12480] =	vst v63  }
0x2f9: {  	p1 =	seq.s32 s21, $0xAC;
	s19 =	sadd.s32 $0xFFFFFA98, s24  }
0x2fa: {  	s19 =	simm.s32 @p1 $0x598  }
0x2fb: {  	s19 =	sadd.s32 s20, s19  }
0x2fc: {  	s19 =	sshll.u32 s19, $0x4  }
0x2fd: {  	s23 =	simm.s32 $0xF680;
	s19 =	sadd.s32 s4, s19  }
0x2fe: {  	[tilespmem:s23], [sflag:$0x7] =	stream.linear.gather [hbm4b:s19+s2], $0x400, $0x38;
	[tilespmem:$0x12480] =	vst v63  }
0x2ff: {  	s13 =	sadd.s32 s8, s13;
	s25 =	simm.s32 $0xFA80  }
0x300: {  	[tilespmem:s25], [sflag:$0x7] =	stream.linear.gather [hbm4b:s13+s2], $0x400, $0x38;
	[tilespmem:$0x12480] =	vst v63  }
.LBB2_23:
0x301: {  	v1 =	vld [tilespmem:s12+$0x0]  }
0x302: {  	s13 =	sadd.s32 $0x7, s3;
	v2 =	vld [tilespmem:s12+$0x12280]  }
0x303: {  	s20 =	sand.u32 $0xF, s13  }
0x304: {  	v3 =	vmov s20  }
0x305: {  	vm1 =	veq.s32 v3, v0  }
0x306: {  	v1 =	vnsel vm1, $0x0, v1  }
0x307: {  	(xrf0) =	vadd.scan.msk.s32 $0xffff, v1;
	v1 =	vnsel vm1, $0x0, v2  }
0x308: {  	(xrf0) =	vadd.scan.msk.s32 $0xffff, v1;
	_ =	sdelay $0x4  }
0x309: {  	v1, _, _ =	vpop (xrf0)  }
0x30a: {  	(v2sf) =	vpush v1, $0xF;
	v1, _, _ =	vpop (xrf0)  }
0x30b: {  	(v2sf) =	vpush v1, $0xF;
	_ =	sdelay $0xd  }
0x30c: {  	s19 =	spop (v2sf)  }
0x30d: {  	s21 =	spop (v2sf)  }
0x30e: {  	s12 =	sadd.s32 s31, s21  }
0x30f: {  	s22 =	smulhi.u32 $0xB60B60B7, s12;
	s20 =	sshra.s32 s12, $0x1F  }
0x310: {  	s20 =	smul.u32 $0xB60B60B7, s20  }
0x311: {  	s13 =	ssub.s32 s22, s12  }
0x312: {  	s13 =	sadd.s32 s20, s13  }
0x313: {  	s13 =	sadd.s32 s12, s13  }
0x314: {  	s23 =	sshrl.u32 s13, $0x1F;
	s13 =	sshra.s32 s13, $0xA  }
0x315: {  	s13 =	sadd.s32 s23, s13  }
0x316: {  	s13 =	smul.u32 $0x5A0, s13;
	_ =	sdelay $0x1  }
0x317: {  	s12 =	ssub.s32 s12, s13  }
0x318: {  	p1 =	slt.s32 s12, $0x0;
	s13 =	sadd.s32 $0x5A0, s12  }
0x319: {  	s12 =	smov.u32 @p1 s13  }
0x31a: {  	s13 =	sshll.u32 s12, $0x10  }
0x31b: {  	s25 =	sand.u32 $0x7, s12;
	s13 =	sshra.s32 s13, $0x1F  }
0x31c: {  	p1 =	slt.s32 s12, $0x1;
	p2 =	sne.s32 s25, $0x0;
	s13 =	sand.u32 $0x7, s13  }
0x31d: {  	p1 =	por !p1, !p2;
	s13 =	sadd.s32 s13, s12  }
0x31e: {  	s20 =	simm.s32 $0x1;
	p1 =	por !p1, !p1;
	s13 =	sshll.u32 s13, $0x10  }
0x31f: {  	s20 =	simm.s32 @!p1 $0x0;
	s13 =	sshra.s32 s13, $0x13  }
0x320: {  	s13 =	ssub.s32 s13, s20  }
0x321: {  	p1 =	sgt.s32 s13, $0xAB  }
.Ltmp18:
0x322: {  	_ = 	snop;
	(pc) =	sbr.rel @p1 .LBB2_25-.Ltmp18, $4  }
0x323: {  	s21 =	smul.u32 $0x5A0, s19;
	s19 =	simm.s32 @!p0 $0x10  }
0x324: {  	_ =	swait.ge @!p0 [sflag:s19], $0x2000;
	s25 =	sshll.u32 s13, $0x3  }
0x325: {  	[sflag:s19] =	ssyncset.done @!p0 $0x0;
	s23 =	sadd.s32 s21, s25  }
0x326: {  	[sflag:s19] =	ssyncadd.s32 @!p0 $0xFFFFE000;
	s22 =	sshll.u32 s23, $0x4  }
.Ltmp19:
0x327: {  	(pc) =	sbr.rel .LBB2_26-.Ltmp19, $3  }
0x328: {  	_ =	sdelay $0x1  }
0x329: {  	s13 =	sadd.s32 s4, s22;
	s19 =	simm.s32 $0xFE80  }
0x32a: {  	[tilespmem:s19], [sflag:$0x8] =	stream.linear.gather [hbm4b:s13+s2], $0x2400, $0x38;
	[tilespmem:$0x12480] =	vst v63  }
.LBB2_28:
0x32b: {  	_ =	sfence.sel $0x180000  }
0x32c: {  	[bflag:$0x0] =	sbarrier.arrive $0xFFFF  }
0x32d: {  	_ =	strace $0x90000047  }
0x32e: {  	s0 =	stileid.u32;
	[bflag:$0x2] =	sbarrier.arrive $0xFFFF  }
0x32f: {  	p0 =	sne.s32 s0, $0x0;
	s0 =	rddreg [dreg:$0x4]  }
0x330: {  	s0 =	sadd.s32 @!p0 $0x100000, s0  }
0x331: {  	[sflag:s0] =	ssyncadd.tile.s32 @!p0 $0x1;
	_ =	shalt  }
.Lfunc_end2:
_tile_overlayer_lowered:
.L_overlay_start_2:
0x332: {  	(tag) =	ssettag $0x2  }
0x333: {  	s0 =	rddreg [dreg:$0x0];
	s2 =	stileid.u32  }
0x334: {  	s1 =	rddreg [dreg:$0x1];
	p0 =	sne.s32 s2, $0x0  }
0x335: {  	s3 =	rddreg [dreg:$0x2];
	[bflag:$0x3] =	sbarrier.arrive $0xFFFF;
	s2 =	simm.s32 @!p0 $0x1C11  }
0x336: {  	[timem:s3], [sflag:s2] =	dma.local @!p0 [hbm:s0], s1  }
0x337: {  	s0 =	simm.s32 @!p0 $0x11  }
0x338: {  	_ =	swait.ge @!p0 [sflag:s0], s1  }
0x339: {  	s1 =	ssub.s32 @!p0 $0x0, s1;
	[sflag:s0] =	ssyncset.done @!p0 $0x0  }
0x33a: {  	[sflag:s0] =	ssyncadd.s32 @!p0 s1  }
0x33b: {  	[bflag:$0x3] =	sbarrier.arrive $0xFFFF  }
0x33c: {  	_ =	shalt  }

// kernel: sparse-core-data-format-call.cloned.1.call-start
scs
called_computation_lowered:
.L_overlay_start_0:
0x0: {  	s2 =	sld [smem:$0x3FD9]  }
0x1: {  	s3 =	sld [smem:$0x3FFE];
	_ =	sdelay $0x1  }
0x2: {  	s1 =	srdreg.scid  }
0x3: {  	s0 =	sand.u32 $0x1, s1  }
0x4: {  	s18 =	sshll.u32 s0, $0xA;
	s2 =	sadd.s32 s3, s2  }
0x5: {  	s2 =	sadd.s32 s2, s18  }
0x6: {  	[smem:$0x3FC4] =	sst s2  }
0x7: {  	_ = 	snop  }
0x8: {  	s2 =	sld [smem:$0x3FD0];
	(tm) =	ssettm $0x1  }
0x9: {  	s19 =	sld [smem:$0x3FFB];
	_ =	sdelay $0x3  }
0xa: {  	_ =	strace s19  }
0xb: {  	s3 =	sld [smem:$0x3FFC];
	_ =	sdelay $0x3  }
0xc: {  	_ =	strace s3  }
0xd: {  	s3 =	sld [smem:$0x3FFD];
	_ =	sdelay $0x3  }
0xe: {  	_ =	strace s3  }
0xf: {  	_ =	strace $0x8FFFFFFF  }
0x10: {  	s20 =	sld [smem:$0x3FDB];
	_ =	sdelay $0x1  }
0x11: {  	s4 =	simm.s32 $_scs_section_size  }
0x12: {  	s5 =	simm.s32 $_size__tile_overlayer_lowered;
	s6 =	simm.s32 $_tile_overlayer_lowered  }
0x13: {  	s23 =	simm.s32 $0x1BFF;
	s22 =	sshll.u32 s6, $0x1;
	s3 =	sadd.s32 s4, s20  }
0x14: {  	s7 =	simm.s32 $0x0;
	s21 =	sshll.u32 s5, $0x1;
	s5 =	sadd.s32 s22, s3  }
0x15: {  	[timem:s7], [sflag:s23] =	dma.local [hbm:s5], s21  }
0x16: {  	_ =	swait.ge [sflag:s23], s21  }
0x17: {  	s4 =	ssub.s32 $0x0, s21;
	[sflag:s23] =	ssyncset.done $0x0  }
0x18: {  	[sflag:s23] =	ssyncadd.s32 s4;
	_ =	sdelay $0x1  }
0x19: {  	s24 =	simm.s32 $0x1B8B  }
0x1a: {  	_ =	swait.ge [sflag:s24], $0x1  }
0x1b: {  	[sflag:s24] =	ssyncset.done $0x0  }
0x1c: {  	s26 =	simm.s32 $0x1B8E;
	s25 =	sld [smem:$0x3FFE];
	[sflag:s24] =	ssyncadd.s32 $0xFFFFFFFF  }
0x1d: {  	s27 =	simm.s32 $execute0_lowered;
	[smem:$0x3FD2] =	sst s26  }
0x1e: {  	s5 =	sshll.u32 s27, $0x1;
	_ =	strace $0x80000049;
	[dreg:$0x1] =	wrdreg $0xFFFFFFFF  }
0x1f: {  	s28 =	simm.s32 $_size_execute0_lowered;
	s3 =	sadd.s32 s3, s5;
	[dreg:$0x0] =	wrdreg $0x0  }
0x20: {  	s5 =	sshll.u32 s28, $0x1;
	[dreg:$0x2] =	wrdreg s3  }
0x21: {  	[dreg:$0x3] =	wrdreg s5  }
0x22: {  	[dreg:$0x4] =	wrdreg $0xC0  }
0x23: {  	_ =	task [dreg:s7], $0x5FFFF  }
0x24: {  	[dreg:$0x1] =	wrdreg $0xFFFFFFFF  }
0x25: {  	[dreg:$0x0] =	wrdreg $0x60  }
0x26: {  	[dreg:$0x2] =	wrdreg s25  }
0x27: {  	[dreg:$0x3] =	wrdreg s2  }
0x28: {  	[dreg:$0x4] =	wrdreg $0x9  }
0x29: {  	_ =	task.clear_ibuf [dreg:s7], $0x5FFFF;
	_ =	strace $0x90000049  }
0x2a: {  	s29 =	simm.s32 $0x9;
	_ =	strace $0x8000004B  }
0x2b: {  	_ =	swait.ge [sflag:s29], $0x1  }
0x2c: {  	[sflag:s29] =	ssyncadd.s32 $0xFFFFFFFF  }
0x2d: {  	_ =	strace $0x9000004B  }
0x2e: {  	_ =	sfence  }
0x2f: {  	s30 =	sld [smem:$0x0];
	_ =	sdelay $0x2  }
0x30: {  	s31 =	sshll.u32 s1, $0xD;
	s1 =	sshrl.u32 s1, $0x2  }
0x31: {  	s3 =	sand.u32 $0x4000, s31;
	s1 =	sadd.s32 s1, s30  }
0x32: {  	s0 =	sor.u32 s3, s0;
	s1 =	sshll.u32 s1, $0x11  }
0x33: {  	s0 =	sor.u32 s1, s0  }
0x34: {  	s0 =	sadd.s32 $0x8F2B, s0  }
0x35: {  	[sflag:s0] =	ssyncadd.remote.s32 $0x1  }
0x36: {  	_ =	sfence.sel $0xFFFF  }
0x37: {  	[dreg:$0x0] =	wrdreg $0xFFFFFFFF;
	(pc) =	sbr.abs _section_cstart, $3  }
0x38: {  	[dreg:$0x1] =	wrdreg $0xFFFFFFFF  }
0x39: {  	_ =	task.clear_ibuf [dreg:s7], $0x2FFFF;
	_ =	strace $0x9FFFFFFF  }
0x3a: {  	(tm) =	ssettm $0x7FFFFFFF  }
0x3b: {  	_ =	shalt  }
tec
execute0_lowered:
.L_overlay_start_1:
0x0: {  	(tag) =	ssettag $0x1  }
0x1: {  	s0 =	srdreg.scid  }
0x2: {  	s1 =	sshll.u32 s0, $0x4  }
0x3: {  	s6 =	rddreg [dreg:$0x0];
	s0 =	stileid.u32;
	s1 =	sand.u32 $0x10, s1  }
0x4: {  	s3 =	rddreg [dreg:$0x1];
	s5 =	simm.s32 $0x1;
	s1 =	sor.u32 s0, s1  }
0x5: {  	s31 =	simm.s32 $0x2;
	s12 =	simm.s32 $0x0;
	s2 =	sshll.u32 s1, $0x7  }
0x6: {  	s8 =	simm.s32 $0x20000;
	s13 =	simm.s32 $0x0;
	s4 =	ssub.s32 $0x4000, s2  }
0x7: {  	s9 =	simm.s32 $0x0;
	s11 =	simm.s32 $0x0;
	s30 =	sand.u32 $0xF80, s4  }
.Ltmp0:
0x8: {  	s6 =	sadd.s32 $0x80B400, s6;
	p0 =	sne.s32 s30, $0x0;
	(pc) =	sbr.rel .LBB1_1-.Ltmp0, $4  }
0x9: {  	s1 =	rddreg [dreg:$0x2];
	s7 =	sshrl.u32 s4, $0xC;
	s5 =	simm.s32 @!p0 $0x0  }
0xa: {  	_ =	strace $0x8000004A;
	s4 =	simm.s32 $0x1;
	s5 =	sadd.s32 s5, s7  }
0xb: {  	s10 =	smov.u32 s2;
	[sflag:s4] =	ssyncpa.u1 $0x0;
	s5 =	sshll.u32 s5, $0x6  }
0xc: {  	[sflag:s31] =	ssyncpa.u1 $0x0;
	p0 =	por $0x0, $0x0;
	s7 =	sor.u32 $0x1, s5  }
.LBB1_4:
0xd: {  	s16 =	sshll.u32 s13, $0x3;
	s17 =	sand.u32 $0x78, s13  }
0xe: {  	s30 =	sand.u32 $0x1F800, s13;
	s12 =	sshll.u32 s12, $0x11;
	s16 =	sand.u32 $0x3C00, s16  }
0xf: {  	[tilespmem:s15+$0x810 ss:$0x81] =	vst.msk $0xffff, v2;
	s31 =	sand.u32 $0x7, s13;
	s16 =	sor.u32 s17, s16;
	s17 =	sadd.s32 s3, s30  }
0x10: {  	[tilespmem:s15+$0x1020 ss:$0x81] =	vst.msk $0xffff, v0;
	s13 =	sshll.u32 s31, $0x12;
	s12 =	sadd.s32 s12, s17;
	s16 =	sshrl.u32 s16, $0x3  }
0x11: {  	[tilespmem:s15+$0x0 ss:$0x81] =	vst.msk $0xffff, v1;
	s13 =	sor.u32 $0x400, s13;
	s12 =	sadd.s32 s16, s12  }
0x12: {  	[hbm4b:s12+s13] =	stream.strided.scatter [tilespmem:s14], [sflag:$0x2], $0x2000, s8, s13, $0x20;
	[tilespmem:$0x8080] =	vst v63  }
.LBB1_5:
0x13: {  	s14 =	sadd.s32 $0x1, s9  }
0x14: {  	s12 =	sadd.s32 $0x1000, s10;
	s16 =	smov.u32 s10;
	p2 =	sgt.s32 s14, $0x3F  }
0x15: {  	s16 =	smov.u32 @p2 s12  }
0x16: {  	s14 =	simm.s32 @p2 $0x0;
	p2 =	sgt.s32 s16, $0x3FFF  }
0x17: {  	s16 =	smov.u32 @p2 s2;
	p2 =	sne.s32 s11, s7  }
.Ltmp1:
0x18: {  	p1 =	slt.u32 s11, $0x2;
	(pc) =	sbr.rel @!p2 .LBB1_6-.Ltmp1, $4  }
0x19: {  	s15 =	simm.s32 @!p1 $0x2  }
0x1a: {  	s13 =	smov.u32 s10;
	p0 =	por !p0, !p0;
	_ =	swait.ge @!p1 [sflag:s15], $0x2000  }
0x1b: {  	s12 =	smov.u32 s9;
	[sflag:s15] =	ssyncset.done @!p1 $0x0;
	s9 =	smov.u32 s14  }
0x1c: {  	s11 =	sadd.s32 $0x1, s11;
	[sflag:s15] =	ssyncadd.s32 @!p1 $0xFFFFE000;
	s10 =	smov.u32 s16  }
.LBB1_1:
0x1d: {  	p1 =	sge.u32 s11, s5  }
0x1e: {  	s31 =	sadd.s32 $0xFFFFFFFF, s11;
	s14 =	sxor.u32 @!p1 $0xFFFFFFFF, s11  }
0x1f: {  	s15 =	sshll.u32 @!p1 s10, $0xA;
	s16 =	sshll.u32 @!p1 s9, $0x4;
	s17 =	simm.s32 @!p1 $0x2000  }
0x20: {  	s14 =	sshll.u32 @!p1 s14, $0xD;
	s16 =	sand.u32 @!p1 $0x3F0, s16;
	s15 =	sadd.s32 @!p1 s6, s15  }
0x21: {  	s14 =	sand.u32 @!p1 $0x2000, s14;
	s15 =	sadd.s32 @!p1 s16, s15;
	s16 =	simm.s32 @!p1 $0x40  }
0x22: {  	[tilespmem:s14], [sflag:$0x1] =	stream.strided.gather @!p1 [hbm4b:s15+s16], $0x2000, s17, s16, $0x38;
	[tilespmem:$0x8080] =	vst v63  }
0x23: {  	p1 =	sge.u32 s31, s5  }
.Ltmp2:
0x24: {  	_ = 	snop;
	(pc) =	sbr.rel @p1 .LBB1_5-.Ltmp2, $1  }
0x25: {  	_ =	sdelay $0x3  }
0x26: {  	s14 =	simm.s32 $0x1  }
0x27: {  	_ =	swait.ge [sflag:s4], $0x2000;
	s14 =	simm.s32 @!p0 $0x0  }
0x28: {  	[sflag:s4] =	ssyncset.done $0x0;
	s15 =	sshll.u32 s14, $0xD  }
0x29: {  	[sflag:s4] =	ssyncadd.s32 $0xFFFFE000;
	s18 =	sor.u32 $0x20, s15  }
0x2a: {  	s14 =	smul.u32 $0x8100, s14;
	v3 =	vld [tilespmem:s18+$0x10]  }
0x2b: {  	s30 =	sand.u32 $0x1, s11;
	v2 =	vld [tilespmem:s18+$0xFFFFFFF0]  }
0x2c: {  	s15 =	smul.u32 $0x8100, s30;
	s14 =	sshrl.u32 s14, $0x2;
	v0 =	vld [tilespmem:s18+$0x0]  }
0x2d: {  	v1 =	vld [tilespmem:s18+$0xFFFFFFE0];
	s16 =	sor.u32 $0x4000, s14  }
0x2e: {  	s31 =	sshrl.u32 s15, $0x2;
	s15 =	sadd.s32 $0x0, s16  }
0x2f: {  	s17 =	simm.s32 $0x4;
	s18 =	sadd.s32 $0x40, s18;
	s14 =	sor.u32 $0x4000, s31;
	[tilespmem:s15+$0x1830 ss:$0x81] =	vst.msk $0xffff, v3  }
.LBB1_3:
0x30: {  	v3 =	vld [tilespmem:s18+$0x10];
	p1 =	sne.s32 s17, $0x1FC;
	[tilespmem:s15+$0x810 ss:$0x81] =	vst.msk $0xffff, v2;
	s19 =	smov.u32 s17;
	s17 =	sadd.s32 $0x4, s17  }
.Ltmp3:
0x31: {  	v2 =	vld [tilespmem:s18+$0xFFFFFFF0];
	[tilespmem:s15+$0x1020 ss:$0x81] =	vst.msk $0xffff, v0;
	(pc) =	sbr.rel @p1 .LBB1_3-.Ltmp3, $4  }
0x32: {  	v0 =	vld [tilespmem:s18+$0x0];
	[tilespmem:s15+$0x0 ss:$0x81] =	vst.msk $0xffff, v1  }
0x33: {  	s15 =	sshra.s32 s19, $0x2;
	v1 =	vld [tilespmem:s18+$0xFFFFFFE0]  }
0x34: {  	s15 =	sadd.s32 s15, s16  }
0x35: {  	s18 =	sadd.s32 $0x40, s18;
	[tilespmem:s15+$0x1830 ss:$0x81] =	vst.msk $0xffff, v3  }
.Ltmp4:
0x36: {  	_ = 	snop;
	(pc) =	sbr.rel .LBB1_4-.Ltmp4, $1  }
0x37: {  	_ =	sdelay $0x3  }
.LBB1_6:
0x38: {  	_ =	sfence.sel $0x180000  }
0x39: {  	s2 =	simm.s32 $0x1;
	[bflag:$0x0] =	sbarrier.arrive $0xFFFF  }
0x3a: {  	s31 =	simm.s32 $0x2;
	[sflag:s2] =	ssyncpa.u1 $0x1  }
0x3b: {  	[sflag:s31] =	ssyncpa.u1 $0x1  }
0x3c: {  	p0 =	sne.s32 s0, $0x0;
	_ =	strace $0x9000004A  }
0x3d: {  	s0 =	sadd.s32 @!p0 $0x100000, s1;
	[bflag:$0x2] =	sbarrier.arrive $0xFFFF  }
0x3e: {  	[sflag:s0] =	ssyncadd.tile.s32 @!p0 $0x1;
	_ =	shalt  }
.Lfunc_end1:
_tile_overlayer_lowered:
.L_overlay_start_2:
0x3f: {  	(tag) =	ssettag $0x2  }
0x40: {  	s0 =	rddreg [dreg:$0x0];
	s2 =	stileid.u32  }
0x41: {  	s1 =	rddreg [dreg:$0x1];
	p0 =	sne.s32 s2, $0x0  }
0x42: {  	s3 =	rddreg [dreg:$0x2];
	[bflag:$0x3] =	sbarrier.arrive $0xFFFF;
	s2 =	simm.s32 @!p0 $0x1C01  }
0x43: {  	[timem:s3], [sflag:s2] =	dma.local @!p0 [hbm:s0], s1  }
0x44: {  	s0 =	simm.s32 @!p0 $0x1  }
0x45: {  	_ =	swait.ge @!p0 [sflag:s0], s1  }
0x46: {  	s1 =	ssub.s32 @!p0 $0x0, s1;
	[sflag:s0] =	ssyncset.done @!p0 $0x0  }
0x47: {  	[sflag:s0] =	ssyncadd.s32 @!p0 s1  }
0x48: {  	[bflag:$0x3] =	sbarrier.arrive $0xFFFF  }
0x49: {  	_ =	shalt  }

</sc_bundles>
